<compile_context>
chip_gen: v7x
topology: tpu7x:2x2x1
jax: 0.10.2.dev20260603
libtpu: 0.0.44.dev20260713+nightly
codegen_flags: <defaults>
</compile_context>

<pallas_src>
import functools

import jax
import jax.numpy as jnp
from jax import lax
from jax.experimental import pallas as pl
from jax.experimental.pallas import tpu as pltpu
from jax.experimental.pallas import tpu_sc as plsc

N_INST = 8000
N_NET = 2000
N_TOT = N_INST + N_NET
E = 320000
EMB = 128
NUM_LAYER = 2

NW = 32
EPW = E // NW
EB = 50
NBLK = EPW // EB
RPW = 624

_sc_mesh = plsc.VectorSubcoreMesh(core_axis_name="c", subcore_axis_name="s")
_sc_params = pltpu.CompilerParams(needs_layout_passes=False)
_sc_flat_params = pltpu.CompilerParams(needs_layout_passes=False,
                                       use_tc_tiling_on_sc=False)


def _leaky(x):
    return jnp.where(x >= 0, x, 0.1 * x)



BLK = 1000

_full = lambda *dims: pl.BlockSpec(dims, lambda i: (0,) * len(dims))
_rows = lambda *dims: pl.BlockSpec(dims, lambda i: (i,) + (0,) * (len(dims) - 1))


def _dinv(p):
    return lax.rsqrt(jnp.sum(p, axis=1) + 1.0)[:, None]


def _uz(h, wt, b, root, dv, u_ref, z_ref):
    xl = jnp.dot(h, wt, preferred_element_type=jnp.float32) + b
    u_ref[...] = dv * jnp.maximum(xl, 0.0)
    z_ref[...] = (dv * dv) * jnp.maximum(xl + root, 0.0)


def _encpre_body(x_ref, w1a_ref, w1b_ref, b1a_ref, b1b_ref, w2a_ref, w2b_ref,
                 b2a_ref, b2b_ref, wt_ref, b_ref, root_ref, p1_ref,
                 h0_ref, u_ref, z_ref):
    inst = pl.program_id(0) < N_INST // BLK
    w1 = jnp.where(inst, w1a_ref[...], w1b_ref[...])
    b1 = jnp.where(inst, b1a_ref[...], b1b_ref[...])
    w2 = jnp.where(inst, w2a_ref[...], w2b_ref[...])
    b2 = jnp.where(inst, b2a_ref[...], b2b_ref[...])
    h = _leaky(jnp.dot(x_ref[...], w1, preferred_element_type=jnp.float32)
               + b1)
    h0 = _leaky(jnp.dot(h, w2, preferred_element_type=jnp.float32) + b2)
    h0_ref[...] = h0
    _uz(h0, wt_ref[...], b_ref[...], root_ref[...], _dinv(p1_ref[...]),
        u_ref, z_ref)


def _encpre(xin, w1a, w1b, b1a, b1b, w2a, w2b, b2a, b2b, wt, b, root, p1):
    h1 = w1a.shape[1]
    return pl.pallas_call(
        _encpre_body,
        grid=(N_TOT // BLK,),
        in_specs=[
            _rows(BLK, EMB),
            _full(EMB, h1), _full(EMB, h1), _full(1, h1), _full(1, h1),
            _full(h1, EMB), _full(h1, EMB), _full(1, EMB), _full(1, EMB),
            _full(EMB, EMB), _full(1, EMB), _full(1, EMB),
            pl.BlockSpec((BLK, NW), lambda i: (i, 0)),
        ],
        out_specs=[_rows(BLK, EMB)] * 3,
        out_shape=[jax.ShapeDtypeStruct((N_TOT, EMB), jnp.float32)] * 3,
    )(xin, w1a, w1b, b1a, b1b, w2a, w2b, b2a, b2b, wt, b, root, p1)


def _postlnpre_body(acc_ref, z1_ref, p1_ref, p2_ref, g_ref, bt_ref,
                    wt_ref, b_ref, root_ref, u_ref, z_ref):
    cval = _dinv(p1_ref[...]) * (acc_ref[0] + acc_ref[1]) + z1_ref[...]
    mu = jnp.mean(cval, axis=-1, keepdims=True)
    d = cval - mu
    var = jnp.mean(d * d, axis=-1, keepdims=True)
    hm = jnp.maximum(d * lax.rsqrt(var + 1e-5) * g_ref[...] + bt_ref[...],
                     0.0)
    _uz(hm, wt_ref[...], b_ref[...], root_ref[...], _dinv(p2_ref[...]),
        u_ref, z_ref)


def _postlnpre(acc, z1, p1, p2, gamma, beta, wt, b, root):
    return pl.pallas_call(
        _postlnpre_body,
        grid=(N_TOT // BLK,),
        in_specs=[
            pl.BlockSpec((2, BLK, EMB), lambda i: (0, i, 0)),
            _rows(BLK, EMB),
            pl.BlockSpec((BLK, NW), lambda i: (i, 0)),
            pl.BlockSpec((BLK, NW), lambda i: (i, 0)),
            _full(1, EMB), _full(1, EMB),
            _full(EMB, EMB), _full(1, EMB), _full(1, EMB),
        ],
        out_specs=[_rows(BLK, EMB)] * 2,
        out_shape=[jax.ShapeDtypeStruct((N_TOT, EMB), jnp.float32)] * 2,
    )(acc, z1, p1, p2, gamma, beta, wt, b, root)


def _postrespre_body(acc_ref, z2_ref, p2_ref, hprev_ref, wt_ref, b_ref,
                     root_ref, p1_ref, h2_ref, u_ref, z_ref):
    h2 = (_dinv(p2_ref[...]) * (acc_ref[0] + acc_ref[1]) + z2_ref[...]
          + hprev_ref[...])
    h2_ref[...] = h2
    _uz(h2, wt_ref[...], b_ref[...], root_ref[...], _dinv(p1_ref[...]),
        u_ref, z_ref)


def _postrespre(acc, z2, p2, hprev, wt, b, root, p1):
    return pl.pallas_call(
        _postrespre_body,
        grid=(N_TOT // BLK,),
        in_specs=[
            pl.BlockSpec((2, BLK, EMB), lambda i: (0, i, 0)),
            _rows(BLK, EMB),
            pl.BlockSpec((BLK, NW), lambda i: (i, 0)),
            _rows(BLK, EMB),
            _full(EMB, EMB), _full(1, EMB), _full(1, EMB),
            pl.BlockSpec((BLK, NW), lambda i: (i, 0)),
        ],
        out_specs=[_rows(BLK, EMB)] * 3,
        out_shape=[jax.ShapeDtypeStruct((N_TOT, EMB), jnp.float32)] * 3,
    )(acc, z2, p2, hprev, wt, b, root, p1)


def _postres_body(acc_ref, z2_ref, p2_ref, hprev_ref, h2_ref):
    h2_ref[...] = (_dinv(p2_ref[...]) * (acc_ref[0] + acc_ref[1])
                   + z2_ref[...] + hprev_ref[...])


def _postres(acc, z2, p2, hprev):
    return pl.pallas_call(
        _postres_body,
        grid=(N_TOT // BLK,),
        in_specs=[
            pl.BlockSpec((2, BLK, EMB), lambda i: (0, i, 0)),
            _rows(BLK, EMB),
            pl.BlockSpec((BLK, NW), lambda i: (i, 0)),
            _rows(BLK, EMB),
        ],
        out_specs=_rows(BLK, EMB),
        out_shape=jax.ShapeDtypeStruct((N_TOT, EMB), jnp.float32),
    )(acc, z2, p2, hprev)



@functools.partial(
    pl.kernel,
    out_type=jax.ShapeDtypeStruct((2 * NW, N_TOT), jnp.float32),
    mesh=_sc_mesh,
    compiler_params=_sc_params,
    scratch_types=[
        pltpu.VMEM((N_TOT,), jnp.float32),
        pltpu.VMEM((EPW,), jnp.int32),
    ],
)
def _hist_sc(row1_hbm, row2_hbm, out_hbm, hist_v, idx_v):
    c = lax.axis_index("c")
    s = lax.axis_index("s")
    wid = c * 16 + s
    base = wid * EPW
    ones = jnp.ones((16,), jnp.float32)
    zeros = jnp.zeros((16,), jnp.float32)
    for which, row_hbm in enumerate((row1_hbm, row2_hbm)):
        def zbody(i, _):
            hist_v[pl.ds(i * 16, 16)] = zeros
            return 0
        lax.fori_loop(0, N_TOT // 16, zbody, 0)
        pltpu.sync_copy(row_hbm.at[pl.ds(base, EPW)], idx_v)

        def body(i, _):
            idx = idx_v[pl.ds(i * 16, 16)]
            plsc.addupdate_scatter(hist_v, [idx], ones)
            return 0
        lax.fori_loop(0, EPW // 16, body, 0)
        pltpu.sync_copy(hist_v, out_hbm.at[which * NW + wid])


NBUF = 4


@functools.partial(
    pl.kernel,
    out_type=jax.ShapeDtypeStruct((2, N_TOT, EMB), jnp.float32),
    mesh=_sc_mesh,
    compiler_params=_sc_flat_params,
    scratch_types=[
        pltpu.VMEM_SHARED((N_TOT, EMB), jnp.float32),
        pltpu.VMEM((NBLK, EB), jnp.int32),
        pltpu.VMEM((NBLK, EB), jnp.int32),
        pltpu.VMEM((NBUF, EB, EMB), jnp.float32),
        pltpu.SemaphoreType.DMA((NBUF,)),
        pltpu.SemaphoreType.DMA((NBUF,)),
        pltpu.SemaphoreType.DMA,
        pltpu.SemaphoreType.DMA,
        pltpu.SemaphoreType.DMA,
    ],
)
def _seg_sc(u_hbm, row_hbm, col_hbm, zeros_hbm, out_hbm,
            acc_sh, row_v, col_v, g_v, gsem, ssem, zsem, isem, isem2):
    c = lax.axis_index("c")
    s = lax.axis_index("s")
    pltpu.async_copy(zeros_hbm.at[pl.ds(0, RPW)],
                     acc_sh.at[pl.ds(s * RPW, RPW)], zsem)

    @pl.when(s == 15)
    def _():
        pltpu.async_copy(zeros_hbm.at[pl.ds(0, 16)],
                         acc_sh.at[pl.ds(16 * RPW, 16)], zsem)

    wid = c * 16 + s
    pltpu.async_copy(row_hbm.at[wid], row_v, isem)
    pltpu.async_copy(col_hbm.at[wid], col_v, isem2)
    pltpu.make_async_copy(row_hbm.at[wid], row_v, isem).wait()
    pltpu.make_async_copy(col_hbm.at[wid], col_v, isem2).wait()

    def _gather(j, k):
        pltpu.async_copy(u_hbm.at[row_v.at[j]], g_v.at[k], gsem.at[k])

    def _gather_wait(j, k):
        pltpu.make_async_copy(u_hbm.at[row_v.at[j]], g_v.at[k],
                              gsem.at[k]).wait()

    def _scatter(j, k):
        pltpu.async_copy(g_v.at[k], acc_sh.at[col_v.at[j]], ssem.at[k],
                         add=True)

    def _scatter_wait(j, k):
        pltpu.make_async_copy(g_v.at[k], acc_sh.at[col_v.at[j]],
                              ssem.at[k]).wait()

    for k in range(3):
        _gather(k, k)
    pltpu.make_async_copy(zeros_hbm.at[pl.ds(0, RPW)],
                          acc_sh.at[pl.ds(s * RPW, RPW)], zsem).wait()

    @pl.when(s == 15)
    def _():
        pltpu.make_async_copy(zeros_hbm.at[pl.ds(0, 16)],
                              acc_sh.at[pl.ds(16 * RPW, 16)], zsem).wait()
    plsc.subcore_barrier()

    def body(t, _):
        for kk in range(NBUF):
            j = t * NBUF + kk
            _gather_wait(j, kk)
            _scatter(j, kk)
            kn = (kk + 3) % NBUF
            if kk == 0:
                @pl.when(t == 0)
                def _():
                    _gather(3, 3)

                @pl.when(jnp.logical_and(t >= 1, j + 3 < NBLK))
                def _():
                    _scatter_wait(j - 1, kn)
                    _gather(j + 3, kn)
            else:
                @pl.when(j + 3 < NBLK)
                def _():
                    _scatter_wait(j - 1, kn)
                    _gather(j + 3, kn)
        return 0
    lax.fori_loop(0, NBLK // NBUF, body, 0)

    for kk in range(NBUF):
        _scatter_wait(NBLK - NBUF + kk, kk)
    plsc.subcore_barrier()
    pltpu.sync_copy(acc_sh.at[pl.ds(s * RPW, RPW)],
                    out_hbm.at[c, pl.ds(s * RPW, RPW)])

    @pl.when(s == 15)
    def _():
        pltpu.sync_copy(acc_sh.at[pl.ds(16 * RPW, 16)],
                        out_hbm.at[c, pl.ds(16 * RPW, 16)])



def kernel(x, x_net, edge_index_node_net, edge_index_net_node, num_instances,
           batch, enc_W1, enc_b1, enc_W2, enc_b2, encn_W1, encn_b1, encn_W2,
           encn_b2, conv_W, conv_b, conv_root, reconv_W, reconv_b, reconv_root,
           ln_gamma, ln_beta):
    f32 = jnp.float32
    row1, col1 = edge_index_node_net[0], edge_index_node_net[1]
    row2, col2 = edge_index_net_node[0], edge_index_net_node[1]
    row1b = row1.reshape(NW, NBLK, EB)
    col1b = col1.reshape(NW, NBLK, EB)
    row2b = row2.reshape(NW, NBLK, EB)
    col2b = col2.reshape(NW, NBLK, EB)

    partials = _hist_sc(row1, row2)
    pt = partials.T
    p1, p2 = pt[:, :NW], pt[:, NW:]

    xin = jnp.concatenate(
        [jnp.pad(x, ((0, 0), (0, EMB - x.shape[1]))),
         jnp.pad(x_net, ((0, 0), (0, EMB - x_net.shape[1])))], axis=0)
    h1w = enc_W1.shape[0]
    w1a = jnp.pad(enc_W1.T, ((0, EMB - enc_W1.shape[1]), (0, 0)))
    w1b = jnp.pad(encn_W1.T, ((0, EMB - encn_W1.shape[1]),
                              (0, h1w - encn_W1.shape[0])))
    b1a = enc_b1[None, :]
    b1b = jnp.pad(encn_b1, (0, h1w - encn_b1.shape[0]))[None, :]
    w2a = enc_W2.T
    w2b = jnp.pad(encn_W2.T, ((0, h1w - encn_W2.shape[1]), (0, 0)))
    b2a = enc_b2[None, :]
    b2b = encn_b2[None, :]

    zeros_slab = jnp.zeros((RPW, EMB), f32)
    wt1 = [conv_W[l].T for l in range(NUM_LAYER)]
    wt2 = [reconv_W[l].T for l in range(NUM_LAYER)]

    h0, u, z = _encpre(xin, w1a, w1b, b1a, b1b, w2a, w2b, b2a, b2b,
                       wt1[0], conv_b[0][None, :], conv_root[0][None, :], p1)
    acc = _seg_sc(u, row1b, col1b, zeros_slab)
    u, z = _postlnpre(acc, z, p1, p2, ln_gamma[0][None, :],
                      ln_beta[0][None, :], wt2[0], reconv_b[0][None, :],
                      reconv_root[0][None, :])
    acc = _seg_sc(u, row2b, col2b, zeros_slab)
    h2a, u, z = _postrespre(acc, z, p2, h0, wt1[1], conv_b[1][None, :],
                            conv_root[1][None, :], p1)
    acc = _seg_sc(u, row1b, col1b, zeros_slab)
    u, z = _postlnpre(acc, z, p1, p2, ln_gamma[1][None, :],
                      ln_beta[1][None, :], wt2[1], reconv_b[1][None, :],
                      reconv_root[1][None, :])
    acc = _seg_sc(u, row2b, col2b, zeros_slab)
    h2b = _postres(acc, z, p2, h2a)

    return jnp.concatenate([h0, h2a, h2b], axis=1)

# --- scband reference (transcript-rebuilt; emitter-appended) ---
"""Pipeline reference for scband-gnn-node-32684701122614 (READ-ONLY COPY).

The authoritative reference and input builder live on the scoring server;
editing this copy changes nothing except your own understanding.
"""

import jax, jax.numpy as jnp
import numpy as np

N_INST = 8000
N_NET = 2000
N_TOT = N_INST + N_NET
E = 320000
EMB = 128
NODE_DIM = 16
NET_DIM = 16
NUM_LAYER = 2

def _leaky(x):
    return jnp.where(x >= 0, x, 0.1 * x)

def _mlp2(x, W1, b1, W2, b2):
    return _leaky(_leaky(x @ W1.T + b1) @ W2.T + b2)

def _gcn_conv(x, row, col, W, b, root):
    xl = x @ W.T + b
    deg = jax.ops.segment_sum(jnp.ones(row.shape[0], x.dtype), row, num_segments=x.shape[0]) + 1.0
    dinv = deg ** -0.5
    norm = dinv[row] * dinv[col]
    msg = norm[:, None] * jax.nn.relu(xl[row])
    aggr = jax.ops.segment_sum(msg, col, num_segments=x.shape[0])
    return aggr + jax.nn.relu(xl + root[None, :]) / deg[:, None]

def _layer_norm(h, gamma, beta):
    mu = jnp.mean(h, axis=-1, keepdims=True)
    var = jnp.var(h, axis=-1, keepdims=True)
    return (h - mu) / jnp.sqrt(var + 1e-5) * gamma + beta

def setup_inputs(seed: int = 0):
    key = jax.random.key(seed)
    ks = jax.random.split(key, 24)
    inp = {}
    inp["x"] = jax.random.normal(ks[0], (N_INST, NODE_DIM), dtype=jnp.float32)
    inp["x_net"] = jax.random.normal(ks[1], (N_NET, NET_DIM), dtype=jnp.float32)
    inp["edge_index_node_net"] = jax.random.randint(ks[2], (2, E), 0, N_TOT, dtype=jnp.int32)
    inp["edge_index_net_node"] = jax.random.randint(ks[3], (2, E), 0, N_TOT, dtype=jnp.int32)
    inp["num_instances"] = N_INST
    inp["batch"] = jnp.zeros((N_TOT,), dtype=jnp.int32)
    inp["enc_W1"] = jax.random.normal(ks[4], (2 * EMB, NODE_DIM), dtype=jnp.float32) / np.sqrt(NODE_DIM)
    inp["enc_b1"] = jnp.zeros((2 * EMB,), dtype=jnp.float32)
    inp["enc_W2"] = jax.random.normal(ks[5], (EMB, 2 * EMB), dtype=jnp.float32) / np.sqrt(2 * EMB)
    inp["enc_b2"] = jnp.zeros((EMB,), dtype=jnp.float32)
    inp["encn_W1"] = jax.random.normal(ks[6], (EMB, NET_DIM), dtype=jnp.float32) / np.sqrt(NET_DIM)
    inp["encn_b1"] = jnp.zeros((EMB,), dtype=jnp.float32)
    inp["encn_W2"] = jax.random.normal(ks[7], (EMB, EMB), dtype=jnp.float32) / np.sqrt(EMB)
    inp["encn_b2"] = jnp.zeros((EMB,), dtype=jnp.float32)
    inp["conv_W"] = jax.random.normal(ks[8], (NUM_LAYER, EMB, EMB), dtype=jnp.float32) / np.sqrt(EMB)
    inp["conv_b"] = jnp.zeros((NUM_LAYER, EMB), dtype=jnp.float32)
    inp["conv_root"] = jax.random.normal(ks[9], (NUM_LAYER, EMB), dtype=jnp.float32)
    inp["reconv_W"] = jax.random.normal(ks[10], (NUM_LAYER, EMB, EMB), dtype=jnp.float32) / np.sqrt(EMB)
    inp["reconv_b"] = jnp.zeros((NUM_LAYER, EMB), dtype=jnp.float32)
    inp["reconv_root"] = jax.random.normal(ks[11], (NUM_LAYER, EMB), dtype=jnp.float32)
    inp["ln_gamma"] = jnp.ones((NUM_LAYER, EMB), dtype=jnp.float32)
    inp["ln_beta"] = jnp.zeros((NUM_LAYER, EMB), dtype=jnp.float32)
    return inp

def reference(x, x_net, edge_index_node_net, edge_index_net_node, num_instances, batch, enc_W1, enc_b1, enc_W2, enc_b2, encn_W1, encn_b1, encn_W2, encn_b2, conv_W, conv_b, conv_root, reconv_W, reconv_b, reconv_root, ln_gamma, ln_beta):
    x_inst = _mlp2(x, enc_W1, enc_b1, enc_W2, enc_b2)
    xn = _mlp2(x_net, encn_W1, encn_b1, encn_W2, encn_b2)
    h0 = jnp.concatenate([x_inst, xn], axis=0)
    h_list = [h0]
    row1, col1 = edge_index_node_net[0], edge_index_node_net[1]
    row2, col2 = edge_index_net_node[0], edge_index_net_node[1]
    for l in range(NUM_LAYER):
        h1 = _gcn_conv(h_list[l], row1, col1, conv_W[l], conv_b[l], conv_root[l])
        h1 = _layer_norm(h1, ln_gamma[l], ln_beta[l])
        h1 = jax.nn.relu(h1)
        h2 = _gcn_conv(h1, row2, col2, reconv_W[l], reconv_b[l], reconv_root[l])
        h2 = h2 + h_list[l]
        h_list.append(h2)
    return jnp.concatenate(h_list, axis=1)

if __name__ == "__main__":
    import jax
    _d = setup_inputs()
    print(jax.jit(kernel)(*tuple(_d.values())))

</pallas_src>

<mosaic_0001>
#map = affine_map<(d0, d1) -> (0, 0)>
#map1 = affine_map<(d0, d1) -> (0, 0, 0)>
module attributes {stable_mosaic.version = 14 : i64} {
  func.func @_seg_sc(%arg0: i32, %arg1: i32, %arg2: memref<10000x128xf32, #tpu.memory_space<hbm>>, %arg3: memref<32x200x50xi32, #tpu.memory_space<hbm>>, %arg4: memref<32x200x50xi32, #tpu.memory_space<hbm>>, %arg5: memref<624x128xf32, #tpu.memory_space<hbm>>, %arg6: memref<2x10000x128xf32, #tpu.memory_space<hbm>>, %arg7: memref<10000x128xf32, #tpu.memory_space<vmem_shared>>, %arg8: memref<200x50xi32, #tpu.memory_space<vmem>>, %arg9: memref<200x50xi32, #tpu.memory_space<vmem>>, %arg10: memref<4x50x128xf32, #tpu.memory_space<vmem>>, %arg11: memref<4x!tpu.dma_semaphore, #tpu.memory_space<semaphore_mem>>, %arg12: memref<4x!tpu.dma_semaphore, #tpu.memory_space<semaphore_mem>>, %arg13: memref<!tpu.dma_semaphore, #tpu.memory_space<semaphore_mem>>, %arg14: memref<!tpu.dma_semaphore, #tpu.memory_space<semaphore_mem>>, %arg15: memref<!tpu.dma_semaphore, #tpu.memory_space<semaphore_mem>>) attributes {dimension_semantics = [#tpu.dimension_semantics<core_parallel>, #tpu.dimension_semantics<subcore_parallel>], iteration_bounds = array<i64: 2, 16>, scalar_prefetch = 0 : i64, scratch_operands = 9 : i64, tpu.core_type = #tpu.core_type<sc_vector_subcore>, window_params = [{transform_indices = #map}, {transform_indices = #map1}, {transform_indices = #map1}, {transform_indices = #map}, {transform_indices = #map1}]} {
    %mul3A = arith.constant 624 : i32
    %mul3A_0 = arith.muli %arg1, %mul3A : i32
    %dma_start3A = arith.constant 0 : i32
    %dma_start3A_1 = tpu.memref_slice %arg7[%mul3A_0, %dma_start3A] : memref<10000x128xf32, #tpu.memory_space<vmem_shared>> -> memref<624x128xf32, #tpu.memory_space<vmem_shared>>
    %dma_start3A_2 = arith.constant 0 : i32
    %dma_start3A_3 = arith.constant 0 : i32
    %dma_start3A_4 = tpu.memref_slice %arg5[%dma_start3A_2, %dma_start3A_3] : memref<624x128xf32, #tpu.memory_space<hbm>> -> memref<624x128xf32, #tpu.memory_space<hbm>>
    tpu.enqueue_dma source(%dma_start3A_4 : memref<624x128xf32, #tpu.memory_space<hbm>>) target(%dma_start3A_1 : memref<624x128xf32, #tpu.memory_space<vmem_shared>>) target_semaphore(%arg13 : memref<!tpu.dma_semaphore, #tpu.memory_space<semaphore_mem>>)
    %eq3A = arith.constant 15 : i32
    %eq3A_5 = arith.cmpi eq, %arg1, %eq3A : i32
    %convert_element_type3A = arith.extui %eq3A_5 : i1 to i32
    %cond3A = arith.constant 0 : i32
    %cond3A_6 = arith.cmpi ne, %convert_element_type3A, %cond3A : i32
    scf.if %cond3A_6 {
      %dma_start3A_173 = arith.constant 9984 : i32
      %dma_start3A_174 = arith.constant 0 : i32
      %dma_start3A_175 = tpu.memref_slice %arg7[%dma_start3A_173, %dma_start3A_174] : memref<10000x128xf32, #tpu.memory_space<vmem_shared>> -> memref<16x128xf32, #tpu.memory_space<vmem_shared>>
      %dma_start3A_176 = arith.constant 0 : i32
      %dma_start3A_177 = arith.constant 0 : i32
      %dma_start3A_178 = tpu.memref_slice %arg5[%dma_start3A_176, %dma_start3A_177] : memref<624x128xf32, #tpu.memory_space<hbm>> -> memref<16x128xf32, #tpu.memory_space<hbm>>
      tpu.enqueue_dma source(%dma_start3A_178 : memref<16x128xf32, #tpu.memory_space<hbm>>) target(%dma_start3A_175 : memref<16x128xf32, #tpu.memory_space<vmem_shared>>) target_semaphore(%arg13 : memref<!tpu.dma_semaphore, #tpu.memory_space<semaphore_mem>>)
    } else {
    }
    %mul3A_7 = arith.constant 16 : i32
    %mul3A_8 = arith.muli %arg0, %mul3A_7 : i32
    %add3A = arith.addi %mul3A_8, %arg1 : i32
    %dma_start3A_9 = arith.constant 0 : i32
    %dma_start3A_10 = arith.constant 0 : i32
    %dma_start3A_11 = tpu.memref_slice %arg3[%add3A, %dma_start3A_9, %dma_start3A_10] : memref<32x200x50xi32, #tpu.memory_space<hbm>> -> memref<1x200x50xi32, #tpu.memory_space<hbm>>
    %dma_start3A_12 = tpu.memref_squeeze %dma_start3A_11 : memref<1x200x50xi32, #tpu.memory_space<hbm>> -> memref<200x50xi32, #tpu.memory_space<hbm>>
    %dma_start3A_13 = arith.constant 0 : i32
    %dma_start3A_14 = arith.constant 0 : i32
    %dma_start3A_15 = tpu.memref_slice %arg3[%add3A, %dma_start3A_13, %dma_start3A_14] : memref<32x200x50xi32, #tpu.memory_space<hbm>> -> memref<1x200x50xi32, #tpu.memory_space<hbm>>
    %dma_start3A_16 = tpu.memref_squeeze %dma_start3A_15 : memref<1x200x50xi32, #tpu.memory_space<hbm>> -> memref<200x50xi32, #tpu.memory_space<hbm>>
    tpu.enqueue_dma source(%dma_start3A_16 : memref<200x50xi32, #tpu.memory_space<hbm>>) target(%arg8 : memref<200x50xi32, #tpu.memory_space<vmem>>) target_semaphore(%arg14 : memref<!tpu.dma_semaphore, #tpu.memory_space<semaphore_mem>>)
    %dma_start3A_17 = arith.constant 0 : i32
    %dma_start3A_18 = arith.constant 0 : i32
    %dma_start3A_19 = tpu.memref_slice %arg4[%add3A, %dma_start3A_17, %dma_start3A_18] : memref<32x200x50xi32, #tpu.memory_space<hbm>> -> memref<1x200x50xi32, #tpu.memory_space<hbm>>
    %dma_start3A_20 = tpu.memref_squeeze %dma_start3A_19 : memref<1x200x50xi32, #tpu.memory_space<hbm>> -> memref<200x50xi32, #tpu.memory_space<hbm>>
    %dma_start3A_21 = arith.constant 0 : i32
    %dma_start3A_22 = arith.constant 0 : i32
    %dma_start3A_23 = tpu.memref_slice %arg4[%add3A, %dma_start3A_21, %dma_start3A_22] : memref<32x200x50xi32, #tpu.memory_space<hbm>> -> memref<1x200x50xi32, #tpu.memory_space<hbm>>
    %dma_start3A_24 = tpu.memref_squeeze %dma_start3A_23 : memref<1x200x50xi32, #tpu.memory_space<hbm>> -> memref<200x50xi32, #tpu.memory_space<hbm>>
    tpu.enqueue_dma source(%dma_start3A_24 : memref<200x50xi32, #tpu.memory_space<hbm>>) target(%arg9 : memref<200x50xi32, #tpu.memory_space<vmem>>) target_semaphore(%arg15 : memref<!tpu.dma_semaphore, #tpu.memory_space<semaphore_mem>>)
    %dma_wait3A = arith.constant 0 : i32
    %dma_wait3A_25 = arith.constant 0 : i32
    %dma_wait3A_26 = tpu.memref_slice %arg3[%add3A, %dma_wait3A, %dma_wait3A_25] : memref<32x200x50xi32, #tpu.memory_space<hbm>> -> memref<1x200x50xi32, #tpu.memory_space<hbm>>
    %dma_wait3A_27 = tpu.memref_squeeze %dma_wait3A_26 : memref<1x200x50xi32, #tpu.memory_space<hbm>> -> memref<200x50xi32, #tpu.memory_space<hbm>>
    %dma_wait3A_28 = arith.constant 0 : i32
    %dma_wait3A_29 = arith.constant 0 : i32
    %dma_wait3A_30 = tpu.memref_slice %arg3[%add3A, %dma_wait3A_28, %dma_wait3A_29] : memref<32x200x50xi32, #tpu.memory_space<hbm>> -> memref<1x200x50xi32, #tpu.memory_space<hbm>>
    %dma_wait3A_31 = tpu.memref_squeeze %dma_wait3A_30 : memref<1x200x50xi32, #tpu.memory_space<hbm>> -> memref<200x50xi32, #tpu.memory_space<hbm>>
    tpu.wait_dma2 semaphore(%arg14 : memref<!tpu.dma_semaphore, #tpu.memory_space<semaphore_mem>>) src(%dma_wait3A_31 : memref<200x50xi32, #tpu.memory_space<hbm>>) dst(%arg8 : memref<200x50xi32, #tpu.memory_space<vmem>>)
    %dma_wait3A_32 = arith.constant 0 : i32
    %dma_wait3A_33 = arith.constant 0 : i32
    %dma_wait3A_34 = tpu.memref_slice %arg4[%add3A, %dma_wait3A_32, %dma_wait3A_33] : memref<32x200x50xi32, #tpu.memory_space<hbm>> -> memref<1x200x50xi32, #tpu.memory_space<hbm>>
    %dma_wait3A_35 = tpu.memref_squeeze %dma_wait3A_34 : memref<1x200x50xi32, #tpu.memory_space<hbm>> -> memref<200x50xi32, #tpu.memory_space<hbm>>
    %dma_wait3A_36 = arith.constant 0 : i32
    %dma_wait3A_37 = arith.constant 0 : i32
    %dma_wait3A_38 = tpu.memref_slice %arg4[%add3A, %dma_wait3A_36, %dma_wait3A_37] : memref<32x200x50xi32, #tpu.memory_space<hbm>> -> memref<1x200x50xi32, #tpu.memory_space<hbm>>
    %dma_wait3A_39 = tpu.memref_squeeze %dma_wait3A_38 : memref<1x200x50xi32, #tpu.memory_space<hbm>> -> memref<200x50xi32, #tpu.memory_space<hbm>>
    tpu.wait_dma2 semaphore(%arg15 : memref<!tpu.dma_semaphore, #tpu.memory_space<semaphore_mem>>) src(%dma_wait3A_39 : memref<200x50xi32, #tpu.memory_space<hbm>>) dst(%arg9 : memref<200x50xi32, #tpu.memory_space<vmem>>)
    %dma_start3A_40 = arith.constant 0 : i32
    %dma_start3A_41 = arith.constant 0 : i32
    %dma_start3A_42 = arith.constant 0 : i32
    %dma_start3A_43 = arith.constant 0 : i32
    %dma_start3A_44 = arith.constant 0 : i32
    %dma_start3A_45 = tpu.memref_slice %arg10[%dma_start3A_41, %dma_start3A_43, %dma_start3A_44] : memref<4x50x128xf32, #tpu.memory_space<vmem>> -> memref<1x50x128xf32, #tpu.memory_space<vmem>>
    %dma_start3A_46 = tpu.memref_squeeze %dma_start3A_45 : memref<1x50x128xf32, #tpu.memory_space<vmem>> -> memref<50x128xf32, #tpu.memory_space<vmem>>
    %dma_start3A_47 = arith.constant 0 : i32
    %dma_start3A_48 = tpu.memref_slice %arg8[%dma_start3A_40, %dma_start3A_47] : memref<200x50xi32, #tpu.memory_space<vmem>> -> memref<1x50xi32, #tpu.memory_space<vmem>>
    %dma_start3A_49 = tpu.memref_squeeze %dma_start3A_48 : memref<1x50xi32, #tpu.memory_space<vmem>> -> memref<50xi32, #tpu.memory_space<vmem>>
    %dma_start3A_50 = arith.constant 0 : i32
    %dma_start3A_51 = arith.constant 0 : i32
    %dma_start3A_52 = tpu.memref_slice %arg2[%dma_start3A_50, %dma_start3A_51] : memref<10000x128xf32, #tpu.memory_space<hbm>> -> memref<10000x128xf32, #tpu.memory_space<hbm>>
    %dma_start3A_53 = tpu.memref_slice %arg11[%dma_start3A_42] : memref<4x!tpu.dma_semaphore, #tpu.memory_space<semaphore_mem>> -> memref<1x!tpu.dma_semaphore, #tpu.memory_space<semaphore_mem>>
    %dma_start3A_54 = tpu.memref_squeeze %dma_start3A_53 : memref<1x!tpu.dma_semaphore, #tpu.memory_space<semaphore_mem>> -> memref<!tpu.dma_semaphore, #tpu.memory_space<semaphore_mem>>
    tpu.enqueue_indirect_dma source(%dma_start3A_52 : memref<10000x128xf32, #tpu.memory_space<hbm>>) target(%dma_start3A_46 : memref<50x128xf32, #tpu.memory_space<vmem>>) offsets(%dma_start3A_49 : memref<50xi32, #tpu.memory_space<vmem>>) semaphore(%dma_start3A_54 : memref<!tpu.dma_semaphore, #tpu.memory_space<semaphore_mem>>)
    %dma_start3A_55 = arith.constant 1 : i32
    %dma_start3A_56 = arith.constant 1 : i32
    %dma_start3A_57 = arith.constant 1 : i32
    %dma_start3A_58 = arith.constant 0 : i32
    %dma_start3A_59 = arith.constant 0 : i32
    %dma_start3A_60 = tpu.memref_slice %arg10[%dma_start3A_56, %dma_start3A_58, %dma_start3A_59] : memref<4x50x128xf32, #tpu.memory_space<vmem>> -> memref<1x50x128xf32, #tpu.memory_space<vmem>>
    %dma_start3A_61 = tpu.memref_squeeze %dma_start3A_60 : memref<1x50x128xf32, #tpu.memory_space<vmem>> -> memref<50x128xf32, #tpu.memory_space<vmem>>
    %dma_start3A_62 = arith.constant 0 : i32
    %dma_start3A_63 = tpu.memref_slice %arg8[%dma_start3A_55, %dma_start3A_62] : memref<200x50xi32, #tpu.memory_space<vmem>> -> memref<1x50xi32, #tpu.memory_space<vmem>>
    %dma_start3A_64 = tpu.memref_squeeze %dma_start3A_63 : memref<1x50xi32, #tpu.memory_space<vmem>> -> memref<50xi32, #tpu.memory_space<vmem>>
    %dma_start3A_65 = arith.constant 0 : i32
    %dma_start3A_66 = arith.constant 0 : i32
    %dma_start3A_67 = tpu.memref_slice %arg2[%dma_start3A_65, %dma_start3A_66] : memref<10000x128xf32, #tpu.memory_space<hbm>> -> memref<10000x128xf32, #tpu.memory_space<hbm>>
    %dma_start3A_68 = tpu.memref_slice %arg11[%dma_start3A_57] : memref<4x!tpu.dma_semaphore, #tpu.memory_space<semaphore_mem>> -> memref<1x!tpu.dma_semaphore, #tpu.memory_space<semaphore_mem>>
    %dma_start3A_69 = tpu.memref_squeeze %dma_start3A_68 : memref<1x!tpu.dma_semaphore, #tpu.memory_space<semaphore_mem>> -> memref<!tpu.dma_semaphore, #tpu.memory_space<semaphore_mem>>
    tpu.enqueue_indirect_dma source(%dma_start3A_67 : memref<10000x128xf32, #tpu.memory_space<hbm>>) target(%dma_start3A_61 : memref<50x128xf32, #tpu.memory_space<vmem>>) offsets(%dma_start3A_64 : memref<50xi32, #tpu.memory_space<vmem>>) semaphore(%dma_start3A_69 : memref<!tpu.dma_semaphore, #tpu.memory_space<semaphore_mem>>)
    %dma_start3A_70 = arith.constant 2 : i32
    %dma_start3A_71 = arith.constant 2 : i32
    %dma_start3A_72 = arith.constant 2 : i32
    %dma_start3A_73 = arith.constant 0 : i32
    %dma_start3A_74 = arith.constant 0 : i32
    %dma_start3A_75 = tpu.memref_slice %arg10[%dma_start3A_71, %dma_start3A_73, %dma_start3A_74] : memref<4x50x128xf32, #tpu.memory_space<vmem>> -> memref<1x50x128xf32, #tpu.memory_space<vmem>>
    %dma_start3A_76 = tpu.memref_squeeze %dma_start3A_75 : memref<1x50x128xf32, #tpu.memory_space<vmem>> -> memref<50x128xf32, #tpu.memory_space<vmem>>
    %dma_start3A_77 = arith.constant 0 : i32
    %dma_start3A_78 = tpu.memref_slice %arg8[%dma_start3A_70, %dma_start3A_77] : memref<200x50xi32, #tpu.memory_space<vmem>> -> memref<1x50xi32, #tpu.memory_space<vmem>>
    %dma_start3A_79 = tpu.memref_squeeze %dma_start3A_78 : memref<1x50xi32, #tpu.memory_space<vmem>> -> memref<50xi32, #tpu.memory_space<vmem>>
    %dma_start3A_80 = arith.constant 0 : i32
    %dma_start3A_81 = arith.constant 0 : i32
    %dma_start3A_82 = tpu.memref_slice %arg2[%dma_start3A_80, %dma_start3A_81] : memref<10000x128xf32, #tpu.memory_space<hbm>> -> memref<10000x128xf32, #tpu.memory_space<hbm>>
    %dma_start3A_83 = tpu.memref_slice %arg11[%dma_start3A_72] : memref<4x!tpu.dma_semaphore, #tpu.memory_space<semaphore_mem>> -> memref<1x!tpu.dma_semaphore, #tpu.memory_space<semaphore_mem>>
    %dma_start3A_84 = tpu.memref_squeeze %dma_start3A_83 : memref<1x!tpu.dma_semaphore, #tpu.memory_space<semaphore_mem>> -> memref<!tpu.dma_semaphore, #tpu.memory_space<semaphore_mem>>
    tpu.enqueue_indirect_dma source(%dma_start3A_82 : memref<10000x128xf32, #tpu.memory_space<hbm>>) target(%dma_start3A_76 : memref<50x128xf32, #tpu.memory_space<vmem>>) offsets(%dma_start3A_79 : memref<50xi32, #tpu.memory_space<vmem>>) semaphore(%dma_start3A_84 : memref<!tpu.dma_semaphore, #tpu.memory_space<semaphore_mem>>)
    %mul3A_85 = arith.constant 624 : i32
    %mul3A_86 = arith.muli %arg1, %mul3A_85 : i32
    %dma_wait3A_87 = arith.constant 0 : i32
    %dma_wait3A_88 = tpu.memref_slice %arg7[%mul3A_86, %dma_wait3A_87] : memref<10000x128xf32, #tpu.memory_space<vmem_shared>> -> memref<624x128xf32, #tpu.memory_space<vmem_shared>>
    %dma_wait3A_89 = arith.constant 0 : i32
    %dma_wait3A_90 = arith.constant 0 : i32
    %dma_wait3A_91 = tpu.memref_slice %arg5[%dma_wait3A_89, %dma_wait3A_90] : memref<624x128xf32, #tpu.memory_space<hbm>> -> memref<624x128xf32, #tpu.memory_space<hbm>>
    tpu.wait_dma2 semaphore(%arg13 : memref<!tpu.dma_semaphore, #tpu.memory_space<semaphore_mem>>) src(%dma_wait3A_91 : memref<624x128xf32, #tpu.memory_space<hbm>>) dst(%dma_wait3A_88 : memref<624x128xf32, #tpu.memory_space<vmem_shared>>)
    %eq3A_92 = arith.constant 15 : i32
    %eq3A_93 = arith.cmpi eq, %arg1, %eq3A_92 : i32
    %convert_element_type3A_94 = arith.extui %eq3A_93 : i1 to i32
    %cond3A_95 = arith.constant 0 : i32
    %cond3A_96 = arith.cmpi ne, %convert_element_type3A_94, %cond3A_95 : i32
    scf.if %cond3A_96 {
      %dma_wait3A_173 = arith.constant 9984 : i32
      %dma_wait3A_174 = arith.constant 0 : i32
      %dma_wait3A_175 = tpu.memref_slice %arg7[%dma_wait3A_173, %dma_wait3A_174] : memref<10000x128xf32, #tpu.memory_space<vmem_shared>> -> memref<16x128xf32, #tpu.memory_space<vmem_shared>>
      %dma_wait3A_176 = arith.constant 0 : i32
      %dma_wait3A_177 = arith.constant 0 : i32
      %dma_wait3A_178 = tpu.memref_slice %arg5[%dma_wait3A_176, %dma_wait3A_177] : memref<624x128xf32, #tpu.memory_space<hbm>> -> memref<16x128xf32, #tpu.memory_space<hbm>>
      tpu.wait_dma2 semaphore(%arg13 : memref<!tpu.dma_semaphore, #tpu.memory_space<semaphore_mem>>) src(%dma_wait3A_178 : memref<16x128xf32, #tpu.memory_space<hbm>>) dst(%dma_wait3A_175 : memref<16x128xf32, #tpu.memory_space<vmem_shared>>)
    } else {
    }
    %barrier3A = arith.constant 0 : index
    tpu.barrier barrier_id(%barrier3A)
    %scan3A = arith.constant 0 : i32
    %scan3A_97 = arith.constant 0 : i32
    %scan3A_98 = arith.constant 50 : i32
    %scan3A_99 = arith.addi %scan3A_97, %scan3A_98 : i32
    %scan3A_100 = arith.constant 1 : i32
    %scan3A_101 = scf.for %scan3A_173 = %scan3A_97 to %scan3A_99 step %scan3A_100 iter_args(%scan3A_174 = %scan3A) -> (i32)  : i32 {
      %mul3A_175 = arith.constant 4 : i32
      %mul3A_176 = arith.muli %scan3A_173, %mul3A_175 : i32
      %add3A_177 = arith.constant 0 : i32
      %add3A_178 = arith.addi %mul3A_176, %add3A_177 : i32
      %dma_wait3A_179 = arith.constant 0 : i32
      %dma_wait3A_180 = arith.constant 0 : i32
      %dma_wait3A_181 = arith.constant 0 : i32
      %dma_wait3A_182 = arith.constant 0 : i32
      %dma_wait3A_183 = tpu.memref_slice %arg10[%dma_wait3A_179, %dma_wait3A_181, %dma_wait3A_182] : memref<4x50x128xf32, #tpu.memory_space<vmem>> -> memref<1x50x128xf32, #tpu.memory_space<vmem>>
      %dma_wait3A_184 = tpu.memref_squeeze %dma_wait3A_183 : memref<1x50x128xf32, #tpu.memory_space<vmem>> -> memref<50x128xf32, #tpu.memory_space<vmem>>
      %dma_wait3A_185 = arith.constant 0 : i32
      %dma_wait3A_186 = tpu.memref_slice %arg8[%add3A_178, %dma_wait3A_185] : memref<200x50xi32, #tpu.memory_space<vmem>> -> memref<1x50xi32, #tpu.memory_space<vmem>>
      %dma_wait3A_187 = tpu.memref_squeeze %dma_wait3A_186 : memref<1x50xi32, #tpu.memory_space<vmem>> -> memref<50xi32, #tpu.memory_space<vmem>>
      %dma_wait3A_188 = arith.constant 0 : i32
      %dma_wait3A_189 = arith.constant 0 : i32
      %dma_wait3A_190 = tpu.memref_slice %arg2[%dma_wait3A_188, %dma_wait3A_189] : memref<10000x128xf32, #tpu.memory_space<hbm>> -> memref<10000x128xf32, #tpu.memory_space<hbm>>
      %dma_wait3A_191 = tpu.memref_slice %arg11[%dma_wait3A_180] : memref<4x!tpu.dma_semaphore, #tpu.memory_space<semaphore_mem>> -> memref<1x!tpu.dma_semaphore, #tpu.memory_space<semaphore_mem>>
      %dma_wait3A_192 = tpu.memref_squeeze %dma_wait3A_191 : memref<1x!tpu.dma_semaphore, #tpu.memory_space<semaphore_mem>> -> memref<!tpu.dma_semaphore, #tpu.memory_space<semaphore_mem>>
      tpu.wait_indirect_dma semaphore(%dma_wait3A_192 : memref<!tpu.dma_semaphore, #tpu.memory_space<semaphore_mem>>) src(%dma_wait3A_190 : memref<10000x128xf32, #tpu.memory_space<hbm>>) dst(%dma_wait3A_184 : memref<50x128xf32, #tpu.memory_space<vmem>>)
      %dma_start3A_193 = arith.constant 0 : i32
      %dma_start3A_194 = arith.constant 0 : i32
      %dma_start3A_195 = arith.constant 0 : i32
      %dma_start3A_196 = arith.constant 0 : i32
      %dma_start3A_197 = tpu.memref_slice %arg10[%dma_start3A_193, %dma_start3A_195, %dma_start3A_196] : memref<4x50x128xf32, #tpu.memory_space<vmem>> -> memref<1x50x128xf32, #tpu.memory_space<vmem>>
      %dma_start3A_198 = tpu.memref_squeeze %dma_start3A_197 : memref<1x50x128xf32, #tpu.memory_space<vmem>> -> memref<50x128xf32, #tpu.memory_space<vmem>>
      %dma_start3A_199 = arith.constant 0 : i32
      %dma_start3A_200 = tpu.memref_slice %arg9[%add3A_178, %dma_start3A_199] : memref<200x50xi32, #tpu.memory_space<vmem>> -> memref<1x50xi32, #tpu.memory_space<vmem>>
      %dma_start3A_201 = tpu.memref_squeeze %dma_start3A_200 : memref<1x50xi32, #tpu.memory_space<vmem>> -> memref<50xi32, #tpu.memory_space<vmem>>
      %dma_start3A_202 = arith.constant 0 : i32
      %dma_start3A_203 = arith.constant 0 : i32
      %dma_start3A_204 = tpu.memref_slice %arg7[%dma_start3A_202, %dma_start3A_203] : memref<10000x128xf32, #tpu.memory_space<vmem_shared>> -> memref<10000x128xf32, #tpu.memory_space<vmem_shared>>
      %dma_start3A_205 = tpu.memref_slice %arg12[%dma_start3A_194] : memref<4x!tpu.dma_semaphore, #tpu.memory_space<semaphore_mem>> -> memref<1x!tpu.dma_semaphore, #tpu.memory_space<semaphore_mem>>
      %dma_start3A_206 = tpu.memref_squeeze %dma_start3A_205 : memref<1x!tpu.dma_semaphore, #tpu.memory_space<semaphore_mem>> -> memref<!tpu.dma_semaphore, #tpu.memory_space<semaphore_mem>>
      tpu.enqueue_indirect_dma source(%dma_start3A_198 : memref<50x128xf32, #tpu.memory_space<vmem>>) target(%dma_start3A_204 : memref<10000x128xf32, #tpu.memory_space<vmem_shared>>) offsets(%dma_start3A_201 : memref<50xi32, #tpu.memory_space<vmem>>) semaphore(%dma_start3A_206 : memref<!tpu.dma_semaphore, #tpu.memory_space<semaphore_mem>>) {add = true}
      %eq3A_207 = arith.constant 0 : i32
      %eq3A_208 = arith.cmpi eq, %scan3A_173, %eq3A_207 : i32
      %convert_element_type3A_209 = arith.extui %eq3A_208 : i1 to i32
      %cond3A_210 = arith.constant 0 : i32
      %cond3A_211 = arith.cmpi ne, %convert_element_type3A_209, %cond3A_210 : i32
      scf.if %cond3A_211 {
        %dma_start3A_337 = arith.constant 3 : i32
        %dma_start3A_338 = arith.constant 3 : i32
        %dma_start3A_339 = arith.constant 3 : i32
        %dma_start3A_340 = arith.constant 0 : i32
        %dma_start3A_341 = arith.constant 0 : i32
        %dma_start3A_342 = tpu.memref_slice %arg10[%dma_start3A_338, %dma_start3A_340, %dma_start3A_341] : memref<4x50x128xf32, #tpu.memory_space<vmem>> -> memref<1x50x128xf32, #tpu.memory_space<vmem>>
        %dma_start3A_343 = tpu.memref_squeeze %dma_start3A_342 : memref<1x50x128xf32, #tpu.memory_space<vmem>> -> memref<50x128xf32, #tpu.memory_space<vmem>>
        %dma_start3A_344 = arith.constant 0 : i32
        %dma_start3A_345 = tpu.memref_slice %arg8[%dma_start3A_337, %dma_start3A_344] : memref<200x50xi32, #tpu.memory_space<vmem>> -> memref<1x50xi32, #tpu.memory_space<vmem>>
        %dma_start3A_346 = tpu.memref_squeeze %dma_start3A_345 : memref<1x50xi32, #tpu.memory_space<vmem>> -> memref<50xi32, #tpu.memory_space<vmem>>
        %dma_start3A_347 = arith.constant 0 : i32
        %dma_start3A_348 = arith.constant 0 : i32
        %dma_start3A_349 = tpu.memref_slice %arg2[%dma_start3A_347, %dma_start3A_348] : memref<10000x128xf32, #tpu.memory_space<hbm>> -> memref<10000x128xf32, #tpu.memory_space<hbm>>
        %dma_start3A_350 = tpu.memref_slice %arg11[%dma_start3A_339] : memref<4x!tpu.dma_semaphore, #tpu.memory_space<semaphore_mem>> -> memref<1x!tpu.dma_semaphore, #tpu.memory_space<semaphore_mem>>
        %dma_start3A_351 = tpu.memref_squeeze %dma_start3A_350 : memref<1x!tpu.dma_semaphore, #tpu.memory_space<semaphore_mem>> -> memref<!tpu.dma_semaphore, #tpu.memory_space<semaphore_mem>>
        tpu.enqueue_indirect_dma source(%dma_start3A_349 : memref<10000x128xf32, #tpu.memory_space<hbm>>) target(%dma_start3A_343 : memref<50x128xf32, #tpu.memory_space<vmem>>) offsets(%dma_start3A_346 : memref<50xi32, #tpu.memory_space<vmem>>) semaphore(%dma_start3A_351 : memref<!tpu.dma_semaphore, #tpu.memory_space<semaphore_mem>>)
      } else {
      }
      %ge3A = arith.constant 1 : i32
      %ge3A_212 = arith.cmpi sge, %scan3A_173, %ge3A : i32
      %add3A_213 = arith.constant 3 : i32
      %add3A_214 = arith.addi %add3A_178, %add3A_213 : i32
      %lt3A = arith.constant 200 : i32
      %lt3A_215 = arith.cmpi slt, %add3A_214, %lt3A : i32
      %and3A = arith.andi %ge3A_212, %lt3A_215 : i1
      %convert_element_type3A_216 = arith.extui %and3A : i1 to i32
      %cond3A_217 = arith.constant 0 : i32
      %cond3A_218 = arith.cmpi ne, %convert_element_type3A_216, %cond3A_217 : i32
      scf.if %cond3A_218 {
        %sub3A = arith.constant 1 : i32
        %sub3A_337 = arith.subi %add3A_178, %sub3A : i32
        %dma_wait3A_338 = arith.constant 3 : i32
        %dma_wait3A_339 = arith.constant 3 : i32
        %dma_wait3A_340 = arith.constant 0 : i32
        %dma_wait3A_341 = arith.constant 0 : i32
        %dma_wait3A_342 = tpu.memref_slice %arg10[%dma_wait3A_338, %dma_wait3A_340, %dma_wait3A_341] : memref<4x50x128xf32, #tpu.memory_space<vmem>> -> memref<1x50x128xf32, #tpu.memory_space<vmem>>
        %dma_wait3A_343 = tpu.memref_squeeze %dma_wait3A_342 : memref<1x50x128xf32, #tpu.memory_space<vmem>> -> memref<50x128xf32, #tpu.memory_space<vmem>>
        %dma_wait3A_344 = arith.constant 0 : i32
        %dma_wait3A_345 = tpu.memref_slice %arg9[%sub3A_337, %dma_wait3A_344] : memref<200x50xi32, #tpu.memory_space<vmem>> -> memref<1x50xi32, #tpu.memory_space<vmem>>
        %dma_wait3A_346 = tpu.memref_squeeze %dma_wait3A_345 : memref<1x50xi32, #tpu.memory_space<vmem>> -> memref<50xi32, #tpu.memory_space<vmem>>
        %dma_wait3A_347 = arith.constant 0 : i32
        %dma_wait3A_348 = arith.constant 0 : i32
        %dma_wait3A_349 = tpu.memref_slice %arg7[%dma_wait3A_347, %dma_wait3A_348] : memref<10000x128xf32, #tpu.memory_space<vmem_shared>> -> memref<10000x128xf32, #tpu.memory_space<vmem_shared>>
        %dma_wait3A_350 = tpu.memref_slice %arg12[%dma_wait3A_339] : memref<4x!tpu.dma_semaphore, #tpu.memory_space<semaphore_mem>> -> memref<1x!tpu.dma_semaphore, #tpu.memory_space<semaphore_mem>>
        %dma_wait3A_351 = tpu.memref_squeeze %dma_wait3A_350 : memref<1x!tpu.dma_semaphore, #tpu.memory_space<semaphore_mem>> -> memref<!tpu.dma_semaphore, #tpu.memory_space<semaphore_mem>>
        tpu.wait_indirect_dma semaphore(%dma_wait3A_351 : memref<!tpu.dma_semaphore, #tpu.memory_space<semaphore_mem>>) src(%dma_wait3A_343 : memref<50x128xf32, #tpu.memory_space<vmem>>) dst(%dma_wait3A_349 : memref<10000x128xf32, #tpu.memory_space<vmem_shared>>)
        %add3A_352 = arith.constant 3 : i32
        %add3A_353 = arith.addi %add3A_178, %add3A_352 : i32
        %dma_start3A_354 = arith.constant 3 : i32
        %dma_start3A_355 = arith.constant 3 : i32
        %dma_start3A_356 = arith.constant 0 : i32
        %dma_start3A_357 = arith.constant 0 : i32
        %dma_start3A_358 = tpu.memref_slice %arg10[%dma_start3A_354, %dma_start3A_356, %dma_start3A_357] : memref<4x50x128xf32, #tpu.memory_space<vmem>> -> memref<1x50x128xf32, #tpu.memory_space<vmem>>
        %dma_start3A_359 = tpu.memref_squeeze %dma_start3A_358 : memref<1x50x128xf32, #tpu.memory_space<vmem>> -> memref<50x128xf32, #tpu.memory_space<vmem>>
        %dma_start3A_360 = arith.constant 0 : i32
        %dma_start3A_361 = tpu.memref_slice %arg8[%add3A_353, %dma_start3A_360] : memref<200x50xi32, #tpu.memory_space<vmem>> -> memref<1x50xi32, #tpu.memory_space<vmem>>
        %dma_start3A_362 = tpu.memref_squeeze %dma_start3A_361 : memref<1x50xi32, #tpu.memory_space<vmem>> -> memref<50xi32, #tpu.memory_space<vmem>>
        %dma_start3A_363 = arith.constant 0 : i32
        %dma_start3A_364 = arith.constant 0 : i32
        %dma_start3A_365 = tpu.memref_slice %arg2[%dma_start3A_363, %dma_start3A_364] : memref<10000x128xf32, #tpu.memory_space<hbm>> -> memref<10000x128xf32, #tpu.memory_space<hbm>>
        %dma_start3A_366 = tpu.memref_slice %arg11[%dma_start3A_355] : memref<4x!tpu.dma_semaphore, #tpu.memory_space<semaphore_mem>> -> memref<1x!tpu.dma_semaphore, #tpu.memory_space<semaphore_mem>>
        %dma_start3A_367 = tpu.memref_squeeze %dma_start3A_366 : memref<1x!tpu.dma_semaphore, #tpu.memory_space<semaphore_mem>> -> memref<!tpu.dma_semaphore, #tpu.memory_space<semaphore_mem>>
        tpu.enqueue_indirect_dma source(%dma_start3A_365 : memref<10000x128xf32, #tpu.memory_space<hbm>>) target(%dma_start3A_359 : memref<50x128xf32, #tpu.memory_space<vmem>>) offsets(%dma_start3A_362 : memref<50xi32, #tpu.memory_space<vmem>>) semaphore(%dma_start3A_367 : memref<!tpu.dma_semaphore, #tpu.memory_space<semaphore_mem>>)
      } else {
      }
      %mul3A_219 = arith.constant 4 : i32
      %mul3A_220 = arith.muli %scan3A_173, %mul3A_219 : i32
      %add3A_221 = arith.constant 1 : i32
      %add3A_222 = arith.addi %mul3A_220, %add3A_221 : i32
      %dma_wait3A_223 = arith.constant 1 : i32
      %dma_wait3A_224 = arith.constant 1 : i32
      %dma_wait3A_225 = arith.constant 0 : i32
      %dma_wait3A_226 = arith.constant 0 : i32
      %dma_wait3A_227 = tpu.memref_slice %arg10[%dma_wait3A_223, %dma_wait3A_225, %dma_wait3A_226] : memref<4x50x128xf32, #tpu.memory_space<vmem>> -> memref<1x50x128xf32, #tpu.memory_space<vmem>>
      %dma_wait3A_228 = tpu.memref_squeeze %dma_wait3A_227 : memref<1x50x128xf32, #tpu.memory_space<vmem>> -> memref<50x128xf32, #tpu.memory_space<vmem>>
      %dma_wait3A_229 = arith.constant 0 : i32
      %dma_wait3A_230 = tpu.memref_slice %arg8[%add3A_222, %dma_wait3A_229] : memref<200x50xi32, #tpu.memory_space<vmem>> -> memref<1x50xi32, #tpu.memory_space<vmem>>
      %dma_wait3A_231 = tpu.memref_squeeze %dma_wait3A_230 : memref<1x50xi32, #tpu.memory_space<vmem>> -> memref<50xi32, #tpu.memory_space<vmem>>
      %dma_wait3A_232 = arith.constant 0 : i32
      %dma_wait3A_233 = arith.constant 0 : i32
      %dma_wait3A_234 = tpu.memref_slice %arg2[%dma_wait3A_232, %dma_wait3A_233] : memref<10000x128xf32, #tpu.memory_space<hbm>> -> memref<10000x128xf32, #tpu.memory_space<hbm>>
      %dma_wait3A_235 = tpu.memref_slice %arg11[%dma_wait3A_224] : memref<4x!tpu.dma_semaphore, #tpu.memory_space<semaphore_mem>> -> memref<1x!tpu.dma_semaphore, #tpu.memory_space<semaphore_mem>>
      %dma_wait3A_236 = tpu.memref_squeeze %dma_wait3A_235 : memref<1x!tpu.dma_semaphore, #tpu.memory_space<semaphore_mem>> -> memref<!tpu.dma_semaphore, #tpu.memory_space<semaphore_mem>>
      tpu.wait_indirect_dma semaphore(%dma_wait3A_236 : memref<!tpu.dma_semaphore, #tpu.memory_space<semaphore_mem>>) src(%dma_wait3A_234 : memref<10000x128xf32, #tpu.memory_space<hbm>>) dst(%dma_wait3A_228 : memref<50x128xf32, #tpu.memory_space<vmem>>)
      %dma_start3A_237 = arith.constant 1 : i32
      %dma_start3A_238 = arith.constant 1 : i32
      %dma_start3A_239 = arith.constant 0 : i32
      %dma_start3A_240 = arith.constant 0 : i32
      %dma_start3A_241 = tpu.memref_slice %arg10[%dma_start3A_237, %dma_start3A_239, %dma_start3A_240] : memref<4x50x128xf32, #tpu.memory_space<vmem>> -> memref<1x50x128xf32, #tpu.memory_space<vmem>>
      %dma_start3A_242 = tpu.memref_squeeze %dma_start3A_241 : memref<1x50x128xf32, #tpu.memory_space<vmem>> -> memref<50x128xf32, #tpu.memory_space<vmem>>
      %dma_start3A_243 = arith.constant 0 : i32
      %dma_start3A_244 = tpu.memref_slice %arg9[%add3A_222, %dma_start3A_243] : memref<200x50xi32, #tpu.memory_space<vmem>> -> memref<1x50xi32, #tpu.memory_space<vmem>>
      %dma_start3A_245 = tpu.memref_squeeze %dma_start3A_244 : memref<1x50xi32, #tpu.memory_space<vmem>> -> memref<50xi32, #tpu.memory_space<vmem>>
      %dma_start3A_246 = arith.constant 0 : i32
      %dma_start3A_247 = arith.constant 0 : i32
      %dma_start3A_248 = tpu.memref_slice %arg7[%dma_start3A_246, %dma_start3A_247] : memref<10000x128xf32, #tpu.memory_space<vmem_shared>> -> memref<10000x128xf32, #tpu.memory_space<vmem_shared>>
      %dma_start3A_249 = tpu.memref_slice %arg12[%dma_start3A_238] : memref<4x!tpu.dma_semaphore, #tpu.memory_space<semaphore_mem>> -> memref<1x!tpu.dma_semaphore, #tpu.memory_space<semaphore_mem>>
      %dma_start3A_250 = tpu.memref_squeeze %dma_start3A_249 : memref<1x!tpu.dma_semaphore, #tpu.memory_space<semaphore_mem>> -> memref<!tpu.dma_semaphore, #tpu.memory_space<semaphore_mem>>
      tpu.enqueue_indirect_dma source(%dma_start3A_242 : memref<50x128xf32, #tpu.memory_space<vmem>>) target(%dma_start3A_248 : memref<10000x128xf32, #tpu.memory_space<vmem_shared>>) offsets(%dma_start3A_245 : memref<50xi32, #tpu.memory_space<vmem>>) semaphore(%dma_start3A_250 : memref<!tpu.dma_semaphore, #tpu.memory_space<semaphore_mem>>) {add = true}
      %add3A_251 = arith.constant 3 : i32
      %add3A_252 = arith.addi %add3A_222, %add3A_251 : i32
      %lt3A_253 = arith.constant 200 : i32
      %lt3A_254 = arith.cmpi slt, %add3A_252, %lt3A_253 : i32
      %convert_element_type3A_255 = arith.extui %lt3A_254 : i1 to i32
      %cond3A_256 = arith.constant 0 : i32
      %cond3A_257 = arith.cmpi ne, %convert_element_type3A_255, %cond3A_256 : i32
      scf.if %cond3A_257 {
        %sub3A = arith.constant 1 : i32
        %sub3A_337 = arith.subi %add3A_222, %sub3A : i32
        %dma_wait3A_338 = arith.constant 0 : i32
        %dma_wait3A_339 = arith.constant 0 : i32
        %dma_wait3A_340 = arith.constant 0 : i32
        %dma_wait3A_341 = arith.constant 0 : i32
        %dma_wait3A_342 = tpu.memref_slice %arg10[%dma_wait3A_338, %dma_wait3A_340, %dma_wait3A_341] : memref<4x50x128xf32, #tpu.memory_space<vmem>> -> memref<1x50x128xf32, #tpu.memory_space<vmem>>
        %dma_wait3A_343 = tpu.memref_squeeze %dma_wait3A_342 : memref<1x50x128xf32, #tpu.memory_space<vmem>> -> memref<50x128xf32, #tpu.memory_space<vmem>>
        %dma_wait3A_344 = arith.constant 0 : i32
        %dma_wait3A_345 = tpu.memref_slice %arg9[%sub3A_337, %dma_wait3A_344] : memref<200x50xi32, #tpu.memory_space<vmem>> -> memref<1x50xi32, #tpu.memory_space<vmem>>
        %dma_wait3A_346 = tpu.memref_squeeze %dma_wait3A_345 : memref<1x50xi32, #tpu.memory_space<vmem>> -> memref<50xi32, #tpu.memory_space<vmem>>
        %dma_wait3A_347 = arith.constant 0 : i32
        %dma_wait3A_348 = arith.constant 0 : i32
        %dma_wait3A_349 = tpu.memref_slice %arg7[%dma_wait3A_347, %dma_wait3A_348] : memref<10000x128xf32, #tpu.memory_space<vmem_shared>> -> memref<10000x128xf32, #tpu.memory_space<vmem_shared>>
        %dma_wait3A_350 = tpu.memref_slice %arg12[%dma_wait3A_339] : memref<4x!tpu.dma_semaphore, #tpu.memory_space<semaphore_mem>> -> memref<1x!tpu.dma_semaphore, #tpu.memory_space<semaphore_mem>>
        %dma_wait3A_351 = tpu.memref_squeeze %dma_wait3A_350 : memref<1x!tpu.dma_semaphore, #tpu.memory_space<semaphore_mem>> -> memref<!tpu.dma_semaphore, #tpu.memory_space<semaphore_mem>>
        tpu.wait_indirect_dma semaphore(%dma_wait3A_351 : memref<!tpu.dma_semaphore, #tpu.memory_space<semaphore_mem>>) src(%dma_wait3A_343 : memref<50x128xf32, #tpu.memory_space<vmem>>) dst(%dma_wait3A_349 : memref<10000x128xf32, #tpu.memory_space<vmem_shared>>)
        %add3A_352 = arith.constant 3 : i32
        %add3A_353 = arith.addi %add3A_222, %add3A_352 : i32
        %dma_start3A_354 = arith.constant 0 : i32
        %dma_start3A_355 = arith.constant 0 : i32
        %dma_start3A_356 = arith.constant 0 : i32
        %dma_start3A_357 = arith.constant 0 : i32
        %dma_start3A_358 = tpu.memref_slice %arg10[%dma_start3A_354, %dma_start3A_356, %dma_start3A_357] : memref<4x50x128xf32, #tpu.memory_space<vmem>> -> memref<1x50x128xf32, #tpu.memory_space<vmem>>
        %dma_start3A_359 = tpu.memref_squeeze %dma_start3A_358 : memref<1x50x128xf32, #tpu.memory_space<vmem>> -> memref<50x128xf32, #tpu.memory_space<vmem>>
        %dma_start3A_360 = arith.constant 0 : i32
        %dma_start3A_361 = tpu.memref_slice %arg8[%add3A_353, %dma_start3A_360] : memref<200x50xi32, #tpu.memory_space<vmem>> -> memref<1x50xi32, #tpu.memory_space<vmem>>
        %dma_start3A_362 = tpu.memref_squeeze %dma_start3A_361 : memref<1x50xi32, #tpu.memory_space<vmem>> -> memref<50xi32, #tpu.memory_space<vmem>>
        %dma_start3A_363 = arith.constant 0 : i32
        %dma_start3A_364 = arith.constant 0 : i32
        %dma_start3A_365 = tpu.memref_slice %arg2[%dma_start3A_363, %dma_start3A_364] : memref<10000x128xf32, #tpu.memory_space<hbm>> -> memref<10000x128xf32, #tpu.memory_space<hbm>>
        %dma_start3A_366 = tpu.memref_slice %arg11[%dma_start3A_355] : memref<4x!tpu.dma_semaphore, #tpu.memory_space<semaphore_mem>> -> memref<1x!tpu.dma_semaphore, #tpu.memory_space<semaphore_mem>>
        %dma_start3A_367 = tpu.memref_squeeze %dma_start3A_366 : memref<1x!tpu.dma_semaphore, #tpu.memory_space<semaphore_mem>> -> memref<!tpu.dma_semaphore, #tpu.memory_space<semaphore_mem>>
        tpu.enqueue_indirect_dma source(%dma_start3A_365 : memref<10000x128xf32, #tpu.memory_space<hbm>>) target(%dma_start3A_359 : memref<50x128xf32, #tpu.memory_space<vmem>>) offsets(%dma_start3A_362 : memref<50xi32, #tpu.memory_space<vmem>>) semaphore(%dma_start3A_367 : memref<!tpu.dma_semaphore, #tpu.memory_space<semaphore_mem>>)
      } else {
      }
      %mul3A_258 = arith.constant 4 : i32
      %mul3A_259 = arith.muli %scan3A_173, %mul3A_258 : i32
      %add3A_260 = arith.constant 2 : i32
      %add3A_261 = arith.addi %mul3A_259, %add3A_260 : i32
      %dma_wait3A_262 = arith.constant 2 : i32
      %dma_wait3A_263 = arith.constant 2 : i32
      %dma_wait3A_264 = arith.constant 0 : i32
      %dma_wait3A_265 = arith.constant 0 : i32
      %dma_wait3A_266 = tpu.memref_slice %arg10[%dma_wait3A_262, %dma_wait3A_264, %dma_wait3A_265] : memref<4x50x128xf32, #tpu.memory_space<vmem>> -> memref<1x50x128xf32, #tpu.memory_space<vmem>>
      %dma_wait3A_267 = tpu.memref_squeeze %dma_wait3A_266 : memref<1x50x128xf32, #tpu.memory_space<vmem>> -> memref<50x128xf32, #tpu.memory_space<vmem>>
      %dma_wait3A_268 = arith.constant 0 : i32
      %dma_wait3A_269 = tpu.memref_slice %arg8[%add3A_261, %dma_wait3A_268] : memref<200x50xi32, #tpu.memory_space<vmem>> -> memref<1x50xi32, #tpu.memory_space<vmem>>
      %dma_wait3A_270 = tpu.memref_squeeze %dma_wait3A_269 : memref<1x50xi32, #tpu.memory_space<vmem>> -> memref<50xi32, #tpu.memory_space<vmem>>
      %dma_wait3A_271 = arith.constant 0 : i32
      %dma_wait3A_272 = arith.constant 0 : i32
      %dma_wait3A_273 = tpu.memref_slice %arg2[%dma_wait3A_271, %dma_wait3A_272] : memref<10000x128xf32, #tpu.memory_space<hbm>> -> memref<10000x128xf32, #tpu.memory_space<hbm>>
      %dma_wait3A_274 = tpu.memref_slice %arg11[%dma_wait3A_263] : memref<4x!tpu.dma_semaphore, #tpu.memory_space<semaphore_mem>> -> memref<1x!tpu.dma_semaphore, #tpu.memory_space<semaphore_mem>>
      %dma_wait3A_275 = tpu.memref_squeeze %dma_wait3A_274 : memref<1x!tpu.dma_semaphore, #tpu.memory_space<semaphore_mem>> -> memref<!tpu.dma_semaphore, #tpu.memory_space<semaphore_mem>>
      tpu.wait_indirect_dma semaphore(%dma_wait3A_275 : memref<!tpu.dma_semaphore, #tpu.memory_space<semaphore_mem>>) src(%dma_wait3A_273 : memref<10000x128xf32, #tpu.memory_space<hbm>>) dst(%dma_wait3A_267 : memref<50x128xf32, #tpu.memory_space<vmem>>)
      %dma_start3A_276 = arith.constant 2 : i32
      %dma_start3A_277 = arith.constant 2 : i32
      %dma_start3A_278 = arith.constant 0 : i32
      %dma_start3A_279 = arith.constant 0 : i32
      %dma_start3A_280 = tpu.memref_slice %arg10[%dma_start3A_276, %dma_start3A_278, %dma_start3A_279] : memref<4x50x128xf32, #tpu.memory_space<vmem>> -> memref<1x50x128xf32, #tpu.memory_space<vmem>>
      %dma_start3A_281 = tpu.memref_squeeze %dma_start3A_280 : memref<1x50x128xf32, #tpu.memory_space<vmem>> -> memref<50x128xf32, #tpu.memory_space<vmem>>
      %dma_start3A_282 = arith.constant 0 : i32
      %dma_start3A_283 = tpu.memref_slice %arg9[%add3A_261, %dma_start3A_282] : memref<200x50xi32, #tpu.memory_space<vmem>> -> memref<1x50xi32, #tpu.memory_space<vmem>>
      %dma_start3A_284 = tpu.memref_squeeze %dma_start3A_283 : memref<1x50xi32, #tpu.memory_space<vmem>> -> memref<50xi32, #tpu.memory_space<vmem>>
      %dma_start3A_285 = arith.constant 0 : i32
      %dma_start3A_286 = arith.constant 0 : i32
      %dma_start3A_287 = tpu.memref_slice %arg7[%dma_start3A_285, %dma_start3A_286] : memref<10000x128xf32, #tpu.memory_space<vmem_shared>> -> memref<10000x128xf32, #tpu.memory_space<vmem_shared>>
      %dma_start3A_288 = tpu.memref_slice %arg12[%dma_start3A_277] : memref<4x!tpu.dma_semaphore, #tpu.memory_space<semaphore_mem>> -> memref<1x!tpu.dma_semaphore, #tpu.memory_space<semaphore_mem>>
      %dma_start3A_289 = tpu.memref_squeeze %dma_start3A_288 : memref<1x!tpu.dma_semaphore, #tpu.memory_space<semaphore_mem>> -> memref<!tpu.dma_semaphore, #tpu.memory_space<semaphore_mem>>
      tpu.enqueue_indirect_dma source(%dma_start3A_281 : memref<50x128xf32, #tpu.memory_space<vmem>>) target(%dma_start3A_287 : memref<10000x128xf32, #tpu.memory_space<vmem_shared>>) offsets(%dma_start3A_284 : memref<50xi32, #tpu.memory_space<vmem>>) semaphore(%dma_start3A_289 : memref<!tpu.dma_semaphore, #tpu.memory_space<semaphore_mem>>) {add = true}
      %add3A_290 = arith.constant 3 : i32
      %add3A_291 = arith.addi %add3A_261, %add3A_290 : i32
      %lt3A_292 = arith.constant 200 : i32
      %lt3A_293 = arith.cmpi slt, %add3A_291, %lt3A_292 : i32
      %convert_element_type3A_294 = arith.extui %lt3A_293 : i1 to i32
      %cond3A_295 = arith.constant 0 : i32
      %cond3A_296 = arith.cmpi ne, %convert_element_type3A_294, %cond3A_295 : i32
      scf.if %cond3A_296 {
        %sub3A = arith.constant 1 : i32
        %sub3A_337 = arith.subi %add3A_261, %sub3A : i32
        %dma_wait3A_338 = arith.constant 1 : i32
        %dma_wait3A_339 = arith.constant 1 : i32
        %dma_wait3A_340 = arith.constant 0 : i32
        %dma_wait3A_341 = arith.constant 0 : i32
        %dma_wait3A_342 = tpu.memref_slice %arg10[%dma_wait3A_338, %dma_wait3A_340, %dma_wait3A_341] : memref<4x50x128xf32, #tpu.memory_space<vmem>> -> memref<1x50x128xf32, #tpu.memory_space<vmem>>
        %dma_wait3A_343 = tpu.memref_squeeze %dma_wait3A_342 : memref<1x50x128xf32, #tpu.memory_space<vmem>> -> memref<50x128xf32, #tpu.memory_space<vmem>>
        %dma_wait3A_344 = arith.constant 0 : i32
        %dma_wait3A_345 = tpu.memref_slice %arg9[%sub3A_337, %dma_wait3A_344] : memref<200x50xi32, #tpu.memory_space<vmem>> -> memref<1x50xi32, #tpu.memory_space<vmem>>
        %dma_wait3A_346 = tpu.memref_squeeze %dma_wait3A_345 : memref<1x50xi32, #tpu.memory_space<vmem>> -> memref<50xi32, #tpu.memory_space<vmem>>
        %dma_wait3A_347 = arith.constant 0 : i32
        %dma_wait3A_348 = arith.constant 0 : i32
        %dma_wait3A_349 = tpu.memref_slice %arg7[%dma_wait3A_347, %dma_wait3A_348] : memref<10000x128xf32, #tpu.memory_space<vmem_shared>> -> memref<10000x128xf32, #tpu.memory_space<vmem_shared>>
        %dma_wait3A_350 = tpu.memref_slice %arg12[%dma_wait3A_339] : memref<4x!tpu.dma_semaphore, #tpu.memory_space<semaphore_mem>> -> memref<1x!tpu.dma_semaphore, #tpu.memory_space<semaphore_mem>>
        %dma_wait3A_351 = tpu.memref_squeeze %dma_wait3A_350 : memref<1x!tpu.dma_semaphore, #tpu.memory_space<semaphore_mem>> -> memref<!tpu.dma_semaphore, #tpu.memory_space<semaphore_mem>>
        tpu.wait_indirect_dma semaphore(%dma_wait3A_351 : memref<!tpu.dma_semaphore, #tpu.memory_space<semaphore_mem>>) src(%dma_wait3A_343 : memref<50x128xf32, #tpu.memory_space<vmem>>) dst(%dma_wait3A_349 : memref<10000x128xf32, #tpu.memory_space<vmem_shared>>)
        %add3A_352 = arith.constant 3 : i32
        %add3A_353 = arith.addi %add3A_261, %add3A_352 : i32
        %dma_start3A_354 = arith.constant 1 : i32
        %dma_start3A_355 = arith.constant 1 : i32
        %dma_start3A_356 = arith.constant 0 : i32
        %dma_start3A_357 = arith.constant 0 : i32
        %dma_start3A_358 = tpu.memref_slice %arg10[%dma_start3A_354, %dma_start3A_356, %dma_start3A_357] : memref<4x50x128xf32, #tpu.memory_space<vmem>> -> memref<1x50x128xf32, #tpu.memory_space<vmem>>
        %dma_start3A_359 = tpu.memref_squeeze %dma_start3A_358 : memref<1x50x128xf32, #tpu.memory_space<vmem>> -> memref<50x128xf32, #tpu.memory_space<vmem>>
        %dma_start3A_360 = arith.constant 0 : i32
        %dma_start3A_361 = tpu.memref_slice %arg8[%add3A_353, %dma_start3A_360] : memref<200x50xi32, #tpu.memory_space<vmem>> -> memref<1x50xi32, #tpu.memory_space<vmem>>
        %dma_start3A_362 = tpu.memref_squeeze %dma_start3A_361 : memref<1x50xi32, #tpu.memory_space<vmem>> -> memref<50xi32, #tpu.memory_space<vmem>>
        %dma_start3A_363 = arith.constant 0 : i32
        %dma_start3A_364 = arith.constant 0 : i32
        %dma_start3A_365 = tpu.memref_slice %arg2[%dma_start3A_363, %dma_start3A_364] : memref<10000x128xf32, #tpu.memory_space<hbm>> -> memref<10000x128xf32, #tpu.memory_space<hbm>>
        %dma_start3A_366 = tpu.memref_slice %arg11[%dma_start3A_355] : memref<4x!tpu.dma_semaphore, #tpu.memory_space<semaphore_mem>> -> memref<1x!tpu.dma_semaphore, #tpu.memory_space<semaphore_mem>>
        %dma_start3A_367 = tpu.memref_squeeze %dma_start3A_366 : memref<1x!tpu.dma_semaphore, #tpu.memory_space<semaphore_mem>> -> memref<!tpu.dma_semaphore, #tpu.memory_space<semaphore_mem>>
        tpu.enqueue_indirect_dma source(%dma_start3A_365 : memref<10000x128xf32, #tpu.memory_space<hbm>>) target(%dma_start3A_359 : memref<50x128xf32, #tpu.memory_space<vmem>>) offsets(%dma_start3A_362 : memref<50xi32, #tpu.memory_space<vmem>>) semaphore(%dma_start3A_367 : memref<!tpu.dma_semaphore, #tpu.memory_space<semaphore_mem>>)
      } else {
      }
      %mul3A_297 = arith.constant 4 : i32
      %mul3A_298 = arith.muli %scan3A_173, %mul3A_297 : i32
      %add3A_299 = arith.constant 3 : i32
      %add3A_300 = arith.addi %mul3A_298, %add3A_299 : i32
      %dma_wait3A_301 = arith.constant 3 : i32
      %dma_wait3A_302 = arith.constant 3 : i32
      %dma_wait3A_303 = arith.constant 0 : i32
      %dma_wait3A_304 = arith.constant 0 : i32
      %dma_wait3A_305 = tpu.memref_slice %arg10[%dma_wait3A_301, %dma_wait3A_303, %dma_wait3A_304] : memref<4x50x128xf32, #tpu.memory_space<vmem>> -> memref<1x50x128xf32, #tpu.memory_space<vmem>>
      %dma_wait3A_306 = tpu.memref_squeeze %dma_wait3A_305 : memref<1x50x128xf32, #tpu.memory_space<vmem>> -> memref<50x128xf32, #tpu.memory_space<vmem>>
      %dma_wait3A_307 = arith.constant 0 : i32
      %dma_wait3A_308 = tpu.memref_slice %arg8[%add3A_300, %dma_wait3A_307] : memref<200x50xi32, #tpu.memory_space<vmem>> -> memref<1x50xi32, #tpu.memory_space<vmem>>
      %dma_wait3A_309 = tpu.memref_squeeze %dma_wait3A_308 : memref<1x50xi32, #tpu.memory_space<vmem>> -> memref<50xi32, #tpu.memory_space<vmem>>
      %dma_wait3A_310 = arith.constant 0 : i32
      %dma_wait3A_311 = arith.constant 0 : i32
      %dma_wait3A_312 = tpu.memref_slice %arg2[%dma_wait3A_310, %dma_wait3A_311] : memref<10000x128xf32, #tpu.memory_space<hbm>> -> memref<10000x128xf32, #tpu.memory_space<hbm>>
      %dma_wait3A_313 = tpu.memref_slice %arg11[%dma_wait3A_302] : memref<4x!tpu.dma_semaphore, #tpu.memory_space<semaphore_mem>> -> memref<1x!tpu.dma_semaphore, #tpu.memory_space<semaphore_mem>>
      %dma_wait3A_314 = tpu.memref_squeeze %dma_wait3A_313 : memref<1x!tpu.dma_semaphore, #tpu.memory_space<semaphore_mem>> -> memref<!tpu.dma_semaphore, #tpu.memory_space<semaphore_mem>>
      tpu.wait_indirect_dma semaphore(%dma_wait3A_314 : memref<!tpu.dma_semaphore, #tpu.memory_space<semaphore_mem>>) src(%dma_wait3A_312 : memref<10000x128xf32, #tpu.memory_space<hbm>>) dst(%dma_wait3A_306 : memref<50x128xf32, #tpu.memory_space<vmem>>)
      %dma_start3A_315 = arith.constant 3 : i32
      %dma_start3A_316 = arith.constant 3 : i32
      %dma_start3A_317 = arith.constant 0 : i32
      %dma_start3A_318 = arith.constant 0 : i32
      %dma_start3A_319 = tpu.memref_slice %arg10[%dma_start3A_315, %dma_start3A_317, %dma_start3A_318] : memref<4x50x128xf32, #tpu.memory_space<vmem>> -> memref<1x50x128xf32, #tpu.memory_space<vmem>>
      %dma_start3A_320 = tpu.memref_squeeze %dma_start3A_319 : memref<1x50x128xf32, #tpu.memory_space<vmem>> -> memref<50x128xf32, #tpu.memory_space<vmem>>
      %dma_start3A_321 = arith.constant 0 : i32
      %dma_start3A_322 = tpu.memref_slice %arg9[%add3A_300, %dma_start3A_321] : memref<200x50xi32, #tpu.memory_space<vmem>> -> memref<1x50xi32, #tpu.memory_space<vmem>>
      %dma_start3A_323 = tpu.memref_squeeze %dma_start3A_322 : memref<1x50xi32, #tpu.memory_space<vmem>> -> memref<50xi32, #tpu.memory_space<vmem>>
      %dma_start3A_324 = arith.constant 0 : i32
      %dma_start3A_325 = arith.constant 0 : i32
      %dma_start3A_326 = tpu.memref_slice %arg7[%dma_start3A_324, %dma_start3A_325] : memref<10000x128xf32, #tpu.memory_space<vmem_shared>> -> memref<10000x128xf32, #tpu.memory_space<vmem_shared>>
      %dma_start3A_327 = tpu.memref_slice %arg12[%dma_start3A_316] : memref<4x!tpu.dma_semaphore, #tpu.memory_space<semaphore_mem>> -> memref<1x!tpu.dma_semaphore, #tpu.memory_space<semaphore_mem>>
      %dma_start3A_328 = tpu.memref_squeeze %dma_start3A_327 : memref<1x!tpu.dma_semaphore, #tpu.memory_space<semaphore_mem>> -> memref<!tpu.dma_semaphore, #tpu.memory_space<semaphore_mem>>
      tpu.enqueue_indirect_dma source(%dma_start3A_320 : memref<50x128xf32, #tpu.memory_space<vmem>>) target(%dma_start3A_326 : memref<10000x128xf32, #tpu.memory_space<vmem_shared>>) offsets(%dma_start3A_323 : memref<50xi32, #tpu.memory_space<vmem>>) semaphore(%dma_start3A_328 : memref<!tpu.dma_semaphore, #tpu.memory_space<semaphore_mem>>) {add = true}
      %add3A_329 = arith.constant 3 : i32
      %add3A_330 = arith.addi %add3A_300, %add3A_329 : i32
      %lt3A_331 = arith.constant 200 : i32
      %lt3A_332 = arith.cmpi slt, %add3A_330, %lt3A_331 : i32
      %convert_element_type3A_333 = arith.extui %lt3A_332 : i1 to i32
      %cond3A_334 = arith.constant 0 : i32
      %cond3A_335 = arith.cmpi ne, %convert_element_type3A_333, %cond3A_334 : i32
      scf.if %cond3A_335 {
        %sub3A = arith.constant 1 : i32
        %sub3A_337 = arith.subi %add3A_300, %sub3A : i32
        %dma_wait3A_338 = arith.constant 2 : i32
        %dma_wait3A_339 = arith.constant 2 : i32
        %dma_wait3A_340 = arith.constant 0 : i32
        %dma_wait3A_341 = arith.constant 0 : i32
        %dma_wait3A_342 = tpu.memref_slice %arg10[%dma_wait3A_338, %dma_wait3A_340, %dma_wait3A_341] : memref<4x50x128xf32, #tpu.memory_space<vmem>> -> memref<1x50x128xf32, #tpu.memory_space<vmem>>
        %dma_wait3A_343 = tpu.memref_squeeze %dma_wait3A_342 : memref<1x50x128xf32, #tpu.memory_space<vmem>> -> memref<50x128xf32, #tpu.memory_space<vmem>>
        %dma_wait3A_344 = arith.constant 0 : i32
        %dma_wait3A_345 = tpu.memref_slice %arg9[%sub3A_337, %dma_wait3A_344] : memref<200x50xi32, #tpu.memory_space<vmem>> -> memref<1x50xi32, #tpu.memory_space<vmem>>
        %dma_wait3A_346 = tpu.memref_squeeze %dma_wait3A_345 : memref<1x50xi32, #tpu.memory_space<vmem>> -> memref<50xi32, #tpu.memory_space<vmem>>
        %dma_wait3A_347 = arith.constant 0 : i32
        %dma_wait3A_348 = arith.constant 0 : i32
        %dma_wait3A_349 = tpu.memref_slice %arg7[%dma_wait3A_347, %dma_wait3A_348] : memref<10000x128xf32, #tpu.memory_space<vmem_shared>> -> memref<10000x128xf32, #tpu.memory_space<vmem_shared>>
        %dma_wait3A_350 = tpu.memref_slice %arg12[%dma_wait3A_339] : memref<4x!tpu.dma_semaphore, #tpu.memory_space<semaphore_mem>> -> memref<1x!tpu.dma_semaphore, #tpu.memory_space<semaphore_mem>>
        %dma_wait3A_351 = tpu.memref_squeeze %dma_wait3A_350 : memref<1x!tpu.dma_semaphore, #tpu.memory_space<semaphore_mem>> -> memref<!tpu.dma_semaphore, #tpu.memory_space<semaphore_mem>>
        tpu.wait_indirect_dma semaphore(%dma_wait3A_351 : memref<!tpu.dma_semaphore, #tpu.memory_space<semaphore_mem>>) src(%dma_wait3A_343 : memref<50x128xf32, #tpu.memory_space<vmem>>) dst(%dma_wait3A_349 : memref<10000x128xf32, #tpu.memory_space<vmem_shared>>)
        %add3A_352 = arith.constant 3 : i32
        %add3A_353 = arith.addi %add3A_300, %add3A_352 : i32
        %dma_start3A_354 = arith.constant 2 : i32
        %dma_start3A_355 = arith.constant 2 : i32
        %dma_start3A_356 = arith.constant 0 : i32
        %dma_start3A_357 = arith.constant 0 : i32
        %dma_start3A_358 = tpu.memref_slice %arg10[%dma_start3A_354, %dma_start3A_356, %dma_start3A_357] : memref<4x50x128xf32, #tpu.memory_space<vmem>> -> memref<1x50x128xf32, #tpu.memory_space<vmem>>
        %dma_start3A_359 = tpu.memref_squeeze %dma_start3A_358 : memref<1x50x128xf32, #tpu.memory_space<vmem>> -> memref<50x128xf32, #tpu.memory_space<vmem>>
        %dma_start3A_360 = arith.constant 0 : i32
        %dma_start3A_361 = tpu.memref_slice %arg8[%add3A_353, %dma_start3A_360] : memref<200x50xi32, #tpu.memory_space<vmem>> -> memref<1x50xi32, #tpu.memory_space<vmem>>
        %dma_start3A_362 = tpu.memref_squeeze %dma_start3A_361 : memref<1x50xi32, #tpu.memory_space<vmem>> -> memref<50xi32, #tpu.memory_space<vmem>>
        %dma_start3A_363 = arith.constant 0 : i32
        %dma_start3A_364 = arith.constant 0 : i32
        %dma_start3A_365 = tpu.memref_slice %arg2[%dma_start3A_363, %dma_start3A_364] : memref<10000x128xf32, #tpu.memory_space<hbm>> -> memref<10000x128xf32, #tpu.memory_space<hbm>>
        %dma_start3A_366 = tpu.memref_slice %arg11[%dma_start3A_355] : memref<4x!tpu.dma_semaphore, #tpu.memory_space<semaphore_mem>> -> memref<1x!tpu.dma_semaphore, #tpu.memory_space<semaphore_mem>>
        %dma_start3A_367 = tpu.memref_squeeze %dma_start3A_366 : memref<1x!tpu.dma_semaphore, #tpu.memory_space<semaphore_mem>> -> memref<!tpu.dma_semaphore, #tpu.memory_space<semaphore_mem>>
        tpu.enqueue_indirect_dma source(%dma_start3A_365 : memref<10000x128xf32, #tpu.memory_space<hbm>>) target(%dma_start3A_359 : memref<50x128xf32, #tpu.memory_space<vmem>>) offsets(%dma_start3A_362 : memref<50xi32, #tpu.memory_space<vmem>>) semaphore(%dma_start3A_367 : memref<!tpu.dma_semaphore, #tpu.memory_space<semaphore_mem>>)
      } else {
      }
      %scan3A_336 = arith.constant 0 : i32
      scf.yield %scan3A_336 : i32
    }
    %scan3A_102 = arith.constant 50 : i32
    %dma_wait3A_103 = arith.constant 0 : i32
    %dma_wait3A_104 = arith.constant 196 : i32
    %dma_wait3A_105 = arith.constant 0 : i32
    %dma_wait3A_106 = arith.constant 0 : i32
    %dma_wait3A_107 = arith.constant 0 : i32
    %dma_wait3A_108 = tpu.memref_slice %arg10[%dma_wait3A_103, %dma_wait3A_106, %dma_wait3A_107] : memref<4x50x128xf32, #tpu.memory_space<vmem>> -> memref<1x50x128xf32, #tpu.memory_space<vmem>>
    %dma_wait3A_109 = tpu.memref_squeeze %dma_wait3A_108 : memref<1x50x128xf32, #tpu.memory_space<vmem>> -> memref<50x128xf32, #tpu.memory_space<vmem>>
    %dma_wait3A_110 = arith.constant 0 : i32
    %dma_wait3A_111 = tpu.memref_slice %arg9[%dma_wait3A_104, %dma_wait3A_110] : memref<200x50xi32, #tpu.memory_space<vmem>> -> memref<1x50xi32, #tpu.memory_space<vmem>>
    %dma_wait3A_112 = tpu.memref_squeeze %dma_wait3A_111 : memref<1x50xi32, #tpu.memory_space<vmem>> -> memref<50xi32, #tpu.memory_space<vmem>>
    %dma_wait3A_113 = arith.constant 0 : i32
    %dma_wait3A_114 = arith.constant 0 : i32
    %dma_wait3A_115 = tpu.memref_slice %arg7[%dma_wait3A_113, %dma_wait3A_114] : memref<10000x128xf32, #tpu.memory_space<vmem_shared>> -> memref<10000x128xf32, #tpu.memory_space<vmem_shared>>
    %dma_wait3A_116 = tpu.memref_slice %arg12[%dma_wait3A_105] : memref<4x!tpu.dma_semaphore, #tpu.memory_space<semaphore_mem>> -> memref<1x!tpu.dma_semaphore, #tpu.memory_space<semaphore_mem>>
    %dma_wait3A_117 = tpu.memref_squeeze %dma_wait3A_116 : memref<1x!tpu.dma_semaphore, #tpu.memory_space<semaphore_mem>> -> memref<!tpu.dma_semaphore, #tpu.memory_space<semaphore_mem>>
    tpu.wait_indirect_dma semaphore(%dma_wait3A_117 : memref<!tpu.dma_semaphore, #tpu.memory_space<semaphore_mem>>) src(%dma_wait3A_109 : memref<50x128xf32, #tpu.memory_space<vmem>>) dst(%dma_wait3A_115 : memref<10000x128xf32, #tpu.memory_space<vmem_shared>>)
    %dma_wait3A_118 = arith.constant 1 : i32
    %dma_wait3A_119 = arith.constant 197 : i32
    %dma_wait3A_120 = arith.constant 1 : i32
    %dma_wait3A_121 = arith.constant 0 : i32
    %dma_wait3A_122 = arith.constant 0 : i32
    %dma_wait3A_123 = tpu.memref_slice %arg10[%dma_wait3A_118, %dma_wait3A_121, %dma_wait3A_122] : memref<4x50x128xf32, #tpu.memory_space<vmem>> -> memref<1x50x128xf32, #tpu.memory_space<vmem>>
    %dma_wait3A_124 = tpu.memref_squeeze %dma_wait3A_123 : memref<1x50x128xf32, #tpu.memory_space<vmem>> -> memref<50x128xf32, #tpu.memory_space<vmem>>
    %dma_wait3A_125 = arith.constant 0 : i32
    %dma_wait3A_126 = tpu.memref_slice %arg9[%dma_wait3A_119, %dma_wait3A_125] : memref<200x50xi32, #tpu.memory_space<vmem>> -> memref<1x50xi32, #tpu.memory_space<vmem>>
    %dma_wait3A_127 = tpu.memref_squeeze %dma_wait3A_126 : memref<1x50xi32, #tpu.memory_space<vmem>> -> memref<50xi32, #tpu.memory_space<vmem>>
    %dma_wait3A_128 = arith.constant 0 : i32
    %dma_wait3A_129 = arith.constant 0 : i32
    %dma_wait3A_130 = tpu.memref_slice %arg7[%dma_wait3A_128, %dma_wait3A_129] : memref<10000x128xf32, #tpu.memory_space<vmem_shared>> -> memref<10000x128xf32, #tpu.memory_space<vmem_shared>>
    %dma_wait3A_131 = tpu.memref_slice %arg12[%dma_wait3A_120] : memref<4x!tpu.dma_semaphore, #tpu.memory_space<semaphore_mem>> -> memref<1x!tpu.dma_semaphore, #tpu.memory_space<semaphore_mem>>
    %dma_wait3A_132 = tpu.memref_squeeze %dma_wait3A_131 : memref<1x!tpu.dma_semaphore, #tpu.memory_space<semaphore_mem>> -> memref<!tpu.dma_semaphore, #tpu.memory_space<semaphore_mem>>
    tpu.wait_indirect_dma semaphore(%dma_wait3A_132 : memref<!tpu.dma_semaphore, #tpu.memory_space<semaphore_mem>>) src(%dma_wait3A_124 : memref<50x128xf32, #tpu.memory_space<vmem>>) dst(%dma_wait3A_130 : memref<10000x128xf32, #tpu.memory_space<vmem_shared>>)
    %dma_wait3A_133 = arith.constant 2 : i32
    %dma_wait3A_134 = arith.constant 198 : i32
    %dma_wait3A_135 = arith.constant 2 : i32
    %dma_wait3A_136 = arith.constant 0 : i32
    %dma_wait3A_137 = arith.constant 0 : i32
    %dma_wait3A_138 = tpu.memref_slice %arg10[%dma_wait3A_133, %dma_wait3A_136, %dma_wait3A_137] : memref<4x50x128xf32, #tpu.memory_space<vmem>> -> memref<1x50x128xf32, #tpu.memory_space<vmem>>
    %dma_wait3A_139 = tpu.memref_squeeze %dma_wait3A_138 : memref<1x50x128xf32, #tpu.memory_space<vmem>> -> memref<50x128xf32, #tpu.memory_space<vmem>>
    %dma_wait3A_140 = arith.constant 0 : i32
    %dma_wait3A_141 = tpu.memref_slice %arg9[%dma_wait3A_134, %dma_wait3A_140] : memref<200x50xi32, #tpu.memory_space<vmem>> -> memref<1x50xi32, #tpu.memory_space<vmem>>
    %dma_wait3A_142 = tpu.memref_squeeze %dma_wait3A_141 : memref<1x50xi32, #tpu.memory_space<vmem>> -> memref<50xi32, #tpu.memory_space<vmem>>
    %dma_wait3A_143 = arith.constant 0 : i32
    %dma_wait3A_144 = arith.constant 0 : i32
    %dma_wait3A_145 = tpu.memref_slice %arg7[%dma_wait3A_143, %dma_wait3A_144] : memref<10000x128xf32, #tpu.memory_space<vmem_shared>> -> memref<10000x128xf32, #tpu.memory_space<vmem_shared>>
    %dma_wait3A_146 = tpu.memref_slice %arg12[%dma_wait3A_135] : memref<4x!tpu.dma_semaphore, #tpu.memory_space<semaphore_mem>> -> memref<1x!tpu.dma_semaphore, #tpu.memory_space<semaphore_mem>>
    %dma_wait3A_147 = tpu.memref_squeeze %dma_wait3A_146 : memref<1x!tpu.dma_semaphore, #tpu.memory_space<semaphore_mem>> -> memref<!tpu.dma_semaphore, #tpu.memory_space<semaphore_mem>>
    tpu.wait_indirect_dma semaphore(%dma_wait3A_147 : memref<!tpu.dma_semaphore, #tpu.memory_space<semaphore_mem>>) src(%dma_wait3A_139 : memref<50x128xf32, #tpu.memory_space<vmem>>) dst(%dma_wait3A_145 : memref<10000x128xf32, #tpu.memory_space<vmem_shared>>)
    %dma_wait3A_148 = arith.constant 3 : i32
    %dma_wait3A_149 = arith.constant 199 : i32
    %dma_wait3A_150 = arith.constant 3 : i32
    %dma_wait3A_151 = arith.constant 0 : i32
    %dma_wait3A_152 = arith.constant 0 : i32
    %dma_wait3A_153 = tpu.memref_slice %arg10[%dma_wait3A_148, %dma_wait3A_151, %dma_wait3A_152] : memref<4x50x128xf32, #tpu.memory_space<vmem>> -> memref<1x50x128xf32, #tpu.memory_space<vmem>>
    %dma_wait3A_154 = tpu.memref_squeeze %dma_wait3A_153 : memref<1x50x128xf32, #tpu.memory_space<vmem>> -> memref<50x128xf32, #tpu.memory_space<vmem>>
    %dma_wait3A_155 = arith.constant 0 : i32
    %dma_wait3A_156 = tpu.memref_slice %arg9[%dma_wait3A_149, %dma_wait3A_155] : memref<200x50xi32, #tpu.memory_space<vmem>> -> memref<1x50xi32, #tpu.memory_space<vmem>>
    %dma_wait3A_157 = tpu.memref_squeeze %dma_wait3A_156 : memref<1x50xi32, #tpu.memory_space<vmem>> -> memref<50xi32, #tpu.memory_space<vmem>>
    %dma_wait3A_158 = arith.constant 0 : i32
    %dma_wait3A_159 = arith.constant 0 : i32
    %dma_wait3A_160 = tpu.memref_slice %arg7[%dma_wait3A_158, %dma_wait3A_159] : memref<10000x128xf32, #tpu.memory_space<vmem_shared>> -> memref<10000x128xf32, #tpu.memory_space<vmem_shared>>
    %dma_wait3A_161 = tpu.memref_slice %arg12[%dma_wait3A_150] : memref<4x!tpu.dma_semaphore, #tpu.memory_space<semaphore_mem>> -> memref<1x!tpu.dma_semaphore, #tpu.memory_space<semaphore_mem>>
    %dma_wait3A_162 = tpu.memref_squeeze %dma_wait3A_161 : memref<1x!tpu.dma_semaphore, #tpu.memory_space<semaphore_mem>> -> memref<!tpu.dma_semaphore, #tpu.memory_space<semaphore_mem>>
    tpu.wait_indirect_dma semaphore(%dma_wait3A_162 : memref<!tpu.dma_semaphore, #tpu.memory_space<semaphore_mem>>) src(%dma_wait3A_154 : memref<50x128xf32, #tpu.memory_space<vmem>>) dst(%dma_wait3A_160 : memref<10000x128xf32, #tpu.memory_space<vmem_shared>>)
    %barrier3A_163 = arith.constant 0 : index
    tpu.barrier barrier_id(%barrier3A_163)
    %mul3A_164 = arith.constant 624 : i32
    %mul3A_165 = arith.muli %arg1, %mul3A_164 : i32
    %mul3A_166 = arith.constant 624 : i32
    %mul3A_167 = arith.muli %arg1, %mul3A_166 : i32
    "tpu.region"() ({
      %run_scoped3A = tpu.sem_alloc : memref<!tpu.dma_semaphore, #tpu.memory_space<semaphore_mem>>
      %dma_start3A_173 = arith.constant 0 : i32
      %dma_start3A_174 = tpu.memref_slice %arg6[%arg0, %mul3A_167, %dma_start3A_173] : memref<2x10000x128xf32, #tpu.memory_space<hbm>> -> memref<1x624x128xf32, #tpu.memory_space<hbm>>
      %dma_start3A_175 = tpu.memref_squeeze %dma_start3A_174 : memref<1x624x128xf32, #tpu.memory_space<hbm>> -> memref<624x128xf32, #tpu.memory_space<hbm>>
      %dma_start3A_176 = arith.constant 0 : i32
      %dma_start3A_177 = tpu.memref_slice %arg7[%mul3A_165, %dma_start3A_176] : memref<10000x128xf32, #tpu.memory_space<vmem_shared>> -> memref<624x128xf32, #tpu.memory_space<vmem_shared>>
      tpu.enqueue_dma source(%dma_start3A_177 : memref<624x128xf32, #tpu.memory_space<vmem_shared>>) target(%dma_start3A_175 : memref<624x128xf32, #tpu.memory_space<hbm>>) target_semaphore(%run_scoped3A : memref<!tpu.dma_semaphore, #tpu.memory_space<semaphore_mem>>)
      %dma_wait3A_178 = arith.constant 0 : i32
      %dma_wait3A_179 = tpu.memref_slice %arg6[%arg0, %mul3A_167, %dma_wait3A_178] : memref<2x10000x128xf32, #tpu.memory_space<hbm>> -> memref<1x624x128xf32, #tpu.memory_space<hbm>>
      %dma_wait3A_180 = tpu.memref_squeeze %dma_wait3A_179 : memref<1x624x128xf32, #tpu.memory_space<hbm>> -> memref<624x128xf32, #tpu.memory_space<hbm>>
      %dma_wait3A_181 = arith.constant 0 : i32
      %dma_wait3A_182 = tpu.memref_slice %arg7[%mul3A_165, %dma_wait3A_181] : memref<10000x128xf32, #tpu.memory_space<vmem_shared>> -> memref<624x128xf32, #tpu.memory_space<vmem_shared>>
      tpu.wait_dma2 semaphore(%run_scoped3A : memref<!tpu.dma_semaphore, #tpu.memory_space<semaphore_mem>>) src(%dma_wait3A_182 : memref<624x128xf32, #tpu.memory_space<vmem_shared>>) dst(%dma_wait3A_180 : memref<624x128xf32, #tpu.memory_space<hbm>>)
      tpu.yield
    }) : () -> ()
    %eq3A_168 = arith.constant 15 : i32
    %eq3A_169 = arith.cmpi eq, %arg1, %eq3A_168 : i32
    %convert_element_type3A_170 = arith.extui %eq3A_169 : i1 to i32
    %cond3A_171 = arith.constant 0 : i32
    %cond3A_172 = arith.cmpi ne, %convert_element_type3A_170, %cond3A_171 : i32
    scf.if %cond3A_172 {
      "tpu.region"() ({
        %run_scoped3A = tpu.sem_alloc : memref<!tpu.dma_semaphore, #tpu.memory_space<semaphore_mem>>
        %dma_start3A_173 = arith.constant 9984 : i32
        %dma_start3A_174 = arith.constant 0 : i32
        %dma_start3A_175 = tpu.memref_slice %arg6[%arg0, %dma_start3A_173, %dma_start3A_174] : memref<2x10000x128xf32, #tpu.memory_space<hbm>> -> memref<1x16x128xf32, #tpu.memory_space<hbm>>
        %dma_start3A_176 = tpu.memref_squeeze %dma_start3A_175 : memref<1x16x128xf32, #tpu.memory_space<hbm>> -> memref<16x128xf32, #tpu.memory_space<hbm>>
        %dma_start3A_177 = arith.constant 9984 : i32
        %dma_start3A_178 = arith.constant 0 : i32
        %dma_start3A_179 = tpu.memref_slice %arg7[%dma_start3A_177, %dma_start3A_178] : memref<10000x128xf32, #tpu.memory_space<vmem_shared>> -> memref<16x128xf32, #tpu.memory_space<vmem_shared>>
        tpu.enqueue_dma source(%dma_start3A_179 : memref<16x128xf32, #tpu.memory_space<vmem_shared>>) target(%dma_start3A_176 : memref<16x128xf32, #tpu.memory_space<hbm>>) target_semaphore(%run_scoped3A : memref<!tpu.dma_semaphore, #tpu.memory_space<semaphore_mem>>)
        %dma_wait3A_180 = arith.constant 9984 : i32
        %dma_wait3A_181 = arith.constant 0 : i32
        %dma_wait3A_182 = tpu.memref_slice %arg6[%arg0, %dma_wait3A_180, %dma_wait3A_181] : memref<2x10000x128xf32, #tpu.memory_space<hbm>> -> memref<1x16x128xf32, #tpu.memory_space<hbm>>
        %dma_wait3A_183 = tpu.memref_squeeze %dma_wait3A_182 : memref<1x16x128xf32, #tpu.memory_space<hbm>> -> memref<16x128xf32, #tpu.memory_space<hbm>>
        %dma_wait3A_184 = arith.constant 9984 : i32
        %dma_wait3A_185 = arith.constant 0 : i32
        %dma_wait3A_186 = tpu.memref_slice %arg7[%dma_wait3A_184, %dma_wait3A_185] : memref<10000x128xf32, #tpu.memory_space<vmem_shared>> -> memref<16x128xf32, #tpu.memory_space<vmem_shared>>
        tpu.wait_dma2 semaphore(%run_scoped3A : memref<!tpu.dma_semaphore, #tpu.memory_space<semaphore_mem>>) src(%dma_wait3A_186 : memref<16x128xf32, #tpu.memory_space<vmem_shared>>) dst(%dma_wait3A_183 : memref<16x128xf32, #tpu.memory_space<hbm>>)
        tpu.yield
      }) : () -> ()
    } else {
    }
    return
  }
}

#map = affine_map<(d0, d1) -> (0, 0)>
#map1 = affine_map<(d0, d1) -> (0, 0, 0)>
module attributes {stable_mosaic.version = 14 : i64} {
  func.func @_seg_sc(%arg0: i32, %arg1: i32, %arg2: memref<10000x128xf32, #tpu.memory_space<hbm>>, %arg3: memref<32x200x50xi32, #tpu.memory_space<hbm>>, %arg4: memref<32x200x50xi32, #tpu.memory_space<hbm>>, %arg5: memref<624x128xf32, #tpu.memory_space<hbm>>, %arg6: memref<2x10000x128xf32, #tpu.memory_space<hbm>>, %arg7: memref<10000x128xf32, #tpu.memory_space<vmem_shared>>, %arg8: memref<200x50xi32, #tpu.memory_space<vmem>>, %arg9: memref<200x50xi32, #tpu.memory_space<vmem>>, %arg10: memref<4x50x128xf32, #tpu.memory_space<vmem>>, %arg11: memref<4x!tpu.dma_semaphore, #tpu.memory_space<semaphore_mem>>, %arg12: memref<4x!tpu.dma_semaphore, #tpu.memory_space<semaphore_mem>>, %arg13: memref<!tpu.dma_semaphore, #tpu.memory_space<semaphore_mem>>, %arg14: memref<!tpu.dma_semaphore, #tpu.memory_space<semaphore_mem>>, %arg15: memref<!tpu.dma_semaphore, #tpu.memory_space<semaphore_mem>>) attributes {dimension_semantics = [#tpu.dimension_semantics<core_parallel>, #tpu.dimension_semantics<subcore_parallel>], iteration_bounds = array<i64: 2, 16>, scalar_prefetch = 0 : i64, scratch_operands = 9 : i64, tpu.core_type = #tpu.core_type<sc_vector_subcore>, window_params = [{transform_indices = #map}, {transform_indices = #map1}, {transform_indices = #map1}, {transform_indices = #map}, {transform_indices = #map1}]} {
    %mul3A = arith.constant 624 : i32
    %mul3A_0 = arith.muli %arg1, %mul3A : i32
    %dma_start3A = arith.constant 0 : i32
    %dma_start3A_1 = tpu.memref_slice %arg7[%mul3A_0, %dma_start3A] : memref<10000x128xf32, #tpu.memory_space<vmem_shared>> -> memref<624x128xf32, #tpu.memory_space<vmem_shared>>
    %dma_start3A_2 = arith.constant 0 : i32
    %dma_start3A_3 = arith.constant 0 : i32
    %dma_start3A_4 = tpu.memref_slice %arg5[%dma_start3A_2, %dma_start3A_3] : memref<624x128xf32, #tpu.memory_space<hbm>> -> memref<624x128xf32, #tpu.memory_space<hbm>>
    tpu.enqueue_dma source(%dma_start3A_4 : memref<624x128xf32, #tpu.memory_space<hbm>>) target(%dma_start3A_1 : memref<624x128xf32, #tpu.memory_space<vmem_shared>>) target_semaphore(%arg13 : memref<!tpu.dma_semaphore, #tpu.memory_space<semaphore_mem>>)
    %eq3A = arith.constant 15 : i32
    %eq3A_5 = arith.cmpi eq, %arg1, %eq3A : i32
    %convert_element_type3A = arith.extui %eq3A_5 : i1 to i32
    %cond3A = arith.constant 0 : i32
    %cond3A_6 = arith.cmpi ne, %convert_element_type3A, %cond3A : i32
    scf.if %cond3A_6 {
      %dma_start3A_173 = arith.constant 9984 : i32
      %dma_start3A_174 = arith.constant 0 : i32
      %dma_start3A_175 = tpu.memref_slice %arg7[%dma_start3A_173, %dma_start3A_174] : memref<10000x128xf32, #tpu.memory_space<vmem_shared>> -> memref<16x128xf32, #tpu.memory_space<vmem_shared>>
      %dma_start3A_176 = arith.constant 0 : i32
      %dma_start3A_177 = arith.constant 0 : i32
      %dma_start3A_178 = tpu.memref_slice %arg5[%dma_start3A_176, %dma_start3A_177] : memref<624x128xf32, #tpu.memory_space<hbm>> -> memref<16x128xf32, #tpu.memory_space<hbm>>
      tpu.enqueue_dma source(%dma_start3A_178 : memref<16x128xf32, #tpu.memory_space<hbm>>) target(%dma_start3A_175 : memref<16x128xf32, #tpu.memory_space<vmem_shared>>) target_semaphore(%arg13 : memref<!tpu.dma_semaphore, #tpu.memory_space<semaphore_mem>>)
    } else {
    }
    %mul3A_7 = arith.constant 16 : i32
    %mul3A_8 = arith.muli %arg0, %mul3A_7 : i32
    %add3A = arith.addi %mul3A_8, %arg1 : i32
    %dma_start3A_9 = arith.constant 0 : i32
    %dma_start3A_10 = arith.constant 0 : i32
    %dma_start3A_11 = tpu.memref_slice %arg3[%add3A, %dma_start3A_9, %dma_start3A_10] : memref<32x200x50xi32, #tpu.memory_space<hbm>> -> memref<1x200x50xi32, #tpu.memory_space<hbm>>
    %dma_start3A_12 = tpu.memref_squeeze %dma_start3A_11 : memref<1x200x50xi32, #tpu.memory_space<hbm>> -> memref<200x50xi32, #tpu.memory_space<hbm>>
    %dma_start3A_13 = arith.constant 0 : i32
    %dma_start3A_14 = arith.constant 0 : i32
    %dma_start3A_15 = tpu.memref_slice %arg3[%add3A, %dma_start3A_13, %dma_start3A_14] : memref<32x200x50xi32, #tpu.memory_space<hbm>> -> memref<1x200x50xi32, #tpu.memory_space<hbm>>
    %dma_start3A_16 = tpu.memref_squeeze %dma_start3A_15 : memref<1x200x50xi32, #tpu.memory_space<hbm>> -> memref<200x50xi32, #tpu.memory_space<hbm>>
    tpu.enqueue_dma source(%dma_start3A_16 : memref<200x50xi32, #tpu.memory_space<hbm>>) target(%arg8 : memref<200x50xi32, #tpu.memory_space<vmem>>) target_semaphore(%arg14 : memref<!tpu.dma_semaphore, #tpu.memory_space<semaphore_mem>>)
    %dma_start3A_17 = arith.constant 0 : i32
    %dma_start3A_18 = arith.constant 0 : i32
    %dma_start3A_19 = tpu.memref_slice %arg4[%add3A, %dma_start3A_17, %dma_start3A_18] : memref<32x200x50xi32, #tpu.memory_space<hbm>> -> memref<1x200x50xi32, #tpu.memory_space<hbm>>
    %dma_start3A_20 = tpu.memref_squeeze %dma_start3A_19 : memref<1x200x50xi32, #tpu.memory_space<hbm>> -> memref<200x50xi32, #tpu.memory_space<hbm>>
    %dma_start3A_21 = arith.constant 0 : i32
    %dma_start3A_22 = arith.constant 0 : i32
    %dma_start3A_23 = tpu.memref_slice %arg4[%add3A, %dma_start3A_21, %dma_start3A_22] : memref<32x200x50xi32, #tpu.memory_space<hbm>> -> memref<1x200x50xi32, #tpu.memory_space<hbm>>
    %dma_start3A_24 = tpu.memref_squeeze %dma_start3A_23 : memref<1x200x50xi32, #tpu.memory_space<hbm>> -> memref<200x50xi32, #tpu.memory_space<hbm>>
    tpu.enqueue_dma source(%dma_start3A_24 : memref<200x50xi32, #tpu.memory_space<hbm>>) target(%arg9 : memref<200x50xi32, #tpu.memory_space<vmem>>) target_semaphore(%arg15 : memref<!tpu.dma_semaphore, #tpu.memory_space<semaphore_mem>>)
    %dma_wait3A = arith.constant 0 : i32
    %dma_wait3A_25 = arith.constant 0 : i32
    %dma_wait3A_26 = tpu.memref_slice %arg3[%add3A, %dma_wait3A, %dma_wait3A_25] : memref<32x200x50xi32, #tpu.memory_space<hbm>> -> memref<1x200x50xi32, #tpu.memory_space<hbm>>
    %dma_wait3A_27 = tpu.memref_squeeze %dma_wait3A_26 : memref<1x200x50xi32, #tpu.memory_space<hbm>> -> memref<200x50xi32, #tpu.memory_space<hbm>>
    %dma_wait3A_28 = arith.constant 0 : i32
    %dma_wait3A_29 = arith.constant 0 : i32
    %dma_wait3A_30 = tpu.memref_slice %arg3[%add3A, %dma_wait3A_28, %dma_wait3A_29] : memref<32x200x50xi32, #tpu.memory_space<hbm>> -> memref<1x200x50xi32, #tpu.memory_space<hbm>>
    %dma_wait3A_31 = tpu.memref_squeeze %dma_wait3A_30 : memref<1x200x50xi32, #tpu.memory_space<hbm>> -> memref<200x50xi32, #tpu.memory_space<hbm>>
    tpu.wait_dma2 semaphore(%arg14 : memref<!tpu.dma_semaphore, #tpu.memory_space<semaphore_mem>>) src(%dma_wait3A_31 : memref<200x50xi32, #tpu.memory_space<hbm>>) dst(%arg8 : memref<200x50xi32, #tpu.memory_space<vmem>>)
    %dma_wait3A_32 = arith.constant 0 : i32
    %dma_wait3A_33 = arith.constant 0 : i32
    %dma_wait3A_34 = tpu.memref_slice %arg4[%add3A, %dma_wait3A_32, %dma_wait3A_33] : memref<32x200x50xi32, #tpu.memory_space<hbm>> -> memref<1x200x50xi32, #tpu.memory_space<hbm>>
    %dma_wait3A_35 = tpu.memref_squeeze %dma_wait3A_34 : memref<1x200x50xi32, #tpu.memory_space<hbm>> -> memref<200x50xi32, #tpu.memory_space<hbm>>
    %dma_wait3A_36 = arith.constant 0 : i32
    %dma_wait3A_37 = arith.constant 0 : i32
    %dma_wait3A_38 = tpu.memref_slice %arg4[%add3A, %dma_wait3A_36, %dma_wait3A_37] : memref<32x200x50xi32, #tpu.memory_space<hbm>> -> memref<1x200x50xi32, #tpu.memory_space<hbm>>
    %dma_wait3A_39 = tpu.memref_squeeze %dma_wait3A_38 : memref<1x200x50xi32, #tpu.memory_space<hbm>> -> memref<200x50xi32, #tpu.memory_space<hbm>>
    tpu.wait_dma2 semaphore(%arg15 : memref<!tpu.dma_semaphore, #tpu.memory_space<semaphore_mem>>) src(%dma_wait3A_39 : memref<200x50xi32, #tpu.memory_space<hbm>>) dst(%arg9 : memref<200x50xi32, #tpu.memory_space<vmem>>)
    %dma_start3A_40 = arith.constant 0 : i32
    %dma_start3A_41 = arith.constant 0 : i32
    %dma_start3A_42 = arith.constant 0 : i32
    %dma_start3A_43 = arith.constant 0 : i32
    %dma_start3A_44 = arith.constant 0 : i32
    %dma_start3A_45 = tpu.memref_slice %arg10[%dma_start3A_41, %dma_start3A_43, %dma_start3A_44] : memref<4x50x128xf32, #tpu.memory_space<vmem>> -> memref<1x50x128xf32, #tpu.memory_space<vmem>>
    %dma_start3A_46 = tpu.memref_squeeze %dma_start3A_45 : memref<1x50x128xf32, #tpu.memory_space<vmem>> -> memref<50x128xf32, #tpu.memory_space<vmem>>
    %dma_start3A_47 = arith.constant 0 : i32
    %dma_start3A_48 = tpu.memref_slice %arg8[%dma_start3A_40, %dma_start3A_47] : memref<200x50xi32, #tpu.memory_space<vmem>> -> memref<1x50xi32, #tpu.memory_space<vmem>>
    %dma_start3A_49 = tpu.memref_squeeze %dma_start3A_48 : memref<1x50xi32, #tpu.memory_space<vmem>> -> memref<50xi32, #tpu.memory_space<vmem>>
    %dma_start3A_50 = arith.constant 0 : i32
    %dma_start3A_51 = arith.constant 0 : i32
    %dma_start3A_52 = tpu.memref_slice %arg2[%dma_start3A_50, %dma_start3A_51] : memref<10000x128xf32, #tpu.memory_space<hbm>> -> memref<10000x128xf32, #tpu.memory_space<hbm>>
    %dma_start3A_53 = tpu.memref_slice %arg11[%dma_start3A_42] : memref<4x!tpu.dma_semaphore, #tpu.memory_space<semaphore_mem>> -> memref<1x!tpu.dma_semaphore, #tpu.memory_space<semaphore_mem>>
    %dma_start3A_54 = tpu.memref_squeeze %dma_start3A_53 : memref<1x!tpu.dma_semaphore, #tpu.memory_space<semaphore_mem>> -> memref<!tpu.dma_semaphore, #tpu.memory_space<semaphore_mem>>
    tpu.enqueue_indirect_dma source(%dma_start3A_52 : memref<10000x128xf32, #tpu.memory_space<hbm>>) target(%dma_start3A_46 : memref<50x128xf32, #tpu.memory_space<vmem>>) offsets(%dma_start3A_49 : memref<50xi32, #tpu.memory_space<vmem>>) semaphore(%dma_start3A_54 : memref<!tpu.dma_semaphore, #tpu.memory_space<semaphore_mem>>)
    %dma_start3A_55 = arith.constant 1 : i32
    %dma_start3A_56 = arith.constant 1 : i32
    %dma_start3A_57 = arith.constant 1 : i32
    %dma_start3A_58 = arith.constant 0 : i32
    %dma_start3A_59 = arith.constant 0 : i32
    %dma_start3A_60 = tpu.memref_slice %arg10[%dma_start3A_56, %dma_start3A_58, %dma_start3A_59] : memref<4x50x128xf32, #tpu.memory_space<vmem>> -> memref<1x50x128xf32, #tpu.memory_space<vmem>>
    %dma_start3A_61 = tpu.memref_squeeze %dma_start3A_60 : memref<1x50x128xf32, #tpu.memory_space<vmem>> -> memref<50x128xf32, #tpu.memory_space<vmem>>
    %dma_start3A_62 = arith.constant 0 : i32
    %dma_start3A_63 = tpu.memref_slice %arg8[%dma_start3A_55, %dma_start3A_62] : memref<200x50xi32, #tpu.memory_space<vmem>> -> memref<1x50xi32, #tpu.memory_space<vmem>>
    %dma_start3A_64 = tpu.memref_squeeze %dma_start3A_63 : memref<1x50xi32, #tpu.memory_space<vmem>> -> memref<50xi32, #tpu.memory_space<vmem>>
    %dma_start3A_65 = arith.constant 0 : i32
    %dma_start3A_66 = arith.constant 0 : i32
    %dma_start3A_67 = tpu.memref_slice %arg2[%dma_start3A_65, %dma_start3A_66] : memref<10000x128xf32, #tpu.memory_space<hbm>> -> memref<10000x128xf32, #tpu.memory_space<hbm>>
    %dma_start3A_68 = tpu.memref_slice %arg11[%dma_start3A_57] : memref<4x!tpu.dma_semaphore, #tpu.memory_space<semaphore_mem>> -> memref<1x!tpu.dma_semaphore, #tpu.memory_space<semaphore_mem>>
    %dma_start3A_69 = tpu.memref_squeeze %dma_start3A_68 : memref<1x!tpu.dma_semaphore, #tpu.memory_space<semaphore_mem>> -> memref<!tpu.dma_semaphore, #tpu.memory_space<semaphore_mem>>
    tpu.enqueue_indirect_dma source(%dma_start3A_67 : memref<10000x128xf32, #tpu.memory_space<hbm>>) target(%dma_start3A_61 : memref<50x128xf32, #tpu.memory_space<vmem>>) offsets(%dma_start3A_64 : memref<50xi32, #tpu.memory_space<vmem>>) semaphore(%dma_start3A_69 : memref<!tpu.dma_semaphore, #tpu.memory_space<semaphore_mem>>)
    %dma_start3A_70 = arith.constant 2 : i32
    %dma_start3A_71 = arith.constant 2 : i32
    %dma_start3A_72 = arith.constant 2 : i32
    %dma_start3A_73 = arith.constant 0 : i32
    %dma_start3A_74 = arith.constant 0 : i32
    %dma_start3A_75 = tpu.memref_slice %arg10[%dma_start3A_71, %dma_start3A_73, %dma_start3A_74] : memref<4x50x128xf32, #tpu.memory_space<vmem>> -> memref<1x50x128xf32, #tpu.memory_space<vmem>>
    %dma_start3A_76 = tpu.memref_squeeze %dma_start3A_75 : memref<1x50x128xf32, #tpu.memory_space<vmem>> -> memref<50x128xf32, #tpu.memory_space<vmem>>
    %dma_start3A_77 = arith.constant 0 : i32
    %dma_start3A_78 = tpu.memref_slice %arg8[%dma_start3A_70, %dma_start3A_77] : memref<200x50xi32, #tpu.memory_space<vmem>> -> memref<1x50xi32, #tpu.memory_space<vmem>>
    %dma_start3A_79 = tpu.memref_squeeze %dma_start3A_78 : memref<1x50xi32, #tpu.memory_space<vmem>> -> memref<50xi32, #tpu.memory_space<vmem>>
    %dma_start3A_80 = arith.constant 0 : i32
    %dma_start3A_81 = arith.constant 0 : i32
    %dma_start3A_82 = tpu.memref_slice %arg2[%dma_start3A_80, %dma_start3A_81] : memref<10000x128xf32, #tpu.memory_space<hbm>> -> memref<10000x128xf32, #tpu.memory_space<hbm>>
    %dma_start3A_83 = tpu.memref_slice %arg11[%dma_start3A_72] : memref<4x!tpu.dma_semaphore, #tpu.memory_space<semaphore_mem>> -> memref<1x!tpu.dma_semaphore, #tpu.memory_space<semaphore_mem>>
    %dma_start3A_84 = tpu.memref_squeeze %dma_start3A_83 : memref<1x!tpu.dma_semaphore, #tpu.memory_space<semaphore_mem>> -> memref<!tpu.dma_semaphore, #tpu.memory_space<semaphore_mem>>
    tpu.enqueue_indirect_dma source(%dma_start3A_82 : memref<10000x128xf32, #tpu.memory_space<hbm>>) target(%dma_start3A_76 : memref<50x128xf32, #tpu.memory_space<vmem>>) offsets(%dma_start3A_79 : memref<50xi32, #tpu.memory_space<vmem>>) semaphore(%dma_start3A_84 : memref<!tpu.dma_semaphore, #tpu.memory_space<semaphore_mem>>)
    %mul3A_85 = arith.constant 624 : i32
    %mul3A_86 = arith.muli %arg1, %mul3A_85 : i32
    %dma_wait3A_87 = arith.constant 0 : i32
    %dma_wait3A_88 = tpu.memref_slice %arg7[%mul3A_86, %dma_wait3A_87] : memref<10000x128xf32, #tpu.memory_space<vmem_shared>> -> memref<624x128xf32, #tpu.memory_space<vmem_shared>>
    %dma_wait3A_89 = arith.constant 0 : i32
    %dma_wait3A_90 = arith.constant 0 : i32
    %dma_wait3A_91 = tpu.memref_slice %arg5[%dma_wait3A_89, %dma_wait3A_90] : memref<624x128xf32, #tpu.memory_space<hbm>> -> memref<624x128xf32, #tpu.memory_space<hbm>>
    tpu.wait_dma2 semaphore(%arg13 : memref<!tpu.dma_semaphore, #tpu.memory_space<semaphore_mem>>) src(%dma_wait3A_91 : memref<624x128xf32, #tpu.memory_space<hbm>>) dst(%dma_wait3A_88 : memref<624x128xf32, #tpu.memory_space<vmem_shared>>)
    %eq3A_92 = arith.constant 15 : i32
    %eq3A_93 = arith.cmpi eq, %arg1, %eq3A_92 : i32
    %convert_element_type3A_94 = arith.extui %eq3A_93 : i1 to i32
    %cond3A_95 = arith.constant 0 : i32
    %cond3A_96 = arith.cmpi ne, %convert_element_type3A_94, %cond3A_95 : i32
    scf.if %cond3A_96 {
      %dma_wait3A_173 = arith.constant 9984 : i32
      %dma_wait3A_174 = arith.constant 0 : i32
      %dma_wait3A_175 = tpu.memref_slice %arg7[%dma_wait3A_173, %dma_wait3A_174] : memref<10000x128xf32, #tpu.memory_space<vmem_shared>> -> memref<16x128xf32, #tpu.memory_space<vmem_shared>>
      %dma_wait3A_176 = arith.constant 0 : i32
      %dma_wait3A_177 = arith.constant 0 : i32
      %dma_wait3A_178 = tpu.memref_slice %arg5[%dma_wait3A_176, %dma_wait3A_177] : memref<624x128xf32, #tpu.memory_space<hbm>> -> memref<16x128xf32, #tpu.memory_space<hbm>>
      tpu.wait_dma2 semaphore(%arg13 : memref<!tpu.dma_semaphore, #tpu.memory_space<semaphore_mem>>) src(%dma_wait3A_178 : memref<16x128xf32, #tpu.memory_space<hbm>>) dst(%dma_wait3A_175 : memref<16x128xf32, #tpu.memory_space<vmem_shared>>)
    } else {
    }
    %barrier3A = arith.constant 0 : index
    tpu.barrier barrier_id(%barrier3A)
    %scan3A = arith.constant 0 : i32
    %scan3A_97 = arith.constant 0 : i32
    %scan3A_98 = arith.constant 50 : i32
    %scan3A_99 = arith.addi %scan3A_97, %scan3A_98 : i32
    %scan3A_100 = arith.constant 1 : i32
    %scan3A_101 = scf.for %scan3A_173 = %scan3A_97 to %scan3A_99 step %scan3A_100 iter_args(%scan3A_174 = %scan3A) -> (i32)  : i32 {
      %mul3A_175 = arith.constant 4 : i32
      %mul3A_176 = arith.muli %scan3A_173, %mul3A_175 : i32
      %add3A_177 = arith.constant 0 : i32
      %add3A_178 = arith.addi %mul3A_176, %add3A_177 : i32
      %dma_wait3A_179 = arith.constant 0 : i32
      %dma_wait3A_180 = arith.constant 0 : i32
      %dma_wait3A_181 = arith.constant 0 : i32
      %dma_wait3A_182 = arith.constant 0 : i32
      %dma_wait3A_183 = tpu.memref_slice %arg10[%dma_wait3A_179, %dma_wait3A_181, %dma_wait3A_182] : memref<4x50x128xf32, #tpu.memory_space<vmem>> -> memref<1x50x128xf32, #tpu.memory_space<vmem>>
      %dma_wait3A_184 = tpu.memref_squeeze %dma_wait3A_183 : memref<1x50x128xf32, #tpu.memory_space<vmem>> -> memref<50x128xf32, #tpu.memory_space<vmem>>
      %dma_wait3A_185 = arith.constant 0 : i32
      %dma_wait3A_186 = tpu.memref_slice %arg8[%add3A_178, %dma_wait3A_185] : memref<200x50xi32, #tpu.memory_space<vmem>> -> memref<1x50xi32, #tpu.memory_space<vmem>>
      %dma_wait3A_187 = tpu.memref_squeeze %dma_wait3A_186 : memref<1x50xi32, #tpu.memory_space<vmem>> -> memref<50xi32, #tpu.memory_space<vmem>>
      %dma_wait3A_188 = arith.constant 0 : i32
      %dma_wait3A_189 = arith.constant 0 : i32
      %dma_wait3A_190 = tpu.memref_slice %arg2[%dma_wait3A_188, %dma_wait3A_189] : memref<10000x128xf32, #tpu.memory_space<hbm>> -> memref<10000x128xf32, #tpu.memory_space<hbm>>
      %dma_wait3A_191 = tpu.memref_slice %arg11[%dma_wait3A_180] : memref<4x!tpu.dma_semaphore, #tpu.memory_space<semaphore_mem>> -> memref<1x!tpu.dma_semaphore, #tpu.memory_space<semaphore_mem>>
      %dma_wait3A_192 = tpu.memref_squeeze %dma_wait3A_191 : memref<1x!tpu.dma_semaphore, #tpu.memory_space<semaphore_mem>> -> memref<!tpu.dma_semaphore, #tpu.memory_space<semaphore_mem>>
      tpu.wait_indirect_dma semaphore(%dma_wait3A_192 : memref<!tpu.dma_semaphore, #tpu.memory_space<semaphore_mem>>) src(%dma_wait3A_190 : memref<10000x128xf32, #tpu.memory_space<hbm>>) dst(%dma_wait3A_184 : memref<50x128xf32, #tpu.memory_space<vmem>>)
      %dma_start3A_193 = arith.constant 0 : i32
      %dma_start3A_194 = arith.constant 0 : i32
      %dma_start3A_195 = arith.constant 0 : i32
      %dma_start3A_196 = arith.constant 0 : i32
      %dma_start3A_197 = tpu.memref_slice %arg10[%dma_start3A_193, %dma_start3A_195, %dma_start3A_196] : memref<4x50x128xf32, #tpu.memory_space<vmem>> -> memref<1x50x128xf32, #tpu.memory_space<vmem>>
      %dma_start3A_198 = tpu.memref_squeeze %dma_start3A_197 : memref<1x50x128xf32, #tpu.memory_space<vmem>> -> memref<50x128xf32, #tpu.memory_space<vmem>>
      %dma_start3A_199 = arith.constant 0 : i32
      %dma_start3A_200 = tpu.memref_slice %arg9[%add3A_178, %dma_start3A_199] : memref<200x50xi32, #tpu.memory_space<vmem>> -> memref<1x50xi32, #tpu.memory_space<vmem>>
      %dma_start3A_201 = tpu.memref_squeeze %dma_start3A_200 : memref<1x50xi32, #tpu.memory_space<vmem>> -> memref<50xi32, #tpu.memory_space<vmem>>
      %dma_start3A_202 = arith.constant 0 : i32
      %dma_start3A_203 = arith.constant 0 : i32
      %dma_start3A_204 = tpu.memref_slice %arg7[%dma_start3A_202, %dma_start3A_203] : memref<10000x128xf32, #tpu.memory_space<vmem_shared>> -> memref<10000x128xf32, #tpu.memory_space<vmem_shared>>
      %dma_start3A_205 = tpu.memref_slice %arg12[%dma_start3A_194] : memref<4x!tpu.dma_semaphore, #tpu.memory_space<semaphore_mem>> -> memref<1x!tpu.dma_semaphore, #tpu.memory_space<semaphore_mem>>
      %dma_start3A_206 = tpu.memref_squeeze %dma_start3A_205 : memref<1x!tpu.dma_semaphore, #tpu.memory_space<semaphore_mem>> -> memref<!tpu.dma_semaphore, #tpu.memory_space<semaphore_mem>>
      tpu.enqueue_indirect_dma source(%dma_start3A_198 : memref<50x128xf32, #tpu.memory_space<vmem>>) target(%dma_start3A_204 : memref<10000x128xf32, #tpu.memory_space<vmem_shared>>) offsets(%dma_start3A_201 : memref<50xi32, #tpu.memory_space<vmem>>) semaphore(%dma_start3A_206 : memref<!tpu.dma_semaphore, #tpu.memory_space<semaphore_mem>>) {add = true}
      %eq3A_207 = arith.constant 0 : i32
      %eq3A_208 = arith.cmpi eq, %scan3A_173, %eq3A_207 : i32
      %convert_element_type3A_209 = arith.extui %eq3A_208 : i1 to i32
      %cond3A_210 = arith.constant 0 : i32
      %cond3A_211 = arith.cmpi ne, %convert_element_type3A_209, %cond3A_210 : i32
      scf.if %cond3A_211 {
        %dma_start3A_337 = arith.constant 3 : i32
        %dma_start3A_338 = arith.constant 3 : i32
        %dma_start3A_339 = arith.constant 3 : i32
        %dma_start3A_340 = arith.constant 0 : i32
        %dma_start3A_341 = arith.constant 0 : i32
        %dma_start3A_342 = tpu.memref_slice %arg10[%dma_start3A_338, %dma_start3A_340, %dma_start3A_341] : memref<4x50x128xf32, #tpu.memory_space<vmem>> -> memref<1x50x128xf32, #tpu.memory_space<vmem>>
        %dma_start3A_343 = tpu.memref_squeeze %dma_start3A_342 : memref<1x50x128xf32, #tpu.memory_space<vmem>> -> memref<50x128xf32, #tpu.memory_space<vmem>>
        %dma_start3A_344 = arith.constant 0 : i32
        %dma_start3A_345 = tpu.memref_slice %arg8[%dma_start3A_337, %dma_start3A_344] : memref<200x50xi32, #tpu.memory_space<vmem>> -> memref<1x50xi32, #tpu.memory_space<vmem>>
        %dma_start3A_346 = tpu.memref_squeeze %dma_start3A_345 : memref<1x50xi32, #tpu.memory_space<vmem>> -> memref<50xi32, #tpu.memory_space<vmem>>
        %dma_start3A_347 = arith.constant 0 : i32
        %dma_start3A_348 = arith.constant 0 : i32
        %dma_start3A_349 = tpu.memref_slice %arg2[%dma_start3A_347, %dma_start3A_348] : memref<10000x128xf32, #tpu.memory_space<hbm>> -> memref<10000x128xf32, #tpu.memory_space<hbm>>
        %dma_start3A_350 = tpu.memref_slice %arg11[%dma_start3A_339] : memref<4x!tpu.dma_semaphore, #tpu.memory_space<semaphore_mem>> -> memref<1x!tpu.dma_semaphore, #tpu.memory_space<semaphore_mem>>
        %dma_start3A_351 = tpu.memref_squeeze %dma_start3A_350 : memref<1x!tpu.dma_semaphore, #tpu.memory_space<semaphore_mem>> -> memref<!tpu.dma_semaphore, #tpu.memory_space<semaphore_mem>>
        tpu.enqueue_indirect_dma source(%dma_start3A_349 : memref<10000x128xf32, #tpu.memory_space<hbm>>) target(%dma_start3A_343 : memref<50x128xf32, #tpu.memory_space<vmem>>) offsets(%dma_start3A_346 : memref<50xi32, #tpu.memory_space<vmem>>) semaphore(%dma_start3A_351 : memref<!tpu.dma_semaphore, #tpu.memory_space<semaphore_mem>>)
      } else {
      }
      %ge3A = arith.constant 1 : i32
      %ge3A_212 = arith.cmpi sge, %scan3A_173, %ge3A : i32
      %add3A_213 = arith.constant 3 : i32
      %add3A_214 = arith.addi %add3A_178, %add3A_213 : i32
      %lt3A = arith.constant 200 : i32
      %lt3A_215 = arith.cmpi slt, %add3A_214, %lt3A : i32
      %and3A = arith.andi %ge3A_212, %lt3A_215 : i1
      %convert_element_type3A_216 = arith.extui %and3A : i1 to i32
      %cond3A_217 = arith.constant 0 : i32
      %cond3A_218 = arith.cmpi ne, %convert_element_type3A_216, %cond3A_217 : i32
      scf.if %cond3A_218 {
        %sub3A = arith.constant 1 : i32
        %sub3A_337 = arith.subi %add3A_178, %sub3A : i32
        %dma_wait3A_338 = arith.constant 3 : i32
        %dma_wait3A_339 = arith.constant 3 : i32
        %dma_wait3A_340 = arith.constant 0 : i32
        %dma_wait3A_341 = arith.constant 0 : i32
        %dma_wait3A_342 = tpu.memref_slice %arg10[%dma_wait3A_338, %dma_wait3A_340, %dma_wait3A_341] : memref<4x50x128xf32, #tpu.memory_space<vmem>> -> memref<1x50x128xf32, #tpu.memory_space<vmem>>
        %dma_wait3A_343 = tpu.memref_squeeze %dma_wait3A_342 : memref<1x50x128xf32, #tpu.memory_space<vmem>> -> memref<50x128xf32, #tpu.memory_space<vmem>>
        %dma_wait3A_344 = arith.constant 0 : i32
        %dma_wait3A_345 = tpu.memref_slice %arg9[%sub3A_337, %dma_wait3A_344] : memref<200x50xi32, #tpu.memory_space<vmem>> -> memref<1x50xi32, #tpu.memory_space<vmem>>
        %dma_wait3A_346 = tpu.memref_squeeze %dma_wait3A_345 : memref<1x50xi32, #tpu.memory_space<vmem>> -> memref<50xi32, #tpu.memory_space<vmem>>
        %dma_wait3A_347 = arith.constant 0 : i32
        %dma_wait3A_348 = arith.constant 0 : i32
        %dma_wait3A_349 = tpu.memref_slice %arg7[%dma_wait3A_347, %dma_wait3A_348] : memref<10000x128xf32, #tpu.memory_space<vmem_shared>> -> memref<10000x128xf32, #tpu.memory_space<vmem_shared>>
        %dma_wait3A_350 = tpu.memref_slice %arg12[%dma_wait3A_339] : memref<4x!tpu.dma_semaphore, #tpu.memory_space<semaphore_mem>> -> memref<1x!tpu.dma_semaphore, #tpu.memory_space<semaphore_mem>>
        %dma_wait3A_351 = tpu.memref_squeeze %dma_wait3A_350 : memref<1x!tpu.dma_semaphore, #tpu.memory_space<semaphore_mem>> -> memref<!tpu.dma_semaphore, #tpu.memory_space<semaphore_mem>>
        tpu.wait_indirect_dma semaphore(%dma_wait3A_351 : memref<!tpu.dma_semaphore, #tpu.memory_space<semaphore_mem>>) src(%dma_wait3A_343 : memref<50x128xf32, #tpu.memory_space<vmem>>) dst(%dma_wait3A_349 : memref<10000x128xf32, #tpu.memory_space<vmem_shared>>)
        %add3A_352 = arith.constant 3 : i32
        %add3A_353 = arith.addi %add3A_178, %add3A_352 : i32
        %dma_start3A_354 = arith.constant 3 : i32
        %dma_start3A_355 = arith.constant 3 : i32
        %dma_start3A_356 = arith.constant 0 : i32
        %dma_start3A_357 = arith.constant 0 : i32
        %dma_start3A_358 = tpu.memref_slice %arg10[%dma_start3A_354, %dma_start3A_356, %dma_start3A_357] : memref<4x50x128xf32, #tpu.memory_space<vmem>> -> memref<1x50x128xf32, #tpu.memory_space<vmem>>
        %dma_start3A_359 = tpu.memref_squeeze %dma_start3A_358 : memref<1x50x128xf32, #tpu.memory_space<vmem>> -> memref<50x128xf32, #tpu.memory_space<vmem>>
        %dma_start3A_360 = arith.constant 0 : i32
        %dma_start3A_361 = tpu.memref_slice %arg8[%add3A_353, %dma_start3A_360] : memref<200x50xi32, #tpu.memory_space<vmem>> -> memref<1x50xi32, #tpu.memory_space<vmem>>
        %dma_start3A_362 = tpu.memref_squeeze %dma_start3A_361 : memref<1x50xi32, #tpu.memory_space<vmem>> -> memref<50xi32, #tpu.memory_space<vmem>>
        %dma_start3A_363 = arith.constant 0 : i32
        %dma_start3A_364 = arith.constant 0 : i32
        %dma_start3A_365 = tpu.memref_slice %arg2[%dma_start3A_363, %dma_start3A_364] : memref<10000x128xf32, #tpu.memory_space<hbm>> -> memref<10000x128xf32, #tpu.memory_space<hbm>>
        %dma_start3A_366 = tpu.memref_slice %arg11[%dma_start3A_355] : memref<4x!tpu.dma_semaphore, #tpu.memory_space<semaphore_mem>> -> memref<1x!tpu.dma_semaphore, #tpu.memory_space<semaphore_mem>>
        %dma_start3A_367 = tpu.memref_squeeze %dma_start3A_366 : memref<1x!tpu.dma_semaphore, #tpu.memory_space<semaphore_mem>> -> memref<!tpu.dma_semaphore, #tpu.memory_space<semaphore_mem>>
        tpu.enqueue_indirect_dma source(%dma_start3A_365 : memref<10000x128xf32, #tpu.memory_space<hbm>>) target(%dma_start3A_359 : memref<50x128xf32, #tpu.memory_space<vmem>>) offsets(%dma_start3A_362 : memref<50xi32, #tpu.memory_space<vmem>>) semaphore(%dma_start3A_367 : memref<!tpu.dma_semaphore, #tpu.memory_space<semaphore_mem>>)
      } else {
      }
      %mul3A_219 = arith.constant 4 : i32
      %mul3A_220 = arith.muli %scan3A_173, %mul3A_219 : i32
      %add3A_221 = arith.constant 1 : i32
      %add3A_222 = arith.addi %mul3A_220, %add3A_221 : i32
      %dma_wait3A_223 = arith.constant 1 : i32
      %dma_wait3A_224 = arith.constant 1 : i32
      %dma_wait3A_225 = arith.constant 0 : i32
      %dma_wait3A_226 = arith.constant 0 : i32
      %dma_wait3A_227 = tpu.memref_slice %arg10[%dma_wait3A_223, %dma_wait3A_225, %dma_wait3A_226] : memref<4x50x128xf32, #tpu.memory_space<vmem>> -> memref<1x50x128xf32, #tpu.memory_space<vmem>>
      %dma_wait3A_228 = tpu.memref_squeeze %dma_wait3A_227 : memref<1x50x128xf32, #tpu.memory_space<vmem>> -> memref<50x128xf32, #tpu.memory_space<vmem>>
      %dma_wait3A_229 = arith.constant 0 : i32
      %dma_wait3A_230 = tpu.memref_slice %arg8[%add3A_222, %dma_wait3A_229] : memref<200x50xi32, #tpu.memory_space<vmem>> -> memref<1x50xi32, #tpu.memory_space<vmem>>
      %dma_wait3A_231 = tpu.memref_squeeze %dma_wait3A_230 : memref<1x50xi32, #tpu.memory_space<vmem>> -> memref<50xi32, #tpu.memory_space<vmem>>
      %dma_wait3A_232 = arith.constant 0 : i32
      %dma_wait3A_233 = arith.constant 0 : i32
      %dma_wait3A_234 = tpu.memref_slice %arg2[%dma_wait3A_232, %dma_wait3A_233] : memref<10000x128xf32, #tpu.memory_space<hbm>> -> memref<10000x128xf32, #tpu.memory_space<hbm>>
      %dma_wait3A_235 = tpu.memref_slice %arg11[%dma_wait3A_224] : memref<4x!tpu.dma_semaphore, #tpu.memory_space<semaphore_mem>> -> memref<1x!tpu.dma_semaphore, #tpu.memory_space<semaphore_mem>>
      %dma_wait3A_236 = tpu.memref_squeeze %dma_wait3A_235 : memref<1x!tpu.dma_semaphore, #tpu.memory_space<semaphore_mem>> -> memref<!tpu.dma_semaphore, #tpu.memory_space<semaphore_mem>>
      tpu.wait_indirect_dma semaphore(%dma_wait3A_236 : memref<!tpu.dma_semaphore, #tpu.memory_space<semaphore_mem>>) src(%dma_wait3A_234 : memref<10000x128xf32, #tpu.memory_space<hbm>>) dst(%dma_wait3A_228 : memref<50x128xf32, #tpu.memory_space<vmem>>)
      %dma_start3A_237 = arith.constant 1 : i32
      %dma_start3A_238 = arith.constant 1 : i32
      %dma_start3A_239 = arith.constant 0 : i32
      %dma_start3A_240 = arith.constant 0 : i32
      %dma_start3A_241 = tpu.memref_slice %arg10[%dma_start3A_237, %dma_start3A_239, %dma_start3A_240] : memref<4x50x128xf32, #tpu.memory_space<vmem>> -> memref<1x50x128xf32, #tpu.memory_space<vmem>>
      %dma_start3A_242 = tpu.memref_squeeze %dma_start3A_241 : memref<1x50x128xf32, #tpu.memory_space<vmem>> -> memref<50x128xf32, #tpu.memory_space<vmem>>
      %dma_start3A_243 = arith.constant 0 : i32
      %dma_start3A_244 = tpu.memref_slice %arg9[%add3A_222, %dma_start3A_243] : memref<200x50xi32, #tpu.memory_space<vmem>> -> memref<1x50xi32, #tpu.memory_space<vmem>>
      %dma_start3A_245 = tpu.memref_squeeze %dma_start3A_244 : memref<1x50xi32, #tpu.memory_space<vmem>> -> memref<50xi32, #tpu.memory_space<vmem>>
      %dma_start3A_246 = arith.constant 0 : i32
      %dma_start3A_247 = arith.constant 0 : i32
      %dma_start3A_248 = tpu.memref_slice %arg7[%dma_start3A_246, %dma_start3A_247] : memref<10000x128xf32, #tpu.memory_space<vmem_shared>> -> memref<10000x128xf32, #tpu.memory_space<vmem_shared>>
      %dma_start3A_249 = tpu.memref_slice %arg12[%dma_start3A_238] : memref<4x!tpu.dma_semaphore, #tpu.memory_space<semaphore_mem>> -> memref<1x!tpu.dma_semaphore, #tpu.memory_space<semaphore_mem>>
      %dma_start3A_250 = tpu.memref_squeeze %dma_start3A_249 : memref<1x!tpu.dma_semaphore, #tpu.memory_space<semaphore_mem>> -> memref<!tpu.dma_semaphore, #tpu.memory_space<semaphore_mem>>
      tpu.enqueue_indirect_dma source(%dma_start3A_242 : memref<50x128xf32, #tpu.memory_space<vmem>>) target(%dma_start3A_248 : memref<10000x128xf32, #tpu.memory_space<vmem_shared>>) offsets(%dma_start3A_245 : memref<50xi32, #tpu.memory_space<vmem>>) semaphore(%dma_start3A_250 : memref<!tpu.dma_semaphore, #tpu.memory_space<semaphore_mem>>) {add = true}
      %add3A_251 = arith.constant 3 : i32
      %add3A_252 = arith.addi %add3A_222, %add3A_251 : i32
      %lt3A_253 = arith.constant 200 : i32
      %lt3A_254 = arith.cmpi slt, %add3A_252, %lt3A_253 : i32
      %convert_element_type3A_255 = arith.extui %lt3A_254 : i1 to i32
      %cond3A_256 = arith.constant 0 : i32
      %cond3A_257 = arith.cmpi ne, %convert_element_type3A_255, %cond3A_256 : i32
      scf.if %cond3A_257 {
        %sub3A = arith.constant 1 : i32
        %sub3A_337 = arith.subi %add3A_222, %sub3A : i32
        %dma_wait3A_338 = arith.constant 0 : i32
        %dma_wait3A_339 = arith.constant 0 : i32
        %dma_wait3A_340 = arith.constant 0 : i32
        %dma_wait3A_341 = arith.constant 0 : i32
        %dma_wait3A_342 = tpu.memref_slice %arg10[%dma_wait3A_338, %dma_wait3A_340, %dma_wait3A_341] : memref<4x50x128xf32, #tpu.memory_space<vmem>> -> memref<1x50x128xf32, #tpu.memory_space<vmem>>
        %dma_wait3A_343 = tpu.memref_squeeze %dma_wait3A_342 : memref<1x50x128xf32, #tpu.memory_space<vmem>> -> memref<50x128xf32, #tpu.memory_space<vmem>>
        %dma_wait3A_344 = arith.constant 0 : i32
        %dma_wait3A_345 = tpu.memref_slice %arg9[%sub3A_337, %dma_wait3A_344] : memref<200x50xi32, #tpu.memory_space<vmem>> -> memref<1x50xi32, #tpu.memory_space<vmem>>
        %dma_wait3A_346 = tpu.memref_squeeze %dma_wait3A_345 : memref<1x50xi32, #tpu.memory_space<vmem>> -> memref<50xi32, #tpu.memory_space<vmem>>
        %dma_wait3A_347 = arith.constant 0 : i32
        %dma_wait3A_348 = arith.constant 0 : i32
        %dma_wait3A_349 = tpu.memref_slice %arg7[%dma_wait3A_347, %dma_wait3A_348] : memref<10000x128xf32, #tpu.memory_space<vmem_shared>> -> memref<10000x128xf32, #tpu.memory_space<vmem_shared>>
        %dma_wait3A_350 = tpu.memref_slice %arg12[%dma_wait3A_339] : memref<4x!tpu.dma_semaphore, #tpu.memory_space<semaphore_mem>> -> memref<1x!tpu.dma_semaphore, #tpu.memory_space<semaphore_mem>>
        %dma_wait3A_351 = tpu.memref_squeeze %dma_wait3A_350 : memref<1x!tpu.dma_semaphore, #tpu.memory_space<semaphore_mem>> -> memref<!tpu.dma_semaphore, #tpu.memory_space<semaphore_mem>>
        tpu.wait_indirect_dma semaphore(%dma_wait3A_351 : memref<!tpu.dma_semaphore, #tpu.memory_space<semaphore_mem>>) src(%dma_wait3A_343 : memref<50x128xf32, #tpu.memory_space<vmem>>) dst(%dma_wait3A_349 : memref<10000x128xf32, #tpu.memory_space<vmem_shared>>)
        %add3A_352 = arith.constant 3 : i32
        %add3A_353 = arith.addi %add3A_222, %add3A_352 : i32
        %dma_start3A_354 = arith.constant 0 : i32
        %dma_start3A_355 = arith.constant 0 : i32
        %dma_start3A_356 = arith.constant 0 : i32
        %dma_start3A_357 = arith.constant 0 : i32
        %dma_start3A_358 = tpu.memref_slice %arg10[%dma_start3A_354, %dma_start3A_356, %dma_start3A_357] : memref<4x50x128xf32, #tpu.memory_space<vmem>> -> memref<1x50x128xf32, #tpu.memory_space<vmem>>
        %dma_start3A_359 = tpu.memref_squeeze %dma_start3A_358 : memref<1x50x128xf32, #tpu.memory_space<vmem>> -> memref<50x128xf32, #tpu.memory_space<vmem>>
        %dma_start3A_360 = arith.constant 0 : i32
        %dma_start3A_361 = tpu.memref_slice %arg8[%add3A_353, %dma_start3A_360] : memref<200x50xi32, #tpu.memory_space<vmem>> -> memref<1x50xi32, #tpu.memory_space<vmem>>
        %dma_start3A_362 = tpu.memref_squeeze %dma_start3A_361 : memref<1x50xi32, #tpu.memory_space<vmem>> -> memref<50xi32, #tpu.memory_space<vmem>>
        %dma_start3A_363 = arith.constant 0 : i32
        %dma_start3A_364 = arith.constant 0 : i32
        %dma_start3A_365 = tpu.memref_slice %arg2[%dma_start3A_363, %dma_start3A_364] : memref<10000x128xf32, #tpu.memory_space<hbm>> -> memref<10000x128xf32, #tpu.memory_space<hbm>>
        %dma_start3A_366 = tpu.memref_slice %arg11[%dma_start3A_355] : memref<4x!tpu.dma_semaphore, #tpu.memory_space<semaphore_mem>> -> memref<1x!tpu.dma_semaphore, #tpu.memory_space<semaphore_mem>>
        %dma_start3A_367 = tpu.memref_squeeze %dma_start3A_366 : memref<1x!tpu.dma_semaphore, #tpu.memory_space<semaphore_mem>> -> memref<!tpu.dma_semaphore, #tpu.memory_space<semaphore_mem>>
        tpu.enqueue_indirect_dma source(%dma_start3A_365 : memref<10000x128xf32, #tpu.memory_space<hbm>>) target(%dma_start3A_359 : memref<50x128xf32, #tpu.memory_space<vmem>>) offsets(%dma_start3A_362 : memref<50xi32, #tpu.memory_space<vmem>>) semaphore(%dma_start3A_367 : memref<!tpu.dma_semaphore, #tpu.memory_space<semaphore_mem>>)
      } else {
      }
      %mul3A_258 = arith.constant 4 : i32
      %mul3A_259 = arith.muli %scan3A_173, %mul3A_258 : i32
      %add3A_260 = arith.constant 2 : i32
      %add3A_261 = arith.addi %mul3A_259, %add3A_260 : i32
      %dma_wait3A_262 = arith.constant 2 : i32
      %dma_wait3A_263 = arith.constant 2 : i32
      %dma_wait3A_264 = arith.constant 0 : i32
      %dma_wait3A_265 = arith.constant 0 : i32
      %dma_wait3A_266 = tpu.memref_slice %arg10[%dma_wait3A_262, %dma_wait3A_264, %dma_wait3A_265] : memref<4x50x128xf32, #tpu.memory_space<vmem>> -> memref<1x50x128xf32, #tpu.memory_space<vmem>>
      %dma_wait3A_267 = tpu.memref_squeeze %dma_wait3A_266 : memref<1x50x128xf32, #tpu.memory_space<vmem>> -> memref<50x128xf32, #tpu.memory_space<vmem>>
      %dma_wait3A_268 = arith.constant 0 : i32
      %dma_wait3A_269 = tpu.memref_slice %arg8[%add3A_261, %dma_wait3A_268] : memref<200x50xi32, #tpu.memory_space<vmem>> -> memref<1x50xi32, #tpu.memory_space<vmem>>
      %dma_wait3A_270 = tpu.memref_squeeze %dma_wait3A_269 : memref<1x50xi32, #tpu.memory_space<vmem>> -> memref<50xi32, #tpu.memory_space<vmem>>
      %dma_wait3A_271 = arith.constant 0 : i32
      %dma_wait3A_272 = arith.constant 0 : i32
      %dma_wait3A_273 = tpu.memref_slice %arg2[%dma_wait3A_271, %dma_wait3A_272] : memref<10000x128xf32, #tpu.memory_space<hbm>> -> memref<10000x128xf32, #tpu.memory_space<hbm>>
      %dma_wait3A_274 = tpu.memref_slice %arg11[%dma_wait3A_263] : memref<4x!tpu.dma_semaphore, #tpu.memory_space<semaphore_mem>> -> memref<1x!tpu.dma_semaphore, #tpu.memory_space<semaphore_mem>>
      %dma_wait3A_275 = tpu.memref_squeeze %dma_wait3A_274 : memref<1x!tpu.dma_semaphore, #tpu.memory_space<semaphore_mem>> -> memref<!tpu.dma_semaphore, #tpu.memory_space<semaphore_mem>>
      tpu.wait_indirect_dma semaphore(%dma_wait3A_275 : memref<!tpu.dma_semaphore, #tpu.memory_space<semaphore_mem>>) src(%dma_wait3A_273 : memref<10000x128xf32, #tpu.memory_space<hbm>>) dst(%dma_wait3A_267 : memref<50x128xf32, #tpu.memory_space<vmem>>)
      %dma_start3A_276 = arith.constant 2 : i32
      %dma_start3A_277 = arith.constant 2 : i32
      %dma_start3A_278 = arith.constant 0 : i32
      %dma_start3A_279 = arith.constant 0 : i32
      %dma_start3A_280 = tpu.memref_slice %arg10[%dma_start3A_276, %dma_start3A_278, %dma_start3A_279] : memref<4x50x128xf32, #tpu.memory_space<vmem>> -> memref<1x50x128xf32, #tpu.memory_space<vmem>>
      %dma_start3A_281 = tpu.memref_squeeze %dma_start3A_280 : memref<1x50x128xf32, #tpu.memory_space<vmem>> -> memref<50x128xf32, #tpu.memory_space<vmem>>
      %dma_start3A_282 = arith.constant 0 : i32
      %dma_start3A_283 = tpu.memref_slice %arg9[%add3A_261, %dma_start3A_282] : memref<200x50xi32, #tpu.memory_space<vmem>> -> memref<1x50xi32, #tpu.memory_space<vmem>>
      %dma_start3A_284 = tpu.memref_squeeze %dma_start3A_283 : memref<1x50xi32, #tpu.memory_space<vmem>> -> memref<50xi32, #tpu.memory_space<vmem>>
      %dma_start3A_285 = arith.constant 0 : i32
      %dma_start3A_286 = arith.constant 0 : i32
      %dma_start3A_287 = tpu.memref_slice %arg7[%dma_start3A_285, %dma_start3A_286] : memref<10000x128xf32, #tpu.memory_space<vmem_shared>> -> memref<10000x128xf32, #tpu.memory_space<vmem_shared>>
      %dma_start3A_288 = tpu.memref_slice %arg12[%dma_start3A_277] : memref<4x!tpu.dma_semaphore, #tpu.memory_space<semaphore_mem>> -> memref<1x!tpu.dma_semaphore, #tpu.memory_space<semaphore_mem>>
      %dma_start3A_289 = tpu.memref_squeeze %dma_start3A_288 : memref<1x!tpu.dma_semaphore, #tpu.memory_space<semaphore_mem>> -> memref<!tpu.dma_semaphore, #tpu.memory_space<semaphore_mem>>
      tpu.enqueue_indirect_dma source(%dma_start3A_281 : memref<50x128xf32, #tpu.memory_space<vmem>>) target(%dma_start3A_287 : memref<10000x128xf32, #tpu.memory_space<vmem_shared>>) offsets(%dma_start3A_284 : memref<50xi32, #tpu.memory_space<vmem>>) semaphore(%dma_start3A_289 : memref<!tpu.dma_semaphore, #tpu.memory_space<semaphore_mem>>) {add = true}
      %add3A_290 = arith.constant 3 : i32
      %add3A_291 = arith.addi %add3A_261, %add3A_290 : i32
      %lt3A_292 = arith.constant 200 : i32
      %lt3A_293 = arith.cmpi slt, %add3A_291, %lt3A_292 : i32
      %convert_element_type3A_294 = arith.extui %lt3A_293 : i1 to i32
      %cond3A_295 = arith.constant 0 : i32
      %cond3A_296 = arith.cmpi ne, %convert_element_type3A_294, %cond3A_295 : i32
      scf.if %cond3A_296 {
        %sub3A = arith.constant 1 : i32
        %sub3A_337 = arith.subi %add3A_261, %sub3A : i32
        %dma_wait3A_338 = arith.constant 1 : i32
        %dma_wait3A_339 = arith.constant 1 : i32
        %dma_wait3A_340 = arith.constant 0 : i32
        %dma_wait3A_341 = arith.constant 0 : i32
        %dma_wait3A_342 = tpu.memref_slice %arg10[%dma_wait3A_338, %dma_wait3A_340, %dma_wait3A_341] : memref<4x50x128xf32, #tpu.memory_space<vmem>> -> memref<1x50x128xf32, #tpu.memory_space<vmem>>
        %dma_wait3A_343 = tpu.memref_squeeze %dma_wait3A_342 : memref<1x50x128xf32, #tpu.memory_space<vmem>> -> memref<50x128xf32, #tpu.memory_space<vmem>>
        %dma_wait3A_344 = arith.constant 0 : i32
        %dma_wait3A_345 = tpu.memref_slice %arg9[%sub3A_337, %dma_wait3A_344] : memref<200x50xi32, #tpu.memory_space<vmem>> -> memref<1x50xi32, #tpu.memory_space<vmem>>
        %dma_wait3A_346 = tpu.memref_squeeze %dma_wait3A_345 : memref<1x50xi32, #tpu.memory_space<vmem>> -> memref<50xi32, #tpu.memory_space<vmem>>
        %dma_wait3A_347 = arith.constant 0 : i32
        %dma_wait3A_348 = arith.constant 0 : i32
        %dma_wait3A_349 = tpu.memref_slice %arg7[%dma_wait3A_347, %dma_wait3A_348] : memref<10000x128xf32, #tpu.memory_space<vmem_shared>> -> memref<10000x128xf32, #tpu.memory_space<vmem_shared>>
        %dma_wait3A_350 = tpu.memref_slice %arg12[%dma_wait3A_339] : memref<4x!tpu.dma_semaphore, #tpu.memory_space<semaphore_mem>> -> memref<1x!tpu.dma_semaphore, #tpu.memory_space<semaphore_mem>>
        %dma_wait3A_351 = tpu.memref_squeeze %dma_wait3A_350 : memref<1x!tpu.dma_semaphore, #tpu.memory_space<semaphore_mem>> -> memref<!tpu.dma_semaphore, #tpu.memory_space<semaphore_mem>>
        tpu.wait_indirect_dma semaphore(%dma_wait3A_351 : memref<!tpu.dma_semaphore, #tpu.memory_space<semaphore_mem>>) src(%dma_wait3A_343 : memref<50x128xf32, #tpu.memory_space<vmem>>) dst(%dma_wait3A_349 : memref<10000x128xf32, #tpu.memory_space<vmem_shared>>)
        %add3A_352 = arith.constant 3 : i32
        %add3A_353 = arith.addi %add3A_261, %add3A_352 : i32
        %dma_start3A_354 = arith.constant 1 : i32
        %dma_start3A_355 = arith.constant 1 : i32
        %dma_start3A_356 = arith.constant 0 : i32
        %dma_start3A_357 = arith.constant 0 : i32
        %dma_start3A_358 = tpu.memref_slice %arg10[%dma_start3A_354, %dma_start3A_356, %dma_start3A_357] : memref<4x50x128xf32, #tpu.memory_space<vmem>> -> memref<1x50x128xf32, #tpu.memory_space<vmem>>
        %dma_start3A_359 = tpu.memref_squeeze %dma_start3A_358 : memref<1x50x128xf32, #tpu.memory_space<vmem>> -> memref<50x128xf32, #tpu.memory_space<vmem>>
        %dma_start3A_360 = arith.constant 0 : i32
        %dma_start3A_361 = tpu.memref_slice %arg8[%add3A_353, %dma_start3A_360] : memref<200x50xi32, #tpu.memory_space<vmem>> -> memref<1x50xi32, #tpu.memory_space<vmem>>
        %dma_start3A_362 = tpu.memref_squeeze %dma_start3A_361 : memref<1x50xi32, #tpu.memory_space<vmem>> -> memref<50xi32, #tpu.memory_space<vmem>>
        %dma_start3A_363 = arith.constant 0 : i32
        %dma_start3A_364 = arith.constant 0 : i32
        %dma_start3A_365 = tpu.memref_slice %arg2[%dma_start3A_363, %dma_start3A_364] : memref<10000x128xf32, #tpu.memory_space<hbm>> -> memref<10000x128xf32, #tpu.memory_space<hbm>>
        %dma_start3A_366 = tpu.memref_slice %arg11[%dma_start3A_355] : memref<4x!tpu.dma_semaphore, #tpu.memory_space<semaphore_mem>> -> memref<1x!tpu.dma_semaphore, #tpu.memory_space<semaphore_mem>>
        %dma_start3A_367 = tpu.memref_squeeze %dma_start3A_366 : memref<1x!tpu.dma_semaphore, #tpu.memory_space<semaphore_mem>> -> memref<!tpu.dma_semaphore, #tpu.memory_space<semaphore_mem>>
        tpu.enqueue_indirect_dma source(%dma_start3A_365 : memref<10000x128xf32, #tpu.memory_space<hbm>>) target(%dma_start3A_359 : memref<50x128xf32, #tpu.memory_space<vmem>>) offsets(%dma_start3A_362 : memref<50xi32, #tpu.memory_space<vmem>>) semaphore(%dma_start3A_367 : memref<!tpu.dma_semaphore, #tpu.memory_space<semaphore_mem>>)
      } else {
      }
      %mul3A_297 = arith.constant 4 : i32
      %mul3A_298 = arith.muli %scan3A_173, %mul3A_297 : i32
      %add3A_299 = arith.constant 3 : i32
      %add3A_300 = arith.addi %mul3A_298, %add3A_299 : i32
      %dma_wait3A_301 = arith.constant 3 : i32
      %dma_wait3A_302 = arith.constant 3 : i32
      %dma_wait3A_303 = arith.constant 0 : i32
      %dma_wait3A_304 = arith.constant 0 : i32
      %dma_wait3A_305 = tpu.memref_slice %arg10[%dma_wait3A_301, %dma_wait3A_303, %dma_wait3A_304] : memref<4x50x128xf32, #tpu.memory_space<vmem>> -> memref<1x50x128xf32, #tpu.memory_space<vmem>>
      %dma_wait3A_306 = tpu.memref_squeeze %dma_wait3A_305 : memref<1x50x128xf32, #tpu.memory_space<vmem>> -> memref<50x128xf32, #tpu.memory_space<vmem>>
      %dma_wait3A_307 = arith.constant 0 : i32
      %dma_wait3A_308 = tpu.memref_slice %arg8[%add3A_300, %dma_wait3A_307] : memref<200x50xi32, #tpu.memory_space<vmem>> -> memref<1x50xi32, #tpu.memory_space<vmem>>
      %dma_wait3A_309 = tpu.memref_squeeze %dma_wait3A_308 : memref<1x50xi32, #tpu.memory_space<vmem>> -> memref<50xi32, #tpu.memory_space<vmem>>
      %dma_wait3A_310 = arith.constant 0 : i32
      %dma_wait3A_311 = arith.constant 0 : i32
      %dma_wait3A_312 = tpu.memref_slice %arg2[%dma_wait3A_310, %dma_wait3A_311] : memref<10000x128xf32, #tpu.memory_space<hbm>> -> memref<10000x128xf32, #tpu.memory_space<hbm>>
      %dma_wait3A_313 = tpu.memref_slice %arg11[%dma_wait3A_302] : memref<4x!tpu.dma_semaphore, #tpu.memory_space<semaphore_mem>> -> memref<1x!tpu.dma_semaphore, #tpu.memory_space<semaphore_mem>>
      %dma_wait3A_314 = tpu.memref_squeeze %dma_wait3A_313 : memref<1x!tpu.dma_semaphore, #tpu.memory_space<semaphore_mem>> -> memref<!tpu.dma_semaphore, #tpu.memory_space<semaphore_mem>>
      tpu.wait_indirect_dma semaphore(%dma_wait3A_314 : memref<!tpu.dma_semaphore, #tpu.memory_space<semaphore_mem>>) src(%dma_wait3A_312 : memref<10000x128xf32, #tpu.memory_space<hbm>>) dst(%dma_wait3A_306 : memref<50x128xf32, #tpu.memory_space<vmem>>)
      %dma_start3A_315 = arith.constant 3 : i32
      %dma_start3A_316 = arith.constant 3 : i32
      %dma_start3A_317 = arith.constant 0 : i32
      %dma_start3A_318 = arith.constant 0 : i32
      %dma_start3A_319 = tpu.memref_slice %arg10[%dma_start3A_315, %dma_start3A_317, %dma_start3A_318] : memref<4x50x128xf32, #tpu.memory_space<vmem>> -> memref<1x50x128xf32, #tpu.memory_space<vmem>>
      %dma_start3A_320 = tpu.memref_squeeze %dma_start3A_319 : memref<1x50x128xf32, #tpu.memory_space<vmem>> -> memref<50x128xf32, #tpu.memory_space<vmem>>
      %dma_start3A_321 = arith.constant 0 : i32
      %dma_start3A_322 = tpu.memref_slice %arg9[%add3A_300, %dma_start3A_321] : memref<200x50xi32, #tpu.memory_space<vmem>> -> memref<1x50xi32, #tpu.memory_space<vmem>>
      %dma_start3A_323 = tpu.memref_squeeze %dma_start3A_322 : memref<1x50xi32, #tpu.memory_space<vmem>> -> memref<50xi32, #tpu.memory_space<vmem>>
      %dma_start3A_324 = arith.constant 0 : i32
      %dma_start3A_325 = arith.constant 0 : i32
      %dma_start3A_326 = tpu.memref_slice %arg7[%dma_start3A_324, %dma_start3A_325] : memref<10000x128xf32, #tpu.memory_space<vmem_shared>> -> memref<10000x128xf32, #tpu.memory_space<vmem_shared>>
      %dma_start3A_327 = tpu.memref_slice %arg12[%dma_start3A_316] : memref<4x!tpu.dma_semaphore, #tpu.memory_space<semaphore_mem>> -> memref<1x!tpu.dma_semaphore, #tpu.memory_space<semaphore_mem>>
      %dma_start3A_328 = tpu.memref_squeeze %dma_start3A_327 : memref<1x!tpu.dma_semaphore, #tpu.memory_space<semaphore_mem>> -> memref<!tpu.dma_semaphore, #tpu.memory_space<semaphore_mem>>
      tpu.enqueue_indirect_dma source(%dma_start3A_320 : memref<50x128xf32, #tpu.memory_space<vmem>>) target(%dma_start3A_326 : memref<10000x128xf32, #tpu.memory_space<vmem_shared>>) offsets(%dma_start3A_323 : memref<50xi32, #tpu.memory_space<vmem>>) semaphore(%dma_start3A_328 : memref<!tpu.dma_semaphore, #tpu.memory_space<semaphore_mem>>) {add = true}
      %add3A_329 = arith.constant 3 : i32
      %add3A_330 = arith.addi %add3A_300, %add3A_329 : i32
      %lt3A_331 = arith.constant 200 : i32
      %lt3A_332 = arith.cmpi slt, %add3A_330, %lt3A_331 : i32
      %convert_element_type3A_333 = arith.extui %lt3A_332 : i1 to i32
      %cond3A_334 = arith.constant 0 : i32
      %cond3A_335 = arith.cmpi ne, %convert_element_type3A_333, %cond3A_334 : i32
      scf.if %cond3A_335 {
        %sub3A = arith.constant 1 : i32
        %sub3A_337 = arith.subi %add3A_300, %sub3A : i32
        %dma_wait3A_338 = arith.constant 2 : i32
        %dma_wait3A_339 = arith.constant 2 : i32
        %dma_wait3A_340 = arith.constant 0 : i32
        %dma_wait3A_341 = arith.constant 0 : i32
        %dma_wait3A_342 = tpu.memref_slice %arg10[%dma_wait3A_338, %dma_wait3A_340, %dma_wait3A_341] : memref<4x50x128xf32, #tpu.memory_space<vmem>> -> memref<1x50x128xf32, #tpu.memory_space<vmem>>
        %dma_wait3A_343 = tpu.memref_squeeze %dma_wait3A_342 : memref<1x50x128xf32, #tpu.memory_space<vmem>> -> memref<50x128xf32, #tpu.memory_space<vmem>>
        %dma_wait3A_344 = arith.constant 0 : i32
        %dma_wait3A_345 = tpu.memref_slice %arg9[%sub3A_337, %dma_wait3A_344] : memref<200x50xi32, #tpu.memory_space<vmem>> -> memref<1x50xi32, #tpu.memory_space<vmem>>
        %dma_wait3A_346 = tpu.memref_squeeze %dma_wait3A_345 : memref<1x50xi32, #tpu.memory_space<vmem>> -> memref<50xi32, #tpu.memory_space<vmem>>
        %dma_wait3A_347 = arith.constant 0 : i32
        %dma_wait3A_348 = arith.constant 0 : i32
        %dma_wait3A_349 = tpu.memref_slice %arg7[%dma_wait3A_347, %dma_wait3A_348] : memref<10000x128xf32, #tpu.memory_space<vmem_shared>> -> memref<10000x128xf32, #tpu.memory_space<vmem_shared>>
        %dma_wait3A_350 = tpu.memref_slice %arg12[%dma_wait3A_339] : memref<4x!tpu.dma_semaphore, #tpu.memory_space<semaphore_mem>> -> memref<1x!tpu.dma_semaphore, #tpu.memory_space<semaphore_mem>>
        %dma_wait3A_351 = tpu.memref_squeeze %dma_wait3A_350 : memref<1x!tpu.dma_semaphore, #tpu.memory_space<semaphore_mem>> -> memref<!tpu.dma_semaphore, #tpu.memory_space<semaphore_mem>>
        tpu.wait_indirect_dma semaphore(%dma_wait3A_351 : memref<!tpu.dma_semaphore, #tpu.memory_space<semaphore_mem>>) src(%dma_wait3A_343 : memref<50x128xf32, #tpu.memory_space<vmem>>) dst(%dma_wait3A_349 : memref<10000x128xf32, #tpu.memory_space<vmem_shared>>)
        %add3A_352 = arith.constant 3 : i32
        %add3A_353 = arith.addi %add3A_300, %add3A_352 : i32
        %dma_start3A_354 = arith.constant 2 : i32
        %dma_start3A_355 = arith.constant 2 : i32
        %dma_start3A_356 = arith.constant 0 : i32
        %dma_start3A_357 = arith.constant 0 : i32
        %dma_start3A_358 = tpu.memref_slice %arg10[%dma_start3A_354, %dma_start3A_356, %dma_start3A_357] : memref<4x50x128xf32, #tpu.memory_space<vmem>> -> memref<1x50x128xf32, #tpu.memory_space<vmem>>
        %dma_start3A_359 = tpu.memref_squeeze %dma_start3A_358 : memref<1x50x128xf32, #tpu.memory_space<vmem>> -> memref<50x128xf32, #tpu.memory_space<vmem>>
        %dma_start3A_360 = arith.constant 0 : i32
        %dma_start3A_361 = tpu.memref_slice %arg8[%add3A_353, %dma_start3A_360] : memref<200x50xi32, #tpu.memory_space<vmem>> -> memref<1x50xi32, #tpu.memory_space<vmem>>
        %dma_start3A_362 = tpu.memref_squeeze %dma_start3A_361 : memref<1x50xi32, #tpu.memory_space<vmem>> -> memref<50xi32, #tpu.memory_space<vmem>>
        %dma_start3A_363 = arith.constant 0 : i32
        %dma_start3A_364 = arith.constant 0 : i32
        %dma_start3A_365 = tpu.memref_slice %arg2[%dma_start3A_363, %dma_start3A_364] : memref<10000x128xf32, #tpu.memory_space<hbm>> -> memref<10000x128xf32, #tpu.memory_space<hbm>>
        %dma_start3A_366 = tpu.memref_slice %arg11[%dma_start3A_355] : memref<4x!tpu.dma_semaphore, #tpu.memory_space<semaphore_mem>> -> memref<1x!tpu.dma_semaphore, #tpu.memory_space<semaphore_mem>>
        %dma_start3A_367 = tpu.memref_squeeze %dma_start3A_366 : memref<1x!tpu.dma_semaphore, #tpu.memory_space<semaphore_mem>> -> memref<!tpu.dma_semaphore, #tpu.memory_space<semaphore_mem>>
        tpu.enqueue_indirect_dma source(%dma_start3A_365 : memref<10000x128xf32, #tpu.memory_space<hbm>>) target(%dma_start3A_359 : memref<50x128xf32, #tpu.memory_space<vmem>>) offsets(%dma_start3A_362 : memref<50xi32, #tpu.memory_space<vmem>>) semaphore(%dma_start3A_367 : memref<!tpu.dma_semaphore, #tpu.memory_space<semaphore_mem>>)
      } else {
      }
      %scan3A_336 = arith.constant 0 : i32
      scf.yield %scan3A_336 : i32
    }
    %scan3A_102 = arith.constant 50 : i32
    %dma_wait3A_103 = arith.constant 0 : i32
    %dma_wait3A_104 = arith.constant 196 : i32
    %dma_wait3A_105 = arith.constant 0 : i32
    %dma_wait3A_106 = arith.constant 0 : i32
    %dma_wait3A_107 = arith.constant 0 : i32
    %dma_wait3A_108 = tpu.memref_slice %arg10[%dma_wait3A_103, %dma_wait3A_106, %dma_wait3A_107] : memref<4x50x128xf32, #tpu.memory_space<vmem>> -> memref<1x50x128xf32, #tpu.memory_space<vmem>>
    %dma_wait3A_109 = tpu.memref_squeeze %dma_wait3A_108 : memref<1x50x128xf32, #tpu.memory_space<vmem>> -> memref<50x128xf32, #tpu.memory_space<vmem>>
    %dma_wait3A_110 = arith.constant 0 : i32
    %dma_wait3A_111 = tpu.memref_slice %arg9[%dma_wait3A_104, %dma_wait3A_110] : memref<200x50xi32, #tpu.memory_space<vmem>> -> memref<1x50xi32, #tpu.memory_space<vmem>>
    %dma_wait3A_112 = tpu.memref_squeeze %dma_wait3A_111 : memref<1x50xi32, #tpu.memory_space<vmem>> -> memref<50xi32, #tpu.memory_space<vmem>>
    %dma_wait3A_113 = arith.constant 0 : i32
    %dma_wait3A_114 = arith.constant 0 : i32
    %dma_wait3A_115 = tpu.memref_slice %arg7[%dma_wait3A_113, %dma_wait3A_114] : memref<10000x128xf32, #tpu.memory_space<vmem_shared>> -> memref<10000x128xf32, #tpu.memory_space<vmem_shared>>
    %dma_wait3A_116 = tpu.memref_slice %arg12[%dma_wait3A_105] : memref<4x!tpu.dma_semaphore, #tpu.memory_space<semaphore_mem>> -> memref<1x!tpu.dma_semaphore, #tpu.memory_space<semaphore_mem>>
    %dma_wait3A_117 = tpu.memref_squeeze %dma_wait3A_116 : memref<1x!tpu.dma_semaphore, #tpu.memory_space<semaphore_mem>> -> memref<!tpu.dma_semaphore, #tpu.memory_space<semaphore_mem>>
    tpu.wait_indirect_dma semaphore(%dma_wait3A_117 : memref<!tpu.dma_semaphore, #tpu.memory_space<semaphore_mem>>) src(%dma_wait3A_109 : memref<50x128xf32, #tpu.memory_space<vmem>>) dst(%dma_wait3A_115 : memref<10000x128xf32, #tpu.memory_space<vmem_shared>>)
    %dma_wait3A_118 = arith.constant 1 : i32
    %dma_wait3A_119 = arith.constant 197 : i32
    %dma_wait3A_120 = arith.constant 1 : i32
    %dma_wait3A_121 = arith.constant 0 : i32
    %dma_wait3A_122 = arith.constant 0 : i32
    %dma_wait3A_123 = tpu.memref_slice %arg10[%dma_wait3A_118, %dma_wait3A_121, %dma_wait3A_122] : memref<4x50x128xf32, #tpu.memory_space<vmem>> -> memref<1x50x128xf32, #tpu.memory_space<vmem>>
    %dma_wait3A_124 = tpu.memref_squeeze %dma_wait3A_123 : memref<1x50x128xf32, #tpu.memory_space<vmem>> -> memref<50x128xf32, #tpu.memory_space<vmem>>
    %dma_wait3A_125 = arith.constant 0 : i32
    %dma_wait3A_126 = tpu.memref_slice %arg9[%dma_wait3A_119, %dma_wait3A_125] : memref<200x50xi32, #tpu.memory_space<vmem>> -> memref<1x50xi32, #tpu.memory_space<vmem>>
    %dma_wait3A_127 = tpu.memref_squeeze %dma_wait3A_126 : memref<1x50xi32, #tpu.memory_space<vmem>> -> memref<50xi32, #tpu.memory_space<vmem>>
    %dma_wait3A_128 = arith.constant 0 : i32
    %dma_wait3A_129 = arith.constant 0 : i32
    %dma_wait3A_130 = tpu.memref_slice %arg7[%dma_wait3A_128, %dma_wait3A_129] : memref<10000x128xf32, #tpu.memory_space<vmem_shared>> -> memref<10000x128xf32, #tpu.memory_space<vmem_shared>>
    %dma_wait3A_131 = tpu.memref_slice %arg12[%dma_wait3A_120] : memref<4x!tpu.dma_semaphore, #tpu.memory_space<semaphore_mem>> -> memref<1x!tpu.dma_semaphore, #tpu.memory_space<semaphore_mem>>
    %dma_wait3A_132 = tpu.memref_squeeze %dma_wait3A_131 : memref<1x!tpu.dma_semaphore, #tpu.memory_space<semaphore_mem>> -> memref<!tpu.dma_semaphore, #tpu.memory_space<semaphore_mem>>
    tpu.wait_indirect_dma semaphore(%dma_wait3A_132 : memref<!tpu.dma_semaphore, #tpu.memory_space<semaphore_mem>>) src(%dma_wait3A_124 : memref<50x128xf32, #tpu.memory_space<vmem>>) dst(%dma_wait3A_130 : memref<10000x128xf32, #tpu.memory_space<vmem_shared>>)
    %dma_wait3A_133 = arith.constant 2 : i32
    %dma_wait3A_134 = arith.constant 198 : i32
    %dma_wait3A_135 = arith.constant 2 : i32
    %dma_wait3A_136 = arith.constant 0 : i32
    %dma_wait3A_137 = arith.constant 0 : i32
    %dma_wait3A_138 = tpu.memref_slice %arg10[%dma_wait3A_133, %dma_wait3A_136, %dma_wait3A_137] : memref<4x50x128xf32, #tpu.memory_space<vmem>> -> memref<1x50x128xf32, #tpu.memory_space<vmem>>
    %dma_wait3A_139 = tpu.memref_squeeze %dma_wait3A_138 : memref<1x50x128xf32, #tpu.memory_space<vmem>> -> memref<50x128xf32, #tpu.memory_space<vmem>>
    %dma_wait3A_140 = arith.constant 0 : i32
    %dma_wait3A_141 = tpu.memref_slice %arg9[%dma_wait3A_134, %dma_wait3A_140] : memref<200x50xi32, #tpu.memory_space<vmem>> -> memref<1x50xi32, #tpu.memory_space<vmem>>
    %dma_wait3A_142 = tpu.memref_squeeze %dma_wait3A_141 : memref<1x50xi32, #tpu.memory_space<vmem>> -> memref<50xi32, #tpu.memory_space<vmem>>
    %dma_wait3A_143 = arith.constant 0 : i32
    %dma_wait3A_144 = arith.constant 0 : i32
    %dma_wait3A_145 = tpu.memref_slice %arg7[%dma_wait3A_143, %dma_wait3A_144] : memref<10000x128xf32, #tpu.memory_space<vmem_shared>> -> memref<10000x128xf32, #tpu.memory_space<vmem_shared>>
    %dma_wait3A_146 = tpu.memref_slice %arg12[%dma_wait3A_135] : memref<4x!tpu.dma_semaphore, #tpu.memory_space<semaphore_mem>> -> memref<1x!tpu.dma_semaphore, #tpu.memory_space<semaphore_mem>>
    %dma_wait3A_147 = tpu.memref_squeeze %dma_wait3A_146 : memref<1x!tpu.dma_semaphore, #tpu.memory_space<semaphore_mem>> -> memref<!tpu.dma_semaphore, #tpu.memory_space<semaphore_mem>>
    tpu.wait_indirect_dma semaphore(%dma_wait3A_147 : memref<!tpu.dma_semaphore, #tpu.memory_space<semaphore_mem>>) src(%dma_wait3A_139 : memref<50x128xf32, #tpu.memory_space<vmem>>) dst(%dma_wait3A_145 : memref<10000x128xf32, #tpu.memory_space<vmem_shared>>)
    %dma_wait3A_148 = arith.constant 3 : i32
    %dma_wait3A_149 = arith.constant 199 : i32
    %dma_wait3A_150 = arith.constant 3 : i32
    %dma_wait3A_151 = arith.constant 0 : i32
    %dma_wait3A_152 = arith.constant 0 : i32
    %dma_wait3A_153 = tpu.memref_slice %arg10[%dma_wait3A_148, %dma_wait3A_151, %dma_wait3A_152] : memref<4x50x128xf32, #tpu.memory_space<vmem>> -> memref<1x50x128xf32, #tpu.memory_space<vmem>>
    %dma_wait3A_154 = tpu.memref_squeeze %dma_wait3A_153 : memref<1x50x128xf32, #tpu.memory_space<vmem>> -> memref<50x128xf32, #tpu.memory_space<vmem>>
    %dma_wait3A_155 = arith.constant 0 : i32
    %dma_wait3A_156 = tpu.memref_slice %arg9[%dma_wait3A_149, %dma_wait3A_155] : memref<200x50xi32, #tpu.memory_space<vmem>> -> memref<1x50xi32, #tpu.memory_space<vmem>>
    %dma_wait3A_157 = tpu.memref_squeeze %dma_wait3A_156 : memref<1x50xi32, #tpu.memory_space<vmem>> -> memref<50xi32, #tpu.memory_space<vmem>>
    %dma_wait3A_158 = arith.constant 0 : i32
    %dma_wait3A_159 = arith.constant 0 : i32
    %dma_wait3A_160 = tpu.memref_slice %arg7[%dma_wait3A_158, %dma_wait3A_159] : memref<10000x128xf32, #tpu.memory_space<vmem_shared>> -> memref<10000x128xf32, #tpu.memory_space<vmem_shared>>
    %dma_wait3A_161 = tpu.memref_slice %arg12[%dma_wait3A_150] : memref<4x!tpu.dma_semaphore, #tpu.memory_space<semaphore_mem>> -> memref<1x!tpu.dma_semaphore, #tpu.memory_space<semaphore_mem>>
    %dma_wait3A_162 = tpu.memref_squeeze %dma_wait3A_161 : memref<1x!tpu.dma_semaphore, #tpu.memory_space<semaphore_mem>> -> memref<!tpu.dma_semaphore, #tpu.memory_space<semaphore_mem>>
    tpu.wait_indirect_dma semaphore(%dma_wait3A_162 : memref<!tpu.dma_semaphore, #tpu.memory_space<semaphore_mem>>) src(%dma_wait3A_154 : memref<50x128xf32, #tpu.memory_space<vmem>>) dst(%dma_wait3A_160 : memref<10000x128xf32, #tpu.memory_space<vmem_shared>>)
    %barrier3A_163 = arith.constant 0 : index
    tpu.barrier barrier_id(%barrier3A_163)
    %mul3A_164 = arith.constant 624 : i32
    %mul3A_165 = arith.muli %arg1, %mul3A_164 : i32
    %mul3A_166 = arith.constant 624 : i32
    %mul3A_167 = arith.muli %arg1, %mul3A_166 : i32
    "tpu.region"() ({
      %run_scoped3A = tpu.sem_alloc : memref<!tpu.dma_semaphore, #tpu.memory_space<semaphore_mem>>
      %dma_start3A_173 = arith.constant 0 : i32
      %dma_start3A_174 = tpu.memref_slice %arg6[%arg0, %mul3A_167, %dma_start3A_173] : memref<2x10000x128xf32, #tpu.memory_space<hbm>> -> memref<1x624x128xf32, #tpu.memory_space<hbm>>
      %dma_start3A_175 = tpu.memref_squeeze %dma_start3A_174 : memref<1x624x128xf32, #tpu.memory_space<hbm>> -> memref<624x128xf32, #tpu.memory_space<hbm>>
      %dma_start3A_176 = arith.constant 0 : i32
      %dma_start3A_177 = tpu.memref_slice %arg7[%mul3A_165, %dma_start3A_176] : memref<10000x128xf32, #tpu.memory_space<vmem_shared>> -> memref<624x128xf32, #tpu.memory_space<vmem_shared>>
      tpu.enqueue_dma source(%dma_start3A_177 : memref<624x128xf32, #tpu.memory_space<vmem_shared>>) target(%dma_start3A_175 : memref<624x128xf32, #tpu.memory_space<hbm>>) target_semaphore(%run_scoped3A : memref<!tpu.dma_semaphore, #tpu.memory_space<semaphore_mem>>)
      %dma_wait3A_178 = arith.constant 0 : i32
      %dma_wait3A_179 = tpu.memref_slice %arg6[%arg0, %mul3A_167, %dma_wait3A_178] : memref<2x10000x128xf32, #tpu.memory_space<hbm>> -> memref<1x624x128xf32, #tpu.memory_space<hbm>>
      %dma_wait3A_180 = tpu.memref_squeeze %dma_wait3A_179 : memref<1x624x128xf32, #tpu.memory_space<hbm>> -> memref<624x128xf32, #tpu.memory_space<hbm>>
      %dma_wait3A_181 = arith.constant 0 : i32
      %dma_wait3A_182 = tpu.memref_slice %arg7[%mul3A_165, %dma_wait3A_181] : memref<10000x128xf32, #tpu.memory_space<vmem_shared>> -> memref<624x128xf32, #tpu.memory_space<vmem_shared>>
      tpu.wait_dma2 semaphore(%run_scoped3A : memref<!tpu.dma_semaphore, #tpu.memory_space<semaphore_mem>>) src(%dma_wait3A_182 : memref<624x128xf32, #tpu.memory_space<vmem_shared>>) dst(%dma_wait3A_180 : memref<624x128xf32, #tpu.memory_space<hbm>>)
      tpu.yield
    }) : () -> ()
    %eq3A_168 = arith.constant 15 : i32
    %eq3A_169 = arith.cmpi eq, %arg1, %eq3A_168 : i32
    %convert_element_type3A_170 = arith.extui %eq3A_169 : i1 to i32
    %cond3A_171 = arith.constant 0 : i32
    %cond3A_172 = arith.cmpi ne, %convert_element_type3A_170, %cond3A_171 : i32
    scf.if %cond3A_172 {
      "tpu.region"() ({
        %run_scoped3A = tpu.sem_alloc : memref<!tpu.dma_semaphore, #tpu.memory_space<semaphore_mem>>
        %dma_start3A_173 = arith.constant 9984 : i32
        %dma_start3A_174 = arith.constant 0 : i32
        %dma_start3A_175 = tpu.memref_slice %arg6[%arg0, %dma_start3A_173, %dma_start3A_174] : memref<2x10000x128xf32, #tpu.memory_space<hbm>> -> memref<1x16x128xf32, #tpu.memory_space<hbm>>
        %dma_start3A_176 = tpu.memref_squeeze %dma_start3A_175 : memref<1x16x128xf32, #tpu.memory_space<hbm>> -> memref<16x128xf32, #tpu.memory_space<hbm>>
        %dma_start3A_177 = arith.constant 9984 : i32
        %dma_start3A_178 = arith.constant 0 : i32
        %dma_start3A_179 = tpu.memref_slice %arg7[%dma_start3A_177, %dma_start3A_178] : memref<10000x128xf32, #tpu.memory_space<vmem_shared>> -> memref<16x128xf32, #tpu.memory_space<vmem_shared>>
        tpu.enqueue_dma source(%dma_start3A_179 : memref<16x128xf32, #tpu.memory_space<vmem_shared>>) target(%dma_start3A_176 : memref<16x128xf32, #tpu.memory_space<hbm>>) target_semaphore(%run_scoped3A : memref<!tpu.dma_semaphore, #tpu.memory_space<semaphore_mem>>)
        %dma_wait3A_180 = arith.constant 9984 : i32
        %dma_wait3A_181 = arith.constant 0 : i32
        %dma_wait3A_182 = tpu.memref_slice %arg6[%arg0, %dma_wait3A_180, %dma_wait3A_181] : memref<2x10000x128xf32, #tpu.memory_space<hbm>> -> memref<1x16x128xf32, #tpu.memory_space<hbm>>
        %dma_wait3A_183 = tpu.memref_squeeze %dma_wait3A_182 : memref<1x16x128xf32, #tpu.memory_space<hbm>> -> memref<16x128xf32, #tpu.memory_space<hbm>>
        %dma_wait3A_184 = arith.constant 9984 : i32
        %dma_wait3A_185 = arith.constant 0 : i32
        %dma_wait3A_186 = tpu.memref_slice %arg7[%dma_wait3A_184, %dma_wait3A_185] : memref<10000x128xf32, #tpu.memory_space<vmem_shared>> -> memref<16x128xf32, #tpu.memory_space<vmem_shared>>
        tpu.wait_dma2 semaphore(%run_scoped3A : memref<!tpu.dma_semaphore, #tpu.memory_space<semaphore_mem>>) src(%dma_wait3A_186 : memref<16x128xf32, #tpu.memory_space<vmem_shared>>) dst(%dma_wait3A_183 : memref<16x128xf32, #tpu.memory_space<hbm>>)
        tpu.yield
      }) : () -> ()
    } else {
    }
    return
  }
}

#map = affine_map<(d0, d1) -> (0, 0)>
#map1 = affine_map<(d0, d1) -> (0, 0, 0)>
module attributes {stable_mosaic.version = 14 : i64} {
  func.func @_seg_sc(%arg0: i32, %arg1: i32, %arg2: memref<10000x128xf32, #tpu.memory_space<hbm>>, %arg3: memref<32x200x50xi32, #tpu.memory_space<hbm>>, %arg4: memref<32x200x50xi32, #tpu.memory_space<hbm>>, %arg5: memref<624x128xf32, #tpu.memory_space<hbm>>, %arg6: memref<2x10000x128xf32, #tpu.memory_space<hbm>>, %arg7: memref<10000x128xf32, #tpu.memory_space<vmem_shared>>, %arg8: memref<200x50xi32, #tpu.memory_space<vmem>>, %arg9: memref<200x50xi32, #tpu.memory_space<vmem>>, %arg10: memref<4x50x128xf32, #tpu.memory_space<vmem>>, %arg11: memref<4x!tpu.dma_semaphore, #tpu.memory_space<semaphore_mem>>, %arg12: memref<4x!tpu.dma_semaphore, #tpu.memory_space<semaphore_mem>>, %arg13: memref<!tpu.dma_semaphore, #tpu.memory_space<semaphore_mem>>, %arg14: memref<!tpu.dma_semaphore, #tpu.memory_space<semaphore_mem>>, %arg15: memref<!tpu.dma_semaphore, #tpu.memory_space<semaphore_mem>>) attributes {dimension_semantics = [#tpu.dimension_semantics<core_parallel>, #tpu.dimension_semantics<subcore_parallel>], iteration_bounds = array<i64: 2, 16>, scalar_prefetch = 0 : i64, scratch_operands = 9 : i64, tpu.core_type = #tpu.core_type<sc_vector_subcore>, window_params = [{transform_indices = #map}, {transform_indices = #map1}, {transform_indices = #map1}, {transform_indices = #map}, {transform_indices = #map1}]} {
    %mul3A = arith.constant 624 : i32
    %mul3A_0 = arith.muli %arg1, %mul3A : i32
    %dma_start3A = arith.constant 0 : i32
    %dma_start3A_1 = tpu.memref_slice %arg7[%mul3A_0, %dma_start3A] : memref<10000x128xf32, #tpu.memory_space<vmem_shared>> -> memref<624x128xf32, #tpu.memory_space<vmem_shared>>
    %dma_start3A_2 = arith.constant 0 : i32
    %dma_start3A_3 = arith.constant 0 : i32
    %dma_start3A_4 = tpu.memref_slice %arg5[%dma_start3A_2, %dma_start3A_3] : memref<624x128xf32, #tpu.memory_space<hbm>> -> memref<624x128xf32, #tpu.memory_space<hbm>>
    tpu.enqueue_dma source(%dma_start3A_4 : memref<624x128xf32, #tpu.memory_space<hbm>>) target(%dma_start3A_1 : memref<624x128xf32, #tpu.memory_space<vmem_shared>>) target_semaphore(%arg13 : memref<!tpu.dma_semaphore, #tpu.memory_space<semaphore_mem>>)
    %eq3A = arith.constant 15 : i32
    %eq3A_5 = arith.cmpi eq, %arg1, %eq3A : i32
    %convert_element_type3A = arith.extui %eq3A_5 : i1 to i32
    %cond3A = arith.constant 0 : i32
    %cond3A_6 = arith.cmpi ne, %convert_element_type3A, %cond3A : i32
    scf.if %cond3A_6 {
      %dma_start3A_173 = arith.constant 9984 : i32
      %dma_start3A_174 = arith.constant 0 : i32
      %dma_start3A_175 = tpu.memref_slice %arg7[%dma_start3A_173, %dma_start3A_174] : memref<10000x128xf32, #tpu.memory_space<vmem_shared>> -> memref<16x128xf32, #tpu.memory_space<vmem_shared>>
      %dma_start3A_176 = arith.constant 0 : i32
      %dma_start3A_177 = arith.constant 0 : i32
      %dma_start3A_178 = tpu.memref_slice %arg5[%dma_start3A_176, %dma_start3A_177] : memref<624x128xf32, #tpu.memory_space<hbm>> -> memref<16x128xf32, #tpu.memory_space<hbm>>
      tpu.enqueue_dma source(%dma_start3A_178 : memref<16x128xf32, #tpu.memory_space<hbm>>) target(%dma_start3A_175 : memref<16x128xf32, #tpu.memory_space<vmem_shared>>) target_semaphore(%arg13 : memref<!tpu.dma_semaphore, #tpu.memory_space<semaphore_mem>>)
    } else {
    }
    %mul3A_7 = arith.constant 16 : i32
    %mul3A_8 = arith.muli %arg0, %mul3A_7 : i32
    %add3A = arith.addi %mul3A_8, %arg1 : i32
    %dma_start3A_9 = arith.constant 0 : i32
    %dma_start3A_10 = arith.constant 0 : i32
    %dma_start3A_11 = tpu.memref_slice %arg3[%add3A, %dma_start3A_9, %dma_start3A_10] : memref<32x200x50xi32, #tpu.memory_space<hbm>> -> memref<1x200x50xi32, #tpu.memory_space<hbm>>
    %dma_start3A_12 = tpu.memref_squeeze %dma_start3A_11 : memref<1x200x50xi32, #tpu.memory_space<hbm>> -> memref<200x50xi32, #tpu.memory_space<hbm>>
    %dma_start3A_13 = arith.constant 0 : i32
    %dma_start3A_14 = arith.constant 0 : i32
    %dma_start3A_15 = tpu.memref_slice %arg3[%add3A, %dma_start3A_13, %dma_start3A_14] : memref<32x200x50xi32, #tpu.memory_space<hbm>> -> memref<1x200x50xi32, #tpu.memory_space<hbm>>
    %dma_start3A_16 = tpu.memref_squeeze %dma_start3A_15 : memref<1x200x50xi32, #tpu.memory_space<hbm>> -> memref<200x50xi32, #tpu.memory_space<hbm>>
    tpu.enqueue_dma source(%dma_start3A_16 : memref<200x50xi32, #tpu.memory_space<hbm>>) target(%arg8 : memref<200x50xi32, #tpu.memory_space<vmem>>) target_semaphore(%arg14 : memref<!tpu.dma_semaphore, #tpu.memory_space<semaphore_mem>>)
    %dma_start3A_17 = arith.constant 0 : i32
    %dma_start3A_18 = arith.constant 0 : i32
    %dma_start3A_19 = tpu.memref_slice %arg4[%add3A, %dma_start3A_17, %dma_start3A_18] : memref<32x200x50xi32, #tpu.memory_space<hbm>> -> memref<1x200x50xi32, #tpu.memory_space<hbm>>
    %dma_start3A_20 = tpu.memref_squeeze %dma_start3A_19 : memref<1x200x50xi32, #tpu.memory_space<hbm>> -> memref<200x50xi32, #tpu.memory_space<hbm>>
    %dma_start3A_21 = arith.constant 0 : i32
    %dma_start3A_22 = arith.constant 0 : i32
    %dma_start3A_23 = tpu.memref_slice %arg4[%add3A, %dma_start3A_21, %dma_start3A_22] : memref<32x200x50xi32, #tpu.memory_space<hbm>> -> memref<1x200x50xi32, #tpu.memory_space<hbm>>
    %dma_start3A_24 = tpu.memref_squeeze %dma_start3A_23 : memref<1x200x50xi32, #tpu.memory_space<hbm>> -> memref<200x50xi32, #tpu.memory_space<hbm>>
    tpu.enqueue_dma source(%dma_start3A_24 : memref<200x50xi32, #tpu.memory_space<hbm>>) target(%arg9 : memref<200x50xi32, #tpu.memory_space<vmem>>) target_semaphore(%arg15 : memref<!tpu.dma_semaphore, #tpu.memory_space<semaphore_mem>>)
    %dma_wait3A = arith.constant 0 : i32
    %dma_wait3A_25 = arith.constant 0 : i32
    %dma_wait3A_26 = tpu.memref_slice %arg3[%add3A, %dma_wait3A, %dma_wait3A_25] : memref<32x200x50xi32, #tpu.memory_space<hbm>> -> memref<1x200x50xi32, #tpu.memory_space<hbm>>
    %dma_wait3A_27 = tpu.memref_squeeze %dma_wait3A_26 : memref<1x200x50xi32, #tpu.memory_space<hbm>> -> memref<200x50xi32, #tpu.memory_space<hbm>>
    %dma_wait3A_28 = arith.constant 0 : i32
    %dma_wait3A_29 = arith.constant 0 : i32
    %dma_wait3A_30 = tpu.memref_slice %arg3[%add3A, %dma_wait3A_28, %dma_wait3A_29] : memref<32x200x50xi32, #tpu.memory_space<hbm>> -> memref<1x200x50xi32, #tpu.memory_space<hbm>>
    %dma_wait3A_31 = tpu.memref_squeeze %dma_wait3A_30 : memref<1x200x50xi32, #tpu.memory_space<hbm>> -> memref<200x50xi32, #tpu.memory_space<hbm>>
    tpu.wait_dma2 semaphore(%arg14 : memref<!tpu.dma_semaphore, #tpu.memory_space<semaphore_mem>>) src(%dma_wait3A_31 : memref<200x50xi32, #tpu.memory_space<hbm>>) dst(%arg8 : memref<200x50xi32, #tpu.memory_space<vmem>>)
    %dma_wait3A_32 = arith.constant 0 : i32
    %dma_wait3A_33 = arith.constant 0 : i32
    %dma_wait3A_34 = tpu.memref_slice %arg4[%add3A, %dma_wait3A_32, %dma_wait3A_33] : memref<32x200x50xi32, #tpu.memory_space<hbm>> -> memref<1x200x50xi32, #tpu.memory_space<hbm>>
    %dma_wait3A_35 = tpu.memref_squeeze %dma_wait3A_34 : memref<1x200x50xi32, #tpu.memory_space<hbm>> -> memref<200x50xi32, #tpu.memory_space<hbm>>
    %dma_wait3A_36 = arith.constant 0 : i32
    %dma_wait3A_37 = arith.constant 0 : i32
    %dma_wait3A_38 = tpu.memref_slice %arg4[%add3A, %dma_wait3A_36, %dma_wait3A_37] : memref<32x200x50xi32, #tpu.memory_space<hbm>> -> memref<1x200x50xi32, #tpu.memory_space<hbm>>
    %dma_wait3A_39 = tpu.memref_squeeze %dma_wait3A_38 : memref<1x200x50xi32, #tpu.memory_space<hbm>> -> memref<200x50xi32, #tpu.memory_space<hbm>>
    tpu.wait_dma2 semaphore(%arg15 : memref<!tpu.dma_semaphore, #tpu.memory_space<semaphore_mem>>) src(%dma_wait3A_39 : memref<200x50xi32, #tpu.memory_space<hbm>>) dst(%arg9 : memref<200x50xi32, #tpu.memory_space<vmem>>)
    %dma_start3A_40 = arith.constant 0 : i32
    %dma_start3A_41 = arith.constant 0 : i32
    %dma_start3A_42 = arith.constant 0 : i32
    %dma_start3A_43 = arith.constant 0 : i32
    %dma_start3A_44 = arith.constant 0 : i32
    %dma_start3A_45 = tpu.memref_slice %arg10[%dma_start3A_41, %dma_start3A_43, %dma_start3A_44] : memref<4x50x128xf32, #tpu.memory_space<vmem>> -> memref<1x50x128xf32, #tpu.memory_space<vmem>>
    %dma_start3A_46 = tpu.memref_squeeze %dma_start3A_45 : memref<1x50x128xf32, #tpu.memory_space<vmem>> -> memref<50x128xf32, #tpu.memory_space<vmem>>
    %dma_start3A_47 = arith.constant 0 : i32
    %dma_start3A_48 = tpu.memref_slice %arg8[%dma_start3A_40, %dma_start3A_47] : memref<200x50xi32, #tpu.memory_space<vmem>> -> memref<1x50xi32, #tpu.memory_space<vmem>>
    %dma_start3A_49 = tpu.memref_squeeze %dma_start3A_48 : memref<1x50xi32, #tpu.memory_space<vmem>> -> memref<50xi32, #tpu.memory_space<vmem>>
    %dma_start3A_50 = arith.constant 0 : i32
    %dma_start3A_51 = arith.constant 0 : i32
    %dma_start3A_52 = tpu.memref_slice %arg2[%dma_start3A_50, %dma_start3A_51] : memref<10000x128xf32, #tpu.memory_space<hbm>> -> memref<10000x128xf32, #tpu.memory_space<hbm>>
    %dma_start3A_53 = tpu.memref_slice %arg11[%dma_start3A_42] : memref<4x!tpu.dma_semaphore, #tpu.memory_space<semaphore_mem>> -> memref<1x!tpu.dma_semaphore, #tpu.memory_space<semaphore_mem>>
    %dma_start3A_54 = tpu.memref_squeeze %dma_start3A_53 : memref<1x!tpu.dma_semaphore, #tpu.memory_space<semaphore_mem>> -> memref<!tpu.dma_semaphore, #tpu.memory_space<semaphore_mem>>
    tpu.enqueue_indirect_dma source(%dma_start3A_52 : memref<10000x128xf32, #tpu.memory_space<hbm>>) target(%dma_start3A_46 : memref<50x128xf32, #tpu.memory_space<vmem>>) offsets(%dma_start3A_49 : memref<50xi32, #tpu.memory_space<vmem>>) semaphore(%dma_start3A_54 : memref<!tpu.dma_semaphore, #tpu.memory_space<semaphore_mem>>)
    %dma_start3A_55 = arith.constant 1 : i32
    %dma_start3A_56 = arith.constant 1 : i32
    %dma_start3A_57 = arith.constant 1 : i32
    %dma_start3A_58 = arith.constant 0 : i32
    %dma_start3A_59 = arith.constant 0 : i32
    %dma_start3A_60 = tpu.memref_slice %arg10[%dma_start3A_56, %dma_start3A_58, %dma_start3A_59] : memref<4x50x128xf32, #tpu.memory_space<vmem>> -> memref<1x50x128xf32, #tpu.memory_space<vmem>>
    %dma_start3A_61 = tpu.memref_squeeze %dma_start3A_60 : memref<1x50x128xf32, #tpu.memory_space<vmem>> -> memref<50x128xf32, #tpu.memory_space<vmem>>
    %dma_start3A_62 = arith.constant 0 : i32
    %dma_start3A_63 = tpu.memref_slice %arg8[%dma_start3A_55, %dma_start3A_62] : memref<200x50xi32, #tpu.memory_space<vmem>> -> memref<1x50xi32, #tpu.memory_space<vmem>>
    %dma_start3A_64 = tpu.memref_squeeze %dma_start3A_63 : memref<1x50xi32, #tpu.memory_space<vmem>> -> memref<50xi32, #tpu.memory_space<vmem>>
    %dma_start3A_65 = arith.constant 0 : i32
    %dma_start3A_66 = arith.constant 0 : i32
    %dma_start3A_67 = tpu.memref_slice %arg2[%dma_start3A_65, %dma_start3A_66] : memref<10000x128xf32, #tpu.memory_space<hbm>> -> memref<10000x128xf32, #tpu.memory_space<hbm>>
    %dma_start3A_68 = tpu.memref_slice %arg11[%dma_start3A_57] : memref<4x!tpu.dma_semaphore, #tpu.memory_space<semaphore_mem>> -> memref<1x!tpu.dma_semaphore, #tpu.memory_space<semaphore_mem>>
    %dma_start3A_69 = tpu.memref_squeeze %dma_start3A_68 : memref<1x!tpu.dma_semaphore, #tpu.memory_space<semaphore_mem>> -> memref<!tpu.dma_semaphore, #tpu.memory_space<semaphore_mem>>
    tpu.enqueue_indirect_dma source(%dma_start3A_67 : memref<10000x128xf32, #tpu.memory_space<hbm>>) target(%dma_start3A_61 : memref<50x128xf32, #tpu.memory_space<vmem>>) offsets(%dma_start3A_64 : memref<50xi32, #tpu.memory_space<vmem>>) semaphore(%dma_start3A_69 : memref<!tpu.dma_semaphore, #tpu.memory_space<semaphore_mem>>)
    %dma_start3A_70 = arith.constant 2 : i32
    %dma_start3A_71 = arith.constant 2 : i32
    %dma_start3A_72 = arith.constant 2 : i32
    %dma_start3A_73 = arith.constant 0 : i32
    %dma_start3A_74 = arith.constant 0 : i32
    %dma_start3A_75 = tpu.memref_slice %arg10[%dma_start3A_71, %dma_start3A_73, %dma_start3A_74] : memref<4x50x128xf32, #tpu.memory_space<vmem>> -> memref<1x50x128xf32, #tpu.memory_space<vmem>>
    %dma_start3A_76 = tpu.memref_squeeze %dma_start3A_75 : memref<1x50x128xf32, #tpu.memory_space<vmem>> -> memref<50x128xf32, #tpu.memory_space<vmem>>
    %dma_start3A_77 = arith.constant 0 : i32
    %dma_start3A_78 = tpu.memref_slice %arg8[%dma_start3A_70, %dma_start3A_77] : memref<200x50xi32, #tpu.memory_space<vmem>> -> memref<1x50xi32, #tpu.memory_space<vmem>>
    %dma_start3A_79 = tpu.memref_squeeze %dma_start3A_78 : memref<1x50xi32, #tpu.memory_space<vmem>> -> memref<50xi32, #tpu.memory_space<vmem>>
    %dma_start3A_80 = arith.constant 0 : i32
    %dma_start3A_81 = arith.constant 0 : i32
    %dma_start3A_82 = tpu.memref_slice %arg2[%dma_start3A_80, %dma_start3A_81] : memref<10000x128xf32, #tpu.memory_space<hbm>> -> memref<10000x128xf32, #tpu.memory_space<hbm>>
    %dma_start3A_83 = tpu.memref_slice %arg11[%dma_start3A_72] : memref<4x!tpu.dma_semaphore, #tpu.memory_space<semaphore_mem>> -> memref<1x!tpu.dma_semaphore, #tpu.memory_space<semaphore_mem>>
    %dma_start3A_84 = tpu.memref_squeeze %dma_start3A_83 : memref<1x!tpu.dma_semaphore, #tpu.memory_space<semaphore_mem>> -> memref<!tpu.dma_semaphore, #tpu.memory_space<semaphore_mem>>
    tpu.enqueue_indirect_dma source(%dma_start3A_82 : memref<10000x128xf32, #tpu.memory_space<hbm>>) target(%dma_start3A_76 : memref<50x128xf32, #tpu.memory_space<vmem>>) offsets(%dma_start3A_79 : memref<50xi32, #tpu.memory_space<vmem>>) semaphore(%dma_start3A_84 : memref<!tpu.dma_semaphore, #tpu.memory_space<semaphore_mem>>)
    %mul3A_85 = arith.constant 624 : i32
    %mul3A_86 = arith.muli %arg1, %mul3A_85 : i32
    %dma_wait3A_87 = arith.constant 0 : i32
    %dma_wait3A_88 = tpu.memref_slice %arg7[%mul3A_86, %dma_wait3A_87] : memref<10000x128xf32, #tpu.memory_space<vmem_shared>> -> memref<624x128xf32, #tpu.memory_space<vmem_shared>>
    %dma_wait3A_89 = arith.constant 0 : i32
    %dma_wait3A_90 = arith.constant 0 : i32
    %dma_wait3A_91 = tpu.memref_slice %arg5[%dma_wait3A_89, %dma_wait3A_90] : memref<624x128xf32, #tpu.memory_space<hbm>> -> memref<624x128xf32, #tpu.memory_space<hbm>>
    tpu.wait_dma2 semaphore(%arg13 : memref<!tpu.dma_semaphore, #tpu.memory_space<semaphore_mem>>) src(%dma_wait3A_91 : memref<624x128xf32, #tpu.memory_space<hbm>>) dst(%dma_wait3A_88 : memref<624x128xf32, #tpu.memory_space<vmem_shared>>)
    %eq3A_92 = arith.constant 15 : i32
    %eq3A_93 = arith.cmpi eq, %arg1, %eq3A_92 : i32
    %convert_element_type3A_94 = arith.extui %eq3A_93 : i1 to i32
    %cond3A_95 = arith.constant 0 : i32
    %cond3A_96 = arith.cmpi ne, %convert_element_type3A_94, %cond3A_95 : i32
    scf.if %cond3A_96 {
      %dma_wait3A_173 = arith.constant 9984 : i32
      %dma_wait3A_174 = arith.constant 0 : i32
      %dma_wait3A_175 = tpu.memref_slice %arg7[%dma_wait3A_173, %dma_wait3A_174] : memref<10000x128xf32, #tpu.memory_space<vmem_shared>> -> memref<16x128xf32, #tpu.memory_space<vmem_shared>>
      %dma_wait3A_176 = arith.constant 0 : i32
      %dma_wait3A_177 = arith.constant 0 : i32
      %dma_wait3A_178 = tpu.memref_slice %arg5[%dma_wait3A_176, %dma_wait3A_177] : memref<624x128xf32, #tpu.memory_space<hbm>> -> memref<16x128xf32, #tpu.memory_space<hbm>>
      tpu.wait_dma2 semaphore(%arg13 : memref<!tpu.dma_semaphore, #tpu.memory_space<semaphore_mem>>) src(%dma_wait3A_178 : memref<16x128xf32, #tpu.memory_space<hbm>>) dst(%dma_wait3A_175 : memref<16x128xf32, #tpu.memory_space<vmem_shared>>)
    } else {
    }
    %barrier3A = arith.constant 0 : index
    tpu.barrier barrier_id(%barrier3A)
    %scan3A = arith.constant 0 : i32
    %scan3A_97 = arith.constant 0 : i32
    %scan3A_98 = arith.constant 50 : i32
    %scan3A_99 = arith.addi %scan3A_97, %scan3A_98 : i32
    %scan3A_100 = arith.constant 1 : i32
    %scan3A_101 = scf.for %scan3A_173 = %scan3A_97 to %scan3A_99 step %scan3A_100 iter_args(%scan3A_174 = %scan3A) -> (i32)  : i32 {
      %mul3A_175 = arith.constant 4 : i32
      %mul3A_176 = arith.muli %scan3A_173, %mul3A_175 : i32
      %add3A_177 = arith.constant 0 : i32
      %add3A_178 = arith.addi %mul3A_176, %add3A_177 : i32
      %dma_wait3A_179 = arith.constant 0 : i32
      %dma_wait3A_180 = arith.constant 0 : i32
      %dma_wait3A_181 = arith.constant 0 : i32
      %dma_wait3A_182 = arith.constant 0 : i32
      %dma_wait3A_183 = tpu.memref_slice %arg10[%dma_wait3A_179, %dma_wait3A_181, %dma_wait3A_182] : memref<4x50x128xf32, #tpu.memory_space<vmem>> -> memref<1x50x128xf32, #tpu.memory_space<vmem>>
      %dma_wait3A_184 = tpu.memref_squeeze %dma_wait3A_183 : memref<1x50x128xf32, #tpu.memory_space<vmem>> -> memref<50x128xf32, #tpu.memory_space<vmem>>
      %dma_wait3A_185 = arith.constant 0 : i32
      %dma_wait3A_186 = tpu.memref_slice %arg8[%add3A_178, %dma_wait3A_185] : memref<200x50xi32, #tpu.memory_space<vmem>> -> memref<1x50xi32, #tpu.memory_space<vmem>>
      %dma_wait3A_187 = tpu.memref_squeeze %dma_wait3A_186 : memref<1x50xi32, #tpu.memory_space<vmem>> -> memref<50xi32, #tpu.memory_space<vmem>>
      %dma_wait3A_188 = arith.constant 0 : i32
      %dma_wait3A_189 = arith.constant 0 : i32
      %dma_wait3A_190 = tpu.memref_slice %arg2[%dma_wait3A_188, %dma_wait3A_189] : memref<10000x128xf32, #tpu.memory_space<hbm>> -> memref<10000x128xf32, #tpu.memory_space<hbm>>
      %dma_wait3A_191 = tpu.memref_slice %arg11[%dma_wait3A_180] : memref<4x!tpu.dma_semaphore, #tpu.memory_space<semaphore_mem>> -> memref<1x!tpu.dma_semaphore, #tpu.memory_space<semaphore_mem>>
      %dma_wait3A_192 = tpu.memref_squeeze %dma_wait3A_191 : memref<1x!tpu.dma_semaphore, #tpu.memory_space<semaphore_mem>> -> memref<!tpu.dma_semaphore, #tpu.memory_space<semaphore_mem>>
      tpu.wait_indirect_dma semaphore(%dma_wait3A_192 : memref<!tpu.dma_semaphore, #tpu.memory_space<semaphore_mem>>) src(%dma_wait3A_190 : memref<10000x128xf32, #tpu.memory_space<hbm>>) dst(%dma_wait3A_184 : memref<50x128xf32, #tpu.memory_space<vmem>>)
      %dma_start3A_193 = arith.constant 0 : i32
      %dma_start3A_194 = arith.constant 0 : i32
      %dma_start3A_195 = arith.constant 0 : i32
      %dma_start3A_196 = arith.constant 0 : i32
      %dma_start3A_197 = tpu.memref_slice %arg10[%dma_start3A_193, %dma_start3A_195, %dma_start3A_196] : memref<4x50x128xf32, #tpu.memory_space<vmem>> -> memref<1x50x128xf32, #tpu.memory_space<vmem>>
      %dma_start3A_198 = tpu.memref_squeeze %dma_start3A_197 : memref<1x50x128xf32, #tpu.memory_space<vmem>> -> memref<50x128xf32, #tpu.memory_space<vmem>>
      %dma_start3A_199 = arith.constant 0 : i32
      %dma_start3A_200 = tpu.memref_slice %arg9[%add3A_178, %dma_start3A_199] : memref<200x50xi32, #tpu.memory_space<vmem>> -> memref<1x50xi32, #tpu.memory_space<vmem>>
      %dma_start3A_201 = tpu.memref_squeeze %dma_start3A_200 : memref<1x50xi32, #tpu.memory_space<vmem>> -> memref<50xi32, #tpu.memory_space<vmem>>
      %dma_start3A_202 = arith.constant 0 : i32
      %dma_start3A_203 = arith.constant 0 : i32
      %dma_start3A_204 = tpu.memref_slice %arg7[%dma_start3A_202, %dma_start3A_203] : memref<10000x128xf32, #tpu.memory_space<vmem_shared>> -> memref<10000x128xf32, #tpu.memory_space<vmem_shared>>
      %dma_start3A_205 = tpu.memref_slice %arg12[%dma_start3A_194] : memref<4x!tpu.dma_semaphore, #tpu.memory_space<semaphore_mem>> -> memref<1x!tpu.dma_semaphore, #tpu.memory_space<semaphore_mem>>
      %dma_start3A_206 = tpu.memref_squeeze %dma_start3A_205 : memref<1x!tpu.dma_semaphore, #tpu.memory_space<semaphore_mem>> -> memref<!tpu.dma_semaphore, #tpu.memory_space<semaphore_mem>>
      tpu.enqueue_indirect_dma source(%dma_start3A_198 : memref<50x128xf32, #tpu.memory_space<vmem>>) target(%dma_start3A_204 : memref<10000x128xf32, #tpu.memory_space<vmem_shared>>) offsets(%dma_start3A_201 : memref<50xi32, #tpu.memory_space<vmem>>) semaphore(%dma_start3A_206 : memref<!tpu.dma_semaphore, #tpu.memory_space<semaphore_mem>>) {add = true}
      %eq3A_207 = arith.constant 0 : i32
      %eq3A_208 = arith.cmpi eq, %scan3A_173, %eq3A_207 : i32
      %convert_element_type3A_209 = arith.extui %eq3A_208 : i1 to i32
      %cond3A_210 = arith.constant 0 : i32
      %cond3A_211 = arith.cmpi ne, %convert_element_type3A_209, %cond3A_210 : i32
      scf.if %cond3A_211 {
        %dma_start3A_337 = arith.constant 3 : i32
        %dma_start3A_338 = arith.constant 3 : i32
        %dma_start3A_339 = arith.constant 3 : i32
        %dma_start3A_340 = arith.constant 0 : i32
        %dma_start3A_341 = arith.constant 0 : i32
        %dma_start3A_342 = tpu.memref_slice %arg10[%dma_start3A_338, %dma_start3A_340, %dma_start3A_341] : memref<4x50x128xf32, #tpu.memory_space<vmem>> -> memref<1x50x128xf32, #tpu.memory_space<vmem>>
        %dma_start3A_343 = tpu.memref_squeeze %dma_start3A_342 : memref<1x50x128xf32, #tpu.memory_space<vmem>> -> memref<50x128xf32, #tpu.memory_space<vmem>>
        %dma_start3A_344 = arith.constant 0 : i32
        %dma_start3A_345 = tpu.memref_slice %arg8[%dma_start3A_337, %dma_start3A_344] : memref<200x50xi32, #tpu.memory_space<vmem>> -> memref<1x50xi32, #tpu.memory_space<vmem>>
        %dma_start3A_346 = tpu.memref_squeeze %dma_start3A_345 : memref<1x50xi32, #tpu.memory_space<vmem>> -> memref<50xi32, #tpu.memory_space<vmem>>
        %dma_start3A_347 = arith.constant 0 : i32
        %dma_start3A_348 = arith.constant 0 : i32
        %dma_start3A_349 = tpu.memref_slice %arg2[%dma_start3A_347, %dma_start3A_348] : memref<10000x128xf32, #tpu.memory_space<hbm>> -> memref<10000x128xf32, #tpu.memory_space<hbm>>
        %dma_start3A_350 = tpu.memref_slice %arg11[%dma_start3A_339] : memref<4x!tpu.dma_semaphore, #tpu.memory_space<semaphore_mem>> -> memref<1x!tpu.dma_semaphore, #tpu.memory_space<semaphore_mem>>
        %dma_start3A_351 = tpu.memref_squeeze %dma_start3A_350 : memref<1x!tpu.dma_semaphore, #tpu.memory_space<semaphore_mem>> -> memref<!tpu.dma_semaphore, #tpu.memory_space<semaphore_mem>>
        tpu.enqueue_indirect_dma source(%dma_start3A_349 : memref<10000x128xf32, #tpu.memory_space<hbm>>) target(%dma_start3A_343 : memref<50x128xf32, #tpu.memory_space<vmem>>) offsets(%dma_start3A_346 : memref<50xi32, #tpu.memory_space<vmem>>) semaphore(%dma_start3A_351 : memref<!tpu.dma_semaphore, #tpu.memory_space<semaphore_mem>>)
      } else {
      }
      %ge3A = arith.constant 1 : i32
      %ge3A_212 = arith.cmpi sge, %scan3A_173, %ge3A : i32
      %add3A_213 = arith.constant 3 : i32
      %add3A_214 = arith.addi %add3A_178, %add3A_213 : i32
      %lt3A = arith.constant 200 : i32
      %lt3A_215 = arith.cmpi slt, %add3A_214, %lt3A : i32
      %and3A = arith.andi %ge3A_212, %lt3A_215 : i1
      %convert_element_type3A_216 = arith.extui %and3A : i1 to i32
      %cond3A_217 = arith.constant 0 : i32
      %cond3A_218 = arith.cmpi ne, %convert_element_type3A_216, %cond3A_217 : i32
      scf.if %cond3A_218 {
        %sub3A = arith.constant 1 : i32
        %sub3A_337 = arith.subi %add3A_178, %sub3A : i32
        %dma_wait3A_338 = arith.constant 3 : i32
        %dma_wait3A_339 = arith.constant 3 : i32
        %dma_wait3A_340 = arith.constant 0 : i32
        %dma_wait3A_341 = arith.constant 0 : i32
        %dma_wait3A_342 = tpu.memref_slice %arg10[%dma_wait3A_338, %dma_wait3A_340, %dma_wait3A_341] : memref<4x50x128xf32, #tpu.memory_space<vmem>> -> memref<1x50x128xf32, #tpu.memory_space<vmem>>
        %dma_wait3A_343 = tpu.memref_squeeze %dma_wait3A_342 : memref<1x50x128xf32, #tpu.memory_space<vmem>> -> memref<50x128xf32, #tpu.memory_space<vmem>>
        %dma_wait3A_344 = arith.constant 0 : i32
        %dma_wait3A_345 = tpu.memref_slice %arg9[%sub3A_337, %dma_wait3A_344] : memref<200x50xi32, #tpu.memory_space<vmem>> -> memref<1x50xi32, #tpu.memory_space<vmem>>
        %dma_wait3A_346 = tpu.memref_squeeze %dma_wait3A_345 : memref<1x50xi32, #tpu.memory_space<vmem>> -> memref<50xi32, #tpu.memory_space<vmem>>
        %dma_wait3A_347 = arith.constant 0 : i32
        %dma_wait3A_348 = arith.constant 0 : i32
        %dma_wait3A_349 = tpu.memref_slice %arg7[%dma_wait3A_347, %dma_wait3A_348] : memref<10000x128xf32, #tpu.memory_space<vmem_shared>> -> memref<10000x128xf32, #tpu.memory_space<vmem_shared>>
        %dma_wait3A_350 = tpu.memref_slice %arg12[%dma_wait3A_339] : memref<4x!tpu.dma_semaphore, #tpu.memory_space<semaphore_mem>> -> memref<1x!tpu.dma_semaphore, #tpu.memory_space<semaphore_mem>>
        %dma_wait3A_351 = tpu.memref_squeeze %dma_wait3A_350 : memref<1x!tpu.dma_semaphore, #tpu.memory_space<semaphore_mem>> -> memref<!tpu.dma_semaphore, #tpu.memory_space<semaphore_mem>>
        tpu.wait_indirect_dma semaphore(%dma_wait3A_351 : memref<!tpu.dma_semaphore, #tpu.memory_space<semaphore_mem>>) src(%dma_wait3A_343 : memref<50x128xf32, #tpu.memory_space<vmem>>) dst(%dma_wait3A_349 : memref<10000x128xf32, #tpu.memory_space<vmem_shared>>)
        %add3A_352 = arith.constant 3 : i32
        %add3A_353 = arith.addi %add3A_178, %add3A_352 : i32
        %dma_start3A_354 = arith.constant 3 : i32
        %dma_start3A_355 = arith.constant 3 : i32
        %dma_start3A_356 = arith.constant 0 : i32
        %dma_start3A_357 = arith.constant 0 : i32
        %dma_start3A_358 = tpu.memref_slice %arg10[%dma_start3A_354, %dma_start3A_356, %dma_start3A_357] : memref<4x50x128xf32, #tpu.memory_space<vmem>> -> memref<1x50x128xf32, #tpu.memory_space<vmem>>
        %dma_start3A_359 = tpu.memref_squeeze %dma_start3A_358 : memref<1x50x128xf32, #tpu.memory_space<vmem>> -> memref<50x128xf32, #tpu.memory_space<vmem>>
        %dma_start3A_360 = arith.constant 0 : i32
        %dma_start3A_361 = tpu.memref_slice %arg8[%add3A_353, %dma_start3A_360] : memref<200x50xi32, #tpu.memory_space<vmem>> -> memref<1x50xi32, #tpu.memory_space<vmem>>
        %dma_start3A_362 = tpu.memref_squeeze %dma_start3A_361 : memref<1x50xi32, #tpu.memory_space<vmem>> -> memref<50xi32, #tpu.memory_space<vmem>>
        %dma_start3A_363 = arith.constant 0 : i32
        %dma_start3A_364 = arith.constant 0 : i32
        %dma_start3A_365 = tpu.memref_slice %arg2[%dma_start3A_363, %dma_start3A_364] : memref<10000x128xf32, #tpu.memory_space<hbm>> -> memref<10000x128xf32, #tpu.memory_space<hbm>>
        %dma_start3A_366 = tpu.memref_slice %arg11[%dma_start3A_355] : memref<4x!tpu.dma_semaphore, #tpu.memory_space<semaphore_mem>> -> memref<1x!tpu.dma_semaphore, #tpu.memory_space<semaphore_mem>>
        %dma_start3A_367 = tpu.memref_squeeze %dma_start3A_366 : memref<1x!tpu.dma_semaphore, #tpu.memory_space<semaphore_mem>> -> memref<!tpu.dma_semaphore, #tpu.memory_space<semaphore_mem>>
        tpu.enqueue_indirect_dma source(%dma_start3A_365 : memref<10000x128xf32, #tpu.memory_space<hbm>>) target(%dma_start3A_359 : memref<50x128xf32, #tpu.memory_space<vmem>>) offsets(%dma_start3A_362 : memref<50xi32, #tpu.memory_space<vmem>>) semaphore(%dma_start3A_367 : memref<!tpu.dma_semaphore, #tpu.memory_space<semaphore_mem>>)
      } else {
      }
      %mul3A_219 = arith.constant 4 : i32
      %mul3A_220 = arith.muli %scan3A_173, %mul3A_219 : i32
      %add3A_221 = arith.constant 1 : i32
      %add3A_222 = arith.addi %mul3A_220, %add3A_221 : i32
      %dma_wait3A_223 = arith.constant 1 : i32
      %dma_wait3A_224 = arith.constant 1 : i32
      %dma_wait3A_225 = arith.constant 0 : i32
      %dma_wait3A_226 = arith.constant 0 : i32
      %dma_wait3A_227 = tpu.memref_slice %arg10[%dma_wait3A_223, %dma_wait3A_225, %dma_wait3A_226] : memref<4x50x128xf32, #tpu.memory_space<vmem>> -> memref<1x50x128xf32, #tpu.memory_space<vmem>>
      %dma_wait3A_228 = tpu.memref_squeeze %dma_wait3A_227 : memref<1x50x128xf32, #tpu.memory_space<vmem>> -> memref<50x128xf32, #tpu.memory_space<vmem>>
      %dma_wait3A_229 = arith.constant 0 : i32
      %dma_wait3A_230 = tpu.memref_slice %arg8[%add3A_222, %dma_wait3A_229] : memref<200x50xi32, #tpu.memory_space<vmem>> -> memref<1x50xi32, #tpu.memory_space<vmem>>
      %dma_wait3A_231 = tpu.memref_squeeze %dma_wait3A_230 : memref<1x50xi32, #tpu.memory_space<vmem>> -> memref<50xi32, #tpu.memory_space<vmem>>
      %dma_wait3A_232 = arith.constant 0 : i32
      %dma_wait3A_233 = arith.constant 0 : i32
      %dma_wait3A_234 = tpu.memref_slice %arg2[%dma_wait3A_232, %dma_wait3A_233] : memref<10000x128xf32, #tpu.memory_space<hbm>> -> memref<10000x128xf32, #tpu.memory_space<hbm>>
      %dma_wait3A_235 = tpu.memref_slice %arg11[%dma_wait3A_224] : memref<4x!tpu.dma_semaphore, #tpu.memory_space<semaphore_mem>> -> memref<1x!tpu.dma_semaphore, #tpu.memory_space<semaphore_mem>>
      %dma_wait3A_236 = tpu.memref_squeeze %dma_wait3A_235 : memref<1x!tpu.dma_semaphore, #tpu.memory_space<semaphore_mem>> -> memref<!tpu.dma_semaphore, #tpu.memory_space<semaphore_mem>>
      tpu.wait_indirect_dma semaphore(%dma_wait3A_236 : memref<!tpu.dma_semaphore, #tpu.memory_space<semaphore_mem>>) src(%dma_wait3A_234 : memref<10000x128xf32, #tpu.memory_space<hbm>>) dst(%dma_wait3A_228 : memref<50x128xf32, #tpu.memory_space<vmem>>)
      %dma_start3A_237 = arith.constant 1 : i32
      %dma_start3A_238 = arith.constant 1 : i32
      %dma_start3A_239 = arith.constant 0 : i32
      %dma_start3A_240 = arith.constant 0 : i32
      %dma_start3A_241 = tpu.memref_slice %arg10[%dma_start3A_237, %dma_start3A_239, %dma_start3A_240] : memref<4x50x128xf32, #tpu.memory_space<vmem>> -> memref<1x50x128xf32, #tpu.memory_space<vmem>>
      %dma_start3A_242 = tpu.memref_squeeze %dma_start3A_241 : memref<1x50x128xf32, #tpu.memory_space<vmem>> -> memref<50x128xf32, #tpu.memory_space<vmem>>
      %dma_start3A_243 = arith.constant 0 : i32
      %dma_start3A_244 = tpu.memref_slice %arg9[%add3A_222, %dma_start3A_243] : memref<200x50xi32, #tpu.memory_space<vmem>> -> memref<1x50xi32, #tpu.memory_space<vmem>>
      %dma_start3A_245 = tpu.memref_squeeze %dma_start3A_244 : memref<1x50xi32, #tpu.memory_space<vmem>> -> memref<50xi32, #tpu.memory_space<vmem>>
      %dma_start3A_246 = arith.constant 0 : i32
      %dma_start3A_247 = arith.constant 0 : i32
      %dma_start3A_248 = tpu.memref_slice %arg7[%dma_start3A_246, %dma_start3A_247] : memref<10000x128xf32, #tpu.memory_space<vmem_shared>> -> memref<10000x128xf32, #tpu.memory_space<vmem_shared>>
      %dma_start3A_249 = tpu.memref_slice %arg12[%dma_start3A_238] : memref<4x!tpu.dma_semaphore, #tpu.memory_space<semaphore_mem>> -> memref<1x!tpu.dma_semaphore, #tpu.memory_space<semaphore_mem>>
      %dma_start3A_250 = tpu.memref_squeeze %dma_start3A_249 : memref<1x!tpu.dma_semaphore, #tpu.memory_space<semaphore_mem>> -> memref<!tpu.dma_semaphore, #tpu.memory_space<semaphore_mem>>
      tpu.enqueue_indirect_dma source(%dma_start3A_242 : memref<50x128xf32, #tpu.memory_space<vmem>>) target(%dma_start3A_248 : memref<10000x128xf32, #tpu.memory_space<vmem_shared>>) offsets(%dma_start3A_245 : memref<50xi32, #tpu.memory_space<vmem>>) semaphore(%dma_start3A_250 : memref<!tpu.dma_semaphore, #tpu.memory_space<semaphore_mem>>) {add = true}
      %add3A_251 = arith.constant 3 : i32
      %add3A_252 = arith.addi %add3A_222, %add3A_251 : i32
      %lt3A_253 = arith.constant 200 : i32
      %lt3A_254 = arith.cmpi slt, %add3A_252, %lt3A_253 : i32
      %convert_element_type3A_255 = arith.extui %lt3A_254 : i1 to i32
      %cond3A_256 = arith.constant 0 : i32
      %cond3A_257 = arith.cmpi ne, %convert_element_type3A_255, %cond3A_256 : i32
      scf.if %cond3A_257 {
        %sub3A = arith.constant 1 : i32
        %sub3A_337 = arith.subi %add3A_222, %sub3A : i32
        %dma_wait3A_338 = arith.constant 0 : i32
        %dma_wait3A_339 = arith.constant 0 : i32
        %dma_wait3A_340 = arith.constant 0 : i32
        %dma_wait3A_341 = arith.constant 0 : i32
        %dma_wait3A_342 = tpu.memref_slice %arg10[%dma_wait3A_338, %dma_wait3A_340, %dma_wait3A_341] : memref<4x50x128xf32, #tpu.memory_space<vmem>> -> memref<1x50x128xf32, #tpu.memory_space<vmem>>
        %dma_wait3A_343 = tpu.memref_squeeze %dma_wait3A_342 : memref<1x50x128xf32, #tpu.memory_space<vmem>> -> memref<50x128xf32, #tpu.memory_space<vmem>>
        %dma_wait3A_344 = arith.constant 0 : i32
        %dma_wait3A_345 = tpu.memref_slice %arg9[%sub3A_337, %dma_wait3A_344] : memref<200x50xi32, #tpu.memory_space<vmem>> -> memref<1x50xi32, #tpu.memory_space<vmem>>
        %dma_wait3A_346 = tpu.memref_squeeze %dma_wait3A_345 : memref<1x50xi32, #tpu.memory_space<vmem>> -> memref<50xi32, #tpu.memory_space<vmem>>
        %dma_wait3A_347 = arith.constant 0 : i32
        %dma_wait3A_348 = arith.constant 0 : i32
        %dma_wait3A_349 = tpu.memref_slice %arg7[%dma_wait3A_347, %dma_wait3A_348] : memref<10000x128xf32, #tpu.memory_space<vmem_shared>> -> memref<10000x128xf32, #tpu.memory_space<vmem_shared>>
        %dma_wait3A_350 = tpu.memref_slice %arg12[%dma_wait3A_339] : memref<4x!tpu.dma_semaphore, #tpu.memory_space<semaphore_mem>> -> memref<1x!tpu.dma_semaphore, #tpu.memory_space<semaphore_mem>>
        %dma_wait3A_351 = tpu.memref_squeeze %dma_wait3A_350 : memref<1x!tpu.dma_semaphore, #tpu.memory_space<semaphore_mem>> -> memref<!tpu.dma_semaphore, #tpu.memory_space<semaphore_mem>>
        tpu.wait_indirect_dma semaphore(%dma_wait3A_351 : memref<!tpu.dma_semaphore, #tpu.memory_space<semaphore_mem>>) src(%dma_wait3A_343 : memref<50x128xf32, #tpu.memory_space<vmem>>) dst(%dma_wait3A_349 : memref<10000x128xf32, #tpu.memory_space<vmem_shared>>)
        %add3A_352 = arith.constant 3 : i32
        %add3A_353 = arith.addi %add3A_222, %add3A_352 : i32
        %dma_start3A_354 = arith.constant 0 : i32
        %dma_start3A_355 = arith.constant 0 : i32
        %dma_start3A_356 = arith.constant 0 : i32
        %dma_start3A_357 = arith.constant 0 : i32
        %dma_start3A_358 = tpu.memref_slice %arg10[%dma_start3A_354, %dma_start3A_356, %dma_start3A_357] : memref<4x50x128xf32, #tpu.memory_space<vmem>> -> memref<1x50x128xf32, #tpu.memory_space<vmem>>
        %dma_start3A_359 = tpu.memref_squeeze %dma_start3A_358 : memref<1x50x128xf32, #tpu.memory_space<vmem>> -> memref<50x128xf32, #tpu.memory_space<vmem>>
        %dma_start3A_360 = arith.constant 0 : i32
        %dma_start3A_361 = tpu.memref_slice %arg8[%add3A_353, %dma_start3A_360] : memref<200x50xi32, #tpu.memory_space<vmem>> -> memref<1x50xi32, #tpu.memory_space<vmem>>
        %dma_start3A_362 = tpu.memref_squeeze %dma_start3A_361 : memref<1x50xi32, #tpu.memory_space<vmem>> -> memref<50xi32, #tpu.memory_space<vmem>>
        %dma_start3A_363 = arith.constant 0 : i32
        %dma_start3A_364 = arith.constant 0 : i32
        %dma_start3A_365 = tpu.memref_slice %arg2[%dma_start3A_363, %dma_start3A_364] : memref<10000x128xf32, #tpu.memory_space<hbm>> -> memref<10000x128xf32, #tpu.memory_space<hbm>>
        %dma_start3A_366 = tpu.memref_slice %arg11[%dma_start3A_355] : memref<4x!tpu.dma_semaphore, #tpu.memory_space<semaphore_mem>> -> memref<1x!tpu.dma_semaphore, #tpu.memory_space<semaphore_mem>>
        %dma_start3A_367 = tpu.memref_squeeze %dma_start3A_366 : memref<1x!tpu.dma_semaphore, #tpu.memory_space<semaphore_mem>> -> memref<!tpu.dma_semaphore, #tpu.memory_space<semaphore_mem>>
        tpu.enqueue_indirect_dma source(%dma_start3A_365 : memref<10000x128xf32, #tpu.memory_space<hbm>>) target(%dma_start3A_359 : memref<50x128xf32, #tpu.memory_space<vmem>>) offsets(%dma_start3A_362 : memref<50xi32, #tpu.memory_space<vmem>>) semaphore(%dma_start3A_367 : memref<!tpu.dma_semaphore, #tpu.memory_space<semaphore_mem>>)
      } else {
      }
      %mul3A_258 = arith.constant 4 : i32
      %mul3A_259 = arith.muli %scan3A_173, %mul3A_258 : i32
      %add3A_260 = arith.constant 2 : i32
      %add3A_261 = arith.addi %mul3A_259, %add3A_260 : i32
      %dma_wait3A_262 = arith.constant 2 : i32
      %dma_wait3A_263 = arith.constant 2 : i32
      %dma_wait3A_264 = arith.constant 0 : i32
      %dma_wait3A_265 = arith.constant 0 : i32
      %dma_wait3A_266 = tpu.memref_slice %arg10[%dma_wait3A_262, %dma_wait3A_264, %dma_wait3A_265] : memref<4x50x128xf32, #tpu.memory_space<vmem>> -> memref<1x50x128xf32, #tpu.memory_space<vmem>>
      %dma_wait3A_267 = tpu.memref_squeeze %dma_wait3A_266 : memref<1x50x128xf32, #tpu.memory_space<vmem>> -> memref<50x128xf32, #tpu.memory_space<vmem>>
      %dma_wait3A_268 = arith.constant 0 : i32
      %dma_wait3A_269 = tpu.memref_slice %arg8[%add3A_261, %dma_wait3A_268] : memref<200x50xi32, #tpu.memory_space<vmem>> -> memref<1x50xi32, #tpu.memory_space<vmem>>
      %dma_wait3A_270 = tpu.memref_squeeze %dma_wait3A_269 : memref<1x50xi32, #tpu.memory_space<vmem>> -> memref<50xi32, #tpu.memory_space<vmem>>
      %dma_wait3A_271 = arith.constant 0 : i32
      %dma_wait3A_272 = arith.constant 0 : i32
      %dma_wait3A_273 = tpu.memref_slice %arg2[%dma_wait3A_271, %dma_wait3A_272] : memref<10000x128xf32, #tpu.memory_space<hbm>> -> memref<10000x128xf32, #tpu.memory_space<hbm>>
      %dma_wait3A_274 = tpu.memref_slice %arg11[%dma_wait3A_263] : memref<4x!tpu.dma_semaphore, #tpu.memory_space<semaphore_mem>> -> memref<1x!tpu.dma_semaphore, #tpu.memory_space<semaphore_mem>>
      %dma_wait3A_275 = tpu.memref_squeeze %dma_wait3A_274 : memref<1x!tpu.dma_semaphore, #tpu.memory_space<semaphore_mem>> -> memref<!tpu.dma_semaphore, #tpu.memory_space<semaphore_mem>>
      tpu.wait_indirect_dma semaphore(%dma_wait3A_275 : memref<!tpu.dma_semaphore, #tpu.memory_space<semaphore_mem>>) src(%dma_wait3A_273 : memref<10000x128xf32, #tpu.memory_space<hbm>>) dst(%dma_wait3A_267 : memref<50x128xf32, #tpu.memory_space<vmem>>)
      %dma_start3A_276 = arith.constant 2 : i32
      %dma_start3A_277 = arith.constant 2 : i32
      %dma_start3A_278 = arith.constant 0 : i32
      %dma_start3A_279 = arith.constant 0 : i32
      %dma_start3A_280 = tpu.memref_slice %arg10[%dma_start3A_276, %dma_start3A_278, %dma_start3A_279] : memref<4x50x128xf32, #tpu.memory_space<vmem>> -> memref<1x50x128xf32, #tpu.memory_space<vmem>>
      %dma_start3A_281 = tpu.memref_squeeze %dma_start3A_280 : memref<1x50x128xf32, #tpu.memory_space<vmem>> -> memref<50x128xf32, #tpu.memory_space<vmem>>
      %dma_start3A_282 = arith.constant 0 : i32
      %dma_start3A_283 = tpu.memref_slice %arg9[%add3A_261, %dma_start3A_282] : memref<200x50xi32, #tpu.memory_space<vmem>> -> memref<1x50xi32, #tpu.memory_space<vmem>>
      %dma_start3A_284 = tpu.memref_squeeze %dma_start3A_283 : memref<1x50xi32, #tpu.memory_space<vmem>> -> memref<50xi32, #tpu.memory_space<vmem>>
      %dma_start3A_285 = arith.constant 0 : i32
      %dma_start3A_286 = arith.constant 0 : i32
      %dma_start3A_287 = tpu.memref_slice %arg7[%dma_start3A_285, %dma_start3A_286] : memref<10000x128xf32, #tpu.memory_space<vmem_shared>> -> memref<10000x128xf32, #tpu.memory_space<vmem_shared>>
      %dma_start3A_288 = tpu.memref_slice %arg12[%dma_start3A_277] : memref<4x!tpu.dma_semaphore, #tpu.memory_space<semaphore_mem>> -> memref<1x!tpu.dma_semaphore, #tpu.memory_space<semaphore_mem>>
      %dma_start3A_289 = tpu.memref_squeeze %dma_start3A_288 : memref<1x!tpu.dma_semaphore, #tpu.memory_space<semaphore_mem>> -> memref<!tpu.dma_semaphore, #tpu.memory_space<semaphore_mem>>
      tpu.enqueue_indirect_dma source(%dma_start3A_281 : memref<50x128xf32, #tpu.memory_space<vmem>>) target(%dma_start3A_287 : memref<10000x128xf32, #tpu.memory_space<vmem_shared>>) offsets(%dma_start3A_284 : memref<50xi32, #tpu.memory_space<vmem>>) semaphore(%dma_start3A_289 : memref<!tpu.dma_semaphore, #tpu.memory_space<semaphore_mem>>) {add = true}
      %add3A_290 = arith.constant 3 : i32
      %add3A_291 = arith.addi %add3A_261, %add3A_290 : i32
      %lt3A_292 = arith.constant 200 : i32
      %lt3A_293 = arith.cmpi slt, %add3A_291, %lt3A_292 : i32
      %convert_element_type3A_294 = arith.extui %lt3A_293 : i1 to i32
      %cond3A_295 = arith.constant 0 : i32
      %cond3A_296 = arith.cmpi ne, %convert_element_type3A_294, %cond3A_295 : i32
      scf.if %cond3A_296 {
        %sub3A = arith.constant 1 : i32
        %sub3A_337 = arith.subi %add3A_261, %sub3A : i32
        %dma_wait3A_338 = arith.constant 1 : i32
        %dma_wait3A_339 = arith.constant 1 : i32
        %dma_wait3A_340 = arith.constant 0 : i32
        %dma_wait3A_341 = arith.constant 0 : i32
        %dma_wait3A_342 = tpu.memref_slice %arg10[%dma_wait3A_338, %dma_wait3A_340, %dma_wait3A_341] : memref<4x50x128xf32, #tpu.memory_space<vmem>> -> memref<1x50x128xf32, #tpu.memory_space<vmem>>
        %dma_wait3A_343 = tpu.memref_squeeze %dma_wait3A_342 : memref<1x50x128xf32, #tpu.memory_space<vmem>> -> memref<50x128xf32, #tpu.memory_space<vmem>>
        %dma_wait3A_344 = arith.constant 0 : i32
        %dma_wait3A_345 = tpu.memref_slice %arg9[%sub3A_337, %dma_wait3A_344] : memref<200x50xi32, #tpu.memory_space<vmem>> -> memref<1x50xi32, #tpu.memory_space<vmem>>
        %dma_wait3A_346 = tpu.memref_squeeze %dma_wait3A_345 : memref<1x50xi32, #tpu.memory_space<vmem>> -> memref<50xi32, #tpu.memory_space<vmem>>
        %dma_wait3A_347 = arith.constant 0 : i32
        %dma_wait3A_348 = arith.constant 0 : i32
        %dma_wait3A_349 = tpu.memref_slice %arg7[%dma_wait3A_347, %dma_wait3A_348] : memref<10000x128xf32, #tpu.memory_space<vmem_shared>> -> memref<10000x128xf32, #tpu.memory_space<vmem_shared>>
        %dma_wait3A_350 = tpu.memref_slice %arg12[%dma_wait3A_339] : memref<4x!tpu.dma_semaphore, #tpu.memory_space<semaphore_mem>> -> memref<1x!tpu.dma_semaphore, #tpu.memory_space<semaphore_mem>>
        %dma_wait3A_351 = tpu.memref_squeeze %dma_wait3A_350 : memref<1x!tpu.dma_semaphore, #tpu.memory_space<semaphore_mem>> -> memref<!tpu.dma_semaphore, #tpu.memory_space<semaphore_mem>>
        tpu.wait_indirect_dma semaphore(%dma_wait3A_351 : memref<!tpu.dma_semaphore, #tpu.memory_space<semaphore_mem>>) src(%dma_wait3A_343 : memref<50x128xf32, #tpu.memory_space<vmem>>) dst(%dma_wait3A_349 : memref<10000x128xf32, #tpu.memory_space<vmem_shared>>)
        %add3A_352 = arith.constant 3 : i32
        %add3A_353 = arith.addi %add3A_261, %add3A_352 : i32
        %dma_start3A_354 = arith.constant 1 : i32
        %dma_start3A_355 = arith.constant 1 : i32
        %dma_start3A_356 = arith.constant 0 : i32
        %dma_start3A_357 = arith.constant 0 : i32
        %dma_start3A_358 = tpu.memref_slice %arg10[%dma_start3A_354, %dma_start3A_356, %dma_start3A_357] : memref<4x50x128xf32, #tpu.memory_space<vmem>> -> memref<1x50x128xf32, #tpu.memory_space<vmem>>
        %dma_start3A_359 = tpu.memref_squeeze %dma_start3A_358 : memref<1x50x128xf32, #tpu.memory_space<vmem>> -> memref<50x128xf32, #tpu.memory_space<vmem>>
        %dma_start3A_360 = arith.constant 0 : i32
        %dma_start3A_361 = tpu.memref_slice %arg8[%add3A_353, %dma_start3A_360] : memref<200x50xi32, #tpu.memory_space<vmem>> -> memref<1x50xi32, #tpu.memory_space<vmem>>
        %dma_start3A_362 = tpu.memref_squeeze %dma_start3A_361 : memref<1x50xi32, #tpu.memory_space<vmem>> -> memref<50xi32, #tpu.memory_space<vmem>>
        %dma_start3A_363 = arith.constant 0 : i32
        %dma_start3A_364 = arith.constant 0 : i32
        %dma_start3A_365 = tpu.memref_slice %arg2[%dma_start3A_363, %dma_start3A_364] : memref<10000x128xf32, #tpu.memory_space<hbm>> -> memref<10000x128xf32, #tpu.memory_space<hbm>>
        %dma_start3A_366 = tpu.memref_slice %arg11[%dma_start3A_355] : memref<4x!tpu.dma_semaphore, #tpu.memory_space<semaphore_mem>> -> memref<1x!tpu.dma_semaphore, #tpu.memory_space<semaphore_mem>>
        %dma_start3A_367 = tpu.memref_squeeze %dma_start3A_366 : memref<1x!tpu.dma_semaphore, #tpu.memory_space<semaphore_mem>> -> memref<!tpu.dma_semaphore, #tpu.memory_space<semaphore_mem>>
        tpu.enqueue_indirect_dma source(%dma_start3A_365 : memref<10000x128xf32, #tpu.memory_space<hbm>>) target(%dma_start3A_359 : memref<50x128xf32, #tpu.memory_space<vmem>>) offsets(%dma_start3A_362 : memref<50xi32, #tpu.memory_space<vmem>>) semaphore(%dma_start3A_367 : memref<!tpu.dma_semaphore, #tpu.memory_space<semaphore_mem>>)
      } else {
      }
      %mul3A_297 = arith.constant 4 : i32
      %mul3A_298 = arith.muli %scan3A_173, %mul3A_297 : i32
      %add3A_299 = arith.constant 3 : i32
      %add3A_300 = arith.addi %mul3A_298, %add3A_299 : i32
      %dma_wait3A_301 = arith.constant 3 : i32
      %dma_wait3A_302 = arith.constant 3 : i32
      %dma_wait3A_303 = arith.constant 0 : i32
      %dma_wait3A_304 = arith.constant 0 : i32
      %dma_wait3A_305 = tpu.memref_slice %arg10[%dma_wait3A_301, %dma_wait3A_303, %dma_wait3A_304] : memref<4x50x128xf32, #tpu.memory_space<vmem>> -> memref<1x50x128xf32, #tpu.memory_space<vmem>>
      %dma_wait3A_306 = tpu.memref_squeeze %dma_wait3A_305 : memref<1x50x128xf32, #tpu.memory_space<vmem>> -> memref<50x128xf32, #tpu.memory_space<vmem>>
      %dma_wait3A_307 = arith.constant 0 : i32
      %dma_wait3A_308 = tpu.memref_slice %arg8[%add3A_300, %dma_wait3A_307] : memref<200x50xi32, #tpu.memory_space<vmem>> -> memref<1x50xi32, #tpu.memory_space<vmem>>
      %dma_wait3A_309 = tpu.memref_squeeze %dma_wait3A_308 : memref<1x50xi32, #tpu.memory_space<vmem>> -> memref<50xi32, #tpu.memory_space<vmem>>
      %dma_wait3A_310 = arith.constant 0 : i32
      %dma_wait3A_311 = arith.constant 0 : i32
      %dma_wait3A_312 = tpu.memref_slice %arg2[%dma_wait3A_310, %dma_wait3A_311] : memref<10000x128xf32, #tpu.memory_space<hbm>> -> memref<10000x128xf32, #tpu.memory_space<hbm>>
      %dma_wait3A_313 = tpu.memref_slice %arg11[%dma_wait3A_302] : memref<4x!tpu.dma_semaphore, #tpu.memory_space<semaphore_mem>> -> memref<1x!tpu.dma_semaphore, #tpu.memory_space<semaphore_mem>>
      %dma_wait3A_314 = tpu.memref_squeeze %dma_wait3A_313 : memref<1x!tpu.dma_semaphore, #tpu.memory_space<semaphore_mem>> -> memref<!tpu.dma_semaphore, #tpu.memory_space<semaphore_mem>>
      tpu.wait_indirect_dma semaphore(%dma_wait3A_314 : memref<!tpu.dma_semaphore, #tpu.memory_space<semaphore_mem>>) src(%dma_wait3A_312 : memref<10000x128xf32, #tpu.memory_space<hbm>>) dst(%dma_wait3A_306 : memref<50x128xf32, #tpu.memory_space<vmem>>)
      %dma_start3A_315 = arith.constant 3 : i32
      %dma_start3A_316 = arith.constant 3 : i32
      %dma_start3A_317 = arith.constant 0 : i32
      %dma_start3A_318 = arith.constant 0 : i32
      %dma_start3A_319 = tpu.memref_slice %arg10[%dma_start3A_315, %dma_start3A_317, %dma_start3A_318] : memref<4x50x128xf32, #tpu.memory_space<vmem>> -> memref<1x50x128xf32, #tpu.memory_space<vmem>>
      %dma_start3A_320 = tpu.memref_squeeze %dma_start3A_319 : memref<1x50x128xf32, #tpu.memory_space<vmem>> -> memref<50x128xf32, #tpu.memory_space<vmem>>
      %dma_start3A_321 = arith.constant 0 : i32
      %dma_start3A_322 = tpu.memref_slice %arg9[%add3A_300, %dma_start3A_321] : memref<200x50xi32, #tpu.memory_space<vmem>> -> memref<1x50xi32, #tpu.memory_space<vmem>>
      %dma_start3A_323 = tpu.memref_squeeze %dma_start3A_322 : memref<1x50xi32, #tpu.memory_space<vmem>> -> memref<50xi32, #tpu.memory_space<vmem>>
      %dma_start3A_324 = arith.constant 0 : i32
      %dma_start3A_325 = arith.constant 0 : i32
      %dma_start3A_326 = tpu.memref_slice %arg7[%dma_start3A_324, %dma_start3A_325] : memref<10000x128xf32, #tpu.memory_space<vmem_shared>> -> memref<10000x128xf32, #tpu.memory_space<vmem_shared>>
      %dma_start3A_327 = tpu.memref_slice %arg12[%dma_start3A_316] : memref<4x!tpu.dma_semaphore, #tpu.memory_space<semaphore_mem>> -> memref<1x!tpu.dma_semaphore, #tpu.memory_space<semaphore_mem>>
      %dma_start3A_328 = tpu.memref_squeeze %dma_start3A_327 : memref<1x!tpu.dma_semaphore, #tpu.memory_space<semaphore_mem>> -> memref<!tpu.dma_semaphore, #tpu.memory_space<semaphore_mem>>
      tpu.enqueue_indirect_dma source(%dma_start3A_320 : memref<50x128xf32, #tpu.memory_space<vmem>>) target(%dma_start3A_326 : memref<10000x128xf32, #tpu.memory_space<vmem_shared>>) offsets(%dma_start3A_323 : memref<50xi32, #tpu.memory_space<vmem>>) semaphore(%dma_start3A_328 : memref<!tpu.dma_semaphore, #tpu.memory_space<semaphore_mem>>) {add = true}
      %add3A_329 = arith.constant 3 : i32
      %add3A_330 = arith.addi %add3A_300, %add3A_329 : i32
      %lt3A_331 = arith.constant 200 : i32
      %lt3A_332 = arith.cmpi slt, %add3A_330, %lt3A_331 : i32
      %convert_element_type3A_333 = arith.extui %lt3A_332 : i1 to i32
      %cond3A_334 = arith.constant 0 : i32
      %cond3A_335 = arith.cmpi ne, %convert_element_type3A_333, %cond3A_334 : i32
      scf.if %cond3A_335 {
        %sub3A = arith.constant 1 : i32
        %sub3A_337 = arith.subi %add3A_300, %sub3A : i32
        %dma_wait3A_338 = arith.constant 2 : i32
        %dma_wait3A_339 = arith.constant 2 : i32
        %dma_wait3A_340 = arith.constant 0 : i32
        %dma_wait3A_341 = arith.constant 0 : i32
        %dma_wait3A_342 = tpu.memref_slice %arg10[%dma_wait3A_338, %dma_wait3A_340, %dma_wait3A_341] : memref<4x50x128xf32, #tpu.memory_space<vmem>> -> memref<1x50x128xf32, #tpu.memory_space<vmem>>
        %dma_wait3A_343 = tpu.memref_squeeze %dma_wait3A_342 : memref<1x50x128xf32, #tpu.memory_space<vmem>> -> memref<50x128xf32, #tpu.memory_space<vmem>>
        %dma_wait3A_344 = arith.constant 0 : i32
        %dma_wait3A_345 = tpu.memref_slice %arg9[%sub3A_337, %dma_wait3A_344] : memref<200x50xi32, #tpu.memory_space<vmem>> -> memref<1x50xi32, #tpu.memory_space<vmem>>
        %dma_wait3A_346 = tpu.memref_squeeze %dma_wait3A_345 : memref<1x50xi32, #tpu.memory_space<vmem>> -> memref<50xi32, #tpu.memory_space<vmem>>
        %dma_wait3A_347 = arith.constant 0 : i32
        %dma_wait3A_348 = arith.constant 0 : i32
        %dma_wait3A_349 = tpu.memref_slice %arg7[%dma_wait3A_347, %dma_wait3A_348] : memref<10000x128xf32, #tpu.memory_space<vmem_shared>> -> memref<10000x128xf32, #tpu.memory_space<vmem_shared>>
        %dma_wait3A_350 = tpu.memref_slice %arg12[%dma_wait3A_339] : memref<4x!tpu.dma_semaphore, #tpu.memory_space<semaphore_mem>> -> memref<1x!tpu.dma_semaphore, #tpu.memory_space<semaphore_mem>>
        %dma_wait3A_351 = tpu.memref_squeeze %dma_wait3A_350 : memref<1x!tpu.dma_semaphore, #tpu.memory_space<semaphore_mem>> -> memref<!tpu.dma_semaphore, #tpu.memory_space<semaphore_mem>>
        tpu.wait_indirect_dma semaphore(%dma_wait3A_351 : memref<!tpu.dma_semaphore, #tpu.memory_space<semaphore_mem>>) src(%dma_wait3A_343 : memref<50x128xf32, #tpu.memory_space<vmem>>) dst(%dma_wait3A_349 : memref<10000x128xf32, #tpu.memory_space<vmem_shared>>)
        %add3A_352 = arith.constant 3 : i32
        %add3A_353 = arith.addi %add3A_300, %add3A_352 : i32
        %dma_start3A_354 = arith.constant 2 : i32
        %dma_start3A_355 = arith.constant 2 : i32
        %dma_start3A_356 = arith.constant 0 : i32
        %dma_start3A_357 = arith.constant 0 : i32
        %dma_start3A_358 = tpu.memref_slice %arg10[%dma_start3A_354, %dma_start3A_356, %dma_start3A_357] : memref<4x50x128xf32, #tpu.memory_space<vmem>> -> memref<1x50x128xf32, #tpu.memory_space<vmem>>
        %dma_start3A_359 = tpu.memref_squeeze %dma_start3A_358 : memref<1x50x128xf32, #tpu.memory_space<vmem>> -> memref<50x128xf32, #tpu.memory_space<vmem>>
        %dma_start3A_360 = arith.constant 0 : i32
        %dma_start3A_361 = tpu.memref_slice %arg8[%add3A_353, %dma_start3A_360] : memref<200x50xi32, #tpu.memory_space<vmem>> -> memref<1x50xi32, #tpu.memory_space<vmem>>
        %dma_start3A_362 = tpu.memref_squeeze %dma_start3A_361 : memref<1x50xi32, #tpu.memory_space<vmem>> -> memref<50xi32, #tpu.memory_space<vmem>>
        %dma_start3A_363 = arith.constant 0 : i32
        %dma_start3A_364 = arith.constant 0 : i32
        %dma_start3A_365 = tpu.memref_slice %arg2[%dma_start3A_363, %dma_start3A_364] : memref<10000x128xf32, #tpu.memory_space<hbm>> -> memref<10000x128xf32, #tpu.memory_space<hbm>>
        %dma_start3A_366 = tpu.memref_slice %arg11[%dma_start3A_355] : memref<4x!tpu.dma_semaphore, #tpu.memory_space<semaphore_mem>> -> memref<1x!tpu.dma_semaphore, #tpu.memory_space<semaphore_mem>>
        %dma_start3A_367 = tpu.memref_squeeze %dma_start3A_366 : memref<1x!tpu.dma_semaphore, #tpu.memory_space<semaphore_mem>> -> memref<!tpu.dma_semaphore, #tpu.memory_space<semaphore_mem>>
        tpu.enqueue_indirect_dma source(%dma_start3A_365 : memref<10000x128xf32, #tpu.memory_space<hbm>>) target(%dma_start3A_359 : memref<50x128xf32, #tpu.memory_space<vmem>>) offsets(%dma_start3A_362 : memref<50xi32, #tpu.memory_space<vmem>>) semaphore(%dma_start3A_367 : memref<!tpu.dma_semaphore, #tpu.memory_space<semaphore_mem>>)
      } else {
      }
      %scan3A_336 = arith.constant 0 : i32
      scf.yield %scan3A_336 : i32
    }
    %scan3A_102 = arith.constant 50 : i32
    %dma_wait3A_103 = arith.constant 0 : i32
    %dma_wait3A_104 = arith.constant 196 : i32
    %dma_wait3A_105 = arith.constant 0 : i32
    %dma_wait3A_106 = arith.constant 0 : i32
    %dma_wait3A_107 = arith.constant 0 : i32
    %dma_wait3A_108 = tpu.memref_slice %arg10[%dma_wait3A_103, %dma_wait3A_106, %dma_wait3A_107] : memref<4x50x128xf32, #tpu.memory_space<vmem>> -> memref<1x50x128xf32, #tpu.memory_space<vmem>>
    %dma_wait3A_109 = tpu.memref_squeeze %dma_wait3A_108 : memref<1x50x128xf32, #tpu.memory_space<vmem>> -> memref<50x128xf32, #tpu.memory_space<vmem>>
    %dma_wait3A_110 = arith.constant 0 : i32
    %dma_wait3A_111 = tpu.memref_slice %arg9[%dma_wait3A_104, %dma_wait3A_110] : memref<200x50xi32, #tpu.memory_space<vmem>> -> memref<1x50xi32, #tpu.memory_space<vmem>>
    %dma_wait3A_112 = tpu.memref_squeeze %dma_wait3A_111 : memref<1x50xi32, #tpu.memory_space<vmem>> -> memref<50xi32, #tpu.memory_space<vmem>>
    %dma_wait3A_113 = arith.constant 0 : i32
    %dma_wait3A_114 = arith.constant 0 : i32
    %dma_wait3A_115 = tpu.memref_slice %arg7[%dma_wait3A_113, %dma_wait3A_114] : memref<10000x128xf32, #tpu.memory_space<vmem_shared>> -> memref<10000x128xf32, #tpu.memory_space<vmem_shared>>
    %dma_wait3A_116 = tpu.memref_slice %arg12[%dma_wait3A_105] : memref<4x!tpu.dma_semaphore, #tpu.memory_space<semaphore_mem>> -> memref<1x!tpu.dma_semaphore, #tpu.memory_space<semaphore_mem>>
    %dma_wait3A_117 = tpu.memref_squeeze %dma_wait3A_116 : memref<1x!tpu.dma_semaphore, #tpu.memory_space<semaphore_mem>> -> memref<!tpu.dma_semaphore, #tpu.memory_space<semaphore_mem>>
    tpu.wait_indirect_dma semaphore(%dma_wait3A_117 : memref<!tpu.dma_semaphore, #tpu.memory_space<semaphore_mem>>) src(%dma_wait3A_109 : memref<50x128xf32, #tpu.memory_space<vmem>>) dst(%dma_wait3A_115 : memref<10000x128xf32, #tpu.memory_space<vmem_shared>>)
    %dma_wait3A_118 = arith.constant 1 : i32
    %dma_wait3A_119 = arith.constant 197 : i32
    %dma_wait3A_120 = arith.constant 1 : i32
    %dma_wait3A_121 = arith.constant 0 : i32
    %dma_wait3A_122 = arith.constant 0 : i32
    %dma_wait3A_123 = tpu.memref_slice %arg10[%dma_wait3A_118, %dma_wait3A_121, %dma_wait3A_122] : memref<4x50x128xf32, #tpu.memory_space<vmem>> -> memref<1x50x128xf32, #tpu.memory_space<vmem>>
    %dma_wait3A_124 = tpu.memref_squeeze %dma_wait3A_123 : memref<1x50x128xf32, #tpu.memory_space<vmem>> -> memref<50x128xf32, #tpu.memory_space<vmem>>
    %dma_wait3A_125 = arith.constant 0 : i32
    %dma_wait3A_126 = tpu.memref_slice %arg9[%dma_wait3A_119, %dma_wait3A_125] : memref<200x50xi32, #tpu.memory_space<vmem>> -> memref<1x50xi32, #tpu.memory_space<vmem>>
    %dma_wait3A_127 = tpu.memref_squeeze %dma_wait3A_126 : memref<1x50xi32, #tpu.memory_space<vmem>> -> memref<50xi32, #tpu.memory_space<vmem>>
    %dma_wait3A_128 = arith.constant 0 : i32
    %dma_wait3A_129 = arith.constant 0 : i32
    %dma_wait3A_130 = tpu.memref_slice %arg7[%dma_wait3A_128, %dma_wait3A_129] : memref<10000x128xf32, #tpu.memory_space<vmem_shared>> -> memref<10000x128xf32, #tpu.memory_space<vmem_shared>>
    %dma_wait3A_131 = tpu.memref_slice %arg12[%dma_wait3A_120] : memref<4x!tpu.dma_semaphore, #tpu.memory_space<semaphore_mem>> -> memref<1x!tpu.dma_semaphore, #tpu.memory_space<semaphore_mem>>
    %dma_wait3A_132 = tpu.memref_squeeze %dma_wait3A_131 : memref<1x!tpu.dma_semaphore, #tpu.memory_space<semaphore_mem>> -> memref<!tpu.dma_semaphore, #tpu.memory_space<semaphore_mem>>
    tpu.wait_indirect_dma semaphore(%dma_wait3A_132 : memref<!tpu.dma_semaphore, #tpu.memory_space<semaphore_mem>>) src(%dma_wait3A_124 : memref<50x128xf32, #tpu.memory_space<vmem>>) dst(%dma_wait3A_130 : memref<10000x128xf32, #tpu.memory_space<vmem_shared>>)
    %dma_wait3A_133 = arith.constant 2 : i32
    %dma_wait3A_134 = arith.constant 198 : i32
    %dma_wait3A_135 = arith.constant 2 : i32
    %dma_wait3A_136 = arith.constant 0 : i32
    %dma_wait3A_137 = arith.constant 0 : i32
    %dma_wait3A_138 = tpu.memref_slice %arg10[%dma_wait3A_133, %dma_wait3A_136, %dma_wait3A_137] : memref<4x50x128xf32, #tpu.memory_space<vmem>> -> memref<1x50x128xf32, #tpu.memory_space<vmem>>
    %dma_wait3A_139 = tpu.memref_squeeze %dma_wait3A_138 : memref<1x50x128xf32, #tpu.memory_space<vmem>> -> memref<50x128xf32, #tpu.memory_space<vmem>>
    %dma_wait3A_140 = arith.constant 0 : i32
    %dma_wait3A_141 = tpu.memref_slice %arg9[%dma_wait3A_134, %dma_wait3A_140] : memref<200x50xi32, #tpu.memory_space<vmem>> -> memref<1x50xi32, #tpu.memory_space<vmem>>
    %dma_wait3A_142 = tpu.memref_squeeze %dma_wait3A_141 : memref<1x50xi32, #tpu.memory_space<vmem>> -> memref<50xi32, #tpu.memory_space<vmem>>
    %dma_wait3A_143 = arith.constant 0 : i32
    %dma_wait3A_144 = arith.constant 0 : i32
    %dma_wait3A_145 = tpu.memref_slice %arg7[%dma_wait3A_143, %dma_wait3A_144] : memref<10000x128xf32, #tpu.memory_space<vmem_shared>> -> memref<10000x128xf32, #tpu.memory_space<vmem_shared>>
    %dma_wait3A_146 = tpu.memref_slice %arg12[%dma_wait3A_135] : memref<4x!tpu.dma_semaphore, #tpu.memory_space<semaphore_mem>> -> memref<1x!tpu.dma_semaphore, #tpu.memory_space<semaphore_mem>>
    %dma_wait3A_147 = tpu.memref_squeeze %dma_wait3A_146 : memref<1x!tpu.dma_semaphore, #tpu.memory_space<semaphore_mem>> -> memref<!tpu.dma_semaphore, #tpu.memory_space<semaphore_mem>>
    tpu.wait_indirect_dma semaphore(%dma_wait3A_147 : memref<!tpu.dma_semaphore, #tpu.memory_space<semaphore_mem>>) src(%dma_wait3A_139 : memref<50x128xf32, #tpu.memory_space<vmem>>) dst(%dma_wait3A_145 : memref<10000x128xf32, #tpu.memory_space<vmem_shared>>)
    %dma_wait3A_148 = arith.constant 3 : i32
    %dma_wait3A_149 = arith.constant 199 : i32
    %dma_wait3A_150 = arith.constant 3 : i32
    %dma_wait3A_151 = arith.constant 0 : i32
    %dma_wait3A_152 = arith.constant 0 : i32
    %dma_wait3A_153 = tpu.memref_slice %arg10[%dma_wait3A_148, %dma_wait3A_151, %dma_wait3A_152] : memref<4x50x128xf32, #tpu.memory_space<vmem>> -> memref<1x50x128xf32, #tpu.memory_space<vmem>>
    %dma_wait3A_154 = tpu.memref_squeeze %dma_wait3A_153 : memref<1x50x128xf32, #tpu.memory_space<vmem>> -> memref<50x128xf32, #tpu.memory_space<vmem>>
    %dma_wait3A_155 = arith.constant 0 : i32
    %dma_wait3A_156 = tpu.memref_slice %arg9[%dma_wait3A_149, %dma_wait3A_155] : memref<200x50xi32, #tpu.memory_space<vmem>> -> memref<1x50xi32, #tpu.memory_space<vmem>>
    %dma_wait3A_157 = tpu.memref_squeeze %dma_wait3A_156 : memref<1x50xi32, #tpu.memory_space<vmem>> -> memref<50xi32, #tpu.memory_space<vmem>>
    %dma_wait3A_158 = arith.constant 0 : i32
    %dma_wait3A_159 = arith.constant 0 : i32
    %dma_wait3A_160 = tpu.memref_slice %arg7[%dma_wait3A_158, %dma_wait3A_159] : memref<10000x128xf32, #tpu.memory_space<vmem_shared>> -> memref<10000x128xf32, #tpu.memory_space<vmem_shared>>
    %dma_wait3A_161 = tpu.memref_slice %arg12[%dma_wait3A_150] : memref<4x!tpu.dma_semaphore, #tpu.memory_space<semaphore_mem>> -> memref<1x!tpu.dma_semaphore, #tpu.memory_space<semaphore_mem>>
    %dma_wait3A_162 = tpu.memref_squeeze %dma_wait3A_161 : memref<1x!tpu.dma_semaphore, #tpu.memory_space<semaphore_mem>> -> memref<!tpu.dma_semaphore, #tpu.memory_space<semaphore_mem>>
    tpu.wait_indirect_dma semaphore(%dma_wait3A_162 : memref<!tpu.dma_semaphore, #tpu.memory_space<semaphore_mem>>) src(%dma_wait3A_154 : memref<50x128xf32, #tpu.memory_space<vmem>>) dst(%dma_wait3A_160 : memref<10000x128xf32, #tpu.memory_space<vmem_shared>>)
    %barrier3A_163 = arith.constant 0 : index
    tpu.barrier barrier_id(%barrier3A_163)
    %mul3A_164 = arith.constant 624 : i32
    %mul3A_165 = arith.muli %arg1, %mul3A_164 : i32
    %mul3A_166 = arith.constant 624 : i32
    %mul3A_167 = arith.muli %arg1, %mul3A_166 : i32
    "tpu.region"() ({
      %run_scoped3A = tpu.sem_alloc : memref<!tpu.dma_semaphore, #tpu.memory_space<semaphore_mem>>
      %dma_start3A_173 = arith.constant 0 : i32
      %dma_start3A_174 = tpu.memref_slice %arg6[%arg0, %mul3A_167, %dma_start3A_173] : memref<2x10000x128xf32, #tpu.memory_space<hbm>> -> memref<1x624x128xf32, #tpu.memory_space<hbm>>
      %dma_start3A_175 = tpu.memref_squeeze %dma_start3A_174 : memref<1x624x128xf32, #tpu.memory_space<hbm>> -> memref<624x128xf32, #tpu.memory_space<hbm>>
      %dma_start3A_176 = arith.constant 0 : i32
      %dma_start3A_177 = tpu.memref_slice %arg7[%mul3A_165, %dma_start3A_176] : memref<10000x128xf32, #tpu.memory_space<vmem_shared>> -> memref<624x128xf32, #tpu.memory_space<vmem_shared>>
      tpu.enqueue_dma source(%dma_start3A_177 : memref<624x128xf32, #tpu.memory_space<vmem_shared>>) target(%dma_start3A_175 : memref<624x128xf32, #tpu.memory_space<hbm>>) target_semaphore(%run_scoped3A : memref<!tpu.dma_semaphore, #tpu.memory_space<semaphore_mem>>)
      %dma_wait3A_178 = arith.constant 0 : i32
      %dma_wait3A_179 = tpu.memref_slice %arg6[%arg0, %mul3A_167, %dma_wait3A_178] : memref<2x10000x128xf32, #tpu.memory_space<hbm>> -> memref<1x624x128xf32, #tpu.memory_space<hbm>>
      %dma_wait3A_180 = tpu.memref_squeeze %dma_wait3A_179 : memref<1x624x128xf32, #tpu.memory_space<hbm>> -> memref<624x128xf32, #tpu.memory_space<hbm>>
      %dma_wait3A_181 = arith.constant 0 : i32
      %dma_wait3A_182 = tpu.memref_slice %arg7[%mul3A_165, %dma_wait3A_181] : memref<10000x128xf32, #tpu.memory_space<vmem_shared>> -> memref<624x128xf32, #tpu.memory_space<vmem_shared>>
      tpu.wait_dma2 semaphore(%run_scoped3A : memref<!tpu.dma_semaphore, #tpu.memory_space<semaphore_mem>>) src(%dma_wait3A_182 : memref<624x128xf32, #tpu.memory_space<vmem_shared>>) dst(%dma_wait3A_180 : memref<624x128xf32, #tpu.memory_space<hbm>>)
      tpu.yield
    }) : () -> ()
    %eq3A_168 = arith.constant 15 : i32
    %eq3A_169 = arith.cmpi eq, %arg1, %eq3A_168 : i32
    %convert_element_type3A_170 = arith.extui %eq3A_169 : i1 to i32
    %cond3A_171 = arith.constant 0 : i32
    %cond3A_172 = arith.cmpi ne, %convert_element_type3A_170, %cond3A_171 : i32
    scf.if %cond3A_172 {
      "tpu.region"() ({
        %run_scoped3A = tpu.sem_alloc : memref<!tpu.dma_semaphore, #tpu.memory_space<semaphore_mem>>
        %dma_start3A_173 = arith.constant 9984 : i32
        %dma_start3A_174 = arith.constant 0 : i32
        %dma_start3A_175 = tpu.memref_slice %arg6[%arg0, %dma_start3A_173, %dma_start3A_174] : memref<2x10000x128xf32, #tpu.memory_space<hbm>> -> memref<1x16x128xf32, #tpu.memory_space<hbm>>
        %dma_start3A_176 = tpu.memref_squeeze %dma_start3A_175 : memref<1x16x128xf32, #tpu.memory_space<hbm>> -> memref<16x128xf32, #tpu.memory_space<hbm>>
        %dma_start3A_177 = arith.constant 9984 : i32
        %dma_start3A_178 = arith.constant 0 : i32
        %dma_start3A_179 = tpu.memref_slice %arg7[%dma_start3A_177, %dma_start3A_178] : memref<10000x128xf32, #tpu.memory_space<vmem_shared>> -> memref<16x128xf32, #tpu.memory_space<vmem_shared>>
        tpu.enqueue_dma source(%dma_start3A_179 : memref<16x128xf32, #tpu.memory_space<vmem_shared>>) target(%dma_start3A_176 : memref<16x128xf32, #tpu.memory_space<hbm>>) target_semaphore(%run_scoped3A : memref<!tpu.dma_semaphore, #tpu.memory_space<semaphore_mem>>)
        %dma_wait3A_180 = arith.constant 9984 : i32
        %dma_wait3A_181 = arith.constant 0 : i32
        %dma_wait3A_182 = tpu.memref_slice %arg6[%arg0, %dma_wait3A_180, %dma_wait3A_181] : memref<2x10000x128xf32, #tpu.memory_space<hbm>> -> memref<1x16x128xf32, #tpu.memory_space<hbm>>
        %dma_wait3A_183 = tpu.memref_squeeze %dma_wait3A_182 : memref<1x16x128xf32, #tpu.memory_space<hbm>> -> memref<16x128xf32, #tpu.memory_space<hbm>>
        %dma_wait3A_184 = arith.constant 9984 : i32
        %dma_wait3A_185 = arith.constant 0 : i32
        %dma_wait3A_186 = tpu.memref_slice %arg7[%dma_wait3A_184, %dma_wait3A_185] : memref<10000x128xf32, #tpu.memory_space<vmem_shared>> -> memref<16x128xf32, #tpu.memory_space<vmem_shared>>
        tpu.wait_dma2 semaphore(%run_scoped3A : memref<!tpu.dma_semaphore, #tpu.memory_space<semaphore_mem>>) src(%dma_wait3A_186 : memref<16x128xf32, #tpu.memory_space<vmem_shared>>) dst(%dma_wait3A_183 : memref<16x128xf32, #tpu.memory_space<hbm>>)
        tpu.yield
      }) : () -> ()
    } else {
    }
    return
  }
}

#map = affine_map<(d0, d1) -> (0)>
#map1 = affine_map<(d0, d1) -> (0, 0)>
module attributes {stable_mosaic.version = 14 : i64} {
  func.func @_hist_sc(%arg0: i32, %arg1: i32, %arg2: memref<320000xi32, #tpu.memory_space<hbm>>, %arg3: memref<320000xi32, #tpu.memory_space<hbm>>, %arg4: memref<64x10000xf32, #tpu.memory_space<hbm>>, %arg5: memref<10000xf32, #tpu.memory_space<vmem>>, %arg6: memref<10000xi32, #tpu.memory_space<vmem>>) attributes {dimension_semantics = [#tpu.dimension_semantics<core_parallel>, #tpu.dimension_semantics<subcore_parallel>], iteration_bounds = array<i64: 2, 16>, scalar_prefetch = 0 : i64, scratch_operands = 2 : i64, tpu.core_type = #tpu.core_type<sc_vector_subcore>, window_params = [{transform_indices = #map}, {transform_indices = #map}, {transform_indices = #map1}]} {
    %mul3A = arith.constant 16 : i32
    %mul3A_0 = arith.muli %arg0, %mul3A : i32
    %add3A = arith.addi %mul3A_0, %arg1 : i32
    %mul3A_1 = arith.constant 10000 : i32
    %mul3A_2 = arith.muli %add3A, %mul3A_1 : i32
    %broadcast_in_dim3A = arith.constant 1.000000e+00 : f32
    %broadcast_in_dim3A_3 = vector.broadcast %broadcast_in_dim3A : f32 to vector<16xf32>
    %broadcast_in_dim3A_4 = arith.constant 0.000000e+00 : f32
    %broadcast_in_dim3A_5 = vector.broadcast %broadcast_in_dim3A_4 : f32 to vector<16xf32>
    %scan3A = arith.constant 0 : i32
    %scan3A_6 = arith.constant 0 : i32
    %scan3A_7 = arith.constant 625 : i32
    %scan3A_8 = arith.addi %scan3A_6, %scan3A_7 : i32
    %scan3A_9 = arith.constant 1 : i32
    %scan3A_10 = scf.for %scan3A_37 = %scan3A_6 to %scan3A_8 step %scan3A_9 iter_args(%scan3A_38 = %scan3A) -> (i32)  : i32 {
      %mul3A_39 = arith.constant 16 : i32
      %mul3A_40 = arith.muli %scan3A_37, %mul3A_39 : i32
      %swap3A = arith.index_cast %mul3A_40 : i32 to index
      %swap3A_41 = tpu.vector_load %arg5[%swap3A] {strides = array<i32>} : memref<10000xf32, #tpu.memory_space<vmem>>, vector<16xf32>,
      tpu.vector_store %arg5[%swap3A], %broadcast_in_dim3A_5 {strides = array<i32>} : memref<10000xf32, #tpu.memory_space<vmem>>, vector<16xf32>,
      %scan3A_42 = arith.constant 0 : i32
      scf.yield %scan3A_42 : i32
    }
    %scan3A_11 = arith.constant 625 : i32
    "tpu.region"() ({
      %run_scoped3A = tpu.sem_alloc : memref<!tpu.dma_semaphore, #tpu.memory_space<semaphore_mem>>
      %dma_start3A = tpu.memref_slice %arg2[%mul3A_2] : memref<320000xi32, #tpu.memory_space<hbm>> -> memref<10000xi32, #tpu.memory_space<hbm>>
      %dma_start3A_37 = tpu.memref_slice %arg2[%mul3A_2] : memref<320000xi32, #tpu.memory_space<hbm>> -> memref<10000xi32, #tpu.memory_space<hbm>>
      tpu.enqueue_dma source(%dma_start3A_37 : memref<10000xi32, #tpu.memory_space<hbm>>) target(%arg6 : memref<10000xi32, #tpu.memory_space<vmem>>) target_semaphore(%run_scoped3A : memref<!tpu.dma_semaphore, #tpu.memory_space<semaphore_mem>>)
      %dma_wait3A = tpu.memref_slice %arg2[%mul3A_2] : memref<320000xi32, #tpu.memory_space<hbm>> -> memref<10000xi32, #tpu.memory_space<hbm>>
      %dma_wait3A_38 = tpu.memref_slice %arg2[%mul3A_2] : memref<320000xi32, #tpu.memory_space<hbm>> -> memref<10000xi32, #tpu.memory_space<hbm>>
      tpu.wait_dma2 semaphore(%run_scoped3A : memref<!tpu.dma_semaphore, #tpu.memory_space<semaphore_mem>>) src(%dma_wait3A_38 : memref<10000xi32, #tpu.memory_space<hbm>>) dst(%arg6 : memref<10000xi32, #tpu.memory_space<vmem>>)
      tpu.yield
    }) : () -> ()
    %scan3A_12 = arith.constant 0 : i32
    %scan3A_13 = arith.constant 0 : i32
    %scan3A_14 = arith.constant 625 : i32
    %scan3A_15 = arith.addi %scan3A_13, %scan3A_14 : i32
    %scan3A_16 = arith.constant 1 : i32
    %scan3A_17 = scf.for %scan3A_37 = %scan3A_13 to %scan3A_15 step %scan3A_16 iter_args(%scan3A_38 = %scan3A_12) -> (i32)  : i32 {
      %mul3A_39 = arith.constant 16 : i32
      %mul3A_40 = arith.muli %scan3A_37, %mul3A_39 : i32
      %get3A = arith.index_cast %mul3A_40 : i32 to index
      %get3A_41 = tpu.vector_load %arg6[%get3A] {strides = array<i32>} : memref<10000xi32, #tpu.memory_space<vmem>>, vector<16xi32>,
      tpu.vector_store_idx %arg5[%get3A_41], %broadcast_in_dim3A_3 {add = true} : memref<10000xf32, #tpu.memory_space<vmem>>[vector<16xi32>], vector<16xf32>,
      %scan3A_42 = arith.constant 0 : i32
      scf.yield %scan3A_42 : i32
    }
    %scan3A_18 = arith.constant 625 : i32
    %add3A_19 = arith.constant 0 : i32
    %add3A_20 = arith.addi %add3A_19, %add3A : i32
    "tpu.region"() ({
      %run_scoped3A = tpu.sem_alloc : memref<!tpu.dma_semaphore, #tpu.memory_space<semaphore_mem>>
      %dma_start3A = arith.constant 0 : i32
      %dma_start3A_37 = tpu.memref_slice %arg4[%add3A_20, %dma_start3A] : memref<64x10000xf32, #tpu.memory_space<hbm>> -> memref<1x10000xf32, #tpu.memory_space<hbm>>
      %dma_start3A_38 = tpu.memref_squeeze %dma_start3A_37 : memref<1x10000xf32, #tpu.memory_space<hbm>> -> memref<10000xf32, #tpu.memory_space<hbm>>
      %dma_start3A_39 = arith.constant 0 : i32
      %dma_start3A_40 = tpu.memref_slice %arg4[%add3A_20, %dma_start3A_39] : memref<64x10000xf32, #tpu.memory_space<hbm>> -> memref<1x10000xf32, #tpu.memory_space<hbm>>
      %dma_start3A_41 = tpu.memref_squeeze %dma_start3A_40 : memref<1x10000xf32, #tpu.memory_space<hbm>> -> memref<10000xf32, #tpu.memory_space<hbm>>
      tpu.enqueue_dma source(%arg5 : memref<10000xf32, #tpu.memory_space<vmem>>) target(%dma_start3A_41 : memref<10000xf32, #tpu.memory_space<hbm>>) target_semaphore(%run_scoped3A : memref<!tpu.dma_semaphore, #tpu.memory_space<semaphore_mem>>)
      %dma_wait3A = arith.constant 0 : i32
      %dma_wait3A_42 = tpu.memref_slice %arg4[%add3A_20, %dma_wait3A] : memref<64x10000xf32, #tpu.memory_space<hbm>> -> memref<1x10000xf32, #tpu.memory_space<hbm>>
      %dma_wait3A_43 = tpu.memref_squeeze %dma_wait3A_42 : memref<1x10000xf32, #tpu.memory_space<hbm>> -> memref<10000xf32, #tpu.memory_space<hbm>>
      %dma_wait3A_44 = arith.constant 0 : i32
      %dma_wait3A_45 = tpu.memref_slice %arg4[%add3A_20, %dma_wait3A_44] : memref<64x10000xf32, #tpu.memory_space<hbm>> -> memref<1x10000xf32, #tpu.memory_space<hbm>>
      %dma_wait3A_46 = tpu.memref_squeeze %dma_wait3A_45 : memref<1x10000xf32, #tpu.memory_space<hbm>> -> memref<10000xf32, #tpu.memory_space<hbm>>
      tpu.wait_dma2 semaphore(%run_scoped3A : memref<!tpu.dma_semaphore, #tpu.memory_space<semaphore_mem>>) src(%arg5 : memref<10000xf32, #tpu.memory_space<vmem>>) dst(%dma_wait3A_46 : memref<10000xf32, #tpu.memory_space<hbm>>)
      tpu.yield
    }) : () -> ()
    %scan3A_21 = arith.constant 0 : i32
    %scan3A_22 = arith.constant 0 : i32
    %scan3A_23 = arith.constant 625 : i32
    %scan3A_24 = arith.addi %scan3A_22, %scan3A_23 : i32
    %scan3A_25 = arith.constant 1 : i32
    %scan3A_26 = scf.for %scan3A_37 = %scan3A_22 to %scan3A_24 step %scan3A_25 iter_args(%scan3A_38 = %scan3A_21) -> (i32)  : i32 {
      %mul3A_39 = arith.constant 16 : i32
      %mul3A_40 = arith.muli %scan3A_37, %mul3A_39 : i32
      %swap3A = arith.index_cast %mul3A_40 : i32 to index
      %swap3A_41 = tpu.vector_load %arg5[%swap3A] {strides = array<i32>} : memref<10000xf32, #tpu.memory_space<vmem>>, vector<16xf32>,
      tpu.vector_store %arg5[%swap3A], %broadcast_in_dim3A_5 {strides = array<i32>} : memref<10000xf32, #tpu.memory_space<vmem>>, vector<16xf32>,
      %scan3A_42 = arith.constant 0 : i32
      scf.yield %scan3A_42 : i32
    }
    %scan3A_27 = arith.constant 625 : i32
    "tpu.region"() ({
      %run_scoped3A = tpu.sem_alloc : memref<!tpu.dma_semaphore, #tpu.memory_space<semaphore_mem>>
      %dma_start3A = tpu.memref_slice %arg3[%mul3A_2] : memref<320000xi32, #tpu.memory_space<hbm>> -> memref<10000xi32, #tpu.memory_space<hbm>>
      %dma_start3A_37 = tpu.memref_slice %arg3[%mul3A_2] : memref<320000xi32, #tpu.memory_space<hbm>> -> memref<10000xi32, #tpu.memory_space<hbm>>
      tpu.enqueue_dma source(%dma_start3A_37 : memref<10000xi32, #tpu.memory_space<hbm>>) target(%arg6 : memref<10000xi32, #tpu.memory_space<vmem>>) target_semaphore(%run_scoped3A : memref<!tpu.dma_semaphore, #tpu.memory_space<semaphore_mem>>)
      %dma_wait3A = tpu.memref_slice %arg3[%mul3A_2] : memref<320000xi32, #tpu.memory_space<hbm>> -> memref<10000xi32, #tpu.memory_space<hbm>>
      %dma_wait3A_38 = tpu.memref_slice %arg3[%mul3A_2] : memref<320000xi32, #tpu.memory_space<hbm>> -> memref<10000xi32, #tpu.memory_space<hbm>>
      tpu.wait_dma2 semaphore(%run_scoped3A : memref<!tpu.dma_semaphore, #tpu.memory_space<semaphore_mem>>) src(%dma_wait3A_38 : memref<10000xi32, #tpu.memory_space<hbm>>) dst(%arg6 : memref<10000xi32, #tpu.memory_space<vmem>>)
      tpu.yield
    }) : () -> ()
    %scan3A_28 = arith.constant 0 : i32
    %scan3A_29 = arith.constant 0 : i32
    %scan3A_30 = arith.constant 625 : i32
    %scan3A_31 = arith.addi %scan3A_29, %scan3A_30 : i32
    %scan3A_32 = arith.constant 1 : i32
    %scan3A_33 = scf.for %scan3A_37 = %scan3A_29 to %scan3A_31 step %scan3A_32 iter_args(%scan3A_38 = %scan3A_28) -> (i32)  : i32 {
      %mul3A_39 = arith.constant 16 : i32
      %mul3A_40 = arith.muli %scan3A_37, %mul3A_39 : i32
      %get3A = arith.index_cast %mul3A_40 : i32 to index
      %get3A_41 = tpu.vector_load %arg6[%get3A] {strides = array<i32>} : memref<10000xi32, #tpu.memory_space<vmem>>, vector<16xi32>,
      tpu.vector_store_idx %arg5[%get3A_41], %broadcast_in_dim3A_3 {add = true} : memref<10000xf32, #tpu.memory_space<vmem>>[vector<16xi32>], vector<16xf32>,
      %scan3A_42 = arith.constant 0 : i32
      scf.yield %scan3A_42 : i32
    }
    %scan3A_34 = arith.constant 625 : i32
    %add3A_35 = arith.constant 32 : i32
    %add3A_36 = arith.addi %add3A_35, %add3A : i32
    "tpu.region"() ({
      %run_scoped3A = tpu.sem_alloc : memref<!tpu.dma_semaphore, #tpu.memory_space<semaphore_mem>>
      %dma_start3A = arith.constant 0 : i32
      %dma_start3A_37 = tpu.memref_slice %arg4[%add3A_36, %dma_start3A] : memref<64x10000xf32, #tpu.memory_space<hbm>> -> memref<1x10000xf32, #tpu.memory_space<hbm>>
      %dma_start3A_38 = tpu.memref_squeeze %dma_start3A_37 : memref<1x10000xf32, #tpu.memory_space<hbm>> -> memref<10000xf32, #tpu.memory_space<hbm>>
      %dma_start3A_39 = arith.constant 0 : i32
      %dma_start3A_40 = tpu.memref_slice %arg4[%add3A_36, %dma_start3A_39] : memref<64x10000xf32, #tpu.memory_space<hbm>> -> memref<1x10000xf32, #tpu.memory_space<hbm>>
      %dma_start3A_41 = tpu.memref_squeeze %dma_start3A_40 : memref<1x10000xf32, #tpu.memory_space<hbm>> -> memref<10000xf32, #tpu.memory_space<hbm>>
      tpu.enqueue_dma source(%arg5 : memref<10000xf32, #tpu.memory_space<vmem>>) target(%dma_start3A_41 : memref<10000xf32, #tpu.memory_space<hbm>>) target_semaphore(%run_scoped3A : memref<!tpu.dma_semaphore, #tpu.memory_space<semaphore_mem>>)
      %dma_wait3A = arith.constant 0 : i32
      %dma_wait3A_42 = tpu.memref_slice %arg4[%add3A_36, %dma_wait3A] : memref<64x10000xf32, #tpu.memory_space<hbm>> -> memref<1x10000xf32, #tpu.memory_space<hbm>>
      %dma_wait3A_43 = tpu.memref_squeeze %dma_wait3A_42 : memref<1x10000xf32, #tpu.memory_space<hbm>> -> memref<10000xf32, #tpu.memory_space<hbm>>
      %dma_wait3A_44 = arith.constant 0 : i32
      %dma_wait3A_45 = tpu.memref_slice %arg4[%add3A_36, %dma_wait3A_44] : memref<64x10000xf32, #tpu.memory_space<hbm>> -> memref<1x10000xf32, #tpu.memory_space<hbm>>
      %dma_wait3A_46 = tpu.memref_squeeze %dma_wait3A_45 : memref<1x10000xf32, #tpu.memory_space<hbm>> -> memref<10000xf32, #tpu.memory_space<hbm>>
      tpu.wait_dma2 semaphore(%run_scoped3A : memref<!tpu.dma_semaphore, #tpu.memory_space<semaphore_mem>>) src(%arg5 : memref<10000xf32, #tpu.memory_space<vmem>>) dst(%dma_wait3A_46 : memref<10000xf32, #tpu.memory_space<hbm>>)
      tpu.yield
    }) : () -> ()
    return
  }
}

#map = affine_map<(d0, d1) -> (0, 0)>
#map1 = affine_map<(d0, d1) -> (0, 0, 0)>
module attributes {stable_mosaic.version = 14 : i64} {
  func.func @_seg_sc(%arg0: i32, %arg1: i32, %arg2: memref<10000x128xf32, #tpu.memory_space<hbm>>, %arg3: memref<32x200x50xi32, #tpu.memory_space<hbm>>, %arg4: memref<32x200x50xi32, #tpu.memory_space<hbm>>, %arg5: memref<624x128xf32, #tpu.memory_space<hbm>>, %arg6: memref<2x10000x128xf32, #tpu.memory_space<hbm>>, %arg7: memref<10000x128xf32, #tpu.memory_space<vmem_shared>>, %arg8: memref<200x50xi32, #tpu.memory_space<vmem>>, %arg9: memref<200x50xi32, #tpu.memory_space<vmem>>, %arg10: memref<4x50x128xf32, #tpu.memory_space<vmem>>, %arg11: memref<4x!tpu.dma_semaphore, #tpu.memory_space<semaphore_mem>>, %arg12: memref<4x!tpu.dma_semaphore, #tpu.memory_space<semaphore_mem>>, %arg13: memref<!tpu.dma_semaphore, #tpu.memory_space<semaphore_mem>>, %arg14: memref<!tpu.dma_semaphore, #tpu.memory_space<semaphore_mem>>, %arg15: memref<!tpu.dma_semaphore, #tpu.memory_space<semaphore_mem>>) attributes {dimension_semantics = [#tpu.dimension_semantics<core_parallel>, #tpu.dimension_semantics<subcore_parallel>], iteration_bounds = array<i64: 2, 16>, scalar_prefetch = 0 : i64, scratch_operands = 9 : i64, tpu.core_type = #tpu.core_type<sc_vector_subcore>, window_params = [{transform_indices = #map}, {transform_indices = #map1}, {transform_indices = #map1}, {transform_indices = #map}, {transform_indices = #map1}]} {
    %mul3A = arith.constant 624 : i32
    %mul3A_0 = arith.muli %arg1, %mul3A : i32
    %dma_start3A = arith.constant 0 : i32
    %dma_start3A_1 = tpu.memref_slice %arg7[%mul3A_0, %dma_start3A] : memref<10000x128xf32, #tpu.memory_space<vmem_shared>> -> memref<624x128xf32, #tpu.memory_space<vmem_shared>>
    %dma_start3A_2 = arith.constant 0 : i32
    %dma_start3A_3 = arith.constant 0 : i32
    %dma_start3A_4 = tpu.memref_slice %arg5[%dma_start3A_2, %dma_start3A_3] : memref<624x128xf32, #tpu.memory_space<hbm>> -> memref<624x128xf32, #tpu.memory_space<hbm>>
    tpu.enqueue_dma source(%dma_start3A_4 : memref<624x128xf32, #tpu.memory_space<hbm>>) target(%dma_start3A_1 : memref<624x128xf32, #tpu.memory_space<vmem_shared>>) target_semaphore(%arg13 : memref<!tpu.dma_semaphore, #tpu.memory_space<semaphore_mem>>)
    %eq3A = arith.constant 15 : i32
    %eq3A_5 = arith.cmpi eq, %arg1, %eq3A : i32
    %convert_element_type3A = arith.extui %eq3A_5 : i1 to i32
    %cond3A = arith.constant 0 : i32
    %cond3A_6 = arith.cmpi ne, %convert_element_type3A, %cond3A : i32
    scf.if %cond3A_6 {
      %dma_start3A_173 = arith.constant 9984 : i32
      %dma_start3A_174 = arith.constant 0 : i32
      %dma_start3A_175 = tpu.memref_slice %arg7[%dma_start3A_173, %dma_start3A_174] : memref<10000x128xf32, #tpu.memory_space<vmem_shared>> -> memref<16x128xf32, #tpu.memory_space<vmem_shared>>
      %dma_start3A_176 = arith.constant 0 : i32
      %dma_start3A_177 = arith.constant 0 : i32
      %dma_start3A_178 = tpu.memref_slice %arg5[%dma_start3A_176, %dma_start3A_177] : memref<624x128xf32, #tpu.memory_space<hbm>> -> memref<16x128xf32, #tpu.memory_space<hbm>>
      tpu.enqueue_dma source(%dma_start3A_178 : memref<16x128xf32, #tpu.memory_space<hbm>>) target(%dma_start3A_175 : memref<16x128xf32, #tpu.memory_space<vmem_shared>>) target_semaphore(%arg13 : memref<!tpu.dma_semaphore, #tpu.memory_space<semaphore_mem>>)
    } else {
    }
    %mul3A_7 = arith.constant 16 : i32
    %mul3A_8 = arith.muli %arg0, %mul3A_7 : i32
    %add3A = arith.addi %mul3A_8, %arg1 : i32
    %dma_start3A_9 = arith.constant 0 : i32
    %dma_start3A_10 = arith.constant 0 : i32
    %dma_start3A_11 = tpu.memref_slice %arg3[%add3A, %dma_start3A_9, %dma_start3A_10] : memref<32x200x50xi32, #tpu.memory_space<hbm>> -> memref<1x200x50xi32, #tpu.memory_space<hbm>>
    %dma_start3A_12 = tpu.memref_squeeze %dma_start3A_11 : memref<1x200x50xi32, #tpu.memory_space<hbm>> -> memref<200x50xi32, #tpu.memory_space<hbm>>
    %dma_start3A_13 = arith.constant 0 : i32
    %dma_start3A_14 = arith.constant 0 : i32
    %dma_start3A_15 = tpu.memref_slice %arg3[%add3A, %dma_start3A_13, %dma_start3A_14] : memref<32x200x50xi32, #tpu.memory_space<hbm>> -> memref<1x200x50xi32, #tpu.memory_space<hbm>>
    %dma_start3A_16 = tpu.memref_squeeze %dma_start3A_15 : memref<1x200x50xi32, #tpu.memory_space<hbm>> -> memref<200x50xi32, #tpu.memory_space<hbm>>
    tpu.enqueue_dma source(%dma_start3A_16 : memref<200x50xi32, #tpu.memory_space<hbm>>) target(%arg8 : memref<200x50xi32, #tpu.memory_space<vmem>>) target_semaphore(%arg14 : memref<!tpu.dma_semaphore, #tpu.memory_space<semaphore_mem>>)
    %dma_start3A_17 = arith.constant 0 : i32
    %dma_start3A_18 = arith.constant 0 : i32
    %dma_start3A_19 = tpu.memref_slice %arg4[%add3A, %dma_start3A_17, %dma_start3A_18] : memref<32x200x50xi32, #tpu.memory_space<hbm>> -> memref<1x200x50xi32, #tpu.memory_space<hbm>>
    %dma_start3A_20 = tpu.memref_squeeze %dma_start3A_19 : memref<1x200x50xi32, #tpu.memory_space<hbm>> -> memref<200x50xi32, #tpu.memory_space<hbm>>
    %dma_start3A_21 = arith.constant 0 : i32
    %dma_start3A_22 = arith.constant 0 : i32
    %dma_start3A_23 = tpu.memref_slice %arg4[%add3A, %dma_start3A_21, %dma_start3A_22] : memref<32x200x50xi32, #tpu.memory_space<hbm>> -> memref<1x200x50xi32, #tpu.memory_space<hbm>>
    %dma_start3A_24 = tpu.memref_squeeze %dma_start3A_23 : memref<1x200x50xi32, #tpu.memory_space<hbm>> -> memref<200x50xi32, #tpu.memory_space<hbm>>
    tpu.enqueue_dma source(%dma_start3A_24 : memref<200x50xi32, #tpu.memory_space<hbm>>) target(%arg9 : memref<200x50xi32, #tpu.memory_space<vmem>>) target_semaphore(%arg15 : memref<!tpu.dma_semaphore, #tpu.memory_space<semaphore_mem>>)
    %dma_wait3A = arith.constant 0 : i32
    %dma_wait3A_25 = arith.constant 0 : i32
    %dma_wait3A_26 = tpu.memref_slice %arg3[%add3A, %dma_wait3A, %dma_wait3A_25] : memref<32x200x50xi32, #tpu.memory_space<hbm>> -> memref<1x200x50xi32, #tpu.memory_space<hbm>>
    %dma_wait3A_27 = tpu.memref_squeeze %dma_wait3A_26 : memref<1x200x50xi32, #tpu.memory_space<hbm>> -> memref<200x50xi32, #tpu.memory_space<hbm>>
    %dma_wait3A_28 = arith.constant 0 : i32
    %dma_wait3A_29 = arith.constant 0 : i32
    %dma_wait3A_30 = tpu.memref_slice %arg3[%add3A, %dma_wait3A_28, %dma_wait3A_29] : memref<32x200x50xi32, #tpu.memory_space<hbm>> -> memref<1x200x50xi32, #tpu.memory_space<hbm>>
    %dma_wait3A_31 = tpu.memref_squeeze %dma_wait3A_30 : memref<1x200x50xi32, #tpu.memory_space<hbm>> -> memref<200x50xi32, #tpu.memory_space<hbm>>
    tpu.wait_dma2 semaphore(%arg14 : memref<!tpu.dma_semaphore, #tpu.memory_space<semaphore_mem>>) src(%dma_wait3A_31 : memref<200x50xi32, #tpu.memory_space<hbm>>) dst(%arg8 : memref<200x50xi32, #tpu.memory_space<vmem>>)
    %dma_wait3A_32 = arith.constant 0 : i32
    %dma_wait3A_33 = arith.constant 0 : i32
    %dma_wait3A_34 = tpu.memref_slice %arg4[%add3A, %dma_wait3A_32, %dma_wait3A_33] : memref<32x200x50xi32, #tpu.memory_space<hbm>> -> memref<1x200x50xi32, #tpu.memory_space<hbm>>
    %dma_wait3A_35 = tpu.memref_squeeze %dma_wait3A_34 : memref<1x200x50xi32, #tpu.memory_space<hbm>> -> memref<200x50xi32, #tpu.memory_space<hbm>>
    %dma_wait3A_36 = arith.constant 0 : i32
    %dma_wait3A_37 = arith.constant 0 : i32
    %dma_wait3A_38 = tpu.memref_slice %arg4[%add3A, %dma_wait3A_36, %dma_wait3A_37] : memref<32x200x50xi32, #tpu.memory_space<hbm>> -> memref<1x200x50xi32, #tpu.memory_space<hbm>>
    %dma_wait3A_39 = tpu.memref_squeeze %dma_wait3A_38 : memref<1x200x50xi32, #tpu.memory_space<hbm>> -> memref<200x50xi32, #tpu.memory_space<hbm>>
    tpu.wait_dma2 semaphore(%arg15 : memref<!tpu.dma_semaphore, #tpu.memory_space<semaphore_mem>>) src(%dma_wait3A_39 : memref<200x50xi32, #tpu.memory_space<hbm>>) dst(%arg9 : memref<200x50xi32, #tpu.memory_space<vmem>>)
    %dma_start3A_40 = arith.constant 0 : i32
    %dma_start3A_41 = arith.constant 0 : i32
    %dma_start3A_42 = arith.constant 0 : i32
    %dma_start3A_43 = arith.constant 0 : i32
    %dma_start3A_44 = arith.constant 0 : i32
    %dma_start3A_45 = tpu.memref_slice %arg10[%dma_start3A_41, %dma_start3A_43, %dma_start3A_44] : memref<4x50x128xf32, #tpu.memory_space<vmem>> -> memref<1x50x128xf32, #tpu.memory_space<vmem>>
    %dma_start3A_46 = tpu.memref_squeeze %dma_start3A_45 : memref<1x50x128xf32, #tpu.memory_space<vmem>> -> memref<50x128xf32, #tpu.memory_space<vmem>>
    %dma_start3A_47 = arith.constant 0 : i32
    %dma_start3A_48 = tpu.memref_slice %arg8[%dma_start3A_40, %dma_start3A_47] : memref<200x50xi32, #tpu.memory_space<vmem>> -> memref<1x50xi32, #tpu.memory_space<vmem>>
    %dma_start3A_49 = tpu.memref_squeeze %dma_start3A_48 : memref<1x50xi32, #tpu.memory_space<vmem>> -> memref<50xi32, #tpu.memory_space<vmem>>
    %dma_start3A_50 = arith.constant 0 : i32
    %dma_start3A_51 = arith.constant 0 : i32
    %dma_start3A_52 = tpu.memref_slice %arg2[%dma_start3A_50, %dma_start3A_51] : memref<10000x128xf32, #tpu.memory_space<hbm>> -> memref<10000x128xf32, #tpu.memory_space<hbm>>
    %dma_start3A_53 = tpu.memref_slice %arg11[%dma_start3A_42] : memref<4x!tpu.dma_semaphore, #tpu.memory_space<semaphore_mem>> -> memref<1x!tpu.dma_semaphore, #tpu.memory_space<semaphore_mem>>
    %dma_start3A_54 = tpu.memref_squeeze %dma_start3A_53 : memref<1x!tpu.dma_semaphore, #tpu.memory_space<semaphore_mem>> -> memref<!tpu.dma_semaphore, #tpu.memory_space<semaphore_mem>>
    tpu.enqueue_indirect_dma source(%dma_start3A_52 : memref<10000x128xf32, #tpu.memory_space<hbm>>) target(%dma_start3A_46 : memref<50x128xf32, #tpu.memory_space<vmem>>) offsets(%dma_start3A_49 : memref<50xi32, #tpu.memory_space<vmem>>) semaphore(%dma_start3A_54 : memref<!tpu.dma_semaphore, #tpu.memory_space<semaphore_mem>>)
    %dma_start3A_55 = arith.constant 1 : i32
    %dma_start3A_56 = arith.constant 1 : i32
    %dma_start3A_57 = arith.constant 1 : i32
    %dma_start3A_58 = arith.constant 0 : i32
    %dma_start3A_59 = arith.constant 0 : i32
    %dma_start3A_60 = tpu.memref_slice %arg10[%dma_start3A_56, %dma_start3A_58, %dma_start3A_59] : memref<4x50x128xf32, #tpu.memory_space<vmem>> -> memref<1x50x128xf32, #tpu.memory_space<vmem>>
    %dma_start3A_61 = tpu.memref_squeeze %dma_start3A_60 : memref<1x50x128xf32, #tpu.memory_space<vmem>> -> memref<50x128xf32, #tpu.memory_space<vmem>>
    %dma_start3A_62 = arith.constant 0 : i32
    %dma_start3A_63 = tpu.memref_slice %arg8[%dma_start3A_55, %dma_start3A_62] : memref<200x50xi32, #tpu.memory_space<vmem>> -> memref<1x50xi32, #tpu.memory_space<vmem>>
    %dma_start3A_64 = tpu.memref_squeeze %dma_start3A_63 : memref<1x50xi32, #tpu.memory_space<vmem>> -> memref<50xi32, #tpu.memory_space<vmem>>
    %dma_start3A_65 = arith.constant 0 : i32
    %dma_start3A_66 = arith.constant 0 : i32
    %dma_start3A_67 = tpu.memref_slice %arg2[%dma_start3A_65, %dma_start3A_66] : memref<10000x128xf32, #tpu.memory_space<hbm>> -> memref<10000x128xf32, #tpu.memory_space<hbm>>
    %dma_start3A_68 = tpu.memref_slice %arg11[%dma_start3A_57] : memref<4x!tpu.dma_semaphore, #tpu.memory_space<semaphore_mem>> -> memref<1x!tpu.dma_semaphore, #tpu.memory_space<semaphore_mem>>
    %dma_start3A_69 = tpu.memref_squeeze %dma_start3A_68 : memref<1x!tpu.dma_semaphore, #tpu.memory_space<semaphore_mem>> -> memref<!tpu.dma_semaphore, #tpu.memory_space<semaphore_mem>>
    tpu.enqueue_indirect_dma source(%dma_start3A_67 : memref<10000x128xf32, #tpu.memory_space<hbm>>) target(%dma_start3A_61 : memref<50x128xf32, #tpu.memory_space<vmem>>) offsets(%dma_start3A_64 : memref<50xi32, #tpu.memory_space<vmem>>) semaphore(%dma_start3A_69 : memref<!tpu.dma_semaphore, #tpu.memory_space<semaphore_mem>>)
    %dma_start3A_70 = arith.constant 2 : i32
    %dma_start3A_71 = arith.constant 2 : i32
    %dma_start3A_72 = arith.constant 2 : i32
    %dma_start3A_73 = arith.constant 0 : i32
    %dma_start3A_74 = arith.constant 0 : i32
    %dma_start3A_75 = tpu.memref_slice %arg10[%dma_start3A_71, %dma_start3A_73, %dma_start3A_74] : memref<4x50x128xf32, #tpu.memory_space<vmem>> -> memref<1x50x128xf32, #tpu.memory_space<vmem>>
    %dma_start3A_76 = tpu.memref_squeeze %dma_start3A_75 : memref<1x50x128xf32, #tpu.memory_space<vmem>> -> memref<50x128xf32, #tpu.memory_space<vmem>>
    %dma_start3A_77 = arith.constant 0 : i32
    %dma_start3A_78 = tpu.memref_slice %arg8[%dma_start3A_70, %dma_start3A_77] : memref<200x50xi32, #tpu.memory_space<vmem>> -> memref<1x50xi32, #tpu.memory_space<vmem>>
    %dma_start3A_79 = tpu.memref_squeeze %dma_start3A_78 : memref<1x50xi32, #tpu.memory_space<vmem>> -> memref<50xi32, #tpu.memory_space<vmem>>
    %dma_start3A_80 = arith.constant 0 : i32
    %dma_start3A_81 = arith.constant 0 : i32
    %dma_start3A_82 = tpu.memref_slice %arg2[%dma_start3A_80, %dma_start3A_81] : memref<10000x128xf32, #tpu.memory_space<hbm>> -> memref<10000x128xf32, #tpu.memory_space<hbm>>
    %dma_start3A_83 = tpu.memref_slice %arg11[%dma_start3A_72] : memref<4x!tpu.dma_semaphore, #tpu.memory_space<semaphore_mem>> -> memref<1x!tpu.dma_semaphore, #tpu.memory_space<semaphore_mem>>
    %dma_start3A_84 = tpu.memref_squeeze %dma_start3A_83 : memref<1x!tpu.dma_semaphore, #tpu.memory_space<semaphore_mem>> -> memref<!tpu.dma_semaphore, #tpu.memory_space<semaphore_mem>>
    tpu.enqueue_indirect_dma source(%dma_start3A_82 : memref<10000x128xf32, #tpu.memory_space<hbm>>) target(%dma_start3A_76 : memref<50x128xf32, #tpu.memory_space<vmem>>) offsets(%dma_start3A_79 : memref<50xi32, #tpu.memory_space<vmem>>) semaphore(%dma_start3A_84 : memref<!tpu.dma_semaphore, #tpu.memory_space<semaphore_mem>>)
    %mul3A_85 = arith.constant 624 : i32
    %mul3A_86 = arith.muli %arg1, %mul3A_85 : i32
    %dma_wait3A_87 = arith.constant 0 : i32
    %dma_wait3A_88 = tpu.memref_slice %arg7[%mul3A_86, %dma_wait3A_87] : memref<10000x128xf32, #tpu.memory_space<vmem_shared>> -> memref<624x128xf32, #tpu.memory_space<vmem_shared>>
    %dma_wait3A_89 = arith.constant 0 : i32
    %dma_wait3A_90 = arith.constant 0 : i32
    %dma_wait3A_91 = tpu.memref_slice %arg5[%dma_wait3A_89, %dma_wait3A_90] : memref<624x128xf32, #tpu.memory_space<hbm>> -> memref<624x128xf32, #tpu.memory_space<hbm>>
    tpu.wait_dma2 semaphore(%arg13 : memref<!tpu.dma_semaphore, #tpu.memory_space<semaphore_mem>>) src(%dma_wait3A_91 : memref<624x128xf32, #tpu.memory_space<hbm>>) dst(%dma_wait3A_88 : memref<624x128xf32, #tpu.memory_space<vmem_shared>>)
    %eq3A_92 = arith.constant 15 : i32
    %eq3A_93 = arith.cmpi eq, %arg1, %eq3A_92 : i32
    %convert_element_type3A_94 = arith.extui %eq3A_93 : i1 to i32
    %cond3A_95 = arith.constant 0 : i32
    %cond3A_96 = arith.cmpi ne, %convert_element_type3A_94, %cond3A_95 : i32
    scf.if %cond3A_96 {
      %dma_wait3A_173 = arith.constant 9984 : i32
      %dma_wait3A_174 = arith.constant 0 : i32
      %dma_wait3A_175 = tpu.memref_slice %arg7[%dma_wait3A_173, %dma_wait3A_174] : memref<10000x128xf32, #tpu.memory_space<vmem_shared>> -> memref<16x128xf32, #tpu.memory_space<vmem_shared>>
      %dma_wait3A_176 = arith.constant 0 : i32
      %dma_wait3A_177 = arith.constant 0 : i32
      %dma_wait3A_178 = tpu.memref_slice %arg5[%dma_wait3A_176, %dma_wait3A_177] : memref<624x128xf32, #tpu.memory_space<hbm>> -> memref<16x128xf32, #tpu.memory_space<hbm>>
      tpu.wait_dma2 semaphore(%arg13 : memref<!tpu.dma_semaphore, #tpu.memory_space<semaphore_mem>>) src(%dma_wait3A_178 : memref<16x128xf32, #tpu.memory_space<hbm>>) dst(%dma_wait3A_175 : memref<16x128xf32, #tpu.memory_space<vmem_shared>>)
    } else {
    }
    %barrier3A = arith.constant 0 : index
    tpu.barrier barrier_id(%barrier3A)
    %scan3A = arith.constant 0 : i32
    %scan3A_97 = arith.constant 0 : i32
    %scan3A_98 = arith.constant 50 : i32
    %scan3A_99 = arith.addi %scan3A_97, %scan3A_98 : i32
    %scan3A_100 = arith.constant 1 : i32
    %scan3A_101 = scf.for %scan3A_173 = %scan3A_97 to %scan3A_99 step %scan3A_100 iter_args(%scan3A_174 = %scan3A) -> (i32)  : i32 {
      %mul3A_175 = arith.constant 4 : i32
      %mul3A_176 = arith.muli %scan3A_173, %mul3A_175 : i32
      %add3A_177 = arith.constant 0 : i32
      %add3A_178 = arith.addi %mul3A_176, %add3A_177 : i32
      %dma_wait3A_179 = arith.constant 0 : i32
      %dma_wait3A_180 = arith.constant 0 : i32
      %dma_wait3A_181 = arith.constant 0 : i32
      %dma_wait3A_182 = arith.constant 0 : i32
      %dma_wait3A_183 = tpu.memref_slice %arg10[%dma_wait3A_179, %dma_wait3A_181, %dma_wait3A_182] : memref<4x50x128xf32, #tpu.memory_space<vmem>> -> memref<1x50x128xf32, #tpu.memory_space<vmem>>
      %dma_wait3A_184 = tpu.memref_squeeze %dma_wait3A_183 : memref<1x50x128xf32, #tpu.memory_space<vmem>> -> memref<50x128xf32, #tpu.memory_space<vmem>>
      %dma_wait3A_185 = arith.constant 0 : i32
      %dma_wait3A_186 = tpu.memref_slice %arg8[%add3A_178, %dma_wait3A_185] : memref<200x50xi32, #tpu.memory_space<vmem>> -> memref<1x50xi32, #tpu.memory_space<vmem>>
      %dma_wait3A_187 = tpu.memref_squeeze %dma_wait3A_186 : memref<1x50xi32, #tpu.memory_space<vmem>> -> memref<50xi32, #tpu.memory_space<vmem>>
      %dma_wait3A_188 = arith.constant 0 : i32
      %dma_wait3A_189 = arith.constant 0 : i32
      %dma_wait3A_190 = tpu.memref_slice %arg2[%dma_wait3A_188, %dma_wait3A_189] : memref<10000x128xf32, #tpu.memory_space<hbm>> -> memref<10000x128xf32, #tpu.memory_space<hbm>>
      %dma_wait3A_191 = tpu.memref_slice %arg11[%dma_wait3A_180] : memref<4x!tpu.dma_semaphore, #tpu.memory_space<semaphore_mem>> -> memref<1x!tpu.dma_semaphore, #tpu.memory_space<semaphore_mem>>
      %dma_wait3A_192 = tpu.memref_squeeze %dma_wait3A_191 : memref<1x!tpu.dma_semaphore, #tpu.memory_space<semaphore_mem>> -> memref<!tpu.dma_semaphore, #tpu.memory_space<semaphore_mem>>
      tpu.wait_indirect_dma semaphore(%dma_wait3A_192 : memref<!tpu.dma_semaphore, #tpu.memory_space<semaphore_mem>>) src(%dma_wait3A_190 : memref<10000x128xf32, #tpu.memory_space<hbm>>) dst(%dma_wait3A_184 : memref<50x128xf32, #tpu.memory_space<vmem>>)
      %dma_start3A_193 = arith.constant 0 : i32
      %dma_start3A_194 = arith.constant 0 : i32
      %dma_start3A_195 = arith.constant 0 : i32
      %dma_start3A_196 = arith.constant 0 : i32
      %dma_start3A_197 = tpu.memref_slice %arg10[%dma_start3A_193, %dma_start3A_195, %dma_start3A_196] : memref<4x50x128xf32, #tpu.memory_space<vmem>> -> memref<1x50x128xf32, #tpu.memory_space<vmem>>
      %dma_start3A_198 = tpu.memref_squeeze %dma_start3A_197 : memref<1x50x128xf32, #tpu.memory_space<vmem>> -> memref<50x128xf32, #tpu.memory_space<vmem>>
      %dma_start3A_199 = arith.constant 0 : i32
      %dma_start3A_200 = tpu.memref_slice %arg9[%add3A_178, %dma_start3A_199] : memref<200x50xi32, #tpu.memory_space<vmem>> -> memref<1x50xi32, #tpu.memory_space<vmem>>
      %dma_start3A_201 = tpu.memref_squeeze %dma_start3A_200 : memref<1x50xi32, #tpu.memory_space<vmem>> -> memref<50xi32, #tpu.memory_space<vmem>>
      %dma_start3A_202 = arith.constant 0 : i32
      %dma_start3A_203 = arith.constant 0 : i32
      %dma_start3A_204 = tpu.memref_slice %arg7[%dma_start3A_202, %dma_start3A_203] : memref<10000x128xf32, #tpu.memory_space<vmem_shared>> -> memref<10000x128xf32, #tpu.memory_space<vmem_shared>>
      %dma_start3A_205 = tpu.memref_slice %arg12[%dma_start3A_194] : memref<4x!tpu.dma_semaphore, #tpu.memory_space<semaphore_mem>> -> memref<1x!tpu.dma_semaphore, #tpu.memory_space<semaphore_mem>>
      %dma_start3A_206 = tpu.memref_squeeze %dma_start3A_205 : memref<1x!tpu.dma_semaphore, #tpu.memory_space<semaphore_mem>> -> memref<!tpu.dma_semaphore, #tpu.memory_space<semaphore_mem>>
      tpu.enqueue_indirect_dma source(%dma_start3A_198 : memref<50x128xf32, #tpu.memory_space<vmem>>) target(%dma_start3A_204 : memref<10000x128xf32, #tpu.memory_space<vmem_shared>>) offsets(%dma_start3A_201 : memref<50xi32, #tpu.memory_space<vmem>>) semaphore(%dma_start3A_206 : memref<!tpu.dma_semaphore, #tpu.memory_space<semaphore_mem>>) {add = true}
      %eq3A_207 = arith.constant 0 : i32
      %eq3A_208 = arith.cmpi eq, %scan3A_173, %eq3A_207 : i32
      %convert_element_type3A_209 = arith.extui %eq3A_208 : i1 to i32
      %cond3A_210 = arith.constant 0 : i32
      %cond3A_211 = arith.cmpi ne, %convert_element_type3A_209, %cond3A_210 : i32
      scf.if %cond3A_211 {
        %dma_start3A_337 = arith.constant 3 : i32
        %dma_start3A_338 = arith.constant 3 : i32
        %dma_start3A_339 = arith.constant 3 : i32
        %dma_start3A_340 = arith.constant 0 : i32
        %dma_start3A_341 = arith.constant 0 : i32
        %dma_start3A_342 = tpu.memref_slice %arg10[%dma_start3A_338, %dma_start3A_340, %dma_start3A_341] : memref<4x50x128xf32, #tpu.memory_space<vmem>> -> memref<1x50x128xf32, #tpu.memory_space<vmem>>
        %dma_start3A_343 = tpu.memref_squeeze %dma_start3A_342 : memref<1x50x128xf32, #tpu.memory_space<vmem>> -> memref<50x128xf32, #tpu.memory_space<vmem>>
        %dma_start3A_344 = arith.constant 0 : i32
        %dma_start3A_345 = tpu.memref_slice %arg8[%dma_start3A_337, %dma_start3A_344] : memref<200x50xi32, #tpu.memory_space<vmem>> -> memref<1x50xi32, #tpu.memory_space<vmem>>
        %dma_start3A_346 = tpu.memref_squeeze %dma_start3A_345 : memref<1x50xi32, #tpu.memory_space<vmem>> -> memref<50xi32, #tpu.memory_space<vmem>>
        %dma_start3A_347 = arith.constant 0 : i32
        %dma_start3A_348 = arith.constant 0 : i32
        %dma_start3A_349 = tpu.memref_slice %arg2[%dma_start3A_347, %dma_start3A_348] : memref<10000x128xf32, #tpu.memory_space<hbm>> -> memref<10000x128xf32, #tpu.memory_space<hbm>>
        %dma_start3A_350 = tpu.memref_slice %arg11[%dma_start3A_339] : memref<4x!tpu.dma_semaphore, #tpu.memory_space<semaphore_mem>> -> memref<1x!tpu.dma_semaphore, #tpu.memory_space<semaphore_mem>>
        %dma_start3A_351 = tpu.memref_squeeze %dma_start3A_350 : memref<1x!tpu.dma_semaphore, #tpu.memory_space<semaphore_mem>> -> memref<!tpu.dma_semaphore, #tpu.memory_space<semaphore_mem>>
        tpu.enqueue_indirect_dma source(%dma_start3A_349 : memref<10000x128xf32, #tpu.memory_space<hbm>>) target(%dma_start3A_343 : memref<50x128xf32, #tpu.memory_space<vmem>>) offsets(%dma_start3A_346 : memref<50xi32, #tpu.memory_space<vmem>>) semaphore(%dma_start3A_351 : memref<!tpu.dma_semaphore, #tpu.memory_space<semaphore_mem>>)
      } else {
      }
      %ge3A = arith.constant 1 : i32
      %ge3A_212 = arith.cmpi sge, %scan3A_173, %ge3A : i32
      %add3A_213 = arith.constant 3 : i32
      %add3A_214 = arith.addi %add3A_178, %add3A_213 : i32
      %lt3A = arith.constant 200 : i32
      %lt3A_215 = arith.cmpi slt, %add3A_214, %lt3A : i32
      %and3A = arith.andi %ge3A_212, %lt3A_215 : i1
      %convert_element_type3A_216 = arith.extui %and3A : i1 to i32
      %cond3A_217 = arith.constant 0 : i32
      %cond3A_218 = arith.cmpi ne, %convert_element_type3A_216, %cond3A_217 : i32
      scf.if %cond3A_218 {
        %sub3A = arith.constant 1 : i32
        %sub3A_337 = arith.subi %add3A_178, %sub3A : i32
        %dma_wait3A_338 = arith.constant 3 : i32
        %dma_wait3A_339 = arith.constant 3 : i32
        %dma_wait3A_340 = arith.constant 0 : i32
        %dma_wait3A_341 = arith.constant 0 : i32
        %dma_wait3A_342 = tpu.memref_slice %arg10[%dma_wait3A_338, %dma_wait3A_340, %dma_wait3A_341] : memref<4x50x128xf32, #tpu.memory_space<vmem>> -> memref<1x50x128xf32, #tpu.memory_space<vmem>>
        %dma_wait3A_343 = tpu.memref_squeeze %dma_wait3A_342 : memref<1x50x128xf32, #tpu.memory_space<vmem>> -> memref<50x128xf32, #tpu.memory_space<vmem>>
        %dma_wait3A_344 = arith.constant 0 : i32
        %dma_wait3A_345 = tpu.memref_slice %arg9[%sub3A_337, %dma_wait3A_344] : memref<200x50xi32, #tpu.memory_space<vmem>> -> memref<1x50xi32, #tpu.memory_space<vmem>>
        %dma_wait3A_346 = tpu.memref_squeeze %dma_wait3A_345 : memref<1x50xi32, #tpu.memory_space<vmem>> -> memref<50xi32, #tpu.memory_space<vmem>>
        %dma_wait3A_347 = arith.constant 0 : i32
        %dma_wait3A_348 = arith.constant 0 : i32
        %dma_wait3A_349 = tpu.memref_slice %arg7[%dma_wait3A_347, %dma_wait3A_348] : memref<10000x128xf32, #tpu.memory_space<vmem_shared>> -> memref<10000x128xf32, #tpu.memory_space<vmem_shared>>
        %dma_wait3A_350 = tpu.memref_slice %arg12[%dma_wait3A_339] : memref<4x!tpu.dma_semaphore, #tpu.memory_space<semaphore_mem>> -> memref<1x!tpu.dma_semaphore, #tpu.memory_space<semaphore_mem>>
        %dma_wait3A_351 = tpu.memref_squeeze %dma_wait3A_350 : memref<1x!tpu.dma_semaphore, #tpu.memory_space<semaphore_mem>> -> memref<!tpu.dma_semaphore, #tpu.memory_space<semaphore_mem>>
        tpu.wait_indirect_dma semaphore(%dma_wait3A_351 : memref<!tpu.dma_semaphore, #tpu.memory_space<semaphore_mem>>) src(%dma_wait3A_343 : memref<50x128xf32, #tpu.memory_space<vmem>>) dst(%dma_wait3A_349 : memref<10000x128xf32, #tpu.memory_space<vmem_shared>>)
        %add3A_352 = arith.constant 3 : i32
        %add3A_353 = arith.addi %add3A_178, %add3A_352 : i32
        %dma_start3A_354 = arith.constant 3 : i32
        %dma_start3A_355 = arith.constant 3 : i32
        %dma_start3A_356 = arith.constant 0 : i32
        %dma_start3A_357 = arith.constant 0 : i32
        %dma_start3A_358 = tpu.memref_slice %arg10[%dma_start3A_354, %dma_start3A_356, %dma_start3A_357] : memref<4x50x128xf32, #tpu.memory_space<vmem>> -> memref<1x50x128xf32, #tpu.memory_space<vmem>>
        %dma_start3A_359 = tpu.memref_squeeze %dma_start3A_358 : memref<1x50x128xf32, #tpu.memory_space<vmem>> -> memref<50x128xf32, #tpu.memory_space<vmem>>
        %dma_start3A_360 = arith.constant 0 : i32
        %dma_start3A_361 = tpu.memref_slice %arg8[%add3A_353, %dma_start3A_360] : memref<200x50xi32, #tpu.memory_space<vmem>> -> memref<1x50xi32, #tpu.memory_space<vmem>>
        %dma_start3A_362 = tpu.memref_squeeze %dma_start3A_361 : memref<1x50xi32, #tpu.memory_space<vmem>> -> memref<50xi32, #tpu.memory_space<vmem>>
        %dma_start3A_363 = arith.constant 0 : i32
        %dma_start3A_364 = arith.constant 0 : i32
        %dma_start3A_365 = tpu.memref_slice %arg2[%dma_start3A_363, %dma_start3A_364] : memref<10000x128xf32, #tpu.memory_space<hbm>> -> memref<10000x128xf32, #tpu.memory_space<hbm>>
        %dma_start3A_366 = tpu.memref_slice %arg11[%dma_start3A_355] : memref<4x!tpu.dma_semaphore, #tpu.memory_space<semaphore_mem>> -> memref<1x!tpu.dma_semaphore, #tpu.memory_space<semaphore_mem>>
        %dma_start3A_367 = tpu.memref_squeeze %dma_start3A_366 : memref<1x!tpu.dma_semaphore, #tpu.memory_space<semaphore_mem>> -> memref<!tpu.dma_semaphore, #tpu.memory_space<semaphore_mem>>
        tpu.enqueue_indirect_dma source(%dma_start3A_365 : memref<10000x128xf32, #tpu.memory_space<hbm>>) target(%dma_start3A_359 : memref<50x128xf32, #tpu.memory_space<vmem>>) offsets(%dma_start3A_362 : memref<50xi32, #tpu.memory_space<vmem>>) semaphore(%dma_start3A_367 : memref<!tpu.dma_semaphore, #tpu.memory_space<semaphore_mem>>)
      } else {
      }
      %mul3A_219 = arith.constant 4 : i32
      %mul3A_220 = arith.muli %scan3A_173, %mul3A_219 : i32
      %add3A_221 = arith.constant 1 : i32
      %add3A_222 = arith.addi %mul3A_220, %add3A_221 : i32
      %dma_wait3A_223 = arith.constant 1 : i32
      %dma_wait3A_224 = arith.constant 1 : i32
      %dma_wait3A_225 = arith.constant 0 : i32
      %dma_wait3A_226 = arith.constant 0 : i32
      %dma_wait3A_227 = tpu.memref_slice %arg10[%dma_wait3A_223, %dma_wait3A_225, %dma_wait3A_226] : memref<4x50x128xf32, #tpu.memory_space<vmem>> -> memref<1x50x128xf32, #tpu.memory_space<vmem>>
      %dma_wait3A_228 = tpu.memref_squeeze %dma_wait3A_227 : memref<1x50x128xf32, #tpu.memory_space<vmem>> -> memref<50x128xf32, #tpu.memory_space<vmem>>
      %dma_wait3A_229 = arith.constant 0 : i32
      %dma_wait3A_230 = tpu.memref_slice %arg8[%add3A_222, %dma_wait3A_229] : memref<200x50xi32, #tpu.memory_space<vmem>> -> memref<1x50xi32, #tpu.memory_space<vmem>>
      %dma_wait3A_231 = tpu.memref_squeeze %dma_wait3A_230 : memref<1x50xi32, #tpu.memory_space<vmem>> -> memref<50xi32, #tpu.memory_space<vmem>>
      %dma_wait3A_232 = arith.constant 0 : i32
      %dma_wait3A_233 = arith.constant 0 : i32
      %dma_wait3A_234 = tpu.memref_slice %arg2[%dma_wait3A_232, %dma_wait3A_233] : memref<10000x128xf32, #tpu.memory_space<hbm>> -> memref<10000x128xf32, #tpu.memory_space<hbm>>
      %dma_wait3A_235 = tpu.memref_slice %arg11[%dma_wait3A_224] : memref<4x!tpu.dma_semaphore, #tpu.memory_space<semaphore_mem>> -> memref<1x!tpu.dma_semaphore, #tpu.memory_space<semaphore_mem>>
      %dma_wait3A_236 = tpu.memref_squeeze %dma_wait3A_235 : memref<1x!tpu.dma_semaphore, #tpu.memory_space<semaphore_mem>> -> memref<!tpu.dma_semaphore, #tpu.memory_space<semaphore_mem>>
      tpu.wait_indirect_dma semaphore(%dma_wait3A_236 : memref<!tpu.dma_semaphore, #tpu.memory_space<semaphore_mem>>) src(%dma_wait3A_234 : memref<10000x128xf32, #tpu.memory_space<hbm>>) dst(%dma_wait3A_228 : memref<50x128xf32, #tpu.memory_space<vmem>>)
      %dma_start3A_237 = arith.constant 1 : i32
      %dma_start3A_238 = arith.constant 1 : i32
      %dma_start3A_239 = arith.constant 0 : i32
      %dma_start3A_240 = arith.constant 0 : i32
      %dma_start3A_241 = tpu.memref_slice %arg10[%dma_start3A_237, %dma_start3A_239, %dma_start3A_240] : memref<4x50x128xf32, #tpu.memory_space<vmem>> -> memref<1x50x128xf32, #tpu.memory_space<vmem>>
      %dma_start3A_242 = tpu.memref_squeeze %dma_start3A_241 : memref<1x50x128xf32, #tpu.memory_space<vmem>> -> memref<50x128xf32, #tpu.memory_space<vmem>>
      %dma_start3A_243 = arith.constant 0 : i32
      %dma_start3A_244 = tpu.memref_slice %arg9[%add3A_222, %dma_start3A_243] : memref<200x50xi32, #tpu.memory_space<vmem>> -> memref<1x50xi32, #tpu.memory_space<vmem>>
      %dma_start3A_245 = tpu.memref_squeeze %dma_start3A_244 : memref<1x50xi32, #tpu.memory_space<vmem>> -> memref<50xi32, #tpu.memory_space<vmem>>
      %dma_start3A_246 = arith.constant 0 : i32
      %dma_start3A_247 = arith.constant 0 : i32
      %dma_start3A_248 = tpu.memref_slice %arg7[%dma_start3A_246, %dma_start3A_247] : memref<10000x128xf32, #tpu.memory_space<vmem_shared>> -> memref<10000x128xf32, #tpu.memory_space<vmem_shared>>
      %dma_start3A_249 = tpu.memref_slice %arg12[%dma_start3A_238] : memref<4x!tpu.dma_semaphore, #tpu.memory_space<semaphore_mem>> -> memref<1x!tpu.dma_semaphore, #tpu.memory_space<semaphore_mem>>
      %dma_start3A_250 = tpu.memref_squeeze %dma_start3A_249 : memref<1x!tpu.dma_semaphore, #tpu.memory_space<semaphore_mem>> -> memref<!tpu.dma_semaphore, #tpu.memory_space<semaphore_mem>>
      tpu.enqueue_indirect_dma source(%dma_start3A_242 : memref<50x128xf32, #tpu.memory_space<vmem>>) target(%dma_start3A_248 : memref<10000x128xf32, #tpu.memory_space<vmem_shared>>) offsets(%dma_start3A_245 : memref<50xi32, #tpu.memory_space<vmem>>) semaphore(%dma_start3A_250 : memref<!tpu.dma_semaphore, #tpu.memory_space<semaphore_mem>>) {add = true}
      %add3A_251 = arith.constant 3 : i32
      %add3A_252 = arith.addi %add3A_222, %add3A_251 : i32
      %lt3A_253 = arith.constant 200 : i32
      %lt3A_254 = arith.cmpi slt, %add3A_252, %lt3A_253 : i32
      %convert_element_type3A_255 = arith.extui %lt3A_254 : i1 to i32
      %cond3A_256 = arith.constant 0 : i32
      %cond3A_257 = arith.cmpi ne, %convert_element_type3A_255, %cond3A_256 : i32
      scf.if %cond3A_257 {
        %sub3A = arith.constant 1 : i32
        %sub3A_337 = arith.subi %add3A_222, %sub3A : i32
        %dma_wait3A_338 = arith.constant 0 : i32
        %dma_wait3A_339 = arith.constant 0 : i32
        %dma_wait3A_340 = arith.constant 0 : i32
        %dma_wait3A_341 = arith.constant 0 : i32
        %dma_wait3A_342 = tpu.memref_slice %arg10[%dma_wait3A_338, %dma_wait3A_340, %dma_wait3A_341] : memref<4x50x128xf32, #tpu.memory_space<vmem>> -> memref<1x50x128xf32, #tpu.memory_space<vmem>>
        %dma_wait3A_343 = tpu.memref_squeeze %dma_wait3A_342 : memref<1x50x128xf32, #tpu.memory_space<vmem>> -> memref<50x128xf32, #tpu.memory_space<vmem>>
        %dma_wait3A_344 = arith.constant 0 : i32
        %dma_wait3A_345 = tpu.memref_slice %arg9[%sub3A_337, %dma_wait3A_344] : memref<200x50xi32, #tpu.memory_space<vmem>> -> memref<1x50xi32, #tpu.memory_space<vmem>>
        %dma_wait3A_346 = tpu.memref_squeeze %dma_wait3A_345 : memref<1x50xi32, #tpu.memory_space<vmem>> -> memref<50xi32, #tpu.memory_space<vmem>>
        %dma_wait3A_347 = arith.constant 0 : i32
        %dma_wait3A_348 = arith.constant 0 : i32
        %dma_wait3A_349 = tpu.memref_slice %arg7[%dma_wait3A_347, %dma_wait3A_348] : memref<10000x128xf32, #tpu.memory_space<vmem_shared>> -> memref<10000x128xf32, #tpu.memory_space<vmem_shared>>
        %dma_wait3A_350 = tpu.memref_slice %arg12[%dma_wait3A_339] : memref<4x!tpu.dma_semaphore, #tpu.memory_space<semaphore_mem>> -> memref<1x!tpu.dma_semaphore, #tpu.memory_space<semaphore_mem>>
        %dma_wait3A_351 = tpu.memref_squeeze %dma_wait3A_350 : memref<1x!tpu.dma_semaphore, #tpu.memory_space<semaphore_mem>> -> memref<!tpu.dma_semaphore, #tpu.memory_space<semaphore_mem>>
        tpu.wait_indirect_dma semaphore(%dma_wait3A_351 : memref<!tpu.dma_semaphore, #tpu.memory_space<semaphore_mem>>) src(%dma_wait3A_343 : memref<50x128xf32, #tpu.memory_space<vmem>>) dst(%dma_wait3A_349 : memref<10000x128xf32, #tpu.memory_space<vmem_shared>>)
        %add3A_352 = arith.constant 3 : i32
        %add3A_353 = arith.addi %add3A_222, %add3A_352 : i32
        %dma_start3A_354 = arith.constant 0 : i32
        %dma_start3A_355 = arith.constant 0 : i32
        %dma_start3A_356 = arith.constant 0 : i32
        %dma_start3A_357 = arith.constant 0 : i32
        %dma_start3A_358 = tpu.memref_slice %arg10[%dma_start3A_354, %dma_start3A_356, %dma_start3A_357] : memref<4x50x128xf32, #tpu.memory_space<vmem>> -> memref<1x50x128xf32, #tpu.memory_space<vmem>>
        %dma_start3A_359 = tpu.memref_squeeze %dma_start3A_358 : memref<1x50x128xf32, #tpu.memory_space<vmem>> -> memref<50x128xf32, #tpu.memory_space<vmem>>
        %dma_start3A_360 = arith.constant 0 : i32
        %dma_start3A_361 = tpu.memref_slice %arg8[%add3A_353, %dma_start3A_360] : memref<200x50xi32, #tpu.memory_space<vmem>> -> memref<1x50xi32, #tpu.memory_space<vmem>>
        %dma_start3A_362 = tpu.memref_squeeze %dma_start3A_361 : memref<1x50xi32, #tpu.memory_space<vmem>> -> memref<50xi32, #tpu.memory_space<vmem>>
        %dma_start3A_363 = arith.constant 0 : i32
        %dma_start3A_364 = arith.constant 0 : i32
        %dma_start3A_365 = tpu.memref_slice %arg2[%dma_start3A_363, %dma_start3A_364] : memref<10000x128xf32, #tpu.memory_space<hbm>> -> memref<10000x128xf32, #tpu.memory_space<hbm>>
        %dma_start3A_366 = tpu.memref_slice %arg11[%dma_start3A_355] : memref<4x!tpu.dma_semaphore, #tpu.memory_space<semaphore_mem>> -> memref<1x!tpu.dma_semaphore, #tpu.memory_space<semaphore_mem>>
        %dma_start3A_367 = tpu.memref_squeeze %dma_start3A_366 : memref<1x!tpu.dma_semaphore, #tpu.memory_space<semaphore_mem>> -> memref<!tpu.dma_semaphore, #tpu.memory_space<semaphore_mem>>
        tpu.enqueue_indirect_dma source(%dma_start3A_365 : memref<10000x128xf32, #tpu.memory_space<hbm>>) target(%dma_start3A_359 : memref<50x128xf32, #tpu.memory_space<vmem>>) offsets(%dma_start3A_362 : memref<50xi32, #tpu.memory_space<vmem>>) semaphore(%dma_start3A_367 : memref<!tpu.dma_semaphore, #tpu.memory_space<semaphore_mem>>)
      } else {
      }
      %mul3A_258 = arith.constant 4 : i32
      %mul3A_259 = arith.muli %scan3A_173, %mul3A_258 : i32
      %add3A_260 = arith.constant 2 : i32
      %add3A_261 = arith.addi %mul3A_259, %add3A_260 : i32
      %dma_wait3A_262 = arith.constant 2 : i32
      %dma_wait3A_263 = arith.constant 2 : i32
      %dma_wait3A_264 = arith.constant 0 : i32
      %dma_wait3A_265 = arith.constant 0 : i32
      %dma_wait3A_266 = tpu.memref_slice %arg10[%dma_wait3A_262, %dma_wait3A_264, %dma_wait3A_265] : memref<4x50x128xf32, #tpu.memory_space<vmem>> -> memref<1x50x128xf32, #tpu.memory_space<vmem>>
      %dma_wait3A_267 = tpu.memref_squeeze %dma_wait3A_266 : memref<1x50x128xf32, #tpu.memory_space<vmem>> -> memref<50x128xf32, #tpu.memory_space<vmem>>
      %dma_wait3A_268 = arith.constant 0 : i32
      %dma_wait3A_269 = tpu.memref_slice %arg8[%add3A_261, %dma_wait3A_268] : memref<200x50xi32, #tpu.memory_space<vmem>> -> memref<1x50xi32, #tpu.memory_space<vmem>>
      %dma_wait3A_270 = tpu.memref_squeeze %dma_wait3A_269 : memref<1x50xi32, #tpu.memory_space<vmem>> -> memref<50xi32, #tpu.memory_space<vmem>>
      %dma_wait3A_271 = arith.constant 0 : i32
      %dma_wait3A_272 = arith.constant 0 : i32
      %dma_wait3A_273 = tpu.memref_slice %arg2[%dma_wait3A_271, %dma_wait3A_272] : memref<10000x128xf32, #tpu.memory_space<hbm>> -> memref<10000x128xf32, #tpu.memory_space<hbm>>
      %dma_wait3A_274 = tpu.memref_slice %arg11[%dma_wait3A_263] : memref<4x!tpu.dma_semaphore, #tpu.memory_space<semaphore_mem>> -> memref<1x!tpu.dma_semaphore, #tpu.memory_space<semaphore_mem>>
      %dma_wait3A_275 = tpu.memref_squeeze %dma_wait3A_274 : memref<1x!tpu.dma_semaphore, #tpu.memory_space<semaphore_mem>> -> memref<!tpu.dma_semaphore, #tpu.memory_space<semaphore_mem>>
      tpu.wait_indirect_dma semaphore(%dma_wait3A_275 : memref<!tpu.dma_semaphore, #tpu.memory_space<semaphore_mem>>) src(%dma_wait3A_273 : memref<10000x128xf32, #tpu.memory_space<hbm>>) dst(%dma_wait3A_267 : memref<50x128xf32, #tpu.memory_space<vmem>>)
      %dma_start3A_276 = arith.constant 2 : i32
      %dma_start3A_277 = arith.constant 2 : i32
      %dma_start3A_278 = arith.constant 0 : i32
      %dma_start3A_279 = arith.constant 0 : i32
      %dma_start3A_280 = tpu.memref_slice %arg10[%dma_start3A_276, %dma_start3A_278, %dma_start3A_279] : memref<4x50x128xf32, #tpu.memory_space<vmem>> -> memref<1x50x128xf32, #tpu.memory_space<vmem>>
      %dma_start3A_281 = tpu.memref_squeeze %dma_start3A_280 : memref<1x50x128xf32, #tpu.memory_space<vmem>> -> memref<50x128xf32, #tpu.memory_space<vmem>>
      %dma_start3A_282 = arith.constant 0 : i32
      %dma_start3A_283 = tpu.memref_slice %arg9[%add3A_261, %dma_start3A_282] : memref<200x50xi32, #tpu.memory_space<vmem>> -> memref<1x50xi32, #tpu.memory_space<vmem>>
      %dma_start3A_284 = tpu.memref_squeeze %dma_start3A_283 : memref<1x50xi32, #tpu.memory_space<vmem>> -> memref<50xi32, #tpu.memory_space<vmem>>
      %dma_start3A_285 = arith.constant 0 : i32
      %dma_start3A_286 = arith.constant 0 : i32
      %dma_start3A_287 = tpu.memref_slice %arg7[%dma_start3A_285, %dma_start3A_286] : memref<10000x128xf32, #tpu.memory_space<vmem_shared>> -> memref<10000x128xf32, #tpu.memory_space<vmem_shared>>
      %dma_start3A_288 = tpu.memref_slice %arg12[%dma_start3A_277] : memref<4x!tpu.dma_semaphore, #tpu.memory_space<semaphore_mem>> -> memref<1x!tpu.dma_semaphore, #tpu.memory_space<semaphore_mem>>
      %dma_start3A_289 = tpu.memref_squeeze %dma_start3A_288 : memref<1x!tpu.dma_semaphore, #tpu.memory_space<semaphore_mem>> -> memref<!tpu.dma_semaphore, #tpu.memory_space<semaphore_mem>>
      tpu.enqueue_indirect_dma source(%dma_start3A_281 : memref<50x128xf32, #tpu.memory_space<vmem>>) target(%dma_start3A_287 : memref<10000x128xf32, #tpu.memory_space<vmem_shared>>) offsets(%dma_start3A_284 : memref<50xi32, #tpu.memory_space<vmem>>) semaphore(%dma_start3A_289 : memref<!tpu.dma_semaphore, #tpu.memory_space<semaphore_mem>>) {add = true}
      %add3A_290 = arith.constant 3 : i32
      %add3A_291 = arith.addi %add3A_261, %add3A_290 : i32
      %lt3A_292 = arith.constant 200 : i32
      %lt3A_293 = arith.cmpi slt, %add3A_291, %lt3A_292 : i32
      %convert_element_type3A_294 = arith.extui %lt3A_293 : i1 to i32
      %cond3A_295 = arith.constant 0 : i32
      %cond3A_296 = arith.cmpi ne, %convert_element_type3A_294, %cond3A_295 : i32
      scf.if %cond3A_296 {
        %sub3A = arith.constant 1 : i32
        %sub3A_337 = arith.subi %add3A_261, %sub3A : i32
        %dma_wait3A_338 = arith.constant 1 : i32
        %dma_wait3A_339 = arith.constant 1 : i32
        %dma_wait3A_340 = arith.constant 0 : i32
        %dma_wait3A_341 = arith.constant 0 : i32
        %dma_wait3A_342 = tpu.memref_slice %arg10[%dma_wait3A_338, %dma_wait3A_340, %dma_wait3A_341] : memref<4x50x128xf32, #tpu.memory_space<vmem>> -> memref<1x50x128xf32, #tpu.memory_space<vmem>>
        %dma_wait3A_343 = tpu.memref_squeeze %dma_wait3A_342 : memref<1x50x128xf32, #tpu.memory_space<vmem>> -> memref<50x128xf32, #tpu.memory_space<vmem>>
        %dma_wait3A_344 = arith.constant 0 : i32
        %dma_wait3A_345 = tpu.memref_slice %arg9[%sub3A_337, %dma_wait3A_344] : memref<200x50xi32, #tpu.memory_space<vmem>> -> memref<1x50xi32, #tpu.memory_space<vmem>>
        %dma_wait3A_346 = tpu.memref_squeeze %dma_wait3A_345 : memref<1x50xi32, #tpu.memory_space<vmem>> -> memref<50xi32, #tpu.memory_space<vmem>>
        %dma_wait3A_347 = arith.constant 0 : i32
        %dma_wait3A_348 = arith.constant 0 : i32
        %dma_wait3A_349 = tpu.memref_slice %arg7[%dma_wait3A_347, %dma_wait3A_348] : memref<10000x128xf32, #tpu.memory_space<vmem_shared>> -> memref<10000x128xf32, #tpu.memory_space<vmem_shared>>
        %dma_wait3A_350 = tpu.memref_slice %arg12[%dma_wait3A_339] : memref<4x!tpu.dma_semaphore, #tpu.memory_space<semaphore_mem>> -> memref<1x!tpu.dma_semaphore, #tpu.memory_space<semaphore_mem>>
        %dma_wait3A_351 = tpu.memref_squeeze %dma_wait3A_350 : memref<1x!tpu.dma_semaphore, #tpu.memory_space<semaphore_mem>> -> memref<!tpu.dma_semaphore, #tpu.memory_space<semaphore_mem>>
        tpu.wait_indirect_dma semaphore(%dma_wait3A_351 : memref<!tpu.dma_semaphore, #tpu.memory_space<semaphore_mem>>) src(%dma_wait3A_343 : memref<50x128xf32, #tpu.memory_space<vmem>>) dst(%dma_wait3A_349 : memref<10000x128xf32, #tpu.memory_space<vmem_shared>>)
        %add3A_352 = arith.constant 3 : i32
        %add3A_353 = arith.addi %add3A_261, %add3A_352 : i32
        %dma_start3A_354 = arith.constant 1 : i32
        %dma_start3A_355 = arith.constant 1 : i32
        %dma_start3A_356 = arith.constant 0 : i32
        %dma_start3A_357 = arith.constant 0 : i32
        %dma_start3A_358 = tpu.memref_slice %arg10[%dma_start3A_354, %dma_start3A_356, %dma_start3A_357] : memref<4x50x128xf32, #tpu.memory_space<vmem>> -> memref<1x50x128xf32, #tpu.memory_space<vmem>>
        %dma_start3A_359 = tpu.memref_squeeze %dma_start3A_358 : memref<1x50x128xf32, #tpu.memory_space<vmem>> -> memref<50x128xf32, #tpu.memory_space<vmem>>
        %dma_start3A_360 = arith.constant 0 : i32
        %dma_start3A_361 = tpu.memref_slice %arg8[%add3A_353, %dma_start3A_360] : memref<200x50xi32, #tpu.memory_space<vmem>> -> memref<1x50xi32, #tpu.memory_space<vmem>>
        %dma_start3A_362 = tpu.memref_squeeze %dma_start3A_361 : memref<1x50xi32, #tpu.memory_space<vmem>> -> memref<50xi32, #tpu.memory_space<vmem>>
        %dma_start3A_363 = arith.constant 0 : i32
        %dma_start3A_364 = arith.constant 0 : i32
        %dma_start3A_365 = tpu.memref_slice %arg2[%dma_start3A_363, %dma_start3A_364] : memref<10000x128xf32, #tpu.memory_space<hbm>> -> memref<10000x128xf32, #tpu.memory_space<hbm>>
        %dma_start3A_366 = tpu.memref_slice %arg11[%dma_start3A_355] : memref<4x!tpu.dma_semaphore, #tpu.memory_space<semaphore_mem>> -> memref<1x!tpu.dma_semaphore, #tpu.memory_space<semaphore_mem>>
        %dma_start3A_367 = tpu.memref_squeeze %dma_start3A_366 : memref<1x!tpu.dma_semaphore, #tpu.memory_space<semaphore_mem>> -> memref<!tpu.dma_semaphore, #tpu.memory_space<semaphore_mem>>
        tpu.enqueue_indirect_dma source(%dma_start3A_365 : memref<10000x128xf32, #tpu.memory_space<hbm>>) target(%dma_start3A_359 : memref<50x128xf32, #tpu.memory_space<vmem>>) offsets(%dma_start3A_362 : memref<50xi32, #tpu.memory_space<vmem>>) semaphore(%dma_start3A_367 : memref<!tpu.dma_semaphore, #tpu.memory_space<semaphore_mem>>)
      } else {
      }
      %mul3A_297 = arith.constant 4 : i32
      %mul3A_298 = arith.muli %scan3A_173, %mul3A_297 : i32
      %add3A_299 = arith.constant 3 : i32
      %add3A_300 = arith.addi %mul3A_298, %add3A_299 : i32
      %dma_wait3A_301 = arith.constant 3 : i32
      %dma_wait3A_302 = arith.constant 3 : i32
      %dma_wait3A_303 = arith.constant 0 : i32
      %dma_wait3A_304 = arith.constant 0 : i32
      %dma_wait3A_305 = tpu.memref_slice %arg10[%dma_wait3A_301, %dma_wait3A_303, %dma_wait3A_304] : memref<4x50x128xf32, #tpu.memory_space<vmem>> -> memref<1x50x128xf32, #tpu.memory_space<vmem>>
      %dma_wait3A_306 = tpu.memref_squeeze %dma_wait3A_305 : memref<1x50x128xf32, #tpu.memory_space<vmem>> -> memref<50x128xf32, #tpu.memory_space<vmem>>
      %dma_wait3A_307 = arith.constant 0 : i32
      %dma_wait3A_308 = tpu.memref_slice %arg8[%add3A_300, %dma_wait3A_307] : memref<200x50xi32, #tpu.memory_space<vmem>> -> memref<1x50xi32, #tpu.memory_space<vmem>>
      %dma_wait3A_309 = tpu.memref_squeeze %dma_wait3A_308 : memref<1x50xi32, #tpu.memory_space<vmem>> -> memref<50xi32, #tpu.memory_space<vmem>>
      %dma_wait3A_310 = arith.constant 0 : i32
      %dma_wait3A_311 = arith.constant 0 : i32
      %dma_wait3A_312 = tpu.memref_slice %arg2[%dma_wait3A_310, %dma_wait3A_311] : memref<10000x128xf32, #tpu.memory_space<hbm>> -> memref<10000x128xf32, #tpu.memory_space<hbm>>
      %dma_wait3A_313 = tpu.memref_slice %arg11[%dma_wait3A_302] : memref<4x!tpu.dma_semaphore, #tpu.memory_space<semaphore_mem>> -> memref<1x!tpu.dma_semaphore, #tpu.memory_space<semaphore_mem>>
      %dma_wait3A_314 = tpu.memref_squeeze %dma_wait3A_313 : memref<1x!tpu.dma_semaphore, #tpu.memory_space<semaphore_mem>> -> memref<!tpu.dma_semaphore, #tpu.memory_space<semaphore_mem>>
      tpu.wait_indirect_dma semaphore(%dma_wait3A_314 : memref<!tpu.dma_semaphore, #tpu.memory_space<semaphore_mem>>) src(%dma_wait3A_312 : memref<10000x128xf32, #tpu.memory_space<hbm>>) dst(%dma_wait3A_306 : memref<50x128xf32, #tpu.memory_space<vmem>>)
      %dma_start3A_315 = arith.constant 3 : i32
      %dma_start3A_316 = arith.constant 3 : i32
      %dma_start3A_317 = arith.constant 0 : i32
      %dma_start3A_318 = arith.constant 0 : i32
      %dma_start3A_319 = tpu.memref_slice %arg10[%dma_start3A_315, %dma_start3A_317, %dma_start3A_318] : memref<4x50x128xf32, #tpu.memory_space<vmem>> -> memref<1x50x128xf32, #tpu.memory_space<vmem>>
      %dma_start3A_320 = tpu.memref_squeeze %dma_start3A_319 : memref<1x50x128xf32, #tpu.memory_space<vmem>> -> memref<50x128xf32, #tpu.memory_space<vmem>>
      %dma_start3A_321 = arith.constant 0 : i32
      %dma_start3A_322 = tpu.memref_slice %arg9[%add3A_300, %dma_start3A_321] : memref<200x50xi32, #tpu.memory_space<vmem>> -> memref<1x50xi32, #tpu.memory_space<vmem>>
      %dma_start3A_323 = tpu.memref_squeeze %dma_start3A_322 : memref<1x50xi32, #tpu.memory_space<vmem>> -> memref<50xi32, #tpu.memory_space<vmem>>
      %dma_start3A_324 = arith.constant 0 : i32
      %dma_start3A_325 = arith.constant 0 : i32
      %dma_start3A_326 = tpu.memref_slice %arg7[%dma_start3A_324, %dma_start3A_325] : memref<10000x128xf32, #tpu.memory_space<vmem_shared>> -> memref<10000x128xf32, #tpu.memory_space<vmem_shared>>
      %dma_start3A_327 = tpu.memref_slice %arg12[%dma_start3A_316] : memref<4x!tpu.dma_semaphore, #tpu.memory_space<semaphore_mem>> -> memref<1x!tpu.dma_semaphore, #tpu.memory_space<semaphore_mem>>
      %dma_start3A_328 = tpu.memref_squeeze %dma_start3A_327 : memref<1x!tpu.dma_semaphore, #tpu.memory_space<semaphore_mem>> -> memref<!tpu.dma_semaphore, #tpu.memory_space<semaphore_mem>>
      tpu.enqueue_indirect_dma source(%dma_start3A_320 : memref<50x128xf32, #tpu.memory_space<vmem>>) target(%dma_start3A_326 : memref<10000x128xf32, #tpu.memory_space<vmem_shared>>) offsets(%dma_start3A_323 : memref<50xi32, #tpu.memory_space<vmem>>) semaphore(%dma_start3A_328 : memref<!tpu.dma_semaphore, #tpu.memory_space<semaphore_mem>>) {add = true}
      %add3A_329 = arith.constant 3 : i32
      %add3A_330 = arith.addi %add3A_300, %add3A_329 : i32
      %lt3A_331 = arith.constant 200 : i32
      %lt3A_332 = arith.cmpi slt, %add3A_330, %lt3A_331 : i32
      %convert_element_type3A_333 = arith.extui %lt3A_332 : i1 to i32
      %cond3A_334 = arith.constant 0 : i32
      %cond3A_335 = arith.cmpi ne, %convert_element_type3A_333, %cond3A_334 : i32
      scf.if %cond3A_335 {
        %sub3A = arith.constant 1 : i32
        %sub3A_337 = arith.subi %add3A_300, %sub3A : i32
        %dma_wait3A_338 = arith.constant 2 : i32
        %dma_wait3A_339 = arith.constant 2 : i32
        %dma_wait3A_340 = arith.constant 0 : i32
        %dma_wait3A_341 = arith.constant 0 : i32
        %dma_wait3A_342 = tpu.memref_slice %arg10[%dma_wait3A_338, %dma_wait3A_340, %dma_wait3A_341] : memref<4x50x128xf32, #tpu.memory_space<vmem>> -> memref<1x50x128xf32, #tpu.memory_space<vmem>>
        %dma_wait3A_343 = tpu.memref_squeeze %dma_wait3A_342 : memref<1x50x128xf32, #tpu.memory_space<vmem>> -> memref<50x128xf32, #tpu.memory_space<vmem>>
        %dma_wait3A_344 = arith.constant 0 : i32
        %dma_wait3A_345 = tpu.memref_slice %arg9[%sub3A_337, %dma_wait3A_344] : memref<200x50xi32, #tpu.memory_space<vmem>> -> memref<1x50xi32, #tpu.memory_space<vmem>>
        %dma_wait3A_346 = tpu.memref_squeeze %dma_wait3A_345 : memref<1x50xi32, #tpu.memory_space<vmem>> -> memref<50xi32, #tpu.memory_space<vmem>>
        %dma_wait3A_347 = arith.constant 0 : i32
        %dma_wait3A_348 = arith.constant 0 : i32
        %dma_wait3A_349 = tpu.memref_slice %arg7[%dma_wait3A_347, %dma_wait3A_348] : memref<10000x128xf32, #tpu.memory_space<vmem_shared>> -> memref<10000x128xf32, #tpu.memory_space<vmem_shared>>
        %dma_wait3A_350 = tpu.memref_slice %arg12[%dma_wait3A_339] : memref<4x!tpu.dma_semaphore, #tpu.memory_space<semaphore_mem>> -> memref<1x!tpu.dma_semaphore, #tpu.memory_space<semaphore_mem>>
        %dma_wait3A_351 = tpu.memref_squeeze %dma_wait3A_350 : memref<1x!tpu.dma_semaphore, #tpu.memory_space<semaphore_mem>> -> memref<!tpu.dma_semaphore, #tpu.memory_space<semaphore_mem>>
        tpu.wait_indirect_dma semaphore(%dma_wait3A_351 : memref<!tpu.dma_semaphore, #tpu.memory_space<semaphore_mem>>) src(%dma_wait3A_343 : memref<50x128xf32, #tpu.memory_space<vmem>>) dst(%dma_wait3A_349 : memref<10000x128xf32, #tpu.memory_space<vmem_shared>>)
        %add3A_352 = arith.constant 3 : i32
        %add3A_353 = arith.addi %add3A_300, %add3A_352 : i32
        %dma_start3A_354 = arith.constant 2 : i32
        %dma_start3A_355 = arith.constant 2 : i32
        %dma_start3A_356 = arith.constant 0 : i32
        %dma_start3A_357 = arith.constant 0 : i32
        %dma_start3A_358 = tpu.memref_slice %arg10[%dma_start3A_354, %dma_start3A_356, %dma_start3A_357] : memref<4x50x128xf32, #tpu.memory_space<vmem>> -> memref<1x50x128xf32, #tpu.memory_space<vmem>>
        %dma_start3A_359 = tpu.memref_squeeze %dma_start3A_358 : memref<1x50x128xf32, #tpu.memory_space<vmem>> -> memref<50x128xf32, #tpu.memory_space<vmem>>
        %dma_start3A_360 = arith.constant 0 : i32
        %dma_start3A_361 = tpu.memref_slice %arg8[%add3A_353, %dma_start3A_360] : memref<200x50xi32, #tpu.memory_space<vmem>> -> memref<1x50xi32, #tpu.memory_space<vmem>>
        %dma_start3A_362 = tpu.memref_squeeze %dma_start3A_361 : memref<1x50xi32, #tpu.memory_space<vmem>> -> memref<50xi32, #tpu.memory_space<vmem>>
        %dma_start3A_363 = arith.constant 0 : i32
        %dma_start3A_364 = arith.constant 0 : i32
        %dma_start3A_365 = tpu.memref_slice %arg2[%dma_start3A_363, %dma_start3A_364] : memref<10000x128xf32, #tpu.memory_space<hbm>> -> memref<10000x128xf32, #tpu.memory_space<hbm>>
        %dma_start3A_366 = tpu.memref_slice %arg11[%dma_start3A_355] : memref<4x!tpu.dma_semaphore, #tpu.memory_space<semaphore_mem>> -> memref<1x!tpu.dma_semaphore, #tpu.memory_space<semaphore_mem>>
        %dma_start3A_367 = tpu.memref_squeeze %dma_start3A_366 : memref<1x!tpu.dma_semaphore, #tpu.memory_space<semaphore_mem>> -> memref<!tpu.dma_semaphore, #tpu.memory_space<semaphore_mem>>
        tpu.enqueue_indirect_dma source(%dma_start3A_365 : memref<10000x128xf32, #tpu.memory_space<hbm>>) target(%dma_start3A_359 : memref<50x128xf32, #tpu.memory_space<vmem>>) offsets(%dma_start3A_362 : memref<50xi32, #tpu.memory_space<vmem>>) semaphore(%dma_start3A_367 : memref<!tpu.dma_semaphore, #tpu.memory_space<semaphore_mem>>)
      } else {
      }
      %scan3A_336 = arith.constant 0 : i32
      scf.yield %scan3A_336 : i32
    }
    %scan3A_102 = arith.constant 50 : i32
    %dma_wait3A_103 = arith.constant 0 : i32
    %dma_wait3A_104 = arith.constant 196 : i32
    %dma_wait3A_105 = arith.constant 0 : i32
    %dma_wait3A_106 = arith.constant 0 : i32
    %dma_wait3A_107 = arith.constant 0 : i32
    %dma_wait3A_108 = tpu.memref_slice %arg10[%dma_wait3A_103, %dma_wait3A_106, %dma_wait3A_107] : memref<4x50x128xf32, #tpu.memory_space<vmem>> -> memref<1x50x128xf32, #tpu.memory_space<vmem>>
    %dma_wait3A_109 = tpu.memref_squeeze %dma_wait3A_108 : memref<1x50x128xf32, #tpu.memory_space<vmem>> -> memref<50x128xf32, #tpu.memory_space<vmem>>
    %dma_wait3A_110 = arith.constant 0 : i32
    %dma_wait3A_111 = tpu.memref_slice %arg9[%dma_wait3A_104, %dma_wait3A_110] : memref<200x50xi32, #tpu.memory_space<vmem>> -> memref<1x50xi32, #tpu.memory_space<vmem>>
    %dma_wait3A_112 = tpu.memref_squeeze %dma_wait3A_111 : memref<1x50xi32, #tpu.memory_space<vmem>> -> memref<50xi32, #tpu.memory_space<vmem>>
    %dma_wait3A_113 = arith.constant 0 : i32
    %dma_wait3A_114 = arith.constant 0 : i32
    %dma_wait3A_115 = tpu.memref_slice %arg7[%dma_wait3A_113, %dma_wait3A_114] : memref<10000x128xf32, #tpu.memory_space<vmem_shared>> -> memref<10000x128xf32, #tpu.memory_space<vmem_shared>>
    %dma_wait3A_116 = tpu.memref_slice %arg12[%dma_wait3A_105] : memref<4x!tpu.dma_semaphore, #tpu.memory_space<semaphore_mem>> -> memref<1x!tpu.dma_semaphore, #tpu.memory_space<semaphore_mem>>
    %dma_wait3A_117 = tpu.memref_squeeze %dma_wait3A_116 : memref<1x!tpu.dma_semaphore, #tpu.memory_space<semaphore_mem>> -> memref<!tpu.dma_semaphore, #tpu.memory_space<semaphore_mem>>
    tpu.wait_indirect_dma semaphore(%dma_wait3A_117 : memref<!tpu.dma_semaphore, #tpu.memory_space<semaphore_mem>>) src(%dma_wait3A_109 : memref<50x128xf32, #tpu.memory_space<vmem>>) dst(%dma_wait3A_115 : memref<10000x128xf32, #tpu.memory_space<vmem_shared>>)
    %dma_wait3A_118 = arith.constant 1 : i32
    %dma_wait3A_119 = arith.constant 197 : i32
    %dma_wait3A_120 = arith.constant 1 : i32
    %dma_wait3A_121 = arith.constant 0 : i32
    %dma_wait3A_122 = arith.constant 0 : i32
    %dma_wait3A_123 = tpu.memref_slice %arg10[%dma_wait3A_118, %dma_wait3A_121, %dma_wait3A_122] : memref<4x50x128xf32, #tpu.memory_space<vmem>> -> memref<1x50x128xf32, #tpu.memory_space<vmem>>
    %dma_wait3A_124 = tpu.memref_squeeze %dma_wait3A_123 : memref<1x50x128xf32, #tpu.memory_space<vmem>> -> memref<50x128xf32, #tpu.memory_space<vmem>>
    %dma_wait3A_125 = arith.constant 0 : i32
    %dma_wait3A_126 = tpu.memref_slice %arg9[%dma_wait3A_119, %dma_wait3A_125] : memref<200x50xi32, #tpu.memory_space<vmem>> -> memref<1x50xi32, #tpu.memory_space<vmem>>
    %dma_wait3A_127 = tpu.memref_squeeze %dma_wait3A_126 : memref<1x50xi32, #tpu.memory_space<vmem>> -> memref<50xi32, #tpu.memory_space<vmem>>
    %dma_wait3A_128 = arith.constant 0 : i32
    %dma_wait3A_129 = arith.constant 0 : i32
    %dma_wait3A_130 = tpu.memref_slice %arg7[%dma_wait3A_128, %dma_wait3A_129] : memref<10000x128xf32, #tpu.memory_space<vmem_shared>> -> memref<10000x128xf32, #tpu.memory_space<vmem_shared>>
    %dma_wait3A_131 = tpu.memref_slice %arg12[%dma_wait3A_120] : memref<4x!tpu.dma_semaphore, #tpu.memory_space<semaphore_mem>> -> memref<1x!tpu.dma_semaphore, #tpu.memory_space<semaphore_mem>>
    %dma_wait3A_132 = tpu.memref_squeeze %dma_wait3A_131 : memref<1x!tpu.dma_semaphore, #tpu.memory_space<semaphore_mem>> -> memref<!tpu.dma_semaphore, #tpu.memory_space<semaphore_mem>>
    tpu.wait_indirect_dma semaphore(%dma_wait3A_132 : memref<!tpu.dma_semaphore, #tpu.memory_space<semaphore_mem>>) src(%dma_wait3A_124 : memref<50x128xf32, #tpu.memory_space<vmem>>) dst(%dma_wait3A_130 : memref<10000x128xf32, #tpu.memory_space<vmem_shared>>)
    %dma_wait3A_133 = arith.constant 2 : i32
    %dma_wait3A_134 = arith.constant 198 : i32
    %dma_wait3A_135 = arith.constant 2 : i32
    %dma_wait3A_136 = arith.constant 0 : i32
    %dma_wait3A_137 = arith.constant 0 : i32
    %dma_wait3A_138 = tpu.memref_slice %arg10[%dma_wait3A_133, %dma_wait3A_136, %dma_wait3A_137] : memref<4x50x128xf32, #tpu.memory_space<vmem>> -> memref<1x50x128xf32, #tpu.memory_space<vmem>>
    %dma_wait3A_139 = tpu.memref_squeeze %dma_wait3A_138 : memref<1x50x128xf32, #tpu.memory_space<vmem>> -> memref<50x128xf32, #tpu.memory_space<vmem>>
    %dma_wait3A_140 = arith.constant 0 : i32
    %dma_wait3A_141 = tpu.memref_slice %arg9[%dma_wait3A_134, %dma_wait3A_140] : memref<200x50xi32, #tpu.memory_space<vmem>> -> memref<1x50xi32, #tpu.memory_space<vmem>>
    %dma_wait3A_142 = tpu.memref_squeeze %dma_wait3A_141 : memref<1x50xi32, #tpu.memory_space<vmem>> -> memref<50xi32, #tpu.memory_space<vmem>>
    %dma_wait3A_143 = arith.constant 0 : i32
    %dma_wait3A_144 = arith.constant 0 : i32
    %dma_wait3A_145 = tpu.memref_slice %arg7[%dma_wait3A_143, %dma_wait3A_144] : memref<10000x128xf32, #tpu.memory_space<vmem_shared>> -> memref<10000x128xf32, #tpu.memory_space<vmem_shared>>
    %dma_wait3A_146 = tpu.memref_slice %arg12[%dma_wait3A_135] : memref<4x!tpu.dma_semaphore, #tpu.memory_space<semaphore_mem>> -> memref<1x!tpu.dma_semaphore, #tpu.memory_space<semaphore_mem>>
    %dma_wait3A_147 = tpu.memref_squeeze %dma_wait3A_146 : memref<1x!tpu.dma_semaphore, #tpu.memory_space<semaphore_mem>> -> memref<!tpu.dma_semaphore, #tpu.memory_space<semaphore_mem>>
    tpu.wait_indirect_dma semaphore(%dma_wait3A_147 : memref<!tpu.dma_semaphore, #tpu.memory_space<semaphore_mem>>) src(%dma_wait3A_139 : memref<50x128xf32, #tpu.memory_space<vmem>>) dst(%dma_wait3A_145 : memref<10000x128xf32, #tpu.memory_space<vmem_shared>>)
    %dma_wait3A_148 = arith.constant 3 : i32
    %dma_wait3A_149 = arith.constant 199 : i32
    %dma_wait3A_150 = arith.constant 3 : i32
    %dma_wait3A_151 = arith.constant 0 : i32
    %dma_wait3A_152 = arith.constant 0 : i32
    %dma_wait3A_153 = tpu.memref_slice %arg10[%dma_wait3A_148, %dma_wait3A_151, %dma_wait3A_152] : memref<4x50x128xf32, #tpu.memory_space<vmem>> -> memref<1x50x128xf32, #tpu.memory_space<vmem>>
    %dma_wait3A_154 = tpu.memref_squeeze %dma_wait3A_153 : memref<1x50x128xf32, #tpu.memory_space<vmem>> -> memref<50x128xf32, #tpu.memory_space<vmem>>
    %dma_wait3A_155 = arith.constant 0 : i32
    %dma_wait3A_156 = tpu.memref_slice %arg9[%dma_wait3A_149, %dma_wait3A_155] : memref<200x50xi32, #tpu.memory_space<vmem>> -> memref<1x50xi32, #tpu.memory_space<vmem>>
    %dma_wait3A_157 = tpu.memref_squeeze %dma_wait3A_156 : memref<1x50xi32, #tpu.memory_space<vmem>> -> memref<50xi32, #tpu.memory_space<vmem>>
    %dma_wait3A_158 = arith.constant 0 : i32
    %dma_wait3A_159 = arith.constant 0 : i32
    %dma_wait3A_160 = tpu.memref_slice %arg7[%dma_wait3A_158, %dma_wait3A_159] : memref<10000x128xf32, #tpu.memory_space<vmem_shared>> -> memref<10000x128xf32, #tpu.memory_space<vmem_shared>>
    %dma_wait3A_161 = tpu.memref_slice %arg12[%dma_wait3A_150] : memref<4x!tpu.dma_semaphore, #tpu.memory_space<semaphore_mem>> -> memref<1x!tpu.dma_semaphore, #tpu.memory_space<semaphore_mem>>
    %dma_wait3A_162 = tpu.memref_squeeze %dma_wait3A_161 : memref<1x!tpu.dma_semaphore, #tpu.memory_space<semaphore_mem>> -> memref<!tpu.dma_semaphore, #tpu.memory_space<semaphore_mem>>
    tpu.wait_indirect_dma semaphore(%dma_wait3A_162 : memref<!tpu.dma_semaphore, #tpu.memory_space<semaphore_mem>>) src(%dma_wait3A_154 : memref<50x128xf32, #tpu.memory_space<vmem>>) dst(%dma_wait3A_160 : memref<10000x128xf32, #tpu.memory_space<vmem_shared>>)
    %barrier3A_163 = arith.constant 0 : index
    tpu.barrier barrier_id(%barrier3A_163)
    %mul3A_164 = arith.constant 624 : i32
    %mul3A_165 = arith.muli %arg1, %mul3A_164 : i32
    %mul3A_166 = arith.constant 624 : i32
    %mul3A_167 = arith.muli %arg1, %mul3A_166 : i32
    "tpu.region"() ({
      %run_scoped3A = tpu.sem_alloc : memref<!tpu.dma_semaphore, #tpu.memory_space<semaphore_mem>>
      %dma_start3A_173 = arith.constant 0 : i32
      %dma_start3A_174 = tpu.memref_slice %arg6[%arg0, %mul3A_167, %dma_start3A_173] : memref<2x10000x128xf32, #tpu.memory_space<hbm>> -> memref<1x624x128xf32, #tpu.memory_space<hbm>>
      %dma_start3A_175 = tpu.memref_squeeze %dma_start3A_174 : memref<1x624x128xf32, #tpu.memory_space<hbm>> -> memref<624x128xf32, #tpu.memory_space<hbm>>
      %dma_start3A_176 = arith.constant 0 : i32
      %dma_start3A_177 = tpu.memref_slice %arg7[%mul3A_165, %dma_start3A_176] : memref<10000x128xf32, #tpu.memory_space<vmem_shared>> -> memref<624x128xf32, #tpu.memory_space<vmem_shared>>
      tpu.enqueue_dma source(%dma_start3A_177 : memref<624x128xf32, #tpu.memory_space<vmem_shared>>) target(%dma_start3A_175 : memref<624x128xf32, #tpu.memory_space<hbm>>) target_semaphore(%run_scoped3A : memref<!tpu.dma_semaphore, #tpu.memory_space<semaphore_mem>>)
      %dma_wait3A_178 = arith.constant 0 : i32
      %dma_wait3A_179 = tpu.memref_slice %arg6[%arg0, %mul3A_167, %dma_wait3A_178] : memref<2x10000x128xf32, #tpu.memory_space<hbm>> -> memref<1x624x128xf32, #tpu.memory_space<hbm>>
      %dma_wait3A_180 = tpu.memref_squeeze %dma_wait3A_179 : memref<1x624x128xf32, #tpu.memory_space<hbm>> -> memref<624x128xf32, #tpu.memory_space<hbm>>
      %dma_wait3A_181 = arith.constant 0 : i32
      %dma_wait3A_182 = tpu.memref_slice %arg7[%mul3A_165, %dma_wait3A_181] : memref<10000x128xf32, #tpu.memory_space<vmem_shared>> -> memref<624x128xf32, #tpu.memory_space<vmem_shared>>
      tpu.wait_dma2 semaphore(%run_scoped3A : memref<!tpu.dma_semaphore, #tpu.memory_space<semaphore_mem>>) src(%dma_wait3A_182 : memref<624x128xf32, #tpu.memory_space<vmem_shared>>) dst(%dma_wait3A_180 : memref<624x128xf32, #tpu.memory_space<hbm>>)
      tpu.yield
    }) : () -> ()
    %eq3A_168 = arith.constant 15 : i32
    %eq3A_169 = arith.cmpi eq, %arg1, %eq3A_168 : i32
    %convert_element_type3A_170 = arith.extui %eq3A_169 : i1 to i32
    %cond3A_171 = arith.constant 0 : i32
    %cond3A_172 = arith.cmpi ne, %convert_element_type3A_170, %cond3A_171 : i32
    scf.if %cond3A_172 {
      "tpu.region"() ({
        %run_scoped3A = tpu.sem_alloc : memref<!tpu.dma_semaphore, #tpu.memory_space<semaphore_mem>>
        %dma_start3A_173 = arith.constant 9984 : i32
        %dma_start3A_174 = arith.constant 0 : i32
        %dma_start3A_175 = tpu.memref_slice %arg6[%arg0, %dma_start3A_173, %dma_start3A_174] : memref<2x10000x128xf32, #tpu.memory_space<hbm>> -> memref<1x16x128xf32, #tpu.memory_space<hbm>>
        %dma_start3A_176 = tpu.memref_squeeze %dma_start3A_175 : memref<1x16x128xf32, #tpu.memory_space<hbm>> -> memref<16x128xf32, #tpu.memory_space<hbm>>
        %dma_start3A_177 = arith.constant 9984 : i32
        %dma_start3A_178 = arith.constant 0 : i32
        %dma_start3A_179 = tpu.memref_slice %arg7[%dma_start3A_177, %dma_start3A_178] : memref<10000x128xf32, #tpu.memory_space<vmem_shared>> -> memref<16x128xf32, #tpu.memory_space<vmem_shared>>
        tpu.enqueue_dma source(%dma_start3A_179 : memref<16x128xf32, #tpu.memory_space<vmem_shared>>) target(%dma_start3A_176 : memref<16x128xf32, #tpu.memory_space<hbm>>) target_semaphore(%run_scoped3A : memref<!tpu.dma_semaphore, #tpu.memory_space<semaphore_mem>>)
        %dma_wait3A_180 = arith.constant 9984 : i32
        %dma_wait3A_181 = arith.constant 0 : i32
        %dma_wait3A_182 = tpu.memref_slice %arg6[%arg0, %dma_wait3A_180, %dma_wait3A_181] : memref<2x10000x128xf32, #tpu.memory_space<hbm>> -> memref<1x16x128xf32, #tpu.memory_space<hbm>>
        %dma_wait3A_183 = tpu.memref_squeeze %dma_wait3A_182 : memref<1x16x128xf32, #tpu.memory_space<hbm>> -> memref<16x128xf32, #tpu.memory_space<hbm>>
        %dma_wait3A_184 = arith.constant 9984 : i32
        %dma_wait3A_185 = arith.constant 0 : i32
        %dma_wait3A_186 = tpu.memref_slice %arg7[%dma_wait3A_184, %dma_wait3A_185] : memref<10000x128xf32, #tpu.memory_space<vmem_shared>> -> memref<16x128xf32, #tpu.memory_space<vmem_shared>>
        tpu.wait_dma2 semaphore(%run_scoped3A : memref<!tpu.dma_semaphore, #tpu.memory_space<semaphore_mem>>) src(%dma_wait3A_186 : memref<16x128xf32, #tpu.memory_space<vmem_shared>>) dst(%dma_wait3A_183 : memref<16x128xf32, #tpu.memory_space<hbm>>)
        tpu.yield
      }) : () -> ()
    } else {
    }
    return
  }
}

module attributes {stable_mosaic.version = 14 : i64} {
  func.func @_encpre_body(%arg0: i32, %arg1: memref<1000x128xf32, #tpu.memory_space<vmem>>, %arg2: memref<128x256xf32, #tpu.memory_space<vmem>>, %arg3: memref<128x256xf32, #tpu.memory_space<vmem>>, %arg4: memref<1x256xf32, #tpu.memory_space<vmem>>, %arg5: memref<1x256xf32, #tpu.memory_space<vmem>>, %arg6: memref<256x128xf32, #tpu.memory_space<vmem>>, %arg7: memref<256x128xf32, #tpu.memory_space<vmem>>, %arg8: memref<1x128xf32, #tpu.memory_space<vmem>>, %arg9: memref<1x128xf32, #tpu.memory_space<vmem>>, %arg10: memref<128x128xf32, #tpu.memory_space<vmem>>, %arg11: memref<1x128xf32, #tpu.memory_space<vmem>>, %arg12: memref<1x128xf32, #tpu.memory_space<vmem>>, %arg13: memref<1000x32xf32, #tpu.memory_space<vmem>>, %arg14: memref<1000x128xf32, #tpu.memory_space<vmem>>, %arg15: memref<1000x128xf32, #tpu.memory_space<vmem>>, %arg16: memref<1000x128xf32, #tpu.memory_space<vmem>>) attributes {dimension_semantics = [#tpu.dimension_semantics<arbitrary>], iteration_bounds = array<i64: 10>, scalar_prefetch = 0 : i64, scratch_operands = 0 : i64, tpu.core_type = #tpu.core_type<tc>, window_params = [{transform_indices = @transform_0, window_bounds = array<i64: 1000, 128>}, {pipeline_mode = #tpu.pipeline_mode<synchronous>, transform_indices = @transform_1, window_bounds = array<i64: 128, 256>}, {pipeline_mode = #tpu.pipeline_mode<synchronous>, transform_indices = @transform_2, window_bounds = array<i64: 128, 256>}, {pipeline_mode = #tpu.pipeline_mode<synchronous>, transform_indices = @transform_3, window_bounds = array<i64: 1, 256>}, {pipeline_mode = #tpu.pipeline_mode<synchronous>, transform_indices = @transform_4, window_bounds = array<i64: 1, 256>}, {pipeline_mode = #tpu.pipeline_mode<synchronous>, transform_indices = @transform_5, window_bounds = array<i64: 256, 128>}, {pipeline_mode = #tpu.pipeline_mode<synchronous>, transform_indices = @transform_6, window_bounds = array<i64: 256, 128>}, {pipeline_mode = #tpu.pipeline_mode<synchronous>, transform_indices = @transform_7, window_bounds = array<i64: 1, 128>}, {pipeline_mode = #tpu.pipeline_mode<synchronous>, transform_indices = @transform_8, window_bounds = array<i64: 1, 128>}, {pipeline_mode = #tpu.pipeline_mode<synchronous>, transform_indices = @transform_9, window_bounds = array<i64: 128, 128>}, {pipeline_mode = #tpu.pipeline_mode<synchronous>, transform_indices = @transform_10, window_bounds = array<i64: 1, 128>}, {pipeline_mode = #tpu.pipeline_mode<synchronous>, transform_indices = @transform_11, window_bounds = array<i64: 1, 128>}, {transform_indices = @transform_12, window_bounds = array<i64: 1000, 32>}, {transform_indices = @transform_13, window_bounds = array<i64: 1000, 128>}, {transform_indices = @transform_14, window_bounds = array<i64: 1000, 128>}, {transform_indices = @transform_15, window_bounds = array<i64: 1000, 128>}]} {
    %lt3A = arith.constant 8 : i32
    %lt3A_0 = arith.cmpi slt, %arg0, %lt3A : i32
    %get3A = arith.constant 0 : index
    %get3A_1 = arith.constant 0 : index
    %get3A_2 = vector.load %arg2[%get3A, %get3A_1] : memref<128x256xf32, #tpu.memory_space<vmem>>, vector<128x256xf32>
    %get3A_3 = arith.constant 0 : index
    %get3A_4 = arith.constant 0 : index
    %get3A_5 = vector.load %arg3[%get3A_3, %get3A_4] : memref<128x256xf32, #tpu.memory_space<vmem>>, vector<128x256xf32>
    %select_n3A = arith.select %lt3A_0, %get3A_2, %get3A_5 : vector<128x256xf32>
    %get3A_6 = arith.constant 0 : index
    %get3A_7 = arith.constant 0 : index
    %get3A_8 = vector.load %arg4[%get3A_6, %get3A_7] : memref<1x256xf32, #tpu.memory_space<vmem>>, vector<1x256xf32>
    %get3A_9 = arith.constant 0 : index
    %get3A_10 = arith.constant 0 : index
    %get3A_11 = vector.load %arg5[%get3A_9, %get3A_10] : memref<1x256xf32, #tpu.memory_space<vmem>>, vector<1x256xf32>
    %select_n3A_12 = arith.select %lt3A_0, %get3A_8, %get3A_11 : vector<1x256xf32>
    %get3A_13 = arith.constant 0 : index
    %get3A_14 = arith.constant 0 : index
    %get3A_15 = vector.load %arg6[%get3A_13, %get3A_14] : memref<256x128xf32, #tpu.memory_space<vmem>>, vector<256x128xf32>
    %get3A_16 = arith.constant 0 : index
    %get3A_17 = arith.constant 0 : index
    %get3A_18 = vector.load %arg7[%get3A_16, %get3A_17] : memref<256x128xf32, #tpu.memory_space<vmem>>, vector<256x128xf32>
    %select_n3A_19 = arith.select %lt3A_0, %get3A_15, %get3A_18 : vector<256x128xf32>
    %get3A_20 = arith.constant 0 : index
    %get3A_21 = arith.constant 0 : index
    %get3A_22 = vector.load %arg8[%get3A_20, %get3A_21] : memref<1x128xf32, #tpu.memory_space<vmem>>, vector<1x128xf32>
    %get3A_23 = arith.constant 0 : index
    %get3A_24 = arith.constant 0 : index
    %get3A_25 = vector.load %arg9[%get3A_23, %get3A_24] : memref<1x128xf32, #tpu.memory_space<vmem>>, vector<1x128xf32>
    %select_n3A_26 = arith.select %lt3A_0, %get3A_22, %get3A_25 : vector<1x128xf32>
    %get3A_27 = arith.constant 0 : index
    %get3A_28 = arith.constant 0 : index
    %get3A_29 = vector.load %arg1[%get3A_27, %get3A_28] : memref<1000x128xf32, #tpu.memory_space<vmem>>, vector<1000x128xf32>
    %dot_general3A = arith.constant dense<0.000000e+00> : vector<1000x256xf32>
    %dot_general3A_30 = tpu.matmul %get3A_29, %select_n3A, %dot_general3A {dimension_numbers = #tpu.dot_dimension_numbers<[1], [0], [0], [1], [0, 0, 1, 1], [], []>, transpose_lhs_hint = false} : vector<1000x128xf32>, vector<128x256xf32>, vector<1000x256xf32> -> vector<1000x256xf32>
    %add3A = vector.broadcast %select_n3A_12 : vector<1x256xf32> to vector<1000x256xf32>
    %add3A_31 = arith.addf %dot_general3A_30, %add3A : vector<1000x256xf32>
    %ge3A = arith.constant 0.000000e+00 : f32
    %ge3A_32 = vector.broadcast %ge3A : f32 to vector<1000x256xf32>
    %ge3A_33 = arith.cmpf oge, %add3A_31, %ge3A_32 : vector<1000x256xf32>
    %mul3A = arith.constant 1.000000e-01 : f32
    %mul3A_34 = vector.broadcast %mul3A : f32 to vector<1000x256xf32>
    %mul3A_35 = arith.mulf %mul3A_34, %add3A_31 : vector<1000x256xf32>
    %select_n3A_36 = arith.select %ge3A_33, %add3A_31, %mul3A_35 : vector<1000x256xi1>, vector<1000x256xf32>
    %dot_general3A_37 = arith.constant dense<0.000000e+00> : vector<1000x128xf32>
    %dot_general3A_38 = tpu.matmul %select_n3A_36, %select_n3A_19, %dot_general3A_37 {dimension_numbers = #tpu.dot_dimension_numbers<[1], [0], [0], [1], [0, 0, 1, 1], [], []>, transpose_lhs_hint = false} : vector<1000x256xf32>, vector<256x128xf32>, vector<1000x128xf32> -> vector<1000x128xf32>
    %add3A_39 = vector.broadcast %select_n3A_26 : vector<1x128xf32> to vector<1000x128xf32>
    %add3A_40 = arith.addf %dot_general3A_38, %add3A_39 : vector<1000x128xf32>
    %ge3A_41 = arith.constant 0.000000e+00 : f32
    %ge3A_42 = vector.broadcast %ge3A_41 : f32 to vector<1000x128xf32>
    %ge3A_43 = arith.cmpf oge, %add3A_40, %ge3A_42 : vector<1000x128xf32>
    %mul3A_44 = arith.constant 1.000000e-01 : f32
    %mul3A_45 = vector.broadcast %mul3A_44 : f32 to vector<1000x128xf32>
    %mul3A_46 = arith.mulf %mul3A_45, %add3A_40 : vector<1000x128xf32>
    %select_n3A_47 = arith.select %ge3A_43, %add3A_40, %mul3A_46 : vector<1000x128xi1>, vector<1000x128xf32>
    %swap3A = arith.constant 0 : index
    %swap3A_48 = arith.constant 0 : index
    %swap3A_49 = vector.load %arg14[%swap3A, %swap3A_48] : memref<1000x128xf32, #tpu.memory_space<vmem>>, vector<1000x128xf32>
    tpu.vector_store %arg14[%swap3A, %swap3A_48], %select_n3A_47 {strides = array<i32>} : memref<1000x128xf32, #tpu.memory_space<vmem>>, vector<1000x128xf32>,
    %get3A_50 = arith.constant 0 : index
    %get3A_51 = arith.constant 0 : index
    %get3A_52 = vector.load %arg10[%get3A_50, %get3A_51] : memref<128x128xf32, #tpu.memory_space<vmem>>, vector<128x128xf32>
    %get3A_53 = arith.constant 0 : index
    %get3A_54 = arith.constant 0 : index
    %get3A_55 = vector.load %arg11[%get3A_53, %get3A_54] : memref<1x128xf32, #tpu.memory_space<vmem>>, vector<1x128xf32>
    %get3A_56 = arith.constant 0 : index
    %get3A_57 = arith.constant 0 : index
    %get3A_58 = vector.load %arg12[%get3A_56, %get3A_57] : memref<1x128xf32, #tpu.memory_space<vmem>>, vector<1x128xf32>
    %get3A_59 = arith.constant 0 : index
    %get3A_60 = arith.constant 0 : index
    %get3A_61 = vector.load %arg13[%get3A_59, %get3A_60] : memref<1000x32xf32, #tpu.memory_space<vmem>>, vector<1000x32xf32>
    %reduce_sum3A = arith.constant dense<0.000000e+00> : vector<1000xf32>
    %reduce_sum3A_62 = vector.multi_reduction <add>, %get3A_61, %reduce_sum3A [1] : vector<1000x32xf32> to vector<1000xf32>
    %add3A_63 = arith.constant 1.000000e+00 : f32
    %add3A_64 = vector.broadcast %add3A_63 : f32 to vector<1000xf32>
    %add3A_65 = arith.addf %reduce_sum3A_62, %add3A_64 : vector<1000xf32>
    %rsqrt3A = math.rsqrt %add3A_65 : vector<1000xf32>
    %broadcast_in_dim3A = vector.shape_cast %rsqrt3A : vector<1000xf32> to vector<1000x1xf32>
    %dot_general3A_66 = arith.constant dense<0.000000e+00> : vector<1000x128xf32>
    %dot_general3A_67 = tpu.matmul %select_n3A_47, %get3A_52, %dot_general3A_66 {dimension_numbers = #tpu.dot_dimension_numbers<[1], [0], [0], [1], [0, 0, 1, 1], [], []>, transpose_lhs_hint = false} : vector<1000x128xf32>, vector<128x128xf32>, vector<1000x128xf32> -> vector<1000x128xf32>
    %add3A_68 = vector.broadcast %get3A_55 : vector<1x128xf32> to vector<1000x128xf32>
    %add3A_69 = arith.addf %dot_general3A_67, %add3A_68 : vector<1000x128xf32>
    %max3A = arith.constant 0.000000e+00 : f32
    %max3A_70 = vector.broadcast %max3A : f32 to vector<1000x128xf32>
    %max3A_71 = arith.maximumf %add3A_69, %max3A_70 : vector<1000x128xf32>
    %mul3A_72 = vector.broadcast %broadcast_in_dim3A : vector<1000x1xf32> to vector<1000x128xf32>
    %mul3A_73 = arith.mulf %mul3A_72, %max3A_71 : vector<1000x128xf32>
    %swap3A_74 = arith.constant 0 : index
    %swap3A_75 = arith.constant 0 : index
    %swap3A_76 = vector.load %arg15[%swap3A_74, %swap3A_75] : memref<1000x128xf32, #tpu.memory_space<vmem>>, vector<1000x128xf32>
    tpu.vector_store %arg15[%swap3A_74, %swap3A_75], %mul3A_73 {strides = array<i32>} : memref<1000x128xf32, #tpu.memory_space<vmem>>, vector<1000x128xf32>,
    %mul3A_77 = arith.mulf %broadcast_in_dim3A, %broadcast_in_dim3A : vector<1000x1xf32>
    %add3A_78 = vector.broadcast %get3A_58 : vector<1x128xf32> to vector<1000x128xf32>
    %add3A_79 = arith.addf %add3A_69, %add3A_78 : vector<1000x128xf32>
    %max3A_80 = arith.constant 0.000000e+00 : f32
    %max3A_81 = vector.broadcast %max3A_80 : f32 to vector<1000x128xf32>
    %max3A_82 = arith.maximumf %add3A_79, %max3A_81 : vector<1000x128xf32>
    %mul3A_83 = vector.broadcast %mul3A_77 : vector<1000x1xf32> to vector<1000x128xf32>
    %mul3A_84 = arith.mulf %mul3A_83, %max3A_82 : vector<1000x128xf32>
    %swap3A_85 = arith.constant 0 : index
    %swap3A_86 = arith.constant 0 : index
    %swap3A_87 = vector.load %arg16[%swap3A_85, %swap3A_86] : memref<1000x128xf32, #tpu.memory_space<vmem>>, vector<1000x128xf32>
    tpu.vector_store %arg16[%swap3A_85, %swap3A_86], %mul3A_84 {strides = array<i32>} : memref<1000x128xf32, #tpu.memory_space<vmem>>, vector<1000x128xf32>,
    return
  }
  func.func @transform_0(%arg0: i32) -> (i32, i32) {
    %c0_i32 = arith.constant 0 : i32
    %c0_i32_0 = arith.constant 0 : i32
    return %arg0, %c0_i32 : i32, i32
  }
  func.func @transform_1(%arg0: i32) -> (i32, i32) {
    %c0_i32 = arith.constant 0 : i32
    %c0_i32_0 = arith.constant 0 : i32
    %c0_i32_1 = arith.constant 0 : i32
    return %c0_i32, %c0_i32_0 : i32, i32
  }
  func.func @transform_2(%arg0: i32) -> (i32, i32) {
    %c0_i32 = arith.constant 0 : i32
    %c0_i32_0 = arith.constant 0 : i32
    %c0_i32_1 = arith.constant 0 : i32
    return %c0_i32, %c0_i32_0 : i32, i32
  }
  func.func @transform_3(%arg0: i32) -> (i32, i32) {
    %c0_i32 = arith.constant 0 : i32
    %c0_i32_0 = arith.constant 0 : i32
    %c0_i32_1 = arith.constant 0 : i32
    return %c0_i32, %c0_i32_0 : i32, i32
  }
  func.func @transform_4(%arg0: i32) -> (i32, i32) {
    %c0_i32 = arith.constant 0 : i32
    %c0_i32_0 = arith.constant 0 : i32
    %c0_i32_1 = arith.constant 0 : i32
    return %c0_i32, %c0_i32_0 : i32, i32
  }
  func.func @transform_5(%arg0: i32) -> (i32, i32) {
    %c0_i32 = arith.constant 0 : i32
    %c0_i32_0 = arith.constant 0 : i32
    %c0_i32_1 = arith.constant 0 : i32
    return %c0_i32, %c0_i32_0 : i32, i32
  }
  func.func @transform_6(%arg0: i32) -> (i32, i32) {
    %c0_i32 = arith.constant 0 : i32
    %c0_i32_0 = arith.constant 0 : i32
    %c0_i32_1 = arith.constant 0 : i32
    return %c0_i32, %c0_i32_0 : i32, i32
  }
  func.func @transform_7(%arg0: i32) -> (i32, i32) {
    %c0_i32 = arith.constant 0 : i32
    %c0_i32_0 = arith.constant 0 : i32
    %c0_i32_1 = arith.constant 0 : i32
    return %c0_i32, %c0_i32_0 : i32, i32
  }
  func.func @transform_8(%arg0: i32) -> (i32, i32) {
    %c0_i32 = arith.constant 0 : i32
    %c0_i32_0 = arith.constant 0 : i32
    %c0_i32_1 = arith.constant 0 : i32
    return %c0_i32, %c0_i32_0 : i32, i32
  }
  func.func @transform_9(%arg0: i32) -> (i32, i32) {
    %c0_i32 = arith.constant 0 : i32
    %c0_i32_0 = arith.constant 0 : i32
    %c0_i32_1 = arith.constant 0 : i32
    return %c0_i32, %c0_i32_0 : i32, i32
  }
  func.func @transform_10(%arg0: i32) -> (i32, i32) {
    %c0_i32 = arith.constant 0 : i32
    %c0_i32_0 = arith.constant 0 : i32
    %c0_i32_1 = arith.constant 0 : i32
    return %c0_i32, %c0_i32_0 : i32, i32
  }
  func.func @transform_11(%arg0: i32) -> (i32, i32) {
    %c0_i32 = arith.constant 0 : i32
    %c0_i32_0 = arith.constant 0 : i32
    %c0_i32_1 = arith.constant 0 : i32
    return %c0_i32, %c0_i32_0 : i32, i32
  }
  func.func @transform_12(%arg0: i32) -> (i32, i32) {
    %c0_i32 = arith.constant 0 : i32
    %c0_i32_0 = arith.constant 0 : i32
    return %arg0, %c0_i32 : i32, i32
  }
  func.func @transform_13(%arg0: i32) -> (i32, i32) {
    %c0_i32 = arith.constant 0 : i32
    %c0_i32_0 = arith.constant 0 : i32
    return %arg0, %c0_i32 : i32, i32
  }
  func.func @transform_14(%arg0: i32) -> (i32, i32) {
    %c0_i32 = arith.constant 0 : i32
    %c0_i32_0 = arith.constant 0 : i32
    return %arg0, %c0_i32 : i32, i32
  }
  func.func @transform_15(%arg0: i32) -> (i32, i32) {
    %c0_i32 = arith.constant 0 : i32
    %c0_i32_0 = arith.constant 0 : i32
    return %arg0, %c0_i32 : i32, i32
  }
}

module attributes {stable_mosaic.version = 14 : i64} {
  func.func @_postlnpre_body(%arg0: i32, %arg1: memref<2x1000x128xf32, #tpu.memory_space<vmem>>, %arg2: memref<1000x128xf32, #tpu.memory_space<vmem>>, %arg3: memref<1000x32xf32, #tpu.memory_space<vmem>>, %arg4: memref<1000x32xf32, #tpu.memory_space<vmem>>, %arg5: memref<1x128xf32, #tpu.memory_space<vmem>>, %arg6: memref<1x128xf32, #tpu.memory_space<vmem>>, %arg7: memref<128x128xf32, #tpu.memory_space<vmem>>, %arg8: memref<1x128xf32, #tpu.memory_space<vmem>>, %arg9: memref<1x128xf32, #tpu.memory_space<vmem>>, %arg10: memref<1000x128xf32, #tpu.memory_space<vmem>>, %arg11: memref<1000x128xf32, #tpu.memory_space<vmem>>) attributes {dimension_semantics = [#tpu.dimension_semantics<arbitrary>], iteration_bounds = array<i64: 10>, scalar_prefetch = 0 : i64, scratch_operands = 0 : i64, tpu.core_type = #tpu.core_type<tc>, window_params = [{transform_indices = @transform_0, window_bounds = array<i64: 2, 1000, 128>}, {transform_indices = @transform_1, window_bounds = array<i64: 1000, 128>}, {transform_indices = @transform_2, window_bounds = array<i64: 1000, 32>}, {transform_indices = @transform_3, window_bounds = array<i64: 1000, 32>}, {pipeline_mode = #tpu.pipeline_mode<synchronous>, transform_indices = @transform_4, window_bounds = array<i64: 1, 128>}, {pipeline_mode = #tpu.pipeline_mode<synchronous>, transform_indices = @transform_5, window_bounds = array<i64: 1, 128>}, {pipeline_mode = #tpu.pipeline_mode<synchronous>, transform_indices = @transform_6, window_bounds = array<i64: 128, 128>}, {pipeline_mode = #tpu.pipeline_mode<synchronous>, transform_indices = @transform_7, window_bounds = array<i64: 1, 128>}, {pipeline_mode = #tpu.pipeline_mode<synchronous>, transform_indices = @transform_8, window_bounds = array<i64: 1, 128>}, {transform_indices = @transform_9, window_bounds = array<i64: 1000, 128>}, {transform_indices = @transform_10, window_bounds = array<i64: 1000, 128>}]} {
    %get3A = arith.constant 0 : index
    %get3A_0 = arith.constant 0 : index
    %get3A_1 = vector.load %arg3[%get3A, %get3A_0] : memref<1000x32xf32, #tpu.memory_space<vmem>>, vector<1000x32xf32>
    %reduce_sum3A = arith.constant dense<0.000000e+00> : vector<1000xf32>
    %reduce_sum3A_2 = vector.multi_reduction <add>, %get3A_1, %reduce_sum3A [1] : vector<1000x32xf32> to vector<1000xf32>
    %add3A = arith.constant 1.000000e+00 : f32
    %add3A_3 = vector.broadcast %add3A : f32 to vector<1000xf32>
    %add3A_4 = arith.addf %reduce_sum3A_2, %add3A_3 : vector<1000xf32>
    %rsqrt3A = math.rsqrt %add3A_4 : vector<1000xf32>
    %broadcast_in_dim3A = vector.shape_cast %rsqrt3A : vector<1000xf32> to vector<1000x1xf32>
    %get3A_5 = arith.constant 0 : index
    %get3A_6 = arith.constant 0 : index
    %get3A_7 = arith.constant 0 : index
    %get3A_8 = vector.load %arg1[%get3A_5, %get3A_6, %get3A_7] : memref<2x1000x128xf32, #tpu.memory_space<vmem>>, vector<1x1000x128xf32>
    %get3A_9 = vector.shape_cast %get3A_8 : vector<1x1000x128xf32> to vector<1000x128xf32>
    %get3A_10 = arith.constant 1 : index
    %get3A_11 = arith.constant 0 : index
    %get3A_12 = arith.constant 0 : index
    %get3A_13 = vector.load %arg1[%get3A_10, %get3A_11, %get3A_12] : memref<2x1000x128xf32, #tpu.memory_space<vmem>>, vector<1x1000x128xf32>
    %get3A_14 = vector.shape_cast %get3A_13 : vector<1x1000x128xf32> to vector<1000x128xf32>
    %add3A_15 = arith.addf %get3A_9, %get3A_14 : vector<1000x128xf32>
    %mul3A = vector.broadcast %broadcast_in_dim3A : vector<1000x1xf32> to vector<1000x128xf32>
    %mul3A_16 = arith.mulf %mul3A, %add3A_15 : vector<1000x128xf32>
    %get3A_17 = arith.constant 0 : index
    %get3A_18 = arith.constant 0 : index
    %get3A_19 = vector.load %arg2[%get3A_17, %get3A_18] : memref<1000x128xf32, #tpu.memory_space<vmem>>, vector<1000x128xf32>
    %add3A_20 = arith.addf %mul3A_16, %get3A_19 : vector<1000x128xf32>
    %reduce_sum3A_21 = arith.constant dense<0.000000e+00> : vector<1000xf32>
    %reduce_sum3A_22 = vector.multi_reduction <add>, %add3A_20, %reduce_sum3A_21 [1] : vector<1000x128xf32> to vector<1000xf32>
    %broadcast_in_dim3A_23 = vector.shape_cast %reduce_sum3A_22 : vector<1000xf32> to vector<1000x1xf32>
    %div3A = arith.constant 1.280000e+02 : f32
    %div3A_24 = vector.broadcast %div3A : f32 to vector<1000x1xf32>
    %div3A_25 = arith.divf %broadcast_in_dim3A_23, %div3A_24 : vector<1000x1xf32>
    %sub3A = vector.broadcast %div3A_25 : vector<1000x1xf32> to vector<1000x128xf32>
    %sub3A_26 = arith.subf %add3A_20, %sub3A : vector<1000x128xf32>
    %mul3A_27 = arith.mulf %sub3A_26, %sub3A_26 : vector<1000x128xf32>
    %reduce_sum3A_28 = arith.constant dense<0.000000e+00> : vector<1000xf32>
    %reduce_sum3A_29 = vector.multi_reduction <add>, %mul3A_27, %reduce_sum3A_28 [1] : vector<1000x128xf32> to vector<1000xf32>
    %broadcast_in_dim3A_30 = vector.shape_cast %reduce_sum3A_29 : vector<1000xf32> to vector<1000x1xf32>
    %div3A_31 = arith.constant 1.280000e+02 : f32
    %div3A_32 = vector.broadcast %div3A_31 : f32 to vector<1000x1xf32>
    %div3A_33 = arith.divf %broadcast_in_dim3A_30, %div3A_32 : vector<1000x1xf32>
    %add3A_34 = arith.constant 9.99999974E-6 : f32
    %add3A_35 = vector.broadcast %add3A_34 : f32 to vector<1000x1xf32>
    %add3A_36 = arith.addf %div3A_33, %add3A_35 : vector<1000x1xf32>
    %rsqrt3A_37 = math.rsqrt %add3A_36 : vector<1000x1xf32>
    %mul3A_38 = vector.broadcast %rsqrt3A_37 : vector<1000x1xf32> to vector<1000x128xf32>
    %mul3A_39 = arith.mulf %sub3A_26, %mul3A_38 : vector<1000x128xf32>
    %get3A_40 = arith.constant 0 : index
    %get3A_41 = arith.constant 0 : index
    %get3A_42 = vector.load %arg5[%get3A_40, %get3A_41] : memref<1x128xf32, #tpu.memory_space<vmem>>, vector<1x128xf32>
    %mul3A_43 = vector.broadcast %get3A_42 : vector<1x128xf32> to vector<1000x128xf32>
    %mul3A_44 = arith.mulf %mul3A_39, %mul3A_43 : vector<1000x128xf32>
    %get3A_45 = arith.constant 0 : index
    %get3A_46 = arith.constant 0 : index
    %get3A_47 = vector.load %arg6[%get3A_45, %get3A_46] : memref<1x128xf32, #tpu.memory_space<vmem>>, vector<1x128xf32>
    %add3A_48 = vector.broadcast %get3A_47 : vector<1x128xf32> to vector<1000x128xf32>
    %add3A_49 = arith.addf %mul3A_44, %add3A_48 : vector<1000x128xf32>
    %max3A = arith.constant 0.000000e+00 : f32
    %max3A_50 = vector.broadcast %max3A : f32 to vector<1000x128xf32>
    %max3A_51 = arith.maximumf %add3A_49, %max3A_50 : vector<1000x128xf32>
    %get3A_52 = arith.constant 0 : index
    %get3A_53 = arith.constant 0 : index
    %get3A_54 = vector.load %arg7[%get3A_52, %get3A_53] : memref<128x128xf32, #tpu.memory_space<vmem>>, vector<128x128xf32>
    %get3A_55 = arith.constant 0 : index
    %get3A_56 = arith.constant 0 : index
    %get3A_57 = vector.load %arg8[%get3A_55, %get3A_56] : memref<1x128xf32, #tpu.memory_space<vmem>>, vector<1x128xf32>
    %get3A_58 = arith.constant 0 : index
    %get3A_59 = arith.constant 0 : index
    %get3A_60 = vector.load %arg9[%get3A_58, %get3A_59] : memref<1x128xf32, #tpu.memory_space<vmem>>, vector<1x128xf32>
    %get3A_61 = arith.constant 0 : index
    %get3A_62 = arith.constant 0 : index
    %get3A_63 = vector.load %arg4[%get3A_61, %get3A_62] : memref<1000x32xf32, #tpu.memory_space<vmem>>, vector<1000x32xf32>
    %reduce_sum3A_64 = arith.constant dense<0.000000e+00> : vector<1000xf32>
    %reduce_sum3A_65 = vector.multi_reduction <add>, %get3A_63, %reduce_sum3A_64 [1] : vector<1000x32xf32> to vector<1000xf32>
    %add3A_66 = arith.constant 1.000000e+00 : f32
    %add3A_67 = vector.broadcast %add3A_66 : f32 to vector<1000xf32>
    %add3A_68 = arith.addf %reduce_sum3A_65, %add3A_67 : vector<1000xf32>
    %rsqrt3A_69 = math.rsqrt %add3A_68 : vector<1000xf32>
    %broadcast_in_dim3A_70 = vector.shape_cast %rsqrt3A_69 : vector<1000xf32> to vector<1000x1xf32>
    %dot_general3A = arith.constant dense<0.000000e+00> : vector<1000x128xf32>
    %dot_general3A_71 = tpu.matmul %max3A_51, %get3A_54, %dot_general3A {dimension_numbers = #tpu.dot_dimension_numbers<[1], [0], [0], [1], [0, 0, 1, 1], [], []>, transpose_lhs_hint = false} : vector<1000x128xf32>, vector<128x128xf32>, vector<1000x128xf32> -> vector<1000x128xf32>
    %add3A_72 = vector.broadcast %get3A_57 : vector<1x128xf32> to vector<1000x128xf32>
    %add3A_73 = arith.addf %dot_general3A_71, %add3A_72 : vector<1000x128xf32>
    %max3A_74 = arith.constant 0.000000e+00 : f32
    %max3A_75 = vector.broadcast %max3A_74 : f32 to vector<1000x128xf32>
    %max3A_76 = arith.maximumf %add3A_73, %max3A_75 : vector<1000x128xf32>
    %mul3A_77 = vector.broadcast %broadcast_in_dim3A_70 : vector<1000x1xf32> to vector<1000x128xf32>
    %mul3A_78 = arith.mulf %mul3A_77, %max3A_76 : vector<1000x128xf32>
    %swap3A = arith.constant 0 : index
    %swap3A_79 = arith.constant 0 : index
    %swap3A_80 = vector.load %arg10[%swap3A, %swap3A_79] : memref<1000x128xf32, #tpu.memory_space<vmem>>, vector<1000x128xf32>
    tpu.vector_store %arg10[%swap3A, %swap3A_79], %mul3A_78 {strides = array<i32>} : memref<1000x128xf32, #tpu.memory_space<vmem>>, vector<1000x128xf32>,
    %mul3A_81 = arith.mulf %broadcast_in_dim3A_70, %broadcast_in_dim3A_70 : vector<1000x1xf32>
    %add3A_82 = vector.broadcast %get3A_60 : vector<1x128xf32> to vector<1000x128xf32>
    %add3A_83 = arith.addf %add3A_73, %add3A_82 : vector<1000x128xf32>
    %max3A_84 = arith.constant 0.000000e+00 : f32
    %max3A_85 = vector.broadcast %max3A_84 : f32 to vector<1000x128xf32>
    %max3A_86 = arith.maximumf %add3A_83, %max3A_85 : vector<1000x128xf32>
    %mul3A_87 = vector.broadcast %mul3A_81 : vector<1000x1xf32> to vector<1000x128xf32>
    %mul3A_88 = arith.mulf %mul3A_87, %max3A_86 : vector<1000x128xf32>
    %swap3A_89 = arith.constant 0 : index
    %swap3A_90 = arith.constant 0 : index
    %swap3A_91 = vector.load %arg11[%swap3A_89, %swap3A_90] : memref<1000x128xf32, #tpu.memory_space<vmem>>, vector<1000x128xf32>
    tpu.vector_store %arg11[%swap3A_89, %swap3A_90], %mul3A_88 {strides = array<i32>} : memref<1000x128xf32, #tpu.memory_space<vmem>>, vector<1000x128xf32>,
    return
  }
  func.func @transform_0(%arg0: i32) -> (i32, i32, i32) {
    %c0_i32 = arith.constant 0 : i32
    %c0_i32_0 = arith.constant 0 : i32
    %c0_i32_1 = arith.constant 0 : i32
    return %c0_i32, %arg0, %c0_i32_0 : i32, i32, i32
  }
  func.func @transform_1(%arg0: i32) -> (i32, i32) {
    %c0_i32 = arith.constant 0 : i32
    %c0_i32_0 = arith.constant 0 : i32
    return %arg0, %c0_i32 : i32, i32
  }
  func.func @transform_2(%arg0: i32) -> (i32, i32) {
    %c0_i32 = arith.constant 0 : i32
    %c0_i32_0 = arith.constant 0 : i32
    return %arg0, %c0_i32 : i32, i32
  }
  func.func @transform_3(%arg0: i32) -> (i32, i32) {
    %c0_i32 = arith.constant 0 : i32
    %c0_i32_0 = arith.constant 0 : i32
    return %arg0, %c0_i32 : i32, i32
  }
  func.func @transform_4(%arg0: i32) -> (i32, i32) {
    %c0_i32 = arith.constant 0 : i32
    %c0_i32_0 = arith.constant 0 : i32
    %c0_i32_1 = arith.constant 0 : i32
    return %c0_i32, %c0_i32_0 : i32, i32
  }
  func.func @transform_5(%arg0: i32) -> (i32, i32) {
    %c0_i32 = arith.constant 0 : i32
    %c0_i32_0 = arith.constant 0 : i32
    %c0_i32_1 = arith.constant 0 : i32
    return %c0_i32, %c0_i32_0 : i32, i32
  }
  func.func @transform_6(%arg0: i32) -> (i32, i32) {
    %c0_i32 = arith.constant 0 : i32
    %c0_i32_0 = arith.constant 0 : i32
    %c0_i32_1 = arith.constant 0 : i32
    return %c0_i32, %c0_i32_0 : i32, i32
  }
  func.func @transform_7(%arg0: i32) -> (i32, i32) {
    %c0_i32 = arith.constant 0 : i32
    %c0_i32_0 = arith.constant 0 : i32
    %c0_i32_1 = arith.constant 0 : i32
    return %c0_i32, %c0_i32_0 : i32, i32
  }
  func.func @transform_8(%arg0: i32) -> (i32, i32) {
    %c0_i32 = arith.constant 0 : i32
    %c0_i32_0 = arith.constant 0 : i32
    %c0_i32_1 = arith.constant 0 : i32
    return %c0_i32, %c0_i32_0 : i32, i32
  }
  func.func @transform_9(%arg0: i32) -> (i32, i32) {
    %c0_i32 = arith.constant 0 : i32
    %c0_i32_0 = arith.constant 0 : i32
    return %arg0, %c0_i32 : i32, i32
  }
  func.func @transform_10(%arg0: i32) -> (i32, i32) {
    %c0_i32 = arith.constant 0 : i32
    %c0_i32_0 = arith.constant 0 : i32
    return %arg0, %c0_i32 : i32, i32
  }
}

module attributes {stable_mosaic.version = 14 : i64} {
  func.func @_postrespre_body(%arg0: i32, %arg1: memref<2x1000x128xf32, #tpu.memory_space<vmem>>, %arg2: memref<1000x128xf32, #tpu.memory_space<vmem>>, %arg3: memref<1000x32xf32, #tpu.memory_space<vmem>>, %arg4: memref<1000x128xf32, #tpu.memory_space<vmem>>, %arg5: memref<128x128xf32, #tpu.memory_space<vmem>>, %arg6: memref<1x128xf32, #tpu.memory_space<vmem>>, %arg7: memref<1x128xf32, #tpu.memory_space<vmem>>, %arg8: memref<1000x32xf32, #tpu.memory_space<vmem>>, %arg9: memref<1000x128xf32, #tpu.memory_space<vmem>>, %arg10: memref<1000x128xf32, #tpu.memory_space<vmem>>, %arg11: memref<1000x128xf32, #tpu.memory_space<vmem>>) attributes {dimension_semantics = [#tpu.dimension_semantics<arbitrary>], iteration_bounds = array<i64: 10>, scalar_prefetch = 0 : i64, scratch_operands = 0 : i64, tpu.core_type = #tpu.core_type<tc>, window_params = [{transform_indices = @transform_0, window_bounds = array<i64: 2, 1000, 128>}, {transform_indices = @transform_1, window_bounds = array<i64: 1000, 128>}, {transform_indices = @transform_2, window_bounds = array<i64: 1000, 32>}, {transform_indices = @transform_3, window_bounds = array<i64: 1000, 128>}, {pipeline_mode = #tpu.pipeline_mode<synchronous>, transform_indices = @transform_4, window_bounds = array<i64: 128, 128>}, {pipeline_mode = #tpu.pipeline_mode<synchronous>, transform_indices = @transform_5, window_bounds = array<i64: 1, 128>}, {pipeline_mode = #tpu.pipeline_mode<synchronous>, transform_indices = @transform_6, window_bounds = array<i64: 1, 128>}, {transform_indices = @transform_7, window_bounds = array<i64: 1000, 32>}, {transform_indices = @transform_8, window_bounds = array<i64: 1000, 128>}, {transform_indices = @transform_9, window_bounds = array<i64: 1000, 128>}, {transform_indices = @transform_10, window_bounds = array<i64: 1000, 128>}]} {
    %get3A = arith.constant 0 : index
    %get3A_0 = arith.constant 0 : index
    %get3A_1 = vector.load %arg3[%get3A, %get3A_0] : memref<1000x32xf32, #tpu.memory_space<vmem>>, vector<1000x32xf32>
    %reduce_sum3A = arith.constant dense<0.000000e+00> : vector<1000xf32>
    %reduce_sum3A_2 = vector.multi_reduction <add>, %get3A_1, %reduce_sum3A [1] : vector<1000x32xf32> to vector<1000xf32>
    %add3A = arith.constant 1.000000e+00 : f32
    %add3A_3 = vector.broadcast %add3A : f32 to vector<1000xf32>
    %add3A_4 = arith.addf %reduce_sum3A_2, %add3A_3 : vector<1000xf32>
    %rsqrt3A = math.rsqrt %add3A_4 : vector<1000xf32>
    %broadcast_in_dim3A = vector.shape_cast %rsqrt3A : vector<1000xf32> to vector<1000x1xf32>
    %get3A_5 = arith.constant 0 : index
    %get3A_6 = arith.constant 0 : index
    %get3A_7 = arith.constant 0 : index
    %get3A_8 = vector.load %arg1[%get3A_5, %get3A_6, %get3A_7] : memref<2x1000x128xf32, #tpu.memory_space<vmem>>, vector<1x1000x128xf32>
    %get3A_9 = vector.shape_cast %get3A_8 : vector<1x1000x128xf32> to vector<1000x128xf32>
    %get3A_10 = arith.constant 1 : index
    %get3A_11 = arith.constant 0 : index
    %get3A_12 = arith.constant 0 : index
    %get3A_13 = vector.load %arg1[%get3A_10, %get3A_11, %get3A_12] : memref<2x1000x128xf32, #tpu.memory_space<vmem>>, vector<1x1000x128xf32>
    %get3A_14 = vector.shape_cast %get3A_13 : vector<1x1000x128xf32> to vector<1000x128xf32>
    %add3A_15 = arith.addf %get3A_9, %get3A_14 : vector<1000x128xf32>
    %mul3A = vector.broadcast %broadcast_in_dim3A : vector<1000x1xf32> to vector<1000x128xf32>
    %mul3A_16 = arith.mulf %mul3A, %add3A_15 : vector<1000x128xf32>
    %get3A_17 = arith.constant 0 : index
    %get3A_18 = arith.constant 0 : index
    %get3A_19 = vector.load %arg2[%get3A_17, %get3A_18] : memref<1000x128xf32, #tpu.memory_space<vmem>>, vector<1000x128xf32>
    %add3A_20 = arith.addf %mul3A_16, %get3A_19 : vector<1000x128xf32>
    %get3A_21 = arith.constant 0 : index
    %get3A_22 = arith.constant 0 : index
    %get3A_23 = vector.load %arg4[%get3A_21, %get3A_22] : memref<1000x128xf32, #tpu.memory_space<vmem>>, vector<1000x128xf32>
    %add3A_24 = arith.addf %add3A_20, %get3A_23 : vector<1000x128xf32>
    %swap3A = arith.constant 0 : index
    %swap3A_25 = arith.constant 0 : index
    %swap3A_26 = vector.load %arg9[%swap3A, %swap3A_25] : memref<1000x128xf32, #tpu.memory_space<vmem>>, vector<1000x128xf32>
    tpu.vector_store %arg9[%swap3A, %swap3A_25], %add3A_24 {strides = array<i32>} : memref<1000x128xf32, #tpu.memory_space<vmem>>, vector<1000x128xf32>,
    %get3A_27 = arith.constant 0 : index
    %get3A_28 = arith.constant 0 : index
    %get3A_29 = vector.load %arg5[%get3A_27, %get3A_28] : memref<128x128xf32, #tpu.memory_space<vmem>>, vector<128x128xf32>
    %get3A_30 = arith.constant 0 : index
    %get3A_31 = arith.constant 0 : index
    %get3A_32 = vector.load %arg6[%get3A_30, %get3A_31] : memref<1x128xf32, #tpu.memory_space<vmem>>, vector<1x128xf32>
    %get3A_33 = arith.constant 0 : index
    %get3A_34 = arith.constant 0 : index
    %get3A_35 = vector.load %arg7[%get3A_33, %get3A_34] : memref<1x128xf32, #tpu.memory_space<vmem>>, vector<1x128xf32>
    %get3A_36 = arith.constant 0 : index
    %get3A_37 = arith.constant 0 : index
    %get3A_38 = vector.load %arg8[%get3A_36, %get3A_37] : memref<1000x32xf32, #tpu.memory_space<vmem>>, vector<1000x32xf32>
    %reduce_sum3A_39 = arith.constant dense<0.000000e+00> : vector<1000xf32>
    %reduce_sum3A_40 = vector.multi_reduction <add>, %get3A_38, %reduce_sum3A_39 [1] : vector<1000x32xf32> to vector<1000xf32>
    %add3A_41 = arith.constant 1.000000e+00 : f32
    %add3A_42 = vector.broadcast %add3A_41 : f32 to vector<1000xf32>
    %add3A_43 = arith.addf %reduce_sum3A_40, %add3A_42 : vector<1000xf32>
    %rsqrt3A_44 = math.rsqrt %add3A_43 : vector<1000xf32>
    %broadcast_in_dim3A_45 = vector.shape_cast %rsqrt3A_44 : vector<1000xf32> to vector<1000x1xf32>
    %dot_general3A = arith.constant dense<0.000000e+00> : vector<1000x128xf32>
    %dot_general3A_46 = tpu.matmul %add3A_24, %get3A_29, %dot_general3A {dimension_numbers = #tpu.dot_dimension_numbers<[1], [0], [0], [1], [0, 0, 1, 1], [], []>, transpose_lhs_hint = false} : vector<1000x128xf32>, vector<128x128xf32>, vector<1000x128xf32> -> vector<1000x128xf32>
    %add3A_47 = vector.broadcast %get3A_32 : vector<1x128xf32> to vector<1000x128xf32>
    %add3A_48 = arith.addf %dot_general3A_46, %add3A_47 : vector<1000x128xf32>
    %max3A = arith.constant 0.000000e+00 : f32
    %max3A_49 = vector.broadcast %max3A : f32 to vector<1000x128xf32>
    %max3A_50 = arith.maximumf %add3A_48, %max3A_49 : vector<1000x128xf32>
    %mul3A_51 = vector.broadcast %broadcast_in_dim3A_45 : vector<1000x1xf32> to vector<1000x128xf32>
    %mul3A_52 = arith.mulf %mul3A_51, %max3A_50 : vector<1000x128xf32>
    %swap3A_53 = arith.constant 0 : index
    %swap3A_54 = arith.constant 0 : index
    %swap3A_55 = vector.load %arg10[%swap3A_53, %swap3A_54] : memref<1000x128xf32, #tpu.memory_space<vmem>>, vector<1000x128xf32>
    tpu.vector_store %arg10[%swap3A_53, %swap3A_54], %mul3A_52 {strides = array<i32>} : memref<1000x128xf32, #tpu.memory_space<vmem>>, vector<1000x128xf32>,
    %mul3A_56 = arith.mulf %broadcast_in_dim3A_45, %broadcast_in_dim3A_45 : vector<1000x1xf32>
    %add3A_57 = vector.broadcast %get3A_35 : vector<1x128xf32> to vector<1000x128xf32>
    %add3A_58 = arith.addf %add3A_48, %add3A_57 : vector<1000x128xf32>
    %max3A_59 = arith.constant 0.000000e+00 : f32
    %max3A_60 = vector.broadcast %max3A_59 : f32 to vector<1000x128xf32>
    %max3A_61 = arith.maximumf %add3A_58, %max3A_60 : vector<1000x128xf32>
    %mul3A_62 = vector.broadcast %mul3A_56 : vector<1000x1xf32> to vector<1000x128xf32>
    %mul3A_63 = arith.mulf %mul3A_62, %max3A_61 : vector<1000x128xf32>
    %swap3A_64 = arith.constant 0 : index
    %swap3A_65 = arith.constant 0 : index
    %swap3A_66 = vector.load %arg11[%swap3A_64, %swap3A_65] : memref<1000x128xf32, #tpu.memory_space<vmem>>, vector<1000x128xf32>
    tpu.vector_store %arg11[%swap3A_64, %swap3A_65], %mul3A_63 {strides = array<i32>} : memref<1000x128xf32, #tpu.memory_space<vmem>>, vector<1000x128xf32>,
    return
  }
  func.func @transform_0(%arg0: i32) -> (i32, i32, i32) {
    %c0_i32 = arith.constant 0 : i32
    %c0_i32_0 = arith.constant 0 : i32
    %c0_i32_1 = arith.constant 0 : i32
    return %c0_i32, %arg0, %c0_i32_0 : i32, i32, i32
  }
  func.func @transform_1(%arg0: i32) -> (i32, i32) {
    %c0_i32 = arith.constant 0 : i32
    %c0_i32_0 = arith.constant 0 : i32
    return %arg0, %c0_i32 : i32, i32
  }
  func.func @transform_2(%arg0: i32) -> (i32, i32) {
    %c0_i32 = arith.constant 0 : i32
    %c0_i32_0 = arith.constant 0 : i32
    return %arg0, %c0_i32 : i32, i32
  }
  func.func @transform_3(%arg0: i32) -> (i32, i32) {
    %c0_i32 = arith.constant 0 : i32
    %c0_i32_0 = arith.constant 0 : i32
    return %arg0, %c0_i32 : i32, i32
  }
  func.func @transform_4(%arg0: i32) -> (i32, i32) {
    %c0_i32 = arith.constant 0 : i32
    %c0_i32_0 = arith.constant 0 : i32
    %c0_i32_1 = arith.constant 0 : i32
    return %c0_i32, %c0_i32_0 : i32, i32
  }
  func.func @transform_5(%arg0: i32) -> (i32, i32) {
    %c0_i32 = arith.constant 0 : i32
    %c0_i32_0 = arith.constant 0 : i32
    %c0_i32_1 = arith.constant 0 : i32
    return %c0_i32, %c0_i32_0 : i32, i32
  }
  func.func @transform_6(%arg0: i32) -> (i32, i32) {
    %c0_i32 = arith.constant 0 : i32
    %c0_i32_0 = arith.constant 0 : i32
    %c0_i32_1 = arith.constant 0 : i32
    return %c0_i32, %c0_i32_0 : i32, i32
  }
  func.func @transform_7(%arg0: i32) -> (i32, i32) {
    %c0_i32 = arith.constant 0 : i32
    %c0_i32_0 = arith.constant 0 : i32
    return %arg0, %c0_i32 : i32, i32
  }
  func.func @transform_8(%arg0: i32) -> (i32, i32) {
    %c0_i32 = arith.constant 0 : i32
    %c0_i32_0 = arith.constant 0 : i32
    return %arg0, %c0_i32 : i32, i32
  }
  func.func @transform_9(%arg0: i32) -> (i32, i32) {
    %c0_i32 = arith.constant 0 : i32
    %c0_i32_0 = arith.constant 0 : i32
    return %arg0, %c0_i32 : i32, i32
  }
  func.func @transform_10(%arg0: i32) -> (i32, i32) {
    %c0_i32 = arith.constant 0 : i32
    %c0_i32_0 = arith.constant 0 : i32
    return %arg0, %c0_i32 : i32, i32
  }
}

module attributes {stable_mosaic.version = 14 : i64} {
  func.func @_postres_body(%arg0: i32, %arg1: memref<2x1000x128xf32, #tpu.memory_space<vmem>>, %arg2: memref<1000x128xf32, #tpu.memory_space<vmem>>, %arg3: memref<1000x32xf32, #tpu.memory_space<vmem>>, %arg4: memref<1000x128xf32, #tpu.memory_space<vmem>>, %arg5: memref<1000x128xf32, #tpu.memory_space<vmem>>) attributes {dimension_semantics = [#tpu.dimension_semantics<arbitrary>], iteration_bounds = array<i64: 10>, scalar_prefetch = 0 : i64, scratch_operands = 0 : i64, tpu.core_type = #tpu.core_type<tc>, window_params = [{transform_indices = @transform_0, window_bounds = array<i64: 2, 1000, 128>}, {transform_indices = @transform_1, window_bounds = array<i64: 1000, 128>}, {transform_indices = @transform_2, window_bounds = array<i64: 1000, 32>}, {transform_indices = @transform_3, window_bounds = array<i64: 1000, 128>}, {transform_indices = @transform_4, window_bounds = array<i64: 1000, 128>}]} {
    %get3A = arith.constant 0 : index
    %get3A_0 = arith.constant 0 : index
    %get3A_1 = vector.load %arg3[%get3A, %get3A_0] : memref<1000x32xf32, #tpu.memory_space<vmem>>, vector<1000x32xf32>
    %reduce_sum3A = arith.constant dense<0.000000e+00> : vector<1000xf32>
    %reduce_sum3A_2 = vector.multi_reduction <add>, %get3A_1, %reduce_sum3A [1] : vector<1000x32xf32> to vector<1000xf32>
    %add3A = arith.constant 1.000000e+00 : f32
    %add3A_3 = vector.broadcast %add3A : f32 to vector<1000xf32>
    %add3A_4 = arith.addf %reduce_sum3A_2, %add3A_3 : vector<1000xf32>
    %rsqrt3A = math.rsqrt %add3A_4 : vector<1000xf32>
    %broadcast_in_dim3A = vector.shape_cast %rsqrt3A : vector<1000xf32> to vector<1000x1xf32>
    %get3A_5 = arith.constant 0 : index
    %get3A_6 = arith.constant 0 : index
    %get3A_7 = arith.constant 0 : index
    %get3A_8 = vector.load %arg1[%get3A_5, %get3A_6, %get3A_7] : memref<2x1000x128xf32, #tpu.memory_space<vmem>>, vector<1x1000x128xf32>
    %get3A_9 = vector.shape_cast %get3A_8 : vector<1x1000x128xf32> to vector<1000x128xf32>
    %get3A_10 = arith.constant 1 : index
    %get3A_11 = arith.constant 0 : index
    %get3A_12 = arith.constant 0 : index
    %get3A_13 = vector.load %arg1[%get3A_10, %get3A_11, %get3A_12] : memref<2x1000x128xf32, #tpu.memory_space<vmem>>, vector<1x1000x128xf32>
    %get3A_14 = vector.shape_cast %get3A_13 : vector<1x1000x128xf32> to vector<1000x128xf32>
    %add3A_15 = arith.addf %get3A_9, %get3A_14 : vector<1000x128xf32>
    %mul3A = vector.broadcast %broadcast_in_dim3A : vector<1000x1xf32> to vector<1000x128xf32>
    %mul3A_16 = arith.mulf %mul3A, %add3A_15 : vector<1000x128xf32>
    %get3A_17 = arith.constant 0 : index
    %get3A_18 = arith.constant 0 : index
    %get3A_19 = vector.load %arg2[%get3A_17, %get3A_18] : memref<1000x128xf32, #tpu.memory_space<vmem>>, vector<1000x128xf32>
    %add3A_20 = arith.addf %mul3A_16, %get3A_19 : vector<1000x128xf32>
    %get3A_21 = arith.constant 0 : index
    %get3A_22 = arith.constant 0 : index
    %get3A_23 = vector.load %arg4[%get3A_21, %get3A_22] : memref<1000x128xf32, #tpu.memory_space<vmem>>, vector<1000x128xf32>
    %add3A_24 = arith.addf %add3A_20, %get3A_23 : vector<1000x128xf32>
    %swap3A = arith.constant 0 : index
    %swap3A_25 = arith.constant 0 : index
    %swap3A_26 = vector.load %arg5[%swap3A, %swap3A_25] : memref<1000x128xf32, #tpu.memory_space<vmem>>, vector<1000x128xf32>
    tpu.vector_store %arg5[%swap3A, %swap3A_25], %add3A_24 {strides = array<i32>} : memref<1000x128xf32, #tpu.memory_space<vmem>>, vector<1000x128xf32>,
    return
  }
  func.func @transform_0(%arg0: i32) -> (i32, i32, i32) {
    %c0_i32 = arith.constant 0 : i32
    %c0_i32_0 = arith.constant 0 : i32
    %c0_i32_1 = arith.constant 0 : i32
    return %c0_i32, %arg0, %c0_i32_0 : i32, i32, i32
  }
  func.func @transform_1(%arg0: i32) -> (i32, i32) {
    %c0_i32 = arith.constant 0 : i32
    %c0_i32_0 = arith.constant 0 : i32
    return %arg0, %c0_i32 : i32, i32
  }
  func.func @transform_2(%arg0: i32) -> (i32, i32) {
    %c0_i32 = arith.constant 0 : i32
    %c0_i32_0 = arith.constant 0 : i32
    return %arg0, %c0_i32 : i32, i32
  }
  func.func @transform_3(%arg0: i32) -> (i32, i32) {
    %c0_i32 = arith.constant 0 : i32
    %c0_i32_0 = arith.constant 0 : i32
    return %arg0, %c0_i32 : i32, i32
  }
  func.func @transform_4(%arg0: i32) -> (i32, i32) {
    %c0_i32 = arith.constant 0 : i32
    %c0_i32_0 = arith.constant 0 : i32
    return %arg0, %c0_i32 : i32, i32
  }
}

</mosaic_0001>

<sc_bundles>
// kernel: kernel.12.cloned.1.call-start
scs
__scs_entry_jumppad:
0x0: {  	(pc) =	sbr.rel $0x88, $3  }
0x1: {  	(tag) =	ssettag $0x0;
	lr =	simm.s32 $0x1  }
0x2: {  	[smem:$0x3F8D] =	sst lr;
	_ =	strace $0xD0000000  }
0x3: {  	_ = 	snop  }
0x4: {  	_ = 	snop  }
0x5: {  	_ = 	snop  }
0x6: {  	_ = 	snop  }
0x7: {  	_ = 	snop  }
__scs_overlays_trampoline_lowered:
0x8: {  	[smem:$0x3F9C] =	sst s0  }
0x9: {  	[smem:$0x3F9D] =	sst s1  }
0xa: {  	[smem:$0x3F9E] =	sst s2  }
0xb: {  	[smem:$0x3F9F] =	sst s3  }
0xc: {  	[smem:$0x3FA0] =	sst s4  }
0xd: {  	[smem:$0x3FA1] =	sst s5  }
0xe: {  	[smem:$0x3FA2] =	sst s6  }
0xf: {  	[smem:$0x3FA3] =	sst s7  }
0x10: {  	[smem:$0x3FA4] =	sst s8  }
0x11: {  	[smem:$0x3FA5] =	sst s9;
	s0 =	simm.s32 @!p0 $0x0  }
0x12: {  	s1 =	sld [smem:$0x3F8B];
	s0 =	simm.s32 @p0 $0x1  }
0x13: {  	[smem:$0x3FA6] =	sst s0;
	s0 =	simm.s32 @!p1 $0x0  }
0x14: {  	s2 =	sld [smem:$0x3F8A];
	s0 =	simm.s32 @p1 $0x1  }
0x15: {  	[smem:$0x3FA7] =	sst s0;
	s0 =	simm.s32 @!p2 $0x0  }
0x16: {  	s3 =	sld [smem:$0x3FDB];
	s0 =	simm.s32 @p2 $0x1  }
0x17: {  	s4 =	simm.s32 $0x1BF5;
	[smem:$0x3FA9] =	sst s0  }
0x18: {  	s0 =	sld [smem:$0x3F8C];
	_ =	swait.ge [sflag:s4], $0x0  }
0x19: {  	s7 =	sld [smem:$0x3F8D]  }
0x1a: {  	s8 =	sadd.s32 $0xFFFFE003, lr  }
0x1b: {  	s9 =	sadd.s32 $0xFFFFFEF7, lr;
	s5 =	simm.s32 $0xFFFFFFFF;
	p2 =	slt.u32 s8, $0xFFFFF086  }
0x1c: {  	p1 =	slt.u32 s9, $0xF7A;
	s5 =	simm.s32 @!p2 $0x0  }
0x1d: {  	s5 =	simm.s32 @p1 $0x1;
	p0 =	seq.s32 s7, s2  }
0x1e: {  	s7 =	smul.u32 @!p0 $0xF7A, s2;
	p2 =	seq.s32 @!p0 s5, $0x0  }
0x1f: {  	s9 =	smul.u32 $0xF7A, s1;
	s8 =	simm.s32 @!p0 $0x1BF5;
	p2 =	por !p2, p0  }
0x20: {  	[sflag:s8] =	ssyncset.s32 @!p0 $0xFFFFF086;
	s6 =	sadd.s32 @!p0 s3, s7;
	s7 =	simm.s32 @!p0 $0x108  }
0x21: {  	s3 =	sadd.s32 s3, s9;
	s6 =	sadd.s32 @!p0 $0x88, s6;
	s7 =	simm.s32 @p2 $0x1082  }
0x22: {  	[simem:s7], [sflag:s8] =	dma.local @!p0 [hbm:s6], $0xF7A  }
0x23: {  	s9 =	sor.u32 $0xD0000000, s2;
	s6 =	simm.s32 $0x108;
	_ =	swait.ge @!p0 [sflag:s8], $0x0  }
0x24: {  	s3 =	sadd.s32 $0x88, s3;
	s6 =	simm.s32 @!p1 $0x1082;
	[sflag:s4] =	ssyncset.s32 $0xFFFFF086  }
0x25: {  	[simem:s6], [sflag:s4] =	dma.local [hbm:s3], $0xF7A  }
0x26: {  	[smem:$0x3F8D] =	sst s1;
	(tag) =	ssettag s2;
	_ =	strace s9  }
0x27: {  	s1 =	sld [smem:$0x3F9D]  }
0x28: {  	s2 =	sld [smem:$0x3F9E]  }
0x29: {  	s4 =	sld [smem:$0x3FA0]  }
0x2a: {  	p0 =	seq.s32 s5, $0x0;
	s5 =	sld [smem:$0x3FA1]  }
0x2b: {  	s6 =	sld [smem:$0x3FA2]  }
0x2c: {  	s7 =	sld [smem:$0x3FA3]  }
0x2d: {  	s3 =	simm.s32 $0x108;
	s8 =	sld [smem:$0x3FA4]  }
0x2e: {  	s3 =	simm.s32 @!p0 $0x1082;
	s9 =	sld [smem:$0x3FA5]  }
0x2f: {  	lr =	sadd.s32 s0, s3;
	s0 =	sld [smem:$0x3F9C]  }
0x30: {  	s3 =	sld [smem:$0x3F9F]  }
0x31: {  	[smem:$0x3FA8] =	sst s10  }
0x32: {  	s10 =	sld [smem:$0x3FA6];
	_ =	sdelay $0x3  }
0x33: {  	p0 =	seq.s32 s10, $0x1;
	s10 =	sld [smem:$0x3FA8];
	_ =	sdelay $0x3  }
0x34: {  	[smem:$0x3FA8] =	sst s10  }
0x35: {  	s10 =	sld [smem:$0x3FA7];
	_ =	sdelay $0x3  }
0x36: {  	p1 =	seq.s32 s10, $0x1;
	s10 =	sld [smem:$0x3FA8];
	_ =	sdelay $0x3  }
0x37: {  	[smem:$0x3FA8] =	sst s10  }
0x38: {  	s10 =	sld [smem:$0x3FA9]  }
0x39: {  	_ = 	snop;
	(pc) =	sbr.ind lr, $3  }
0x3a: {  	_ = 	snop  }
0x3b: {  	_ = 	snop  }
0x3c: {  	p2 =	seq.s32 s10, $0x1;
	s10 =	sld [smem:$0x3FA8]  }
0x3d: {  	_ =	shalt  }
0x3e: {  	_ =	shalt  }
0x3f: {  	_ =	shalt  }
0x40: {  	_ =	shalt  }
0x41: {  	_ =	shalt  }
0x42: {  	_ =	shalt  }
0x43: {  	_ =	shalt  }
0x44: {  	_ =	shalt  }
0x45: {  	_ =	shalt  }
0x46: {  	_ =	shalt  }
0x47: {  	_ =	shalt  }
0x48: {  	_ =	shalt  }
0x49: {  	_ =	shalt  }
0x4a: {  	_ =	shalt  }
0x4b: {  	_ =	shalt  }
0x4c: {  	_ =	shalt  }
0x4d: {  	_ =	shalt  }
0x4e: {  	_ =	shalt  }
0x4f: {  	_ =	shalt  }
0x50: {  	_ =	shalt  }
0x51: {  	_ =	shalt  }
0x52: {  	_ =	shalt  }
0x53: {  	_ =	shalt  }
0x54: {  	_ =	shalt  }
0x55: {  	_ =	shalt  }
0x56: {  	_ =	shalt  }
0x57: {  	_ =	shalt  }
0x58: {  	_ =	shalt  }
0x59: {  	_ =	shalt  }
0x5a: {  	_ =	shalt  }
0x5b: {  	_ =	shalt  }
0x5c: {  	_ =	shalt  }
0x5d: {  	_ =	shalt  }
0x5e: {  	_ =	shalt  }
0x5f: {  	_ =	shalt  }
0x60: {  	_ =	shalt  }
0x61: {  	_ =	shalt  }
0x62: {  	_ =	shalt  }
0x63: {  	_ =	shalt  }
0x64: {  	_ =	shalt  }
0x65: {  	_ =	shalt  }
0x66: {  	_ =	shalt  }
0x67: {  	_ =	shalt  }
0x68: {  	_ =	shalt  }
0x69: {  	_ =	shalt  }
0x6a: {  	_ =	shalt  }
0x6b: {  	_ =	shalt  }
0x6c: {  	_ =	shalt  }
0x6d: {  	_ =	shalt  }
0x6e: {  	_ =	shalt  }
0x6f: {  	_ =	shalt  }
0x70: {  	_ =	shalt  }
0x71: {  	_ =	shalt  }
0x72: {  	_ =	shalt  }
0x73: {  	_ =	shalt  }
0x74: {  	_ =	shalt  }
0x75: {  	_ =	shalt  }
0x76: {  	_ =	shalt  }
0x77: {  	_ =	shalt  }
0x78: {  	_ =	shalt  }
0x79: {  	_ =	shalt  }
0x7a: {  	_ =	shalt  }
0x7b: {  	_ =	shalt  }
0x7c: {  	_ =	shalt  }
0x7d: {  	_ =	shalt  }
0x7e: {  	_ =	shalt  }
0x7f: {  	_ =	shalt  }
0x80: {  	_ =	shalt  }
0x81: {  	_ =	shalt  }
0x82: {  	_ =	shalt  }
0x83: {  	_ =	shalt  }
0x84: {  	_ =	shalt  }
0x85: {  	_ =	shalt  }
0x86: {  	_ =	shalt  }
0x87: {  	_ =	shalt  }
.Lfunc_end0:
.L_simem_size_0:
called_computation_lowered:
.L_overlay_start_0:
0x88: {  	s2 =	sld [smem:$0x3FD9]  }
0x89: {  	s3 =	sld [smem:$0x3FFE];
	_ =	sdelay $0x1  }
0x8a: {  	s1 =	srdreg.scid  }
0x8b: {  	s0 =	sand.u32 $0x1, s1  }
0x8c: {  	s17 =	sshll.u32 s0, $0xA;
	s2 =	sadd.s32 s3, s2  }
0x8d: {  	s2 =	sadd.s32 s2, s17  }
0x8e: {  	[smem:$0x3FB4] =	sst s2  }
0x8f: {  	_ = 	snop  }
0x90: {  	s2 =	sld [smem:$0x3FD0];
	(tm) =	ssettm $0x1  }
0x91: {  	s18 =	sld [smem:$0x3FFB];
	_ =	sdelay $0x3  }
0x92: {  	_ =	strace s18  }
0x93: {  	s3 =	sld [smem:$0x3FFC];
	_ =	sdelay $0x3  }
0x94: {  	_ =	strace s3  }
0x95: {  	s3 =	sld [smem:$0x3FFD];
	_ =	sdelay $0x3  }
0x96: {  	_ =	strace s3  }
0x97: {  	_ =	strace $0x8FFFFFFF  }
0x98: {  	s19 =	sld [smem:$0x3FDB];
	_ =	sdelay $0x1  }
0x99: {  	s4 =	simm.s32 $_scs_section_size  }
0x9a: {  	s5 =	simm.s32 $_size__tile_overlayer_lowered;
	s6 =	simm.s32 $_tile_overlayer_lowered  }
0x9b: {  	s22 =	simm.s32 $0x1BFF;
	s21 =	sshll.u32 s6, $0x1;
	s3 =	sadd.s32 s4, s19  }
0x9c: {  	s7 =	simm.s32 $0x0;
	s20 =	sshll.u32 s5, $0x1;
	s5 =	sadd.s32 s21, s3  }
0x9d: {  	[timem:s7], [sflag:s22] =	dma.local [hbm:s5], s20  }
0x9e: {  	_ =	swait.ge [sflag:s22], s20  }
0x9f: {  	s4 =	ssub.s32 $0x0, s20;
	[sflag:s22] =	ssyncset.done $0x0  }
0xa0: {  	[sflag:s22] =	ssyncadd.s32 s4;
	_ =	sdelay $0x1  }
0xa1: {  	s23 =	simm.s32 $0x1B8B  }
0xa2: {  	_ =	swait.ge [sflag:s23], $0x1  }
0xa3: {  	[sflag:s23] =	ssyncset.done $0x0  }
0xa4: {  	s25 =	simm.s32 $0x1B8E;
	s24 =	sld [smem:$0x3FFE];
	[sflag:s23] =	ssyncadd.s32 $0xFFFFFFFF  }
0xa5: {  	s26 =	simm.s32 $execute0_lowered;
	[smem:$0x3FD2] =	sst s25  }
0xa6: {  	s5 =	sshll.u32 s26, $0x1;
	_ =	strace $0x80000046;
	[dreg:$0x1] =	wrdreg $0xFFFFFFFF  }
0xa7: {  	s28 =	simm.s32 $_size_execute0_lowered;
	s3 =	sadd.s32 s3, s5;
	[dreg:$0x0] =	wrdreg $0x0  }
0xa8: {  	s5 =	sshll.u32 s28, $0x1;
	[dreg:$0x2] =	wrdreg s3  }
0xa9: {  	[dreg:$0x3] =	wrdreg s5  }
0xaa: {  	[dreg:$0x4] =	wrdreg $0xC0  }
0xab: {  	_ =	task [dreg:s7], $0x5FFFF  }
0xac: {  	[dreg:$0x1] =	wrdreg $0xFFFFFFFF  }
0xad: {  	[dreg:$0x0] =	wrdreg $0x60  }
0xae: {  	[dreg:$0x2] =	wrdreg s24  }
0xaf: {  	[dreg:$0x3] =	wrdreg s2  }
0xb0: {  	[dreg:$0x4] =	wrdreg $0x9  }
0xb1: {  	_ =	task.clear_ibuf [dreg:s7], $0x5FFFF;
	_ =	strace $0x90000046  }
0xb2: {  	s29 =	simm.s32 $0x9;
	_ =	strace $0x80000048  }
0xb3: {  	_ =	swait.ge [sflag:s29], $0x1  }
0xb4: {  	[sflag:s29] =	ssyncadd.s32 $0xFFFFFFFF  }
0xb5: {  	_ =	strace $0x90000048  }
0xb6: {  	_ =	sfence  }
0xb7: {  	s30 =	sld [smem:$0x0];
	_ =	sdelay $0x2  }
0xb8: {  	s31 =	sshll.u32 s1, $0xD;
	s1 =	sshrl.u32 s1, $0x2  }
0xb9: {  	s3 =	sand.u32 $0x4000, s31;
	s1 =	sadd.s32 s1, s30  }
0xba: {  	s0 =	sor.u32 s3, s0;
	s1 =	sshll.u32 s1, $0x11  }
0xbb: {  	s0 =	sor.u32 s1, s0  }
0xbc: {  	s0 =	sadd.s32 $0x8F2B, s0  }
0xbd: {  	[sflag:s0] =	ssyncadd.remote.s32 $0x1  }
0xbe: {  	_ =	sfence.sel $0xFFFF  }
0xbf: {  	[dreg:$0x0] =	wrdreg $0xFFFFFFFF;
	(pc) =	sbr.abs _section_cstart, $3  }
0xc0: {  	[dreg:$0x1] =	wrdreg $0xFFFFFFFF  }
0xc1: {  	_ =	task.clear_ibuf [dreg:s7], $0x2FFFF;
	_ =	strace $0x9FFFFFFF  }
0xc2: {  	(tm) =	ssettm $0x7FFFFFFF  }
0xc3: {  	_ =	shalt  }
tec
execute0_lowered:
.L_overlay_start_1:
0x0: {  	(tag) =	ssettag $0x1  }
0x1: {  	s4 =	rddreg [dreg:$0x0]  }
0x2: {  	s0 =	srdreg.scid;
	s6 =	rddreg [dreg:$0x1];
	s2 =	simm.s32 $0x0  }
0x3: {  	s10 =	simm.s32 $0x80;
	s11 =	simm.s32 $0x400;
	s3 =	sand.u32 $0x1, s0  }
0x4: {  	s12 =	simm.s32 $0x0;
	s0 =	stileid.u32;
	s1 =	sshll.u32 s3, $0x4  }
0x5: {  	[smem:$0x7FF] =	sst s2;
	s8 =	sshll.u32 s0, $0x7;
	s5 =	sor.u32 s0, s1  }
0x6: {  	s3 =	ssub.s32 $0x2, s3;
	s7 =	sshrl.u32 s5, $0x3;
	s5 =	smul.u32 $0x4E2, s5  }
0x7: {  	s1 =	rddreg [dreg:$0x2];
	s9 =	sshrl.u32 s3, $0x1;
	s7 =	smul.u32 $0x13C00, s7  }
0x8: {  	s8 =	sand.u32 $0x380, s8;
	_ =	strace $0x80000047;
	s29 =	ssub.s32 s3, s9  }
0x9: {  	s9 =	simm.s32 $0x1;
	s5 =	sadd.s32 s5, s4;
	s7 =	sor.u32 s8, s7  }
0xa: {  	s3 =	sadd.s32 $0x7800, s5;
	s5 =	sadd.s32 $0x11600, s5;
	s30 =	sadd.s32 $0x4F000, s7  }
0xb: {  	s8 =	simm.s32 $0x2780;
	s7 =	sshrl.u32 s7, $0x3;
	s31 =	sshrl.u32 s30, $0x3  }
0xc: {  	v0 =	vimm.f32 $0.0e+00;
	v1 =	vimm.f32 $1.000000000e+00;
	s4 =	sadd.s32 s6, s7;
	s7 =	smax.u32 s29, $0x1;
	s6 =	sadd.s32 s6, s31  }
.LBB2_1:
0xd: {  	s13 =	simm.s32 $0x40;
	s14 =	simm.s32 $0x0  }
.LBB2_2:
0xe: {  	p0 =	sne.s32 s13, $0x9C00;
	[tilespmem:s14+$0x0] =	vst v0;
	s14 =	smov.u32 s13;
	s13 =	sadd.s32 $0x40, s13  }
.Ltmp0:
0xf: {  	(pc) =	sbr.rel @p0 .LBB2_2-.Ltmp0, $2  }
0x10: {  	_ =	sdelay $0x2  }
0x11: {  	s14 =	sshra.s32 s14, $0x2  }
0x12: {  	[tilespmem:s14+$0x0] =	vst v0;
	s13 =	simm.s32 $0x0  }
0x13: {  	[tilespmem:s8], [sflag:$0x1] =	stream.linear.gather [hbm4b:s3+s13], $0x2710, $0x38;
	[tilespmem:$0x4F00] =	vst v63  }
0x14: {  	_ =	swait.ge [sflag:s9], $0x2710  }
0x15: {  	[sflag:s9] =	ssyncset.done $0x0  }
0x16: {  	s14 =	simm.s32 $0x0;
	s13 =	simm.s32 $0x40;
	[sflag:s9] =	ssyncadd.s32 $0xFFFFD8F0  }
.LBB2_4:
0x17: {  	p0 =	sne.s32 s13, $0x9C00;
	v2 =	vld [tilespmem:s14+$0x2780];
	_ =	sdelay $0x3  }
.Ltmp1:
0x18: {  	(pc) =	sbr.rel @p0 .LBB2_4-.Ltmp1, $2  }
0x19: {  	_ =	sdelay $0x2  }
0x1a: {  	s14 =	sshra.s32 s13, $0x2;
	s13 =	sadd.s32 $0x40, s13;
	[tilespmem:v2+s2+$0x0] =	vst.idx.add.f32.msk $0xffff, v1  }
0x1b: {  	v2 =	vld [tilespmem:s14+$0x2780];
	_ =	sdelay $0x7  }
0x1c: {  	s13 =	simm.s32 $0x0;
	[tilespmem:v2+s2+$0x0] =	vst.idx.add.f32.msk $0xffff, v1  }
0x1d: {  	[hbm4b:s4+s10] =	stream.strided.scatter [tilespmem:s13], [sflag:$0x1], $0x2780, s11, s10, $0x38;
	[tilespmem:$0x4F00] =	vst v63  }
0x1e: {  	_ =	swait.ge [sflag:s9], $0x2780  }
0x1f: {  	[sflag:s9] =	ssyncset.done $0x0  }
0x20: {  	s14 =	simm.s32 $0x0;
	s13 =	simm.s32 $0x40;
	[sflag:s9] =	ssyncadd.s32 $0xFFFFD880  }
.LBB2_6:
0x21: {  	p0 =	sne.s32 s13, $0x9C00;
	[tilespmem:s14+$0x0] =	vst v0;
	s14 =	smov.u32 s13;
	s13 =	sadd.s32 $0x40, s13  }
.Ltmp2:
0x22: {  	(pc) =	sbr.rel @p0 .LBB2_6-.Ltmp2, $2  }
0x23: {  	_ =	sdelay $0x2  }
0x24: {  	s14 =	sshra.s32 s14, $0x2  }
0x25: {  	[tilespmem:s14+$0x0] =	vst v0;
	s13 =	simm.s32 $0x0  }
0x26: {  	[tilespmem:s8], [sflag:$0x1] =	stream.linear.gather [hbm4b:s5+s13], $0x2710, $0x38;
	[tilespmem:$0x4F00] =	vst v63  }
0x27: {  	_ =	swait.ge [sflag:s9], $0x2710  }
0x28: {  	[sflag:s9] =	ssyncset.done $0x0  }
0x29: {  	s14 =	simm.s32 $0x0;
	s13 =	simm.s32 $0x40;
	[sflag:s9] =	ssyncadd.s32 $0xFFFFD8F0  }
.LBB2_8:
0x2a: {  	p0 =	sne.s32 s13, $0x9C00;
	v2 =	vld [tilespmem:s14+$0x2780];
	_ =	sdelay $0x3  }
.Ltmp3:
0x2b: {  	(pc) =	sbr.rel @p0 .LBB2_8-.Ltmp3, $2  }
0x2c: {  	_ =	sdelay $0x2  }
0x2d: {  	s14 =	sshra.s32 s13, $0x2;
	s13 =	sadd.s32 $0x40, s13;
	[tilespmem:v2+s2+$0x0] =	vst.idx.add.f32.msk $0xffff, v1  }
0x2e: {  	v2 =	vld [tilespmem:s14+$0x2780];
	_ =	sdelay $0x5  }
0x2f: {  	s12 =	sadd.s32 $0x1, s12  }
0x30: {  	p0 =	sne.s32 s12, s7  }
.Ltmp4:
0x31: {  	[tilespmem:v2+s2+$0x0] =	vst.idx.add.f32.msk $0xffff, v1;
	(pc) =	sbr.rel @p0 .LBB2_1-.Ltmp4, $4  }
0x32: {  	[hbm4b:s6+s10] =	stream.strided.scatter [tilespmem:s2], [sflag:$0x1], $0x2780, s11, s10, $0x38;
	[tilespmem:$0x4F00] =	vst v63  }
0x33: {  	_ =	swait.ge [sflag:s9], $0x2780  }
0x34: {  	[sflag:s9] =	ssyncset.done $0x0  }
0x35: {  	[sflag:s9] =	ssyncadd.s32 $0xFFFFD880  }
0x36: {  	_ =	sfence.sel $0x180000  }
0x37: {  	[bflag:$0x0] =	sbarrier.arrive $0xFFFF  }
0x38: {  	p0 =	sne.s32 s0, $0x0;
	_ =	strace $0x90000047  }
0x39: {  	s0 =	sadd.s32 @!p0 $0x100000, s1;
	[bflag:$0x2] =	sbarrier.arrive $0xFFFF  }
0x3a: {  	[sflag:s0] =	ssyncadd.tile.s32 @!p0 $0x1;
	_ =	shalt  }
.Lfunc_end2:
_tile_overlayer_lowered:
.L_overlay_start_2:
0x3b: {  	(tag) =	ssettag $0x2  }
0x3c: {  	s0 =	rddreg [dreg:$0x0];
	s2 =	stileid.u32  }
0x3d: {  	s1 =	rddreg [dreg:$0x1];
	p0 =	sne.s32 s2, $0x0  }
0x3e: {  	s3 =	rddreg [dreg:$0x2];
	[bflag:$0x3] =	sbarrier.arrive $0xFFFF;
	s2 =	simm.s32 @!p0 $0x1C01  }
0x3f: {  	[timem:s3], [sflag:s2] =	dma.local @!p0 [hbm:s0], s1  }
0x40: {  	s0 =	simm.s32 @!p0 $0x1  }
0x41: {  	_ =	swait.ge @!p0 [sflag:s0], s1  }
0x42: {  	s1 =	ssub.s32 @!p0 $0x0, s1;
	[sflag:s0] =	ssyncset.done @!p0 $0x0  }
0x43: {  	[sflag:s0] =	ssyncadd.s32 @!p0 s1  }
0x44: {  	[bflag:$0x3] =	sbarrier.arrive $0xFFFF  }
0x45: {  	_ =	shalt  }

// kernel: kernel.15.cloned.1.call-start
scs
__scs_entry_jumppad:
0x0: {  	(pc) =	sbr.rel $0x88, $3  }
0x1: {  	(tag) =	ssettag $0x0;
	lr =	simm.s32 $0x1  }
0x2: {  	[smem:$0x3F8D] =	sst lr;
	_ =	strace $0xD0000000  }
0x3: {  	_ = 	snop  }
0x4: {  	_ = 	snop  }
0x5: {  	_ = 	snop  }
0x6: {  	_ = 	snop  }
0x7: {  	_ = 	snop  }
__scs_overlays_trampoline_lowered:
0x8: {  	[smem:$0x3F9C] =	sst s0  }
0x9: {  	[smem:$0x3F9D] =	sst s1  }
0xa: {  	[smem:$0x3F9E] =	sst s2  }
0xb: {  	[smem:$0x3F9F] =	sst s3  }
0xc: {  	[smem:$0x3FA0] =	sst s4  }
0xd: {  	[smem:$0x3FA1] =	sst s5  }
0xe: {  	[smem:$0x3FA2] =	sst s6  }
0xf: {  	[smem:$0x3FA3] =	sst s7  }
0x10: {  	[smem:$0x3FA4] =	sst s8  }
0x11: {  	[smem:$0x3FA5] =	sst s9;
	s0 =	simm.s32 @!p0 $0x0  }
0x12: {  	s1 =	sld [smem:$0x3F8B];
	s0 =	simm.s32 @p0 $0x1  }
0x13: {  	[smem:$0x3FA6] =	sst s0;
	s0 =	simm.s32 @!p1 $0x0  }
0x14: {  	s2 =	sld [smem:$0x3F8A];
	s0 =	simm.s32 @p1 $0x1  }
0x15: {  	[smem:$0x3FA7] =	sst s0;
	s0 =	simm.s32 @!p2 $0x0  }
0x16: {  	s3 =	sld [smem:$0x3FDB];
	s0 =	simm.s32 @p2 $0x1  }
0x17: {  	s4 =	simm.s32 $0x1BF5;
	[smem:$0x3FA9] =	sst s0  }
0x18: {  	s0 =	sld [smem:$0x3F8C];
	_ =	swait.ge [sflag:s4], $0x0  }
0x19: {  	s7 =	sld [smem:$0x3F8D]  }
0x1a: {  	s8 =	sadd.s32 $0xFFFFE003, lr  }
0x1b: {  	s9 =	sadd.s32 $0xFFFFFEF7, lr;
	s5 =	simm.s32 $0xFFFFFFFF;
	p2 =	slt.u32 s8, $0xFFFFF086  }
0x1c: {  	p1 =	slt.u32 s9, $0xF7A;
	s5 =	simm.s32 @!p2 $0x0  }
0x1d: {  	s5 =	simm.s32 @p1 $0x1;
	p0 =	seq.s32 s7, s2  }
0x1e: {  	s7 =	smul.u32 @!p0 $0xF7A, s2;
	p2 =	seq.s32 @!p0 s5, $0x0  }
0x1f: {  	s9 =	smul.u32 $0xF7A, s1;
	s8 =	simm.s32 @!p0 $0x1BF5;
	p2 =	por !p2, p0  }
0x20: {  	[sflag:s8] =	ssyncset.s32 @!p0 $0xFFFFF086;
	s6 =	sadd.s32 @!p0 s3, s7;
	s7 =	simm.s32 @!p0 $0x108  }
0x21: {  	s3 =	sadd.s32 s3, s9;
	s6 =	sadd.s32 @!p0 $0x88, s6;
	s7 =	simm.s32 @p2 $0x1082  }
0x22: {  	[simem:s7], [sflag:s8] =	dma.local @!p0 [hbm:s6], $0xF7A  }
0x23: {  	s9 =	sor.u32 $0xD0000000, s2;
	s6 =	simm.s32 $0x108;
	_ =	swait.ge @!p0 [sflag:s8], $0x0  }
0x24: {  	s3 =	sadd.s32 $0x88, s3;
	s6 =	simm.s32 @!p1 $0x1082;
	[sflag:s4] =	ssyncset.s32 $0xFFFFF086  }
0x25: {  	[simem:s6], [sflag:s4] =	dma.local [hbm:s3], $0xF7A  }
0x26: {  	[smem:$0x3F8D] =	sst s1;
	(tag) =	ssettag s2;
	_ =	strace s9  }
0x27: {  	s1 =	sld [smem:$0x3F9D]  }
0x28: {  	s2 =	sld [smem:$0x3F9E]  }
0x29: {  	s4 =	sld [smem:$0x3FA0]  }
0x2a: {  	p0 =	seq.s32 s5, $0x0;
	s5 =	sld [smem:$0x3FA1]  }
0x2b: {  	s6 =	sld [smem:$0x3FA2]  }
0x2c: {  	s7 =	sld [smem:$0x3FA3]  }
0x2d: {  	s3 =	simm.s32 $0x108;
	s8 =	sld [smem:$0x3FA4]  }
0x2e: {  	s3 =	simm.s32 @!p0 $0x1082;
	s9 =	sld [smem:$0x3FA5]  }
0x2f: {  	lr =	sadd.s32 s0, s3;
	s0 =	sld [smem:$0x3F9C]  }
0x30: {  	s3 =	sld [smem:$0x3F9F]  }
0x31: {  	[smem:$0x3FA8] =	sst s10  }
0x32: {  	s10 =	sld [smem:$0x3FA6];
	_ =	sdelay $0x3  }
0x33: {  	p0 =	seq.s32 s10, $0x1;
	s10 =	sld [smem:$0x3FA8];
	_ =	sdelay $0x3  }
0x34: {  	[smem:$0x3FA8] =	sst s10  }
0x35: {  	s10 =	sld [smem:$0x3FA7];
	_ =	sdelay $0x3  }
0x36: {  	p1 =	seq.s32 s10, $0x1;
	s10 =	sld [smem:$0x3FA8];
	_ =	sdelay $0x3  }
0x37: {  	[smem:$0x3FA8] =	sst s10  }
0x38: {  	s10 =	sld [smem:$0x3FA9]  }
0x39: {  	_ = 	snop;
	(pc) =	sbr.ind lr, $3  }
0x3a: {  	_ = 	snop  }
0x3b: {  	_ = 	snop  }
0x3c: {  	p2 =	seq.s32 s10, $0x1;
	s10 =	sld [smem:$0x3FA8]  }
0x3d: {  	_ =	shalt  }
0x3e: {  	_ =	shalt  }
0x3f: {  	_ =	shalt  }
0x40: {  	_ =	shalt  }
0x41: {  	_ =	shalt  }
0x42: {  	_ =	shalt  }
0x43: {  	_ =	shalt  }
0x44: {  	_ =	shalt  }
0x45: {  	_ =	shalt  }
0x46: {  	_ =	shalt  }
0x47: {  	_ =	shalt  }
0x48: {  	_ =	shalt  }
0x49: {  	_ =	shalt  }
0x4a: {  	_ =	shalt  }
0x4b: {  	_ =	shalt  }
0x4c: {  	_ =	shalt  }
0x4d: {  	_ =	shalt  }
0x4e: {  	_ =	shalt  }
0x4f: {  	_ =	shalt  }
0x50: {  	_ =	shalt  }
0x51: {  	_ =	shalt  }
0x52: {  	_ =	shalt  }
0x53: {  	_ =	shalt  }
0x54: {  	_ =	shalt  }
0x55: {  	_ =	shalt  }
0x56: {  	_ =	shalt  }
0x57: {  	_ =	shalt  }
0x58: {  	_ =	shalt  }
0x59: {  	_ =	shalt  }
0x5a: {  	_ =	shalt  }
0x5b: {  	_ =	shalt  }
0x5c: {  	_ =	shalt  }
0x5d: {  	_ =	shalt  }
0x5e: {  	_ =	shalt  }
0x5f: {  	_ =	shalt  }
0x60: {  	_ =	shalt  }
0x61: {  	_ =	shalt  }
0x62: {  	_ =	shalt  }
0x63: {  	_ =	shalt  }
0x64: {  	_ =	shalt  }
0x65: {  	_ =	shalt  }
0x66: {  	_ =	shalt  }
0x67: {  	_ =	shalt  }
0x68: {  	_ =	shalt  }
0x69: {  	_ =	shalt  }
0x6a: {  	_ =	shalt  }
0x6b: {  	_ =	shalt  }
0x6c: {  	_ =	shalt  }
0x6d: {  	_ =	shalt  }
0x6e: {  	_ =	shalt  }
0x6f: {  	_ =	shalt  }
0x70: {  	_ =	shalt  }
0x71: {  	_ =	shalt  }
0x72: {  	_ =	shalt  }
0x73: {  	_ =	shalt  }
0x74: {  	_ =	shalt  }
0x75: {  	_ =	shalt  }
0x76: {  	_ =	shalt  }
0x77: {  	_ =	shalt  }
0x78: {  	_ =	shalt  }
0x79: {  	_ =	shalt  }
0x7a: {  	_ =	shalt  }
0x7b: {  	_ =	shalt  }
0x7c: {  	_ =	shalt  }
0x7d: {  	_ =	shalt  }
0x7e: {  	_ =	shalt  }
0x7f: {  	_ =	shalt  }
0x80: {  	_ =	shalt  }
0x81: {  	_ =	shalt  }
0x82: {  	_ =	shalt  }
0x83: {  	_ =	shalt  }
0x84: {  	_ =	shalt  }
0x85: {  	_ =	shalt  }
0x86: {  	_ =	shalt  }
0x87: {  	_ =	shalt  }
.Lfunc_end0:
.L_simem_size_0:
called_computation.1_lowered:
.L_overlay_start_0:
0x88: {  	s2 =	sld [smem:$0x3FD9]  }
0x89: {  	s3 =	sld [smem:$0x3FFE];
	_ =	sdelay $0x1  }
0x8a: {  	s1 =	srdreg.scid  }
0x8b: {  	s0 =	sand.u32 $0x1, s1  }
0x8c: {  	s17 =	sshll.u32 s0, $0xA;
	s2 =	sadd.s32 s3, s2  }
0x8d: {  	s2 =	sadd.s32 s2, s17  }
0x8e: {  	[smem:$0x3FB4] =	sst s2  }
0x8f: {  	_ = 	snop  }
0x90: {  	s2 =	sld [smem:$0x3FD0];
	(tm) =	ssettm $0x1  }
0x91: {  	s18 =	sld [smem:$0x3FFB];
	_ =	sdelay $0x3  }
0x92: {  	_ =	strace s18  }
0x93: {  	s3 =	sld [smem:$0x3FFC];
	_ =	sdelay $0x3  }
0x94: {  	_ =	strace s3  }
0x95: {  	s3 =	sld [smem:$0x3FFD];
	_ =	sdelay $0x3  }
0x96: {  	_ =	strace s3  }
0x97: {  	_ =	strace $0x8FFFFFFF  }
0x98: {  	s19 =	sld [smem:$0x3FDB];
	_ =	sdelay $0x1  }
0x99: {  	s4 =	simm.s32 $_scs_section_size  }
0x9a: {  	s5 =	simm.s32 $_size__tile_overlayer_lowered;
	s6 =	simm.s32 $_tile_overlayer_lowered  }
0x9b: {  	s22 =	simm.s32 $0x1BFF;
	s21 =	sshll.u32 s6, $0x1;
	s3 =	sadd.s32 s4, s19  }
0x9c: {  	s7 =	simm.s32 $0x0;
	s20 =	sshll.u32 s5, $0x1;
	s5 =	sadd.s32 s21, s3  }
0x9d: {  	[timem:s7], [sflag:s22] =	dma.local [hbm:s5], s20  }
0x9e: {  	_ =	swait.ge [sflag:s22], s20  }
0x9f: {  	s4 =	ssub.s32 $0x0, s20;
	[sflag:s22] =	ssyncset.done $0x0  }
0xa0: {  	[sflag:s22] =	ssyncadd.s32 s4;
	_ =	sdelay $0x1  }
0xa1: {  	s23 =	simm.s32 $0x1B8B  }
0xa2: {  	_ =	swait.ge [sflag:s23], $0x1  }
0xa3: {  	[sflag:s23] =	ssyncset.done $0x0  }
0xa4: {  	s25 =	simm.s32 $0x1B8E;
	s24 =	sld [smem:$0x3FFE];
	[sflag:s23] =	ssyncadd.s32 $0xFFFFFFFF  }
0xa5: {  	s26 =	simm.s32 $execute0_lowered;
	[smem:$0x3FD2] =	sst s25  }
0xa6: {  	s5 =	sshll.u32 s26, $0x1;
	_ =	strace $0x80000049;
	[dreg:$0x1] =	wrdreg $0xFFFFFFFF  }
0xa7: {  	s28 =	simm.s32 $_size_execute0_lowered;
	s3 =	sadd.s32 s3, s5;
	[dreg:$0x0] =	wrdreg $0x0  }
0xa8: {  	s5 =	sshll.u32 s28, $0x1;
	[dreg:$0x2] =	wrdreg s3  }
0xa9: {  	[dreg:$0x3] =	wrdreg s5  }
0xaa: {  	[dreg:$0x4] =	wrdreg $0xC0  }
0xab: {  	_ =	task [dreg:s7], $0x5FFFF  }
0xac: {  	[dreg:$0x1] =	wrdreg $0xFFFFFFFF  }
0xad: {  	[dreg:$0x0] =	wrdreg $0x60  }
0xae: {  	[dreg:$0x2] =	wrdreg s24  }
0xaf: {  	[dreg:$0x3] =	wrdreg s2  }
0xb0: {  	[dreg:$0x4] =	wrdreg $0x0  }
0xb1: {  	[dreg:$0x5] =	wrdreg $0x9  }
0xb2: {  	_ =	task.clear_ibuf [dreg:s7], $0x6FFFF;
	_ =	strace $0x90000049  }
0xb3: {  	s29 =	simm.s32 $0x9;
	_ =	strace $0x8000004B  }
0xb4: {  	_ =	swait.ge [sflag:s29], $0x1  }
0xb5: {  	[sflag:s29] =	ssyncadd.s32 $0xFFFFFFFF  }
0xb6: {  	_ =	strace $0x9000004B  }
0xb7: {  	_ =	sfence  }
0xb8: {  	s30 =	sld [smem:$0x0];
	_ =	sdelay $0x2  }
0xb9: {  	s31 =	sshll.u32 s1, $0xD;
	s1 =	sshrl.u32 s1, $0x2  }
0xba: {  	s3 =	sand.u32 $0x4000, s31;
	s1 =	sadd.s32 s1, s30  }
0xbb: {  	s0 =	sor.u32 s3, s0;
	s1 =	sshll.u32 s1, $0x11  }
0xbc: {  	s0 =	sor.u32 s1, s0  }
0xbd: {  	s0 =	sadd.s32 $0x8F2B, s0  }
0xbe: {  	[sflag:s0] =	ssyncadd.remote.s32 $0x1  }
0xbf: {  	_ =	sfence.sel $0xFFFF  }
0xc0: {  	[dreg:$0x0] =	wrdreg $0xFFFFFFFF;
	(pc) =	sbr.abs _section_cstart, $3  }
0xc1: {  	[dreg:$0x1] =	wrdreg $0xFFFFFFFF  }
0xc2: {  	_ =	task.clear_ibuf [dreg:s7], $0x2FFFF;
	_ =	strace $0x9FFFFFFF  }
0xc3: {  	(tm) =	ssettm $0x7FFFFFFF  }
tec
execute0_lowered:
.L_overlay_start_1:
0x0: {  	(tag) =	ssettag $0x1  }
0x1: {  	s1 =	rddreg [dreg:$0x0]  }
0x2: {  	s0 =	srdreg.scid;
	s3 =	rddreg [dreg:$0x1]  }
0x3: {  	s11 =	stileid.u32;
	s2 =	rddreg [dreg:$0x2]  }
0x4: {  	s6 =	simm.s32 $0x0;
	s15 =	simm.s32 $0x13880;
	s16 =	simm.s32 $0x16440  }
0x5: {  	s17 =	simm.s32 $0xA;
	s18 =	simm.s32 $0xB;
	s19 =	simm.s32 $0x32  }
0x6: {  	s20 =	simm.s32 $0x19000;
	s22 =	simm.s32 $0x1A900;
	s24 =	simm.s32 $0x1C200  }
0x7: {  	s29 =	simm.s32 $0x1DB00;
	s30 =	simm.s32 $0x2;
	s21 =	simm.s32 $0x3  }
0x8: {  	s28 =	simm.s32 $0x6;
	s31 =	simm.s32 $0x7;
	s23 =	simm.s32 $0x8  }
0x9: {  	s0 =	sand.u32 $0x1, s0;
	[smem:$0x7FF] =	sst s6;
	s8 =	smul.u32 $0x13800, s11  }
0xa: {  	s10 =	sshll.u32 s11, $0x6;
	p0 =	sne.s32 s11, $0xF;
	s4 =	sshll.u32 s0, $0x4  }
0xb: {  	_ =	strace $0x8000004A;
	s26 =	ssub.s32 $0x2, s0;
	s0 =	smul.u32 $0x138800, s0  }
0xc: {  	[dreg:$0x4] =	wrdreg s10;
	s4 =	sor.u32 s11, s4;
	s7 =	sshrl.u32 s26, $0x1  }
0xd: {  	s9 =	sadd.s32 s8, s2;
	s5 =	smul.u32 $0x578, s4;
	s4 =	sadd.s32 $0x7F800, s1  }
0xe: {  	s8 =	sadd.s32 s8, s0;
	s0 =	sshrl.u32 s0, $0x3;
	s13 =	sshrl.u32 s9, $0x3  }
0xf: {  	s8 =	sshrl.u32 s8, $0x3;
	s0 =	sadd.s32 s3, s0;
	s25 =	sadd.s32 s5, s1  }
0x10: {  	s5 =	sadd.s32 $0x7800, s1;
	s1 =	ssub.s32 s26, s7;
	s7 =	sor.u32 $0x1C09, s10  }
0x11: {  	s10 =	sadd.s32 $0x138000, s2;
	s3 =	sadd.s32 s3, s8;
	s0 =	sadd.s32 $0x27000, s0  }
.Ltmp0:
0x12: {  	s26 =	simm.s32 $0x1;
	[dreg:$0x7] =	wrdreg s3;
	(pc) =	sbr.rel .LBB2_1-.Ltmp0, $4  }
0x13: {  	s12 =	sadd.s32 $0x26400, s25;
	s6 =	sadd.s32 $0x1B400, s25;
	[dreg:$0x8] =	wrdreg s0  }
0x14: {  	s14 =	sshrl.u32 @!p0 s10, $0x3;
	s25 =	simm.s32 $0x9;
	[dreg:$0x5] =	wrdreg s12  }
0x15: {  	s0 =	simm.s32 $0x4;
	s3 =	simm.s32 $0xC;
	[dreg:$0x6] =	wrdreg s6  }
0x16: {  	s12 =	smax.u32 s1, $0x1;
	s1 =	simm.s32 $0x5;
	s6 =	simm.s32 $0x0  }
.LBB2_4:
0x17: {  	_ =	swait.ge [sflag:s21], $0x1900  }
0x18: {  	[sflag:s21] =	ssyncset.done $0x0  }
0x19: {  	[sflag:s21] =	ssyncadd.s32 $0xFFFFE700  }
0x1a: {  	[spmem:s2] =	stream.indirect.scatter.add.f32 [tilespmem:s24], [sflag:$0x7], $0x80, s10, s19, $0xb8;
	[tilespmem:$0x1F400] =	vst v63  }
0x1b: {  	_ =	swait.ge [sflag:s0], $0x1900  }
0x1c: {  	[sflag:s0] =	ssyncset.done $0x0  }
0x1d: {  	s8 =	sadd.s32 $0x165C8, s8;
	[sflag:s0] =	ssyncadd.s32 $0xFFFFE700  }
0x1e: {  	[spmem:s2] =	stream.indirect.scatter.add.f32 [tilespmem:s29], [sflag:$0x8], $0x80, s8, s19, $0xb8;
	[tilespmem:$0x1F400] =	vst v63  }
0x1f: {  	_ =	swait.ge [sflag:s1], $0x1900  }
0x20: {  	[sflag:s1] =	ssyncset.done $0x0  }
0x21: {  	[sflag:s1] =	ssyncadd.s32 $0xFFFFE700  }
0x22: {  	_ =	swait.ge [sflag:s28], $0x1900  }
0x23: {  	[sflag:s28] =	ssyncset.done $0x0  }
0x24: {  	[sflag:s28] =	ssyncadd.s32 $0xFFFFE700  }
0x25: {  	_ =	swait.ge [sflag:s31], $0x1900  }
0x26: {  	[sflag:s31] =	ssyncset.done $0x0  }
0x27: {  	[sflag:s31] =	ssyncadd.s32 $0xFFFFE700  }
0x28: {  	_ =	swait.ge [sflag:s23], $0x1900  }
0x29: {  	[sflag:s23] =	ssyncset.done $0x0  }
0x2a: {  	[sflag:s23] =	ssyncadd.s32 $0xFFFFE700  }
0x2b: {  	[bflag:$0x0] =	sbarrier.arrive $0xFFFF  }
0x2c: {  	s11 =	rddreg [dreg:$0x4]  }
0x2d: {  	s9 =	rddreg [dreg:$0x7];
	s8 =	sor.u32 $0x1C0C, s11  }
0x2e: {  	[hbm:s9], [sflag:s8] =	dma.local [spmem:s13], $0x2700  }
0x2f: {  	_ =	swait.ge [sflag:s3], $0x2700  }
0x30: {  	s6 =	sadd.s32 $0x1, s6;
	[sflag:s3] =	ssyncset.done $0x0  }
0x31: {  	p1 =	sne.s32 s6, s12;
	s9 =	rddreg [dreg:$0x8];
	[sflag:s3] =	ssyncadd.s32 $0xFFFFD900  }
0x32: {  	[hbm:s9], [sflag:s8] =	dma.local @!p0 [spmem:s14], $0x100  }
.Ltmp1:
0x33: {  	_ = 	snop;
	(pc) =	sbr.rel @!p1 .LBB2_5-.Ltmp1, $4  }
0x34: {  	s8 =	simm.s32 @!p0 $0xC  }
0x35: {  	_ =	swait.ge @!p0 [sflag:s8], $0x100  }
0x36: {  	[sflag:s8] =	ssyncset.done @!p0 $0x0  }
0x37: {  	[sflag:s8] =	ssyncadd.s32 @!p0 $0xFFFFFF00  }
.LBB2_1:
0x38: {  	[spmem:s13], [sflag:s7] =	dma.local [hbm:s5], $0x2700  }
0x39: {  	[spmem:s14], [sflag:s7] =	dma.local @!p0 [hbm:s5], $0x100  }
0x3a: {  	s8 =	simm.s32 $0x0;
	s9 =	rddreg [dreg:$0x5]  }
0x3b: {  	[tilespmem:s15], [sflag:$0xA] =	stream.linear.gather [hbm4b:s9+s8], $0x2BC0, $0x38;
	[tilespmem:$0x1F400] =	vst v63  }
0x3c: {  	s11 =	rddreg [dreg:$0x6]  }
0x3d: {  	[tilespmem:s16], [sflag:$0xB] =	stream.linear.gather [hbm4b:s11+s8], $0x2BC0, $0x38;
	[tilespmem:$0x1F400] =	vst v63  }
0x3e: {  	_ =	swait.ge [sflag:s17], $0x2BC0  }
0x3f: {  	[sflag:s17] =	ssyncset.done $0x0  }
0x40: {  	[sflag:s17] =	ssyncadd.s32 $0xFFFFD440  }
0x41: {  	_ =	swait.ge [sflag:s18], $0x2BC0  }
0x42: {  	[sflag:s18] =	ssyncset.done $0x0  }
0x43: {  	[sflag:s18] =	ssyncadd.s32 $0xFFFFD440  }
0x44: {  	[tilespmem:s20], [sflag:$0x1] =	stream.indirect.gather [hbm4b:s4+s19], $0x80, s15, s19, $0xb8;
	[tilespmem:$0x1F400] =	vst v63  }
0x45: {  	s9 =	simm.s32 $0x138B8  }
0x46: {  	[tilespmem:s22], [sflag:$0x2] =	stream.indirect.gather [hbm4b:s4+s19], $0x80, s9, s19, $0xb8;
	[tilespmem:$0x1F400] =	vst v63  }
0x47: {  	s10 =	simm.s32 $0x138F0  }
0x48: {  	[tilespmem:s24], [sflag:$0x3] =	stream.indirect.gather [hbm4b:s4+s19], $0x80, s10, s19, $0xb8;
	[tilespmem:$0x1F400] =	vst v63  }
0x49: {  	_ =	swait.ge [sflag:s25], $0x2700  }
0x4a: {  	[sflag:s25] =	ssyncset.done $0x0  }
0x4b: {  	s8 =	simm.s32 @!p0 $0x9;
	[sflag:s25] =	ssyncadd.s32 $0xFFFFD900  }
0x4c: {  	_ =	swait.ge @!p0 [sflag:s8], $0x100  }
0x4d: {  	[sflag:s8] =	ssyncset.done @!p0 $0x0  }
0x4e: {  	[sflag:s8] =	ssyncadd.s32 @!p0 $0xFFFFFF00  }
0x4f: {  	[bflag:$0x0] =	sbarrier.arrive $0xFFFF  }
0x50: {  	_ =	swait.ge [sflag:s26], $0x1900  }
0x51: {  	[sflag:s26] =	ssyncset.done $0x0  }
0x52: {  	[sflag:s26] =	ssyncadd.s32 $0xFFFFE700  }
0x53: {  	[spmem:s2] =	stream.indirect.scatter.add.f32 [tilespmem:s20], [sflag:$0x5], $0x80, s16, s19, $0xb8;
	[tilespmem:$0x1F400] =	vst v63  }
0x54: {  	s11 =	simm.s32 $0x13928  }
0x55: {  	[tilespmem:s29], [sflag:$0x4] =	stream.indirect.gather [hbm4b:s4+s19], $0x80, s11, s19, $0xb8;
	[tilespmem:$0x1F400] =	vst v63  }
0x56: {  	_ =	swait.ge [sflag:s30], $0x1900  }
0x57: {  	[sflag:s30] =	ssyncset.done $0x0  }
0x58: {  	s9 =	simm.s32 $0x16478;
	[sflag:s30] =	ssyncadd.s32 $0xFFFFE700  }
0x59: {  	[spmem:s2] =	stream.indirect.scatter.add.f32 [tilespmem:s22], [sflag:$0x6], $0x80, s9, s19, $0xb8;
	[tilespmem:$0x1F400] =	vst v63  }
0x5a: {  	_ =	swait.ge [sflag:s1], $0x1900  }
0x5b: {  	[sflag:s1] =	ssyncset.done $0x0  }
0x5c: {  	s10 =	simm.s32 $0x13960;
	[sflag:s1] =	ssyncadd.s32 $0xFFFFE700  }
0x5d: {  	[tilespmem:s20], [sflag:$0x1] =	stream.indirect.gather [hbm4b:s4+s19], $0x80, s10, s19, $0xb8;
	[tilespmem:$0x1F400] =	vst v63  }
0x5e: {  	_ =	swait.ge [sflag:s21], $0x1900  }
0x5f: {  	[sflag:s21] =	ssyncset.done $0x0  }
0x60: {  	s11 =	simm.s32 $0x164B0;
	[sflag:s21] =	ssyncadd.s32 $0xFFFFE700  }
0x61: {  	[spmem:s2] =	stream.indirect.scatter.add.f32 [tilespmem:s24], [sflag:$0x7], $0x80, s11, s19, $0xb8;
	[tilespmem:$0x1F400] =	vst v63  }
0x62: {  	_ =	swait.ge [sflag:s28], $0x1900  }
0x63: {  	[sflag:s28] =	ssyncset.done $0x0  }
0x64: {  	s9 =	simm.s32 $0x13998;
	[sflag:s28] =	ssyncadd.s32 $0xFFFFE700  }
0x65: {  	[tilespmem:s22], [sflag:$0x2] =	stream.indirect.gather [hbm4b:s4+s19], $0x80, s9, s19, $0xb8;
	[tilespmem:$0x1F400] =	vst v63  }
0x66: {  	_ =	swait.ge [sflag:s0], $0x1900  }
0x67: {  	[sflag:s0] =	ssyncset.done $0x0  }
0x68: {  	s10 =	simm.s32 $0x164E8;
	[sflag:s0] =	ssyncadd.s32 $0xFFFFE700  }
0x69: {  	[spmem:s2] =	stream.indirect.scatter.add.f32 [tilespmem:s29], [sflag:$0x8], $0x80, s10, s19, $0xb8;
	[tilespmem:$0x1F400] =	vst v63  }
0x6a: {  	_ =	swait.ge [sflag:s31], $0x1900  }
0x6b: {  	[sflag:s31] =	ssyncset.done $0x0  }
0x6c: {  	s11 =	simm.s32 $0x139D0;
	s9 =	simm.s32 $0x0;
	[sflag:s31] =	ssyncadd.s32 $0xFFFFE700  }
0x6d: {  	[tilespmem:s24], [sflag:$0x3] =	stream.indirect.gather [hbm4b:s4+s19], $0x80, s11, s19, $0xb8;
	[tilespmem:$0x1F400] =	vst v63  }
.LBB2_2:
0x6e: {  	_ =	swait.ge [sflag:s26], $0x1900  }
0x6f: {  	s8 =	sshra.s32 s9, $0x2;
	[sflag:s26] =	ssyncset.done $0x0  }
0x70: {  	s10 =	sadd.s32 $0x16520, s8;
	[sflag:s26] =	ssyncadd.s32 $0xFFFFE700  }
0x71: {  	[spmem:s2] =	stream.indirect.scatter.add.f32 [tilespmem:s20], [sflag:$0x5], $0x80, s10, s19, $0xb8;
	[tilespmem:$0x1F400] =	vst v63  }
0x72: {  	_ =	swait.ge [sflag:s23], $0x1900  }
0x73: {  	[sflag:s23] =	ssyncset.done $0x0  }
0x74: {  	p1 =	seq.s32 s9, $0xA800;
	s11 =	sadd.s32 $0x13A08, s8;
	[sflag:s23] =	ssyncadd.s32 $0xFFFFE700  }
0x75: {  	[tilespmem:s29], [sflag:$0x4] =	stream.indirect.gather [hbm4b:s4+s19], $0x80, s11, s19, $0xb8;
	[tilespmem:$0x1F400] =	vst v63  }
.Ltmp2:
0x76: {  	_ = 	snop;
	(pc) =	sbr.rel @p1 .LBB2_4-.Ltmp2, $4  }
0x77: {  	_ =	swait.ge [sflag:s30], $0x1900  }
0x78: {  	[sflag:s30] =	ssyncset.done $0x0  }
0x79: {  	s10 =	sadd.s32 $0x16590, s8;
	s11 =	sadd.s32 $0x16558, s8;
	[sflag:s30] =	ssyncadd.s32 $0xFFFFE700  }
0x7a: {  	[spmem:s2] =	stream.indirect.scatter.add.f32 [tilespmem:s22], [sflag:$0x6], $0x80, s11, s19, $0xb8;
	[tilespmem:$0x1F400] =	vst v63  }
0x7b: {  	_ =	swait.ge [sflag:s1], $0x1900  }
0x7c: {  	[sflag:s1] =	ssyncset.done $0x0  }
0x7d: {  	s11 =	sadd.s32 $0x13A40, s8;
	[sflag:s1] =	ssyncadd.s32 $0xFFFFE700  }
0x7e: {  	[tilespmem:s20], [sflag:$0x1] =	stream.indirect.gather [hbm4b:s4+s19], $0x80, s11, s19, $0xb8;
	[tilespmem:$0x1F400] =	vst v63  }
0x7f: {  	_ =	swait.ge [sflag:s21], $0x1900  }
0x80: {  	[sflag:s21] =	ssyncset.done $0x0  }
0x81: {  	[sflag:s21] =	ssyncadd.s32 $0xFFFFE700  }
0x82: {  	[spmem:s2] =	stream.indirect.scatter.add.f32 [tilespmem:s24], [sflag:$0x7], $0x80, s10, s19, $0xb8;
	[tilespmem:$0x1F400] =	vst v63  }
0x83: {  	_ =	swait.ge [sflag:s28], $0x1900  }
0x84: {  	[sflag:s28] =	ssyncset.done $0x0  }
0x85: {  	s11 =	sadd.s32 $0x13A78, s8;
	[sflag:s28] =	ssyncadd.s32 $0xFFFFE700  }
0x86: {  	[tilespmem:s22], [sflag:$0x2] =	stream.indirect.gather [hbm4b:s4+s19], $0x80, s11, s19, $0xb8;
	[tilespmem:$0x1F400] =	vst v63  }
0x87: {  	_ =	swait.ge [sflag:s0], $0x1900  }
0x88: {  	[sflag:s0] =	ssyncset.done $0x0  }
0x89: {  	s11 =	sadd.s32 $0x165C8, s8;
	[sflag:s0] =	ssyncadd.s32 $0xFFFFE700  }
0x8a: {  	[spmem:s2] =	stream.indirect.scatter.add.f32 [tilespmem:s29], [sflag:$0x8], $0x80, s11, s19, $0xb8;
	[tilespmem:$0x1F400] =	vst v63  }
.Ltmp3:
0x8b: {  	_ = 	snop;
	(pc) =	sbr.rel .LBB2_2-.Ltmp3, $4  }
0x8c: {  	_ =	swait.ge [sflag:s31], $0x1900  }
0x8d: {  	[sflag:s31] =	ssyncset.done $0x0  }
0x8e: {  	s9 =	sadd.s32 $0x380, s9;
	s11 =	sadd.s32 $0x13AB0, s8;
	[sflag:s31] =	ssyncadd.s32 $0xFFFFE700  }
0x8f: {  	[tilespmem:s24], [sflag:$0x3] =	stream.indirect.gather [hbm4b:s4+s19], $0x80, s11, s19, $0xb8;
	[tilespmem:$0x1F400] =	vst v63  }
.LBB2_5:
0x90: {  	_ =	sfence.sel $0x180000  }
0x91: {  	[bflag:$0x0] =	sbarrier.arrive $0xFFFF  }
0x92: {  	_ =	strace $0x9000004A  }
0x93: {  	s0 =	stileid.u32;
	[bflag:$0x2] =	sbarrier.arrive $0xFFFF  }
0x94: {  	p0 =	sne.s32 s0, $0x0;
	s0 =	rddreg [dreg:$0x3]  }
0x95: {  	s0 =	sadd.s32 @!p0 $0x100000, s0  }
0x96: {  	[sflag:s0] =	ssyncadd.tile.s32 @!p0 $0x1;
	_ =	shalt  }
.Lfunc_end2:
_tile_overlayer_lowered:
.L_overlay_start_2:
0x97: {  	(tag) =	ssettag $0x2  }
0x98: {  	s0 =	rddreg [dreg:$0x0];
	s2 =	stileid.u32  }
0x99: {  	s1 =	rddreg [dreg:$0x1];
	p0 =	sne.s32 s2, $0x0  }
0x9a: {  	s3 =	rddreg [dreg:$0x2];
	[bflag:$0x3] =	sbarrier.arrive $0xFFFF;
	s2 =	simm.s32 @!p0 $0x1C0C  }
0x9b: {  	[timem:s3], [sflag:s2] =	dma.local @!p0 [hbm:s0], s1  }
0x9c: {  	s0 =	simm.s32 @!p0 $0xC  }
0x9d: {  	_ =	swait.ge @!p0 [sflag:s0], s1  }
0x9e: {  	s1 =	ssub.s32 @!p0 $0x0, s1;
	[sflag:s0] =	ssyncset.done @!p0 $0x0  }
0x9f: {  	[sflag:s0] =	ssyncadd.s32 @!p0 s1  }
0xa0: {  	[bflag:$0x3] =	sbarrier.arrive $0xFFFF  }
0xa1: {  	_ =	shalt  }

// kernel: kernel.18.cloned.1.call-start
scs
__scs_entry_jumppad:
0x0: {  	(pc) =	sbr.rel $0x88, $3  }
0x1: {  	(tag) =	ssettag $0x0;
	lr =	simm.s32 $0x1  }
0x2: {  	[smem:$0x3F8D] =	sst lr;
	_ =	strace $0xD0000000  }
0x3: {  	_ = 	snop  }
0x4: {  	_ = 	snop  }
0x5: {  	_ = 	snop  }
0x6: {  	_ = 	snop  }
0x7: {  	_ = 	snop  }
__scs_overlays_trampoline_lowered:
0x8: {  	[smem:$0x3F9C] =	sst s0  }
0x9: {  	[smem:$0x3F9D] =	sst s1  }
0xa: {  	[smem:$0x3F9E] =	sst s2  }
0xb: {  	[smem:$0x3F9F] =	sst s3  }
0xc: {  	[smem:$0x3FA0] =	sst s4  }
0xd: {  	[smem:$0x3FA1] =	sst s5  }
0xe: {  	[smem:$0x3FA2] =	sst s6  }
0xf: {  	[smem:$0x3FA3] =	sst s7  }
0x10: {  	[smem:$0x3FA4] =	sst s8  }
0x11: {  	[smem:$0x3FA5] =	sst s9;
	s0 =	simm.s32 @!p0 $0x0  }
0x12: {  	s1 =	sld [smem:$0x3F8B];
	s0 =	simm.s32 @p0 $0x1  }
0x13: {  	[smem:$0x3FA6] =	sst s0;
	s0 =	simm.s32 @!p1 $0x0  }
0x14: {  	s2 =	sld [smem:$0x3F8A];
	s0 =	simm.s32 @p1 $0x1  }
0x15: {  	[smem:$0x3FA7] =	sst s0;
	s0 =	simm.s32 @!p2 $0x0  }
0x16: {  	s3 =	sld [smem:$0x3FDB];
	s0 =	simm.s32 @p2 $0x1  }
0x17: {  	s4 =	simm.s32 $0x1BF5;
	[smem:$0x3FA9] =	sst s0  }
0x18: {  	s0 =	sld [smem:$0x3F8C];
	_ =	swait.ge [sflag:s4], $0x0  }
0x19: {  	s7 =	sld [smem:$0x3F8D]  }
0x1a: {  	s8 =	sadd.s32 $0xFFFFE003, lr  }
0x1b: {  	s9 =	sadd.s32 $0xFFFFFEF7, lr;
	s5 =	simm.s32 $0xFFFFFFFF;
	p2 =	slt.u32 s8, $0xFFFFF086  }
0x1c: {  	p1 =	slt.u32 s9, $0xF7A;
	s5 =	simm.s32 @!p2 $0x0  }
0x1d: {  	s5 =	simm.s32 @p1 $0x1;
	p0 =	seq.s32 s7, s2  }
0x1e: {  	s7 =	smul.u32 @!p0 $0xF7A, s2;
	p2 =	seq.s32 @!p0 s5, $0x0  }
0x1f: {  	s9 =	smul.u32 $0xF7A, s1;
	s8 =	simm.s32 @!p0 $0x1BF5;
	p2 =	por !p2, p0  }
0x20: {  	[sflag:s8] =	ssyncset.s32 @!p0 $0xFFFFF086;
	s6 =	sadd.s32 @!p0 s3, s7;
	s7 =	simm.s32 @!p0 $0x108  }
0x21: {  	s3 =	sadd.s32 s3, s9;
	s6 =	sadd.s32 @!p0 $0x88, s6;
	s7 =	simm.s32 @p2 $0x1082  }
0x22: {  	[simem:s7], [sflag:s8] =	dma.local @!p0 [hbm:s6], $0xF7A  }
0x23: {  	s9 =	sor.u32 $0xD0000000, s2;
	s6 =	simm.s32 $0x108;
	_ =	swait.ge @!p0 [sflag:s8], $0x0  }
0x24: {  	s3 =	sadd.s32 $0x88, s3;
	s6 =	simm.s32 @!p1 $0x1082;
	[sflag:s4] =	ssyncset.s32 $0xFFFFF086  }
0x25: {  	[simem:s6], [sflag:s4] =	dma.local [hbm:s3], $0xF7A  }
0x26: {  	[smem:$0x3F8D] =	sst s1;
	(tag) =	ssettag s2;
	_ =	strace s9  }
0x27: {  	s1 =	sld [smem:$0x3F9D]  }
0x28: {  	s2 =	sld [smem:$0x3F9E]  }
0x29: {  	s4 =	sld [smem:$0x3FA0]  }
0x2a: {  	p0 =	seq.s32 s5, $0x0;
	s5 =	sld [smem:$0x3FA1]  }
0x2b: {  	s6 =	sld [smem:$0x3FA2]  }
0x2c: {  	s7 =	sld [smem:$0x3FA3]  }
0x2d: {  	s3 =	simm.s32 $0x108;
	s8 =	sld [smem:$0x3FA4]  }
0x2e: {  	s3 =	simm.s32 @!p0 $0x1082;
	s9 =	sld [smem:$0x3FA5]  }
0x2f: {  	lr =	sadd.s32 s0, s3;
	s0 =	sld [smem:$0x3F9C]  }
0x30: {  	s3 =	sld [smem:$0x3F9F]  }
0x31: {  	[smem:$0x3FA8] =	sst s10  }
0x32: {  	s10 =	sld [smem:$0x3FA6];
	_ =	sdelay $0x3  }
0x33: {  	p0 =	seq.s32 s10, $0x1;
	s10 =	sld [smem:$0x3FA8];
	_ =	sdelay $0x3  }
0x34: {  	[smem:$0x3FA8] =	sst s10  }
0x35: {  	s10 =	sld [smem:$0x3FA7];
	_ =	sdelay $0x3  }
0x36: {  	p1 =	seq.s32 s10, $0x1;
	s10 =	sld [smem:$0x3FA8];
	_ =	sdelay $0x3  }
0x37: {  	[smem:$0x3FA8] =	sst s10  }
0x38: {  	s10 =	sld [smem:$0x3FA9]  }
0x39: {  	_ = 	snop;
	(pc) =	sbr.ind lr, $3  }
0x3a: {  	_ = 	snop  }
0x3b: {  	_ = 	snop  }
0x3c: {  	p2 =	seq.s32 s10, $0x1;
	s10 =	sld [smem:$0x3FA8]  }
0x3d: {  	_ =	shalt  }
0x3e: {  	_ =	shalt  }
0x3f: {  	_ =	shalt  }
0x40: {  	_ =	shalt  }
0x41: {  	_ =	shalt  }
0x42: {  	_ =	shalt  }
0x43: {  	_ =	shalt  }
0x44: {  	_ =	shalt  }
0x45: {  	_ =	shalt  }
0x46: {  	_ =	shalt  }
0x47: {  	_ =	shalt  }
0x48: {  	_ =	shalt  }
0x49: {  	_ =	shalt  }
0x4a: {  	_ =	shalt  }
0x4b: {  	_ =	shalt  }
0x4c: {  	_ =	shalt  }
0x4d: {  	_ =	shalt  }
0x4e: {  	_ =	shalt  }
0x4f: {  	_ =	shalt  }
0x50: {  	_ =	shalt  }
0x51: {  	_ =	shalt  }
0x52: {  	_ =	shalt  }
0x53: {  	_ =	shalt  }
0x54: {  	_ =	shalt  }
0x55: {  	_ =	shalt  }
0x56: {  	_ =	shalt  }
0x57: {  	_ =	shalt  }
0x58: {  	_ =	shalt  }
0x59: {  	_ =	shalt  }
0x5a: {  	_ =	shalt  }
0x5b: {  	_ =	shalt  }
0x5c: {  	_ =	shalt  }
0x5d: {  	_ =	shalt  }
0x5e: {  	_ =	shalt  }
0x5f: {  	_ =	shalt  }
0x60: {  	_ =	shalt  }
0x61: {  	_ =	shalt  }
0x62: {  	_ =	shalt  }
0x63: {  	_ =	shalt  }
0x64: {  	_ =	shalt  }
0x65: {  	_ =	shalt  }
0x66: {  	_ =	shalt  }
0x67: {  	_ =	shalt  }
0x68: {  	_ =	shalt  }
0x69: {  	_ =	shalt  }
0x6a: {  	_ =	shalt  }
0x6b: {  	_ =	shalt  }
0x6c: {  	_ =	shalt  }
0x6d: {  	_ =	shalt  }
0x6e: {  	_ =	shalt  }
0x6f: {  	_ =	shalt  }
0x70: {  	_ =	shalt  }
0x71: {  	_ =	shalt  }
0x72: {  	_ =	shalt  }
0x73: {  	_ =	shalt  }
0x74: {  	_ =	shalt  }
0x75: {  	_ =	shalt  }
0x76: {  	_ =	shalt  }
0x77: {  	_ =	shalt  }
0x78: {  	_ =	shalt  }
0x79: {  	_ =	shalt  }
0x7a: {  	_ =	shalt  }
0x7b: {  	_ =	shalt  }
0x7c: {  	_ =	shalt  }
0x7d: {  	_ =	shalt  }
0x7e: {  	_ =	shalt  }
0x7f: {  	_ =	shalt  }
0x80: {  	_ =	shalt  }
0x81: {  	_ =	shalt  }
0x82: {  	_ =	shalt  }
0x83: {  	_ =	shalt  }
0x84: {  	_ =	shalt  }
0x85: {  	_ =	shalt  }
0x86: {  	_ =	shalt  }
0x87: {  	_ =	shalt  }
.Lfunc_end0:
.L_simem_size_0:
called_computation.2_lowered:
.L_overlay_start_0:
0x88: {  	s2 =	sld [smem:$0x3FD9]  }
0x89: {  	s3 =	sld [smem:$0x3FFE];
	_ =	sdelay $0x1  }
0x8a: {  	s1 =	srdreg.scid  }
0x8b: {  	s0 =	sand.u32 $0x1, s1  }
0x8c: {  	s17 =	sshll.u32 s0, $0xA;
	s2 =	sadd.s32 s3, s2  }
0x8d: {  	s2 =	sadd.s32 s2, s17  }
0x8e: {  	[smem:$0x3FB4] =	sst s2  }
0x8f: {  	_ = 	snop  }
0x90: {  	s2 =	sld [smem:$0x3FD0];
	(tm) =	ssettm $0x1  }
0x91: {  	s18 =	sld [smem:$0x3FFB];
	_ =	sdelay $0x3  }
0x92: {  	_ =	strace s18  }
0x93: {  	s3 =	sld [smem:$0x3FFC];
	_ =	sdelay $0x3  }
0x94: {  	_ =	strace s3  }
0x95: {  	s3 =	sld [smem:$0x3FFD];
	_ =	sdelay $0x3  }
0x96: {  	_ =	strace s3  }
0x97: {  	_ =	strace $0x8FFFFFFF  }
0x98: {  	s19 =	sld [smem:$0x3FDB];
	_ =	sdelay $0x1  }
0x99: {  	s4 =	simm.s32 $_scs_section_size  }
0x9a: {  	s5 =	simm.s32 $_size__tile_overlayer_lowered;
	s6 =	simm.s32 $_tile_overlayer_lowered  }
0x9b: {  	s22 =	simm.s32 $0x1BFF;
	s21 =	sshll.u32 s6, $0x1;
	s3 =	sadd.s32 s4, s19  }
0x9c: {  	s7 =	simm.s32 $0x0;
	s20 =	sshll.u32 s5, $0x1;
	s5 =	sadd.s32 s21, s3  }
0x9d: {  	[timem:s7], [sflag:s22] =	dma.local [hbm:s5], s20  }
0x9e: {  	_ =	swait.ge [sflag:s22], s20  }
0x9f: {  	s4 =	ssub.s32 $0x0, s20;
	[sflag:s22] =	ssyncset.done $0x0  }
0xa0: {  	[sflag:s22] =	ssyncadd.s32 s4;
	_ =	sdelay $0x1  }
0xa1: {  	s23 =	simm.s32 $0x1B8B  }
0xa2: {  	_ =	swait.ge [sflag:s23], $0x1  }
0xa3: {  	[sflag:s23] =	ssyncset.done $0x0  }
0xa4: {  	s25 =	simm.s32 $0x1B8E;
	s24 =	sld [smem:$0x3FFE];
	[sflag:s23] =	ssyncadd.s32 $0xFFFFFFFF  }
0xa5: {  	s26 =	simm.s32 $execute0_lowered;
	[smem:$0x3FD2] =	sst s25  }
0xa6: {  	s5 =	sshll.u32 s26, $0x1;
	_ =	strace $0x8000004C;
	[dreg:$0x1] =	wrdreg $0xFFFFFFFF  }
0xa7: {  	s28 =	simm.s32 $_size_execute0_lowered;
	s3 =	sadd.s32 s3, s5;
	[dreg:$0x0] =	wrdreg $0x0  }
0xa8: {  	s5 =	sshll.u32 s28, $0x1;
	[dreg:$0x2] =	wrdreg s3  }
0xa9: {  	[dreg:$0x3] =	wrdreg s5  }
0xaa: {  	[dreg:$0x4] =	wrdreg $0xC0  }
0xab: {  	_ =	task [dreg:s7], $0x5FFFF  }
0xac: {  	[dreg:$0x1] =	wrdreg $0xFFFFFFFF  }
0xad: {  	[dreg:$0x0] =	wrdreg $0x60  }
0xae: {  	[dreg:$0x2] =	wrdreg s24  }
0xaf: {  	[dreg:$0x3] =	wrdreg s2  }
0xb0: {  	[dreg:$0x4] =	wrdreg $0x0  }
0xb1: {  	[dreg:$0x5] =	wrdreg $0x9  }
0xb2: {  	_ =	task.clear_ibuf [dreg:s7], $0x6FFFF;
	_ =	strace $0x9000004C  }
0xb3: {  	s29 =	simm.s32 $0x9;
	_ =	strace $0x8000004E  }
0xb4: {  	_ =	swait.ge [sflag:s29], $0x1  }
0xb5: {  	[sflag:s29] =	ssyncadd.s32 $0xFFFFFFFF  }
0xb6: {  	_ =	strace $0x9000004E  }
0xb7: {  	_ =	sfence  }
0xb8: {  	s30 =	sld [smem:$0x0];
	_ =	sdelay $0x2  }
0xb9: {  	s31 =	sshll.u32 s1, $0xD;
	s1 =	sshrl.u32 s1, $0x2  }
0xba: {  	s3 =	sand.u32 $0x4000, s31;
	s1 =	sadd.s32 s1, s30  }
0xbb: {  	s0 =	sor.u32 s3, s0;
	s1 =	sshll.u32 s1, $0x11  }
0xbc: {  	s0 =	sor.u32 s1, s0  }
0xbd: {  	s0 =	sadd.s32 $0x8F2B, s0  }
0xbe: {  	[sflag:s0] =	ssyncadd.remote.s32 $0x1  }
0xbf: {  	_ =	sfence.sel $0xFFFF  }
0xc0: {  	[dreg:$0x0] =	wrdreg $0xFFFFFFFF;
	(pc) =	sbr.abs _section_cstart, $3  }
0xc1: {  	[dreg:$0x1] =	wrdreg $0xFFFFFFFF  }
0xc2: {  	_ =	task.clear_ibuf [dreg:s7], $0x2FFFF;
	_ =	strace $0x9FFFFFFF  }
0xc3: {  	(tm) =	ssettm $0x7FFFFFFF  }
tec
execute0_lowered:
.L_overlay_start_1:
0x0: {  	(tag) =	ssettag $0x1  }
0x1: {  	s1 =	rddreg [dreg:$0x0]  }
0x2: {  	s0 =	srdreg.scid;
	s3 =	rddreg [dreg:$0x1]  }
0x3: {  	s11 =	stileid.u32;
	s2 =	rddreg [dreg:$0x2]  }
0x4: {  	s6 =	simm.s32 $0x0;
	s15 =	simm.s32 $0x13880;
	s16 =	simm.s32 $0x16440  }
0x5: {  	s17 =	simm.s32 $0xA;
	s18 =	simm.s32 $0xB;
	s19 =	simm.s32 $0x32  }
0x6: {  	s20 =	simm.s32 $0x19000;
	s22 =	simm.s32 $0x1A900;
	s24 =	simm.s32 $0x1C200  }
0x7: {  	s29 =	simm.s32 $0x1DB00;
	s30 =	simm.s32 $0x2;
	s21 =	simm.s32 $0x3  }
0x8: {  	s28 =	simm.s32 $0x6;
	s31 =	simm.s32 $0x7;
	s23 =	simm.s32 $0x8  }
0x9: {  	s0 =	sand.u32 $0x1, s0;
	[smem:$0x7FF] =	sst s6;
	s8 =	smul.u32 $0x13800, s11  }
0xa: {  	s10 =	sshll.u32 s11, $0x6;
	p0 =	sne.s32 s11, $0xF;
	s4 =	sshll.u32 s0, $0x4  }
0xb: {  	_ =	strace $0x8000004D;
	s26 =	ssub.s32 $0x2, s0;
	s0 =	smul.u32 $0x138800, s0  }
0xc: {  	[dreg:$0x4] =	wrdreg s10;
	s4 =	sor.u32 s11, s4;
	s7 =	sshrl.u32 s26, $0x1  }
0xd: {  	s9 =	sadd.s32 s8, s2;
	s5 =	smul.u32 $0x578, s4;
	s4 =	sadd.s32 $0x7F800, s1  }
0xe: {  	s8 =	sadd.s32 s8, s0;
	s0 =	sshrl.u32 s0, $0x3;
	s13 =	sshrl.u32 s9, $0x3  }
0xf: {  	s8 =	sshrl.u32 s8, $0x3;
	s0 =	sadd.s32 s3, s0;
	s25 =	sadd.s32 s5, s1  }
0x10: {  	s5 =	sadd.s32 $0x7800, s1;
	s1 =	ssub.s32 s26, s7;
	s7 =	sor.u32 $0x1C09, s10  }
0x11: {  	s10 =	sadd.s32 $0x138000, s2;
	s3 =	sadd.s32 s3, s8;
	s0 =	sadd.s32 $0x27000, s0  }
.Ltmp0:
0x12: {  	s26 =	simm.s32 $0x1;
	[dreg:$0x7] =	wrdreg s3;
	(pc) =	sbr.rel .LBB2_1-.Ltmp0, $4  }
0x13: {  	s12 =	sadd.s32 $0xCDC00, s25;
	s6 =	sadd.s32 $0xA000, s25;
	[dreg:$0x8] =	wrdreg s0  }
0x14: {  	s14 =	sshrl.u32 @!p0 s10, $0x3;
	s25 =	simm.s32 $0x9;
	[dreg:$0x5] =	wrdreg s12  }
0x15: {  	s0 =	simm.s32 $0x4;
	s3 =	simm.s32 $0xC;
	[dreg:$0x6] =	wrdreg s6  }
0x16: {  	s12 =	smax.u32 s1, $0x1;
	s1 =	simm.s32 $0x5;
	s6 =	simm.s32 $0x0  }
.LBB2_4:
0x17: {  	_ =	swait.ge [sflag:s21], $0x1900  }
0x18: {  	[sflag:s21] =	ssyncset.done $0x0  }
0x19: {  	[sflag:s21] =	ssyncadd.s32 $0xFFFFE700  }
0x1a: {  	[spmem:s2] =	stream.indirect.scatter.add.f32 [tilespmem:s24], [sflag:$0x7], $0x80, s10, s19, $0xb8;
	[tilespmem:$0x1F400] =	vst v63  }
0x1b: {  	_ =	swait.ge [sflag:s0], $0x1900  }
0x1c: {  	[sflag:s0] =	ssyncset.done $0x0  }
0x1d: {  	s8 =	sadd.s32 $0x165C8, s8;
	[sflag:s0] =	ssyncadd.s32 $0xFFFFE700  }
0x1e: {  	[spmem:s2] =	stream.indirect.scatter.add.f32 [tilespmem:s29], [sflag:$0x8], $0x80, s8, s19, $0xb8;
	[tilespmem:$0x1F400] =	vst v63  }
0x1f: {  	_ =	swait.ge [sflag:s1], $0x1900  }
0x20: {  	[sflag:s1] =	ssyncset.done $0x0  }
0x21: {  	[sflag:s1] =	ssyncadd.s32 $0xFFFFE700  }
0x22: {  	_ =	swait.ge [sflag:s28], $0x1900  }
0x23: {  	[sflag:s28] =	ssyncset.done $0x0  }
0x24: {  	[sflag:s28] =	ssyncadd.s32 $0xFFFFE700  }
0x25: {  	_ =	swait.ge [sflag:s31], $0x1900  }
0x26: {  	[sflag:s31] =	ssyncset.done $0x0  }
0x27: {  	[sflag:s31] =	ssyncadd.s32 $0xFFFFE700  }
0x28: {  	_ =	swait.ge [sflag:s23], $0x1900  }
0x29: {  	[sflag:s23] =	ssyncset.done $0x0  }
0x2a: {  	[sflag:s23] =	ssyncadd.s32 $0xFFFFE700  }
0x2b: {  	[bflag:$0x0] =	sbarrier.arrive $0xFFFF  }
0x2c: {  	s11 =	rddreg [dreg:$0x4]  }
0x2d: {  	s9 =	rddreg [dreg:$0x7];
	s8 =	sor.u32 $0x1C0C, s11  }
0x2e: {  	[hbm:s9], [sflag:s8] =	dma.local [spmem:s13], $0x2700  }
0x2f: {  	_ =	swait.ge [sflag:s3], $0x2700  }
0x30: {  	s6 =	sadd.s32 $0x1, s6;
	[sflag:s3] =	ssyncset.done $0x0  }
0x31: {  	p1 =	sne.s32 s6, s12;
	s9 =	rddreg [dreg:$0x8];
	[sflag:s3] =	ssyncadd.s32 $0xFFFFD900  }
0x32: {  	[hbm:s9], [sflag:s8] =	dma.local @!p0 [spmem:s14], $0x100  }
.Ltmp1:
0x33: {  	_ = 	snop;
	(pc) =	sbr.rel @!p1 .LBB2_5-.Ltmp1, $4  }
0x34: {  	s8 =	simm.s32 @!p0 $0xC  }
0x35: {  	_ =	swait.ge @!p0 [sflag:s8], $0x100  }
0x36: {  	[sflag:s8] =	ssyncset.done @!p0 $0x0  }
0x37: {  	[sflag:s8] =	ssyncadd.s32 @!p0 $0xFFFFFF00  }
.LBB2_1:
0x38: {  	[spmem:s13], [sflag:s7] =	dma.local [hbm:s5], $0x2700  }
0x39: {  	[spmem:s14], [sflag:s7] =	dma.local @!p0 [hbm:s5], $0x100  }
0x3a: {  	s8 =	simm.s32 $0x0;
	s9 =	rddreg [dreg:$0x5]  }
0x3b: {  	[tilespmem:s15], [sflag:$0xA] =	stream.linear.gather [hbm4b:s9+s8], $0x2BC0, $0x38;
	[tilespmem:$0x1F400] =	vst v63  }
0x3c: {  	s11 =	rddreg [dreg:$0x6]  }
0x3d: {  	[tilespmem:s16], [sflag:$0xB] =	stream.linear.gather [hbm4b:s11+s8], $0x2BC0, $0x38;
	[tilespmem:$0x1F400] =	vst v63  }
0x3e: {  	_ =	swait.ge [sflag:s17], $0x2BC0  }
0x3f: {  	[sflag:s17] =	ssyncset.done $0x0  }
0x40: {  	[sflag:s17] =	ssyncadd.s32 $0xFFFFD440  }
0x41: {  	_ =	swait.ge [sflag:s18], $0x2BC0  }
0x42: {  	[sflag:s18] =	ssyncset.done $0x0  }
0x43: {  	[sflag:s18] =	ssyncadd.s32 $0xFFFFD440  }
0x44: {  	[tilespmem:s20], [sflag:$0x1] =	stream.indirect.gather [hbm4b:s4+s19], $0x80, s15, s19, $0xb8;
	[tilespmem:$0x1F400] =	vst v63  }
0x45: {  	s9 =	simm.s32 $0x138B8  }
0x46: {  	[tilespmem:s22], [sflag:$0x2] =	stream.indirect.gather [hbm4b:s4+s19], $0x80, s9, s19, $0xb8;
	[tilespmem:$0x1F400] =	vst v63  }
0x47: {  	s10 =	simm.s32 $0x138F0  }
0x48: {  	[tilespmem:s24], [sflag:$0x3] =	stream.indirect.gather [hbm4b:s4+s19], $0x80, s10, s19, $0xb8;
	[tilespmem:$0x1F400] =	vst v63  }
0x49: {  	_ =	swait.ge [sflag:s25], $0x2700  }
0x4a: {  	[sflag:s25] =	ssyncset.done $0x0  }
0x4b: {  	s8 =	simm.s32 @!p0 $0x9;
	[sflag:s25] =	ssyncadd.s32 $0xFFFFD900  }
0x4c: {  	_ =	swait.ge @!p0 [sflag:s8], $0x100  }
0x4d: {  	[sflag:s8] =	ssyncset.done @!p0 $0x0  }
0x4e: {  	[sflag:s8] =	ssyncadd.s32 @!p0 $0xFFFFFF00  }
0x4f: {  	[bflag:$0x0] =	sbarrier.arrive $0xFFFF  }
0x50: {  	_ =	swait.ge [sflag:s26], $0x1900  }
0x51: {  	[sflag:s26] =	ssyncset.done $0x0  }
0x52: {  	[sflag:s26] =	ssyncadd.s32 $0xFFFFE700  }
0x53: {  	[spmem:s2] =	stream.indirect.scatter.add.f32 [tilespmem:s20], [sflag:$0x5], $0x80, s16, s19, $0xb8;
	[tilespmem:$0x1F400] =	vst v63  }
0x54: {  	s11 =	simm.s32 $0x13928  }
0x55: {  	[tilespmem:s29], [sflag:$0x4] =	stream.indirect.gather [hbm4b:s4+s19], $0x80, s11, s19, $0xb8;
	[tilespmem:$0x1F400] =	vst v63  }
0x56: {  	_ =	swait.ge [sflag:s30], $0x1900  }
0x57: {  	[sflag:s30] =	ssyncset.done $0x0  }
0x58: {  	s9 =	simm.s32 $0x16478;
	[sflag:s30] =	ssyncadd.s32 $0xFFFFE700  }
0x59: {  	[spmem:s2] =	stream.indirect.scatter.add.f32 [tilespmem:s22], [sflag:$0x6], $0x80, s9, s19, $0xb8;
	[tilespmem:$0x1F400] =	vst v63  }
0x5a: {  	_ =	swait.ge [sflag:s1], $0x1900  }
0x5b: {  	[sflag:s1] =	ssyncset.done $0x0  }
0x5c: {  	s10 =	simm.s32 $0x13960;
	[sflag:s1] =	ssyncadd.s32 $0xFFFFE700  }
0x5d: {  	[tilespmem:s20], [sflag:$0x1] =	stream.indirect.gather [hbm4b:s4+s19], $0x80, s10, s19, $0xb8;
	[tilespmem:$0x1F400] =	vst v63  }
0x5e: {  	_ =	swait.ge [sflag:s21], $0x1900  }
0x5f: {  	[sflag:s21] =	ssyncset.done $0x0  }
0x60: {  	s11 =	simm.s32 $0x164B0;
	[sflag:s21] =	ssyncadd.s32 $0xFFFFE700  }
0x61: {  	[spmem:s2] =	stream.indirect.scatter.add.f32 [tilespmem:s24], [sflag:$0x7], $0x80, s11, s19, $0xb8;
	[tilespmem:$0x1F400] =	vst v63  }
0x62: {  	_ =	swait.ge [sflag:s28], $0x1900  }
0x63: {  	[sflag:s28] =	ssyncset.done $0x0  }
0x64: {  	s9 =	simm.s32 $0x13998;
	[sflag:s28] =	ssyncadd.s32 $0xFFFFE700  }
0x65: {  	[tilespmem:s22], [sflag:$0x2] =	stream.indirect.gather [hbm4b:s4+s19], $0x80, s9, s19, $0xb8;
	[tilespmem:$0x1F400] =	vst v63  }
0x66: {  	_ =	swait.ge [sflag:s0], $0x1900  }
0x67: {  	[sflag:s0] =	ssyncset.done $0x0  }
0x68: {  	s10 =	simm.s32 $0x164E8;
	[sflag:s0] =	ssyncadd.s32 $0xFFFFE700  }
0x69: {  	[spmem:s2] =	stream.indirect.scatter.add.f32 [tilespmem:s29], [sflag:$0x8], $0x80, s10, s19, $0xb8;
	[tilespmem:$0x1F400] =	vst v63  }
0x6a: {  	_ =	swait.ge [sflag:s31], $0x1900  }
0x6b: {  	[sflag:s31] =	ssyncset.done $0x0  }
0x6c: {  	s11 =	simm.s32 $0x139D0;
	s9 =	simm.s32 $0x0;
	[sflag:s31] =	ssyncadd.s32 $0xFFFFE700  }
0x6d: {  	[tilespmem:s24], [sflag:$0x3] =	stream.indirect.gather [hbm4b:s4+s19], $0x80, s11, s19, $0xb8;
	[tilespmem:$0x1F400] =	vst v63  }
.LBB2_2:
0x6e: {  	_ =	swait.ge [sflag:s26], $0x1900  }
0x6f: {  	s8 =	sshra.s32 s9, $0x2;
	[sflag:s26] =	ssyncset.done $0x0  }
0x70: {  	s10 =	sadd.s32 $0x16520, s8;
	[sflag:s26] =	ssyncadd.s32 $0xFFFFE700  }
0x71: {  	[spmem:s2] =	stream.indirect.scatter.add.f32 [tilespmem:s20], [sflag:$0x5], $0x80, s10, s19, $0xb8;
	[tilespmem:$0x1F400] =	vst v63  }
0x72: {  	_ =	swait.ge [sflag:s23], $0x1900  }
0x73: {  	[sflag:s23] =	ssyncset.done $0x0  }
0x74: {  	p1 =	seq.s32 s9, $0xA800;
	s11 =	sadd.s32 $0x13A08, s8;
	[sflag:s23] =	ssyncadd.s32 $0xFFFFE700  }
0x75: {  	[tilespmem:s29], [sflag:$0x4] =	stream.indirect.gather [hbm4b:s4+s19], $0x80, s11, s19, $0xb8;
	[tilespmem:$0x1F400] =	vst v63  }
.Ltmp2:
0x76: {  	_ = 	snop;
	(pc) =	sbr.rel @p1 .LBB2_4-.Ltmp2, $4  }
0x77: {  	_ =	swait.ge [sflag:s30], $0x1900  }
0x78: {  	[sflag:s30] =	ssyncset.done $0x0  }
0x79: {  	s10 =	sadd.s32 $0x16590, s8;
	s11 =	sadd.s32 $0x16558, s8;
	[sflag:s30] =	ssyncadd.s32 $0xFFFFE700  }
0x7a: {  	[spmem:s2] =	stream.indirect.scatter.add.f32 [tilespmem:s22], [sflag:$0x6], $0x80, s11, s19, $0xb8;
	[tilespmem:$0x1F400] =	vst v63  }
0x7b: {  	_ =	swait.ge [sflag:s1], $0x1900  }
0x7c: {  	[sflag:s1] =	ssyncset.done $0x0  }
0x7d: {  	s11 =	sadd.s32 $0x13A40, s8;
	[sflag:s1] =	ssyncadd.s32 $0xFFFFE700  }
0x7e: {  	[tilespmem:s20], [sflag:$0x1] =	stream.indirect.gather [hbm4b:s4+s19], $0x80, s11, s19, $0xb8;
	[tilespmem:$0x1F400] =	vst v63  }
0x7f: {  	_ =	swait.ge [sflag:s21], $0x1900  }
0x80: {  	[sflag:s21] =	ssyncset.done $0x0  }
0x81: {  	[sflag:s21] =	ssyncadd.s32 $0xFFFFE700  }
0x82: {  	[spmem:s2] =	stream.indirect.scatter.add.f32 [tilespmem:s24], [sflag:$0x7], $0x80, s10, s19, $0xb8;
	[tilespmem:$0x1F400] =	vst v63  }
0x83: {  	_ =	swait.ge [sflag:s28], $0x1900  }
0x84: {  	[sflag:s28] =	ssyncset.done $0x0  }
0x85: {  	s11 =	sadd.s32 $0x13A78, s8;
	[sflag:s28] =	ssyncadd.s32 $0xFFFFE700  }
0x86: {  	[tilespmem:s22], [sflag:$0x2] =	stream.indirect.gather [hbm4b:s4+s19], $0x80, s11, s19, $0xb8;
	[tilespmem:$0x1F400] =	vst v63  }
0x87: {  	_ =	swait.ge [sflag:s0], $0x1900  }
0x88: {  	[sflag:s0] =	ssyncset.done $0x0  }
0x89: {  	s11 =	sadd.s32 $0x165C8, s8;
	[sflag:s0] =	ssyncadd.s32 $0xFFFFE700  }
0x8a: {  	[spmem:s2] =	stream.indirect.scatter.add.f32 [tilespmem:s29], [sflag:$0x8], $0x80, s11, s19, $0xb8;
	[tilespmem:$0x1F400] =	vst v63  }
.Ltmp3:
0x8b: {  	_ = 	snop;
	(pc) =	sbr.rel .LBB2_2-.Ltmp3, $4  }
0x8c: {  	_ =	swait.ge [sflag:s31], $0x1900  }
0x8d: {  	[sflag:s31] =	ssyncset.done $0x0  }
0x8e: {  	s9 =	sadd.s32 $0x380, s9;
	s11 =	sadd.s32 $0x13AB0, s8;
	[sflag:s31] =	ssyncadd.s32 $0xFFFFE700  }
0x8f: {  	[tilespmem:s24], [sflag:$0x3] =	stream.indirect.gather [hbm4b:s4+s19], $0x80, s11, s19, $0xb8;
	[tilespmem:$0x1F400] =	vst v63  }
.LBB2_5:
0x90: {  	_ =	sfence.sel $0x180000  }
0x91: {  	[bflag:$0x0] =	sbarrier.arrive $0xFFFF  }
0x92: {  	_ =	strace $0x9000004D  }
0x93: {  	s0 =	stileid.u32;
	[bflag:$0x2] =	sbarrier.arrive $0xFFFF  }
0x94: {  	p0 =	sne.s32 s0, $0x0;
	s0 =	rddreg [dreg:$0x3]  }
0x95: {  	s0 =	sadd.s32 @!p0 $0x100000, s0  }
0x96: {  	[sflag:s0] =	ssyncadd.tile.s32 @!p0 $0x1;
	_ =	shalt  }
.Lfunc_end2:
_tile_overlayer_lowered:
.L_overlay_start_2:
0x97: {  	(tag) =	ssettag $0x2  }
0x98: {  	s0 =	rddreg [dreg:$0x0];
	s2 =	stileid.u32  }
0x99: {  	s1 =	rddreg [dreg:$0x1];
	p0 =	sne.s32 s2, $0x0  }
0x9a: {  	s3 =	rddreg [dreg:$0x2];
	[bflag:$0x3] =	sbarrier.arrive $0xFFFF;
	s2 =	simm.s32 @!p0 $0x1C0C  }
0x9b: {  	[timem:s3], [sflag:s2] =	dma.local @!p0 [hbm:s0], s1  }
0x9c: {  	s0 =	simm.s32 @!p0 $0xC  }
0x9d: {  	_ =	swait.ge @!p0 [sflag:s0], s1  }
0x9e: {  	s1 =	ssub.s32 @!p0 $0x0, s1;
	[sflag:s0] =	ssyncset.done @!p0 $0x0  }
0x9f: {  	[sflag:s0] =	ssyncadd.s32 @!p0 s1  }
0xa0: {  	[bflag:$0x3] =	sbarrier.arrive $0xFFFF  }
0xa1: {  	_ =	shalt  }

// kernel: kernel.21.cloned.1.call-start
scs
__scs_entry_jumppad:
0x0: {  	(pc) =	sbr.rel $0x88, $3  }
0x1: {  	(tag) =	ssettag $0x0;
	lr =	simm.s32 $0x1  }
0x2: {  	[smem:$0x3F8D] =	sst lr;
	_ =	strace $0xD0000000  }
0x3: {  	_ = 	snop  }
0x4: {  	_ = 	snop  }
0x5: {  	_ = 	snop  }
0x6: {  	_ = 	snop  }
0x7: {  	_ = 	snop  }
__scs_overlays_trampoline_lowered:
0x8: {  	[smem:$0x3F9C] =	sst s0  }
0x9: {  	[smem:$0x3F9D] =	sst s1  }
0xa: {  	[smem:$0x3F9E] =	sst s2  }
0xb: {  	[smem:$0x3F9F] =	sst s3  }
0xc: {  	[smem:$0x3FA0] =	sst s4  }
0xd: {  	[smem:$0x3FA1] =	sst s5  }
0xe: {  	[smem:$0x3FA2] =	sst s6  }
0xf: {  	[smem:$0x3FA3] =	sst s7  }
0x10: {  	[smem:$0x3FA4] =	sst s8  }
0x11: {  	[smem:$0x3FA5] =	sst s9;
	s0 =	simm.s32 @!p0 $0x0  }
0x12: {  	s1 =	sld [smem:$0x3F8B];
	s0 =	simm.s32 @p0 $0x1  }
0x13: {  	[smem:$0x3FA6] =	sst s0;
	s0 =	simm.s32 @!p1 $0x0  }
0x14: {  	s2 =	sld [smem:$0x3F8A];
	s0 =	simm.s32 @p1 $0x1  }
0x15: {  	[smem:$0x3FA7] =	sst s0;
	s0 =	simm.s32 @!p2 $0x0  }
0x16: {  	s3 =	sld [smem:$0x3FDB];
	s0 =	simm.s32 @p2 $0x1  }
0x17: {  	s4 =	simm.s32 $0x1BF5;
	[smem:$0x3FA9] =	sst s0  }
0x18: {  	s0 =	sld [smem:$0x3F8C];
	_ =	swait.ge [sflag:s4], $0x0  }
0x19: {  	s7 =	sld [smem:$0x3F8D]  }
0x1a: {  	s8 =	sadd.s32 $0xFFFFE003, lr  }
0x1b: {  	s9 =	sadd.s32 $0xFFFFFEF7, lr;
	s5 =	simm.s32 $0xFFFFFFFF;
	p2 =	slt.u32 s8, $0xFFFFF086  }
0x1c: {  	p1 =	slt.u32 s9, $0xF7A;
	s5 =	simm.s32 @!p2 $0x0  }
0x1d: {  	s5 =	simm.s32 @p1 $0x1;
	p0 =	seq.s32 s7, s2  }
0x1e: {  	s7 =	smul.u32 @!p0 $0xF7A, s2;
	p2 =	seq.s32 @!p0 s5, $0x0  }
0x1f: {  	s9 =	smul.u32 $0xF7A, s1;
	s8 =	simm.s32 @!p0 $0x1BF5;
	p2 =	por !p2, p0  }
0x20: {  	[sflag:s8] =	ssyncset.s32 @!p0 $0xFFFFF086;
	s6 =	sadd.s32 @!p0 s3, s7;
	s7 =	simm.s32 @!p0 $0x108  }
0x21: {  	s3 =	sadd.s32 s3, s9;
	s6 =	sadd.s32 @!p0 $0x88, s6;
	s7 =	simm.s32 @p2 $0x1082  }
0x22: {  	[simem:s7], [sflag:s8] =	dma.local @!p0 [hbm:s6], $0xF7A  }
0x23: {  	s9 =	sor.u32 $0xD0000000, s2;
	s6 =	simm.s32 $0x108;
	_ =	swait.ge @!p0 [sflag:s8], $0x0  }
0x24: {  	s3 =	sadd.s32 $0x88, s3;
	s6 =	simm.s32 @!p1 $0x1082;
	[sflag:s4] =	ssyncset.s32 $0xFFFFF086  }
0x25: {  	[simem:s6], [sflag:s4] =	dma.local [hbm:s3], $0xF7A  }
0x26: {  	[smem:$0x3F8D] =	sst s1;
	(tag) =	ssettag s2;
	_ =	strace s9  }
0x27: {  	s1 =	sld [smem:$0x3F9D]  }
0x28: {  	s2 =	sld [smem:$0x3F9E]  }
0x29: {  	s4 =	sld [smem:$0x3FA0]  }
0x2a: {  	p0 =	seq.s32 s5, $0x0;
	s5 =	sld [smem:$0x3FA1]  }
0x2b: {  	s6 =	sld [smem:$0x3FA2]  }
0x2c: {  	s7 =	sld [smem:$0x3FA3]  }
0x2d: {  	s3 =	simm.s32 $0x108;
	s8 =	sld [smem:$0x3FA4]  }
0x2e: {  	s3 =	simm.s32 @!p0 $0x1082;
	s9 =	sld [smem:$0x3FA5]  }
0x2f: {  	lr =	sadd.s32 s0, s3;
	s0 =	sld [smem:$0x3F9C]  }
0x30: {  	s3 =	sld [smem:$0x3F9F]  }
0x31: {  	[smem:$0x3FA8] =	sst s10  }
0x32: {  	s10 =	sld [smem:$0x3FA6];
	_ =	sdelay $0x3  }
0x33: {  	p0 =	seq.s32 s10, $0x1;
	s10 =	sld [smem:$0x3FA8];
	_ =	sdelay $0x3  }
0x34: {  	[smem:$0x3FA8] =	sst s10  }
0x35: {  	s10 =	sld [smem:$0x3FA7];
	_ =	sdelay $0x3  }
0x36: {  	p1 =	seq.s32 s10, $0x1;
	s10 =	sld [smem:$0x3FA8];
	_ =	sdelay $0x3  }
0x37: {  	[smem:$0x3FA8] =	sst s10  }
0x38: {  	s10 =	sld [smem:$0x3FA9]  }
0x39: {  	_ = 	snop;
	(pc) =	sbr.ind lr, $3  }
0x3a: {  	_ = 	snop  }
0x3b: {  	_ = 	snop  }
0x3c: {  	p2 =	seq.s32 s10, $0x1;
	s10 =	sld [smem:$0x3FA8]  }
0x3d: {  	_ =	shalt  }
0x3e: {  	_ =	shalt  }
0x3f: {  	_ =	shalt  }
0x40: {  	_ =	shalt  }
0x41: {  	_ =	shalt  }
0x42: {  	_ =	shalt  }
0x43: {  	_ =	shalt  }
0x44: {  	_ =	shalt  }
0x45: {  	_ =	shalt  }
0x46: {  	_ =	shalt  }
0x47: {  	_ =	shalt  }
0x48: {  	_ =	shalt  }
0x49: {  	_ =	shalt  }
0x4a: {  	_ =	shalt  }
0x4b: {  	_ =	shalt  }
0x4c: {  	_ =	shalt  }
0x4d: {  	_ =	shalt  }
0x4e: {  	_ =	shalt  }
0x4f: {  	_ =	shalt  }
0x50: {  	_ =	shalt  }
0x51: {  	_ =	shalt  }
0x52: {  	_ =	shalt  }
0x53: {  	_ =	shalt  }
0x54: {  	_ =	shalt  }
0x55: {  	_ =	shalt  }
0x56: {  	_ =	shalt  }
0x57: {  	_ =	shalt  }
0x58: {  	_ =	shalt  }
0x59: {  	_ =	shalt  }
0x5a: {  	_ =	shalt  }
0x5b: {  	_ =	shalt  }
0x5c: {  	_ =	shalt  }
0x5d: {  	_ =	shalt  }
0x5e: {  	_ =	shalt  }
0x5f: {  	_ =	shalt  }
0x60: {  	_ =	shalt  }
0x61: {  	_ =	shalt  }
0x62: {  	_ =	shalt  }
0x63: {  	_ =	shalt  }
0x64: {  	_ =	shalt  }
0x65: {  	_ =	shalt  }
0x66: {  	_ =	shalt  }
0x67: {  	_ =	shalt  }
0x68: {  	_ =	shalt  }
0x69: {  	_ =	shalt  }
0x6a: {  	_ =	shalt  }
0x6b: {  	_ =	shalt  }
0x6c: {  	_ =	shalt  }
0x6d: {  	_ =	shalt  }
0x6e: {  	_ =	shalt  }
0x6f: {  	_ =	shalt  }
0x70: {  	_ =	shalt  }
0x71: {  	_ =	shalt  }
0x72: {  	_ =	shalt  }
0x73: {  	_ =	shalt  }
0x74: {  	_ =	shalt  }
0x75: {  	_ =	shalt  }
0x76: {  	_ =	shalt  }
0x77: {  	_ =	shalt  }
0x78: {  	_ =	shalt  }
0x79: {  	_ =	shalt  }
0x7a: {  	_ =	shalt  }
0x7b: {  	_ =	shalt  }
0x7c: {  	_ =	shalt  }
0x7d: {  	_ =	shalt  }
0x7e: {  	_ =	shalt  }
0x7f: {  	_ =	shalt  }
0x80: {  	_ =	shalt  }
0x81: {  	_ =	shalt  }
0x82: {  	_ =	shalt  }
0x83: {  	_ =	shalt  }
0x84: {  	_ =	shalt  }
0x85: {  	_ =	shalt  }
0x86: {  	_ =	shalt  }
0x87: {  	_ =	shalt  }
.Lfunc_end0:
.L_simem_size_0:
called_computation.3_lowered:
.L_overlay_start_0:
0x88: {  	s2 =	sld [smem:$0x3FD9]  }
0x89: {  	s3 =	sld [smem:$0x3FFE];
	_ =	sdelay $0x1  }
0x8a: {  	s1 =	srdreg.scid  }
0x8b: {  	s0 =	sand.u32 $0x1, s1  }
0x8c: {  	s17 =	sshll.u32 s0, $0xA;
	s2 =	sadd.s32 s3, s2  }
0x8d: {  	s2 =	sadd.s32 s2, s17  }
0x8e: {  	[smem:$0x3FB4] =	sst s2  }
0x8f: {  	_ = 	snop  }
0x90: {  	s2 =	sld [smem:$0x3FD0];
	(tm) =	ssettm $0x1  }
0x91: {  	s18 =	sld [smem:$0x3FFB];
	_ =	sdelay $0x3  }
0x92: {  	_ =	strace s18  }
0x93: {  	s3 =	sld [smem:$0x3FFC];
	_ =	sdelay $0x3  }
0x94: {  	_ =	strace s3  }
0x95: {  	s3 =	sld [smem:$0x3FFD];
	_ =	sdelay $0x3  }
0x96: {  	_ =	strace s3  }
0x97: {  	_ =	strace $0x8FFFFFFF  }
0x98: {  	s19 =	sld [smem:$0x3FDB];
	_ =	sdelay $0x1  }
0x99: {  	s4 =	simm.s32 $_scs_section_size  }
0x9a: {  	s5 =	simm.s32 $_size__tile_overlayer_lowered;
	s6 =	simm.s32 $_tile_overlayer_lowered  }
0x9b: {  	s22 =	simm.s32 $0x1BFF;
	s21 =	sshll.u32 s6, $0x1;
	s3 =	sadd.s32 s4, s19  }
0x9c: {  	s7 =	simm.s32 $0x0;
	s20 =	sshll.u32 s5, $0x1;
	s5 =	sadd.s32 s21, s3  }
0x9d: {  	[timem:s7], [sflag:s22] =	dma.local [hbm:s5], s20  }
0x9e: {  	_ =	swait.ge [sflag:s22], s20  }
0x9f: {  	s4 =	ssub.s32 $0x0, s20;
	[sflag:s22] =	ssyncset.done $0x0  }
0xa0: {  	[sflag:s22] =	ssyncadd.s32 s4;
	_ =	sdelay $0x1  }
0xa1: {  	s23 =	simm.s32 $0x1B8B  }
0xa2: {  	_ =	swait.ge [sflag:s23], $0x1  }
0xa3: {  	[sflag:s23] =	ssyncset.done $0x0  }
0xa4: {  	s25 =	simm.s32 $0x1B8E;
	s24 =	sld [smem:$0x3FFE];
	[sflag:s23] =	ssyncadd.s32 $0xFFFFFFFF  }
0xa5: {  	s26 =	simm.s32 $execute0_lowered;
	[smem:$0x3FD2] =	sst s25  }
0xa6: {  	s5 =	sshll.u32 s26, $0x1;
	_ =	strace $0x8000004F;
	[dreg:$0x1] =	wrdreg $0xFFFFFFFF  }
0xa7: {  	s28 =	simm.s32 $_size_execute0_lowered;
	s3 =	sadd.s32 s3, s5;
	[dreg:$0x0] =	wrdreg $0x0  }
0xa8: {  	s5 =	sshll.u32 s28, $0x1;
	[dreg:$0x2] =	wrdreg s3  }
0xa9: {  	[dreg:$0x3] =	wrdreg s5  }
0xaa: {  	[dreg:$0x4] =	wrdreg $0xC0  }
0xab: {  	_ =	task [dreg:s7], $0x5FFFF  }
0xac: {  	[dreg:$0x1] =	wrdreg $0xFFFFFFFF  }
0xad: {  	[dreg:$0x0] =	wrdreg $0x60  }
0xae: {  	[dreg:$0x2] =	wrdreg s24  }
0xaf: {  	[dreg:$0x3] =	wrdreg s2  }
0xb0: {  	[dreg:$0x4] =	wrdreg $0x0  }
0xb1: {  	[dreg:$0x5] =	wrdreg $0x9  }
0xb2: {  	_ =	task.clear_ibuf [dreg:s7], $0x6FFFF;
	_ =	strace $0x9000004F  }
0xb3: {  	s29 =	simm.s32 $0x9;
	_ =	strace $0x80000051  }
0xb4: {  	_ =	swait.ge [sflag:s29], $0x1  }
0xb5: {  	[sflag:s29] =	ssyncadd.s32 $0xFFFFFFFF  }
0xb6: {  	_ =	strace $0x90000051  }
0xb7: {  	_ =	sfence  }
0xb8: {  	s30 =	sld [smem:$0x0];
	_ =	sdelay $0x2  }
0xb9: {  	s31 =	sshll.u32 s1, $0xD;
	s1 =	sshrl.u32 s1, $0x2  }
0xba: {  	s3 =	sand.u32 $0x4000, s31;
	s1 =	sadd.s32 s1, s30  }
0xbb: {  	s0 =	sor.u32 s3, s0;
	s1 =	sshll.u32 s1, $0x11  }
0xbc: {  	s0 =	sor.u32 s1, s0  }
0xbd: {  	s0 =	sadd.s32 $0x8F2B, s0  }
0xbe: {  	[sflag:s0] =	ssyncadd.remote.s32 $0x1  }
0xbf: {  	_ =	sfence.sel $0xFFFF  }
0xc0: {  	[dreg:$0x0] =	wrdreg $0xFFFFFFFF;
	(pc) =	sbr.abs _section_cstart, $3  }
0xc1: {  	[dreg:$0x1] =	wrdreg $0xFFFFFFFF  }
0xc2: {  	_ =	task.clear_ibuf [dreg:s7], $0x2FFFF;
	_ =	strace $0x9FFFFFFF  }
0xc3: {  	(tm) =	ssettm $0x7FFFFFFF  }
tec
execute0_lowered:
.L_overlay_start_1:
0x0: {  	(tag) =	ssettag $0x1  }
0x1: {  	s1 =	rddreg [dreg:$0x0]  }
0x2: {  	s0 =	srdreg.scid;
	s3 =	rddreg [dreg:$0x1]  }
0x3: {  	s11 =	stileid.u32;
	s2 =	rddreg [dreg:$0x2]  }
0x4: {  	s6 =	simm.s32 $0x0;
	s15 =	simm.s32 $0x13880;
	s16 =	simm.s32 $0x16440  }
0x5: {  	s17 =	simm.s32 $0xA;
	s18 =	simm.s32 $0xB;
	s19 =	simm.s32 $0x32  }
0x6: {  	s20 =	simm.s32 $0x19000;
	s22 =	simm.s32 $0x1A900;
	s24 =	simm.s32 $0x1C200  }
0x7: {  	s29 =	simm.s32 $0x1DB00;
	s30 =	simm.s32 $0x2;
	s21 =	simm.s32 $0x3  }
0x8: {  	s28 =	simm.s32 $0x6;
	s31 =	simm.s32 $0x7;
	s23 =	simm.s32 $0x8  }
0x9: {  	s0 =	sand.u32 $0x1, s0;
	[smem:$0x7FF] =	sst s6;
	s8 =	smul.u32 $0x13800, s11  }
0xa: {  	s10 =	sshll.u32 s11, $0x6;
	p0 =	sne.s32 s11, $0xF;
	s4 =	sshll.u32 s0, $0x4  }
0xb: {  	_ =	strace $0x80000050;
	s26 =	ssub.s32 $0x2, s0;
	s0 =	smul.u32 $0x138800, s0  }
0xc: {  	[dreg:$0x4] =	wrdreg s10;
	s4 =	sor.u32 s11, s4;
	s7 =	sshrl.u32 s26, $0x1  }
0xd: {  	s9 =	sadd.s32 s8, s2;
	s5 =	smul.u32 $0x578, s4;
	s4 =	sadd.s32 $0x7F800, s1  }
0xe: {  	s8 =	sadd.s32 s8, s0;
	s0 =	sshrl.u32 s0, $0x3;
	s13 =	sshrl.u32 s9, $0x3  }
0xf: {  	s8 =	sshrl.u32 s8, $0x3;
	s0 =	sadd.s32 s3, s0;
	s25 =	sadd.s32 s5, s1  }
0x10: {  	s5 =	sadd.s32 $0x7800, s1;
	s1 =	ssub.s32 s26, s7;
	s7 =	sor.u32 $0x1C09, s10  }
0x11: {  	s10 =	sadd.s32 $0x138000, s2;
	s3 =	sadd.s32 s3, s8;
	s0 =	sadd.s32 $0x27000, s0  }
.Ltmp0:
0x12: {  	s26 =	simm.s32 $0x1;
	[dreg:$0x7] =	wrdreg s3;
	(pc) =	sbr.rel .LBB2_1-.Ltmp0, $4  }
0x13: {  	s12 =	sadd.s32 $0x26400, s25;
	s6 =	sadd.s32 $0x1B400, s25;
	[dreg:$0x8] =	wrdreg s0  }
0x14: {  	s14 =	sshrl.u32 @!p0 s10, $0x3;
	s25 =	simm.s32 $0x9;
	[dreg:$0x5] =	wrdreg s12  }
0x15: {  	s0 =	simm.s32 $0x4;
	s3 =	simm.s32 $0xC;
	[dreg:$0x6] =	wrdreg s6  }
0x16: {  	s12 =	smax.u32 s1, $0x1;
	s1 =	simm.s32 $0x5;
	s6 =	simm.s32 $0x0  }
.LBB2_4:
0x17: {  	_ =	swait.ge [sflag:s21], $0x1900  }
0x18: {  	[sflag:s21] =	ssyncset.done $0x0  }
0x19: {  	[sflag:s21] =	ssyncadd.s32 $0xFFFFE700  }
0x1a: {  	[spmem:s2] =	stream.indirect.scatter.add.f32 [tilespmem:s24], [sflag:$0x7], $0x80, s10, s19, $0xb8;
	[tilespmem:$0x1F400] =	vst v63  }
0x1b: {  	_ =	swait.ge [sflag:s0], $0x1900  }
0x1c: {  	[sflag:s0] =	ssyncset.done $0x0  }
0x1d: {  	s8 =	sadd.s32 $0x165C8, s8;
	[sflag:s0] =	ssyncadd.s32 $0xFFFFE700  }
0x1e: {  	[spmem:s2] =	stream.indirect.scatter.add.f32 [tilespmem:s29], [sflag:$0x8], $0x80, s8, s19, $0xb8;
	[tilespmem:$0x1F400] =	vst v63  }
0x1f: {  	_ =	swait.ge [sflag:s1], $0x1900  }
0x20: {  	[sflag:s1] =	ssyncset.done $0x0  }
0x21: {  	[sflag:s1] =	ssyncadd.s32 $0xFFFFE700  }
0x22: {  	_ =	swait.ge [sflag:s28], $0x1900  }
0x23: {  	[sflag:s28] =	ssyncset.done $0x0  }
0x24: {  	[sflag:s28] =	ssyncadd.s32 $0xFFFFE700  }
0x25: {  	_ =	swait.ge [sflag:s31], $0x1900  }
0x26: {  	[sflag:s31] =	ssyncset.done $0x0  }
0x27: {  	[sflag:s31] =	ssyncadd.s32 $0xFFFFE700  }
0x28: {  	_ =	swait.ge [sflag:s23], $0x1900  }
0x29: {  	[sflag:s23] =	ssyncset.done $0x0  }
0x2a: {  	[sflag:s23] =	ssyncadd.s32 $0xFFFFE700  }
0x2b: {  	[bflag:$0x0] =	sbarrier.arrive $0xFFFF  }
0x2c: {  	s11 =	rddreg [dreg:$0x4]  }
0x2d: {  	s9 =	rddreg [dreg:$0x7];
	s8 =	sor.u32 $0x1C0C, s11  }
0x2e: {  	[hbm:s9], [sflag:s8] =	dma.local [spmem:s13], $0x2700  }
0x2f: {  	_ =	swait.ge [sflag:s3], $0x2700  }
0x30: {  	s6 =	sadd.s32 $0x1, s6;
	[sflag:s3] =	ssyncset.done $0x0  }
0x31: {  	p1 =	sne.s32 s6, s12;
	s9 =	rddreg [dreg:$0x8];
	[sflag:s3] =	ssyncadd.s32 $0xFFFFD900  }
0x32: {  	[hbm:s9], [sflag:s8] =	dma.local @!p0 [spmem:s14], $0x100  }
.Ltmp1:
0x33: {  	_ = 	snop;
	(pc) =	sbr.rel @!p1 .LBB2_5-.Ltmp1, $4  }
0x34: {  	s8 =	simm.s32 @!p0 $0xC  }
0x35: {  	_ =	swait.ge @!p0 [sflag:s8], $0x100  }
0x36: {  	[sflag:s8] =	ssyncset.done @!p0 $0x0  }
0x37: {  	[sflag:s8] =	ssyncadd.s32 @!p0 $0xFFFFFF00  }
.LBB2_1:
0x38: {  	[spmem:s13], [sflag:s7] =	dma.local [hbm:s5], $0x2700  }
0x39: {  	[spmem:s14], [sflag:s7] =	dma.local @!p0 [hbm:s5], $0x100  }
0x3a: {  	s8 =	simm.s32 $0x0;
	s9 =	rddreg [dreg:$0x5]  }
0x3b: {  	[tilespmem:s15], [sflag:$0xA] =	stream.linear.gather [hbm4b:s9+s8], $0x2BC0, $0x38;
	[tilespmem:$0x1F400] =	vst v63  }
0x3c: {  	s11 =	rddreg [dreg:$0x6]  }
0x3d: {  	[tilespmem:s16], [sflag:$0xB] =	stream.linear.gather [hbm4b:s11+s8], $0x2BC0, $0x38;
	[tilespmem:$0x1F400] =	vst v63  }
0x3e: {  	_ =	swait.ge [sflag:s17], $0x2BC0  }
0x3f: {  	[sflag:s17] =	ssyncset.done $0x0  }
0x40: {  	[sflag:s17] =	ssyncadd.s32 $0xFFFFD440  }
0x41: {  	_ =	swait.ge [sflag:s18], $0x2BC0  }
0x42: {  	[sflag:s18] =	ssyncset.done $0x0  }
0x43: {  	[sflag:s18] =	ssyncadd.s32 $0xFFFFD440  }
0x44: {  	[tilespmem:s20], [sflag:$0x1] =	stream.indirect.gather [hbm4b:s4+s19], $0x80, s15, s19, $0xb8;
	[tilespmem:$0x1F400] =	vst v63  }
0x45: {  	s9 =	simm.s32 $0x138B8  }
0x46: {  	[tilespmem:s22], [sflag:$0x2] =	stream.indirect.gather [hbm4b:s4+s19], $0x80, s9, s19, $0xb8;
	[tilespmem:$0x1F400] =	vst v63  }
0x47: {  	s10 =	simm.s32 $0x138F0  }
0x48: {  	[tilespmem:s24], [sflag:$0x3] =	stream.indirect.gather [hbm4b:s4+s19], $0x80, s10, s19, $0xb8;
	[tilespmem:$0x1F400] =	vst v63  }
0x49: {  	_ =	swait.ge [sflag:s25], $0x2700  }
0x4a: {  	[sflag:s25] =	ssyncset.done $0x0  }
0x4b: {  	s8 =	simm.s32 @!p0 $0x9;
	[sflag:s25] =	ssyncadd.s32 $0xFFFFD900  }
0x4c: {  	_ =	swait.ge @!p0 [sflag:s8], $0x100  }
0x4d: {  	[sflag:s8] =	ssyncset.done @!p0 $0x0  }
0x4e: {  	[sflag:s8] =	ssyncadd.s32 @!p0 $0xFFFFFF00  }
0x4f: {  	[bflag:$0x0] =	sbarrier.arrive $0xFFFF  }
0x50: {  	_ =	swait.ge [sflag:s26], $0x1900  }
0x51: {  	[sflag:s26] =	ssyncset.done $0x0  }
0x52: {  	[sflag:s26] =	ssyncadd.s32 $0xFFFFE700  }
0x53: {  	[spmem:s2] =	stream.indirect.scatter.add.f32 [tilespmem:s20], [sflag:$0x5], $0x80, s16, s19, $0xb8;
	[tilespmem:$0x1F400] =	vst v63  }
0x54: {  	s11 =	simm.s32 $0x13928  }
0x55: {  	[tilespmem:s29], [sflag:$0x4] =	stream.indirect.gather [hbm4b:s4+s19], $0x80, s11, s19, $0xb8;
	[tilespmem:$0x1F400] =	vst v63  }
0x56: {  	_ =	swait.ge [sflag:s30], $0x1900  }
0x57: {  	[sflag:s30] =	ssyncset.done $0x0  }
0x58: {  	s9 =	simm.s32 $0x16478;
	[sflag:s30] =	ssyncadd.s32 $0xFFFFE700  }
0x59: {  	[spmem:s2] =	stream.indirect.scatter.add.f32 [tilespmem:s22], [sflag:$0x6], $0x80, s9, s19, $0xb8;
	[tilespmem:$0x1F400] =	vst v63  }
0x5a: {  	_ =	swait.ge [sflag:s1], $0x1900  }
0x5b: {  	[sflag:s1] =	ssyncset.done $0x0  }
0x5c: {  	s10 =	simm.s32 $0x13960;
	[sflag:s1] =	ssyncadd.s32 $0xFFFFE700  }
0x5d: {  	[tilespmem:s20], [sflag:$0x1] =	stream.indirect.gather [hbm4b:s4+s19], $0x80, s10, s19, $0xb8;
	[tilespmem:$0x1F400] =	vst v63  }
0x5e: {  	_ =	swait.ge [sflag:s21], $0x1900  }
0x5f: {  	[sflag:s21] =	ssyncset.done $0x0  }
0x60: {  	s11 =	simm.s32 $0x164B0;
	[sflag:s21] =	ssyncadd.s32 $0xFFFFE700  }
0x61: {  	[spmem:s2] =	stream.indirect.scatter.add.f32 [tilespmem:s24], [sflag:$0x7], $0x80, s11, s19, $0xb8;
	[tilespmem:$0x1F400] =	vst v63  }
0x62: {  	_ =	swait.ge [sflag:s28], $0x1900  }
0x63: {  	[sflag:s28] =	ssyncset.done $0x0  }
0x64: {  	s9 =	simm.s32 $0x13998;
	[sflag:s28] =	ssyncadd.s32 $0xFFFFE700  }
0x65: {  	[tilespmem:s22], [sflag:$0x2] =	stream.indirect.gather [hbm4b:s4+s19], $0x80, s9, s19, $0xb8;
	[tilespmem:$0x1F400] =	vst v63  }
0x66: {  	_ =	swait.ge [sflag:s0], $0x1900  }
0x67: {  	[sflag:s0] =	ssyncset.done $0x0  }
0x68: {  	s10 =	simm.s32 $0x164E8;
	[sflag:s0] =	ssyncadd.s32 $0xFFFFE700  }
0x69: {  	[spmem:s2] =	stream.indirect.scatter.add.f32 [tilespmem:s29], [sflag:$0x8], $0x80, s10, s19, $0xb8;
	[tilespmem:$0x1F400] =	vst v63  }
0x6a: {  	_ =	swait.ge [sflag:s31], $0x1900  }
0x6b: {  	[sflag:s31] =	ssyncset.done $0x0  }
0x6c: {  	s11 =	simm.s32 $0x139D0;
	s9 =	simm.s32 $0x0;
	[sflag:s31] =	ssyncadd.s32 $0xFFFFE700  }
0x6d: {  	[tilespmem:s24], [sflag:$0x3] =	stream.indirect.gather [hbm4b:s4+s19], $0x80, s11, s19, $0xb8;
	[tilespmem:$0x1F400] =	vst v63  }
.LBB2_2:
0x6e: {  	_ =	swait.ge [sflag:s26], $0x1900  }
0x6f: {  	s8 =	sshra.s32 s9, $0x2;
	[sflag:s26] =	ssyncset.done $0x0  }
0x70: {  	s10 =	sadd.s32 $0x16520, s8;
	[sflag:s26] =	ssyncadd.s32 $0xFFFFE700  }
0x71: {  	[spmem:s2] =	stream.indirect.scatter.add.f32 [tilespmem:s20], [sflag:$0x5], $0x80, s10, s19, $0xb8;
	[tilespmem:$0x1F400] =	vst v63  }
0x72: {  	_ =	swait.ge [sflag:s23], $0x1900  }
0x73: {  	[sflag:s23] =	ssyncset.done $0x0  }
0x74: {  	p1 =	seq.s32 s9, $0xA800;
	s11 =	sadd.s32 $0x13A08, s8;
	[sflag:s23] =	ssyncadd.s32 $0xFFFFE700  }
0x75: {  	[tilespmem:s29], [sflag:$0x4] =	stream.indirect.gather [hbm4b:s4+s19], $0x80, s11, s19, $0xb8;
	[tilespmem:$0x1F400] =	vst v63  }
.Ltmp2:
0x76: {  	_ = 	snop;
	(pc) =	sbr.rel @p1 .LBB2_4-.Ltmp2, $4  }
0x77: {  	_ =	swait.ge [sflag:s30], $0x1900  }
0x78: {  	[sflag:s30] =	ssyncset.done $0x0  }
0x79: {  	s10 =	sadd.s32 $0x16590, s8;
	s11 =	sadd.s32 $0x16558, s8;
	[sflag:s30] =	ssyncadd.s32 $0xFFFFE700  }
0x7a: {  	[spmem:s2] =	stream.indirect.scatter.add.f32 [tilespmem:s22], [sflag:$0x6], $0x80, s11, s19, $0xb8;
	[tilespmem:$0x1F400] =	vst v63  }
0x7b: {  	_ =	swait.ge [sflag:s1], $0x1900  }
0x7c: {  	[sflag:s1] =	ssyncset.done $0x0  }
0x7d: {  	s11 =	sadd.s32 $0x13A40, s8;
	[sflag:s1] =	ssyncadd.s32 $0xFFFFE700  }
0x7e: {  	[tilespmem:s20], [sflag:$0x1] =	stream.indirect.gather [hbm4b:s4+s19], $0x80, s11, s19, $0xb8;
	[tilespmem:$0x1F400] =	vst v63  }
0x7f: {  	_ =	swait.ge [sflag:s21], $0x1900  }
0x80: {  	[sflag:s21] =	ssyncset.done $0x0  }
0x81: {  	[sflag:s21] =	ssyncadd.s32 $0xFFFFE700  }
0x82: {  	[spmem:s2] =	stream.indirect.scatter.add.f32 [tilespmem:s24], [sflag:$0x7], $0x80, s10, s19, $0xb8;
	[tilespmem:$0x1F400] =	vst v63  }
0x83: {  	_ =	swait.ge [sflag:s28], $0x1900  }
0x84: {  	[sflag:s28] =	ssyncset.done $0x0  }
0x85: {  	s11 =	sadd.s32 $0x13A78, s8;
	[sflag:s28] =	ssyncadd.s32 $0xFFFFE700  }
0x86: {  	[tilespmem:s22], [sflag:$0x2] =	stream.indirect.gather [hbm4b:s4+s19], $0x80, s11, s19, $0xb8;
	[tilespmem:$0x1F400] =	vst v63  }
0x87: {  	_ =	swait.ge [sflag:s0], $0x1900  }
0x88: {  	[sflag:s0] =	ssyncset.done $0x0  }
0x89: {  	s11 =	sadd.s32 $0x165C8, s8;
	[sflag:s0] =	ssyncadd.s32 $0xFFFFE700  }
0x8a: {  	[spmem:s2] =	stream.indirect.scatter.add.f32 [tilespmem:s29], [sflag:$0x8], $0x80, s11, s19, $0xb8;
	[tilespmem:$0x1F400] =	vst v63  }
.Ltmp3:
0x8b: {  	_ = 	snop;
	(pc) =	sbr.rel .LBB2_2-.Ltmp3, $4  }
0x8c: {  	_ =	swait.ge [sflag:s31], $0x1900  }
0x8d: {  	[sflag:s31] =	ssyncset.done $0x0  }
0x8e: {  	s9 =	sadd.s32 $0x380, s9;
	s11 =	sadd.s32 $0x13AB0, s8;
	[sflag:s31] =	ssyncadd.s32 $0xFFFFE700  }
0x8f: {  	[tilespmem:s24], [sflag:$0x3] =	stream.indirect.gather [hbm4b:s4+s19], $0x80, s11, s19, $0xb8;
	[tilespmem:$0x1F400] =	vst v63  }
.LBB2_5:
0x90: {  	_ =	sfence.sel $0x180000  }
0x91: {  	[bflag:$0x0] =	sbarrier.arrive $0xFFFF  }
0x92: {  	_ =	strace $0x90000050  }
0x93: {  	s0 =	stileid.u32;
	[bflag:$0x2] =	sbarrier.arrive $0xFFFF  }
0x94: {  	p0 =	sne.s32 s0, $0x0;
	s0 =	rddreg [dreg:$0x3]  }
0x95: {  	s0 =	sadd.s32 @!p0 $0x100000, s0  }
0x96: {  	[sflag:s0] =	ssyncadd.tile.s32 @!p0 $0x1;
	_ =	shalt  }
.Lfunc_end2:
_tile_overlayer_lowered:
.L_overlay_start_2:
0x97: {  	(tag) =	ssettag $0x2  }
0x98: {  	s0 =	rddreg [dreg:$0x0];
	s2 =	stileid.u32  }
0x99: {  	s1 =	rddreg [dreg:$0x1];
	p0 =	sne.s32 s2, $0x0  }
0x9a: {  	s3 =	rddreg [dreg:$0x2];
	[bflag:$0x3] =	sbarrier.arrive $0xFFFF;
	s2 =	simm.s32 @!p0 $0x1C0C  }
0x9b: {  	[timem:s3], [sflag:s2] =	dma.local @!p0 [hbm:s0], s1  }
0x9c: {  	s0 =	simm.s32 @!p0 $0xC  }
0x9d: {  	_ =	swait.ge @!p0 [sflag:s0], s1  }
0x9e: {  	s1 =	ssub.s32 @!p0 $0x0, s1;
	[sflag:s0] =	ssyncset.done @!p0 $0x0  }
0x9f: {  	[sflag:s0] =	ssyncadd.s32 @!p0 s1  }
0xa0: {  	[bflag:$0x3] =	sbarrier.arrive $0xFFFF  }
0xa1: {  	_ =	shalt  }

// kernel: kernel.24.cloned.1.call-start
scs
__scs_entry_jumppad:
0x0: {  	(pc) =	sbr.rel $0x88, $3  }
0x1: {  	(tag) =	ssettag $0x0;
	lr =	simm.s32 $0x1  }
0x2: {  	[smem:$0x3F8D] =	sst lr;
	_ =	strace $0xD0000000  }
0x3: {  	_ = 	snop  }
0x4: {  	_ = 	snop  }
0x5: {  	_ = 	snop  }
0x6: {  	_ = 	snop  }
0x7: {  	_ = 	snop  }
__scs_overlays_trampoline_lowered:
0x8: {  	[smem:$0x3F9C] =	sst s0  }
0x9: {  	[smem:$0x3F9D] =	sst s1  }
0xa: {  	[smem:$0x3F9E] =	sst s2  }
0xb: {  	[smem:$0x3F9F] =	sst s3  }
0xc: {  	[smem:$0x3FA0] =	sst s4  }
0xd: {  	[smem:$0x3FA1] =	sst s5  }
0xe: {  	[smem:$0x3FA2] =	sst s6  }
0xf: {  	[smem:$0x3FA3] =	sst s7  }
0x10: {  	[smem:$0x3FA4] =	sst s8  }
0x11: {  	[smem:$0x3FA5] =	sst s9;
	s0 =	simm.s32 @!p0 $0x0  }
0x12: {  	s1 =	sld [smem:$0x3F8B];
	s0 =	simm.s32 @p0 $0x1  }
0x13: {  	[smem:$0x3FA6] =	sst s0;
	s0 =	simm.s32 @!p1 $0x0  }
0x14: {  	s2 =	sld [smem:$0x3F8A];
	s0 =	simm.s32 @p1 $0x1  }
0x15: {  	[smem:$0x3FA7] =	sst s0;
	s0 =	simm.s32 @!p2 $0x0  }
0x16: {  	s3 =	sld [smem:$0x3FDB];
	s0 =	simm.s32 @p2 $0x1  }
0x17: {  	s4 =	simm.s32 $0x1BF5;
	[smem:$0x3FA9] =	sst s0  }
0x18: {  	s0 =	sld [smem:$0x3F8C];
	_ =	swait.ge [sflag:s4], $0x0  }
0x19: {  	s7 =	sld [smem:$0x3F8D]  }
0x1a: {  	s8 =	sadd.s32 $0xFFFFE003, lr  }
0x1b: {  	s9 =	sadd.s32 $0xFFFFFEF7, lr;
	s5 =	simm.s32 $0xFFFFFFFF;
	p2 =	slt.u32 s8, $0xFFFFF086  }
0x1c: {  	p1 =	slt.u32 s9, $0xF7A;
	s5 =	simm.s32 @!p2 $0x0  }
0x1d: {  	s5 =	simm.s32 @p1 $0x1;
	p0 =	seq.s32 s7, s2  }
0x1e: {  	s7 =	smul.u32 @!p0 $0xF7A, s2;
	p2 =	seq.s32 @!p0 s5, $0x0  }
0x1f: {  	s9 =	smul.u32 $0xF7A, s1;
	s8 =	simm.s32 @!p0 $0x1BF5;
	p2 =	por !p2, p0  }
0x20: {  	[sflag:s8] =	ssyncset.s32 @!p0 $0xFFFFF086;
	s6 =	sadd.s32 @!p0 s3, s7;
	s7 =	simm.s32 @!p0 $0x108  }
0x21: {  	s3 =	sadd.s32 s3, s9;
	s6 =	sadd.s32 @!p0 $0x88, s6;
	s7 =	simm.s32 @p2 $0x1082  }
0x22: {  	[simem:s7], [sflag:s8] =	dma.local @!p0 [hbm:s6], $0xF7A  }
0x23: {  	s9 =	sor.u32 $0xD0000000, s2;
	s6 =	simm.s32 $0x108;
	_ =	swait.ge @!p0 [sflag:s8], $0x0  }
0x24: {  	s3 =	sadd.s32 $0x88, s3;
	s6 =	simm.s32 @!p1 $0x1082;
	[sflag:s4] =	ssyncset.s32 $0xFFFFF086  }
0x25: {  	[simem:s6], [sflag:s4] =	dma.local [hbm:s3], $0xF7A  }
0x26: {  	[smem:$0x3F8D] =	sst s1;
	(tag) =	ssettag s2;
	_ =	strace s9  }
0x27: {  	s1 =	sld [smem:$0x3F9D]  }
0x28: {  	s2 =	sld [smem:$0x3F9E]  }
0x29: {  	s4 =	sld [smem:$0x3FA0]  }
0x2a: {  	p0 =	seq.s32 s5, $0x0;
	s5 =	sld [smem:$0x3FA1]  }
0x2b: {  	s6 =	sld [smem:$0x3FA2]  }
0x2c: {  	s7 =	sld [smem:$0x3FA3]  }
0x2d: {  	s3 =	simm.s32 $0x108;
	s8 =	sld [smem:$0x3FA4]  }
0x2e: {  	s3 =	simm.s32 @!p0 $0x1082;
	s9 =	sld [smem:$0x3FA5]  }
0x2f: {  	lr =	sadd.s32 s0, s3;
	s0 =	sld [smem:$0x3F9C]  }
0x30: {  	s3 =	sld [smem:$0x3F9F]  }
0x31: {  	[smem:$0x3FA8] =	sst s10  }
0x32: {  	s10 =	sld [smem:$0x3FA6];
	_ =	sdelay $0x3  }
0x33: {  	p0 =	seq.s32 s10, $0x1;
	s10 =	sld [smem:$0x3FA8];
	_ =	sdelay $0x3  }
0x34: {  	[smem:$0x3FA8] =	sst s10  }
0x35: {  	s10 =	sld [smem:$0x3FA7];
	_ =	sdelay $0x3  }
0x36: {  	p1 =	seq.s32 s10, $0x1;
	s10 =	sld [smem:$0x3FA8];
	_ =	sdelay $0x3  }
0x37: {  	[smem:$0x3FA8] =	sst s10  }
0x38: {  	s10 =	sld [smem:$0x3FA9]  }
0x39: {  	_ = 	snop;
	(pc) =	sbr.ind lr, $3  }
0x3a: {  	_ = 	snop  }
0x3b: {  	_ = 	snop  }
0x3c: {  	p2 =	seq.s32 s10, $0x1;
	s10 =	sld [smem:$0x3FA8]  }
0x3d: {  	_ =	shalt  }
0x3e: {  	_ =	shalt  }
0x3f: {  	_ =	shalt  }
0x40: {  	_ =	shalt  }
0x41: {  	_ =	shalt  }
0x42: {  	_ =	shalt  }
0x43: {  	_ =	shalt  }
0x44: {  	_ =	shalt  }
0x45: {  	_ =	shalt  }
0x46: {  	_ =	shalt  }
0x47: {  	_ =	shalt  }
0x48: {  	_ =	shalt  }
0x49: {  	_ =	shalt  }
0x4a: {  	_ =	shalt  }
0x4b: {  	_ =	shalt  }
0x4c: {  	_ =	shalt  }
0x4d: {  	_ =	shalt  }
0x4e: {  	_ =	shalt  }
0x4f: {  	_ =	shalt  }
0x50: {  	_ =	shalt  }
0x51: {  	_ =	shalt  }
0x52: {  	_ =	shalt  }
0x53: {  	_ =	shalt  }
0x54: {  	_ =	shalt  }
0x55: {  	_ =	shalt  }
0x56: {  	_ =	shalt  }
0x57: {  	_ =	shalt  }
0x58: {  	_ =	shalt  }
0x59: {  	_ =	shalt  }
0x5a: {  	_ =	shalt  }
0x5b: {  	_ =	shalt  }
0x5c: {  	_ =	shalt  }
0x5d: {  	_ =	shalt  }
0x5e: {  	_ =	shalt  }
0x5f: {  	_ =	shalt  }
0x60: {  	_ =	shalt  }
0x61: {  	_ =	shalt  }
0x62: {  	_ =	shalt  }
0x63: {  	_ =	shalt  }
0x64: {  	_ =	shalt  }
0x65: {  	_ =	shalt  }
0x66: {  	_ =	shalt  }
0x67: {  	_ =	shalt  }
0x68: {  	_ =	shalt  }
0x69: {  	_ =	shalt  }
0x6a: {  	_ =	shalt  }
0x6b: {  	_ =	shalt  }
0x6c: {  	_ =	shalt  }
0x6d: {  	_ =	shalt  }
0x6e: {  	_ =	shalt  }
0x6f: {  	_ =	shalt  }
0x70: {  	_ =	shalt  }
0x71: {  	_ =	shalt  }
0x72: {  	_ =	shalt  }
0x73: {  	_ =	shalt  }
0x74: {  	_ =	shalt  }
0x75: {  	_ =	shalt  }
0x76: {  	_ =	shalt  }
0x77: {  	_ =	shalt  }
0x78: {  	_ =	shalt  }
0x79: {  	_ =	shalt  }
0x7a: {  	_ =	shalt  }
0x7b: {  	_ =	shalt  }
0x7c: {  	_ =	shalt  }
0x7d: {  	_ =	shalt  }
0x7e: {  	_ =	shalt  }
0x7f: {  	_ =	shalt  }
0x80: {  	_ =	shalt  }
0x81: {  	_ =	shalt  }
0x82: {  	_ =	shalt  }
0x83: {  	_ =	shalt  }
0x84: {  	_ =	shalt  }
0x85: {  	_ =	shalt  }
0x86: {  	_ =	shalt  }
0x87: {  	_ =	shalt  }
.Lfunc_end0:
.L_simem_size_0:
called_computation.4_lowered:
.L_overlay_start_0:
0x88: {  	s2 =	sld [smem:$0x3FD9]  }
0x89: {  	s3 =	sld [smem:$0x3FFE];
	_ =	sdelay $0x1  }
0x8a: {  	s1 =	srdreg.scid  }
0x8b: {  	s0 =	sand.u32 $0x1, s1  }
0x8c: {  	s17 =	sshll.u32 s0, $0xA;
	s2 =	sadd.s32 s3, s2  }
0x8d: {  	s2 =	sadd.s32 s2, s17  }
0x8e: {  	[smem:$0x3FB4] =	sst s2  }
0x8f: {  	_ = 	snop  }
0x90: {  	s2 =	sld [smem:$0x3FD0];
	(tm) =	ssettm $0x1  }
0x91: {  	s18 =	sld [smem:$0x3FFB];
	_ =	sdelay $0x3  }
0x92: {  	_ =	strace s18  }
0x93: {  	s3 =	sld [smem:$0x3FFC];
	_ =	sdelay $0x3  }
0x94: {  	_ =	strace s3  }
0x95: {  	s3 =	sld [smem:$0x3FFD];
	_ =	sdelay $0x3  }
0x96: {  	_ =	strace s3  }
0x97: {  	_ =	strace $0x8FFFFFFF  }
0x98: {  	s19 =	sld [smem:$0x3FDB];
	_ =	sdelay $0x1  }
0x99: {  	s4 =	simm.s32 $_scs_section_size  }
0x9a: {  	s5 =	simm.s32 $_size__tile_overlayer_lowered;
	s6 =	simm.s32 $_tile_overlayer_lowered  }
0x9b: {  	s22 =	simm.s32 $0x1BFF;
	s21 =	sshll.u32 s6, $0x1;
	s3 =	sadd.s32 s4, s19  }
0x9c: {  	s7 =	simm.s32 $0x0;
	s20 =	sshll.u32 s5, $0x1;
	s5 =	sadd.s32 s21, s3  }
0x9d: {  	[timem:s7], [sflag:s22] =	dma.local [hbm:s5], s20  }
0x9e: {  	_ =	swait.ge [sflag:s22], s20  }
0x9f: {  	s4 =	ssub.s32 $0x0, s20;
	[sflag:s22] =	ssyncset.done $0x0  }
0xa0: {  	[sflag:s22] =	ssyncadd.s32 s4;
	_ =	sdelay $0x1  }
0xa1: {  	s23 =	simm.s32 $0x1B8B  }
0xa2: {  	_ =	swait.ge [sflag:s23], $0x1  }
0xa3: {  	[sflag:s23] =	ssyncset.done $0x0  }
0xa4: {  	s25 =	simm.s32 $0x1B8E;
	s24 =	sld [smem:$0x3FFE];
	[sflag:s23] =	ssyncadd.s32 $0xFFFFFFFF  }
0xa5: {  	s26 =	simm.s32 $execute0_lowered;
	[smem:$0x3FD2] =	sst s25  }
0xa6: {  	s5 =	sshll.u32 s26, $0x1;
	_ =	strace $0x80000052;
	[dreg:$0x1] =	wrdreg $0xFFFFFFFF  }
0xa7: {  	s28 =	simm.s32 $_size_execute0_lowered;
	s3 =	sadd.s32 s3, s5;
	[dreg:$0x0] =	wrdreg $0x0  }
0xa8: {  	s5 =	sshll.u32 s28, $0x1;
	[dreg:$0x2] =	wrdreg s3  }
0xa9: {  	[dreg:$0x3] =	wrdreg s5  }
0xaa: {  	[dreg:$0x4] =	wrdreg $0xC0  }
0xab: {  	_ =	task [dreg:s7], $0x5FFFF  }
0xac: {  	[dreg:$0x1] =	wrdreg $0xFFFFFFFF  }
0xad: {  	[dreg:$0x0] =	wrdreg $0x60  }
0xae: {  	[dreg:$0x2] =	wrdreg s24  }
0xaf: {  	[dreg:$0x3] =	wrdreg s2  }
0xb0: {  	[dreg:$0x4] =	wrdreg $0x0  }
0xb1: {  	[dreg:$0x5] =	wrdreg $0x9  }
0xb2: {  	_ =	task.clear_ibuf [dreg:s7], $0x6FFFF;
	_ =	strace $0x90000052  }
0xb3: {  	s29 =	simm.s32 $0x9;
	_ =	strace $0x80000054  }
0xb4: {  	_ =	swait.ge [sflag:s29], $0x1  }
0xb5: {  	[sflag:s29] =	ssyncadd.s32 $0xFFFFFFFF  }
0xb6: {  	_ =	strace $0x90000054  }
0xb7: {  	_ =	sfence  }
0xb8: {  	s30 =	sld [smem:$0x0];
	_ =	sdelay $0x2  }
0xb9: {  	s31 =	sshll.u32 s1, $0xD;
	s1 =	sshrl.u32 s1, $0x2  }
0xba: {  	s3 =	sand.u32 $0x4000, s31;
	s1 =	sadd.s32 s1, s30  }
0xbb: {  	s0 =	sor.u32 s3, s0;
	s1 =	sshll.u32 s1, $0x11  }
0xbc: {  	s0 =	sor.u32 s1, s0  }
0xbd: {  	s0 =	sadd.s32 $0x8F2B, s0  }
0xbe: {  	[sflag:s0] =	ssyncadd.remote.s32 $0x1  }
0xbf: {  	_ =	sfence.sel $0xFFFF  }
0xc0: {  	[dreg:$0x0] =	wrdreg $0xFFFFFFFF;
	(pc) =	sbr.abs _section_cstart, $3  }
0xc1: {  	[dreg:$0x1] =	wrdreg $0xFFFFFFFF  }
0xc2: {  	_ =	task.clear_ibuf [dreg:s7], $0x2FFFF;
	_ =	strace $0x9FFFFFFF  }
0xc3: {  	(tm) =	ssettm $0x7FFFFFFF  }
tec
execute0_lowered:
.L_overlay_start_1:
0x0: {  	(tag) =	ssettag $0x1  }
0x1: {  	s1 =	rddreg [dreg:$0x0]  }
0x2: {  	s0 =	srdreg.scid;
	s3 =	rddreg [dreg:$0x1]  }
0x3: {  	s11 =	stileid.u32;
	s2 =	rddreg [dreg:$0x2]  }
0x4: {  	s6 =	simm.s32 $0x0;
	s15 =	simm.s32 $0x13880;
	s16 =	simm.s32 $0x16440  }
0x5: {  	s17 =	simm.s32 $0xA;
	s18 =	simm.s32 $0xB;
	s19 =	simm.s32 $0x32  }
0x6: {  	s20 =	simm.s32 $0x19000;
	s22 =	simm.s32 $0x1A900;
	s24 =	simm.s32 $0x1C200  }
0x7: {  	s29 =	simm.s32 $0x1DB00;
	s30 =	simm.s32 $0x2;
	s21 =	simm.s32 $0x3  }
0x8: {  	s28 =	simm.s32 $0x6;
	s31 =	simm.s32 $0x7;
	s23 =	simm.s32 $0x8  }
0x9: {  	s0 =	sand.u32 $0x1, s0;
	[smem:$0x7FF] =	sst s6;
	s8 =	smul.u32 $0x13800, s11  }
0xa: {  	s10 =	sshll.u32 s11, $0x6;
	p0 =	sne.s32 s11, $0xF;
	s4 =	sshll.u32 s0, $0x4  }
0xb: {  	_ =	strace $0x80000053;
	s26 =	ssub.s32 $0x2, s0;
	s0 =	smul.u32 $0x138800, s0  }
0xc: {  	[dreg:$0x4] =	wrdreg s10;
	s4 =	sor.u32 s11, s4;
	s7 =	sshrl.u32 s26, $0x1  }
0xd: {  	s9 =	sadd.s32 s8, s2;
	s5 =	smul.u32 $0x578, s4;
	s4 =	sadd.s32 $0x7F800, s1  }
0xe: {  	s8 =	sadd.s32 s8, s0;
	s0 =	sshrl.u32 s0, $0x3;
	s13 =	sshrl.u32 s9, $0x3  }
0xf: {  	s8 =	sshrl.u32 s8, $0x3;
	s0 =	sadd.s32 s3, s0;
	s25 =	sadd.s32 s5, s1  }
0x10: {  	s5 =	sadd.s32 $0x7800, s1;
	s1 =	ssub.s32 s26, s7;
	s7 =	sor.u32 $0x1C09, s10  }
0x11: {  	s10 =	sadd.s32 $0x138000, s2;
	s3 =	sadd.s32 s3, s8;
	s0 =	sadd.s32 $0x27000, s0  }
.Ltmp0:
0x12: {  	s26 =	simm.s32 $0x1;
	[dreg:$0x7] =	wrdreg s3;
	(pc) =	sbr.rel .LBB2_1-.Ltmp0, $4  }
0x13: {  	s12 =	sadd.s32 $0xCDC00, s25;
	s6 =	sadd.s32 $0xA000, s25;
	[dreg:$0x8] =	wrdreg s0  }
0x14: {  	s14 =	sshrl.u32 @!p0 s10, $0x3;
	s25 =	simm.s32 $0x9;
	[dreg:$0x5] =	wrdreg s12  }
0x15: {  	s0 =	simm.s32 $0x4;
	s3 =	simm.s32 $0xC;
	[dreg:$0x6] =	wrdreg s6  }
0x16: {  	s12 =	smax.u32 s1, $0x1;
	s1 =	simm.s32 $0x5;
	s6 =	simm.s32 $0x0  }
.LBB2_4:
0x17: {  	_ =	swait.ge [sflag:s21], $0x1900  }
0x18: {  	[sflag:s21] =	ssyncset.done $0x0  }
0x19: {  	[sflag:s21] =	ssyncadd.s32 $0xFFFFE700  }
0x1a: {  	[spmem:s2] =	stream.indirect.scatter.add.f32 [tilespmem:s24], [sflag:$0x7], $0x80, s10, s19, $0xb8;
	[tilespmem:$0x1F400] =	vst v63  }
0x1b: {  	_ =	swait.ge [sflag:s0], $0x1900  }
0x1c: {  	[sflag:s0] =	ssyncset.done $0x0  }
0x1d: {  	s8 =	sadd.s32 $0x165C8, s8;
	[sflag:s0] =	ssyncadd.s32 $0xFFFFE700  }
0x1e: {  	[spmem:s2] =	stream.indirect.scatter.add.f32 [tilespmem:s29], [sflag:$0x8], $0x80, s8, s19, $0xb8;
	[tilespmem:$0x1F400] =	vst v63  }
0x1f: {  	_ =	swait.ge [sflag:s1], $0x1900  }
0x20: {  	[sflag:s1] =	ssyncset.done $0x0  }
0x21: {  	[sflag:s1] =	ssyncadd.s32 $0xFFFFE700  }
0x22: {  	_ =	swait.ge [sflag:s28], $0x1900  }
0x23: {  	[sflag:s28] =	ssyncset.done $0x0  }
0x24: {  	[sflag:s28] =	ssyncadd.s32 $0xFFFFE700  }
0x25: {  	_ =	swait.ge [sflag:s31], $0x1900  }
0x26: {  	[sflag:s31] =	ssyncset.done $0x0  }
0x27: {  	[sflag:s31] =	ssyncadd.s32 $0xFFFFE700  }
0x28: {  	_ =	swait.ge [sflag:s23], $0x1900  }
0x29: {  	[sflag:s23] =	ssyncset.done $0x0  }
0x2a: {  	[sflag:s23] =	ssyncadd.s32 $0xFFFFE700  }
0x2b: {  	[bflag:$0x0] =	sbarrier.arrive $0xFFFF  }
0x2c: {  	s11 =	rddreg [dreg:$0x4]  }
0x2d: {  	s9 =	rddreg [dreg:$0x7];
	s8 =	sor.u32 $0x1C0C, s11  }
0x2e: {  	[hbm:s9], [sflag:s8] =	dma.local [spmem:s13], $0x2700  }
0x2f: {  	_ =	swait.ge [sflag:s3], $0x2700  }
0x30: {  	s6 =	sadd.s32 $0x1, s6;
	[sflag:s3] =	ssyncset.done $0x0  }
0x31: {  	p1 =	sne.s32 s6, s12;
	s9 =	rddreg [dreg:$0x8];
	[sflag:s3] =	ssyncadd.s32 $0xFFFFD900  }
0x32: {  	[hbm:s9], [sflag:s8] =	dma.local @!p0 [spmem:s14], $0x100  }
.Ltmp1:
0x33: {  	_ = 	snop;
	(pc) =	sbr.rel @!p1 .LBB2_5-.Ltmp1, $4  }
0x34: {  	s8 =	simm.s32 @!p0 $0xC  }
0x35: {  	_ =	swait.ge @!p0 [sflag:s8], $0x100  }
0x36: {  	[sflag:s8] =	ssyncset.done @!p0 $0x0  }
0x37: {  	[sflag:s8] =	ssyncadd.s32 @!p0 $0xFFFFFF00  }
.LBB2_1:
0x38: {  	[spmem:s13], [sflag:s7] =	dma.local [hbm:s5], $0x2700  }
0x39: {  	[spmem:s14], [sflag:s7] =	dma.local @!p0 [hbm:s5], $0x100  }
0x3a: {  	s8 =	simm.s32 $0x0;
	s9 =	rddreg [dreg:$0x5]  }
0x3b: {  	[tilespmem:s15], [sflag:$0xA] =	stream.linear.gather [hbm4b:s9+s8], $0x2BC0, $0x38;
	[tilespmem:$0x1F400] =	vst v63  }
0x3c: {  	s11 =	rddreg [dreg:$0x6]  }
0x3d: {  	[tilespmem:s16], [sflag:$0xB] =	stream.linear.gather [hbm4b:s11+s8], $0x2BC0, $0x38;
	[tilespmem:$0x1F400] =	vst v63  }
0x3e: {  	_ =	swait.ge [sflag:s17], $0x2BC0  }
0x3f: {  	[sflag:s17] =	ssyncset.done $0x0  }
0x40: {  	[sflag:s17] =	ssyncadd.s32 $0xFFFFD440  }
0x41: {  	_ =	swait.ge [sflag:s18], $0x2BC0  }
0x42: {  	[sflag:s18] =	ssyncset.done $0x0  }
0x43: {  	[sflag:s18] =	ssyncadd.s32 $0xFFFFD440  }
0x44: {  	[tilespmem:s20], [sflag:$0x1] =	stream.indirect.gather [hbm4b:s4+s19], $0x80, s15, s19, $0xb8;
	[tilespmem:$0x1F400] =	vst v63  }
0x45: {  	s9 =	simm.s32 $0x138B8  }
0x46: {  	[tilespmem:s22], [sflag:$0x2] =	stream.indirect.gather [hbm4b:s4+s19], $0x80, s9, s19, $0xb8;
	[tilespmem:$0x1F400] =	vst v63  }
0x47: {  	s10 =	simm.s32 $0x138F0  }
0x48: {  	[tilespmem:s24], [sflag:$0x3] =	stream.indirect.gather [hbm4b:s4+s19], $0x80, s10, s19, $0xb8;
	[tilespmem:$0x1F400] =	vst v63  }
0x49: {  	_ =	swait.ge [sflag:s25], $0x2700  }
0x4a: {  	[sflag:s25] =	ssyncset.done $0x0  }
0x4b: {  	s8 =	simm.s32 @!p0 $0x9;
	[sflag:s25] =	ssyncadd.s32 $0xFFFFD900  }
0x4c: {  	_ =	swait.ge @!p0 [sflag:s8], $0x100  }
0x4d: {  	[sflag:s8] =	ssyncset.done @!p0 $0x0  }
0x4e: {  	[sflag:s8] =	ssyncadd.s32 @!p0 $0xFFFFFF00  }
0x4f: {  	[bflag:$0x0] =	sbarrier.arrive $0xFFFF  }
0x50: {  	_ =	swait.ge [sflag:s26], $0x1900  }
0x51: {  	[sflag:s26] =	ssyncset.done $0x0  }
0x52: {  	[sflag:s26] =	ssyncadd.s32 $0xFFFFE700  }
0x53: {  	[spmem:s2] =	stream.indirect.scatter.add.f32 [tilespmem:s20], [sflag:$0x5], $0x80, s16, s19, $0xb8;
	[tilespmem:$0x1F400] =	vst v63  }
0x54: {  	s11 =	simm.s32 $0x13928  }
0x55: {  	[tilespmem:s29], [sflag:$0x4] =	stream.indirect.gather [hbm4b:s4+s19], $0x80, s11, s19, $0xb8;
	[tilespmem:$0x1F400] =	vst v63  }
0x56: {  	_ =	swait.ge [sflag:s30], $0x1900  }
0x57: {  	[sflag:s30] =	ssyncset.done $0x0  }
0x58: {  	s9 =	simm.s32 $0x16478;
	[sflag:s30] =	ssyncadd.s32 $0xFFFFE700  }
0x59: {  	[spmem:s2] =	stream.indirect.scatter.add.f32 [tilespmem:s22], [sflag:$0x6], $0x80, s9, s19, $0xb8;
	[tilespmem:$0x1F400] =	vst v63  }
0x5a: {  	_ =	swait.ge [sflag:s1], $0x1900  }
0x5b: {  	[sflag:s1] =	ssyncset.done $0x0  }
0x5c: {  	s10 =	simm.s32 $0x13960;
	[sflag:s1] =	ssyncadd.s32 $0xFFFFE700  }
0x5d: {  	[tilespmem:s20], [sflag:$0x1] =	stream.indirect.gather [hbm4b:s4+s19], $0x80, s10, s19, $0xb8;
	[tilespmem:$0x1F400] =	vst v63  }
0x5e: {  	_ =	swait.ge [sflag:s21], $0x1900  }
0x5f: {  	[sflag:s21] =	ssyncset.done $0x0  }
0x60: {  	s11 =	simm.s32 $0x164B0;
	[sflag:s21] =	ssyncadd.s32 $0xFFFFE700  }
0x61: {  	[spmem:s2] =	stream.indirect.scatter.add.f32 [tilespmem:s24], [sflag:$0x7], $0x80, s11, s19, $0xb8;
	[tilespmem:$0x1F400] =	vst v63  }
0x62: {  	_ =	swait.ge [sflag:s28], $0x1900  }
0x63: {  	[sflag:s28] =	ssyncset.done $0x0  }
0x64: {  	s9 =	simm.s32 $0x13998;
	[sflag:s28] =	ssyncadd.s32 $0xFFFFE700  }
0x65: {  	[tilespmem:s22], [sflag:$0x2] =	stream.indirect.gather [hbm4b:s4+s19], $0x80, s9, s19, $0xb8;
	[tilespmem:$0x1F400] =	vst v63  }
0x66: {  	_ =	swait.ge [sflag:s0], $0x1900  }
0x67: {  	[sflag:s0] =	ssyncset.done $0x0  }
0x68: {  	s10 =	simm.s32 $0x164E8;
	[sflag:s0] =	ssyncadd.s32 $0xFFFFE700  }
0x69: {  	[spmem:s2] =	stream.indirect.scatter.add.f32 [tilespmem:s29], [sflag:$0x8], $0x80, s10, s19, $0xb8;
	[tilespmem:$0x1F400] =	vst v63  }
0x6a: {  	_ =	swait.ge [sflag:s31], $0x1900  }
0x6b: {  	[sflag:s31] =	ssyncset.done $0x0  }
0x6c: {  	s11 =	simm.s32 $0x139D0;
	s9 =	simm.s32 $0x0;
	[sflag:s31] =	ssyncadd.s32 $0xFFFFE700  }
0x6d: {  	[tilespmem:s24], [sflag:$0x3] =	stream.indirect.gather [hbm4b:s4+s19], $0x80, s11, s19, $0xb8;
	[tilespmem:$0x1F400] =	vst v63  }
.LBB2_2:
0x6e: {  	_ =	swait.ge [sflag:s26], $0x1900  }
0x6f: {  	s8 =	sshra.s32 s9, $0x2;
	[sflag:s26] =	ssyncset.done $0x0  }
0x70: {  	s10 =	sadd.s32 $0x16520, s8;
	[sflag:s26] =	ssyncadd.s32 $0xFFFFE700  }
0x71: {  	[spmem:s2] =	stream.indirect.scatter.add.f32 [tilespmem:s20], [sflag:$0x5], $0x80, s10, s19, $0xb8;
	[tilespmem:$0x1F400] =	vst v63  }
0x72: {  	_ =	swait.ge [sflag:s23], $0x1900  }
0x73: {  	[sflag:s23] =	ssyncset.done $0x0  }
0x74: {  	p1 =	seq.s32 s9, $0xA800;
	s11 =	sadd.s32 $0x13A08, s8;
	[sflag:s23] =	ssyncadd.s32 $0xFFFFE700  }
0x75: {  	[tilespmem:s29], [sflag:$0x4] =	stream.indirect.gather [hbm4b:s4+s19], $0x80, s11, s19, $0xb8;
	[tilespmem:$0x1F400] =	vst v63  }
.Ltmp2:
0x76: {  	_ = 	snop;
	(pc) =	sbr.rel @p1 .LBB2_4-.Ltmp2, $4  }
0x77: {  	_ =	swait.ge [sflag:s30], $0x1900  }
0x78: {  	[sflag:s30] =	ssyncset.done $0x0  }
0x79: {  	s10 =	sadd.s32 $0x16590, s8;
	s11 =	sadd.s32 $0x16558, s8;
	[sflag:s30] =	ssyncadd.s32 $0xFFFFE700  }
0x7a: {  	[spmem:s2] =	stream.indirect.scatter.add.f32 [tilespmem:s22], [sflag:$0x6], $0x80, s11, s19, $0xb8;
	[tilespmem:$0x1F400] =	vst v63  }
0x7b: {  	_ =	swait.ge [sflag:s1], $0x1900  }
0x7c: {  	[sflag:s1] =	ssyncset.done $0x0  }
0x7d: {  	s11 =	sadd.s32 $0x13A40, s8;
	[sflag:s1] =	ssyncadd.s32 $0xFFFFE700  }
0x7e: {  	[tilespmem:s20], [sflag:$0x1] =	stream.indirect.gather [hbm4b:s4+s19], $0x80, s11, s19, $0xb8;
	[tilespmem:$0x1F400] =	vst v63  }
0x7f: {  	_ =	swait.ge [sflag:s21], $0x1900  }
0x80: {  	[sflag:s21] =	ssyncset.done $0x0  }
0x81: {  	[sflag:s21] =	ssyncadd.s32 $0xFFFFE700  }
0x82: {  	[spmem:s2] =	stream.indirect.scatter.add.f32 [tilespmem:s24], [sflag:$0x7], $0x80, s10, s19, $0xb8;
	[tilespmem:$0x1F400] =	vst v63  }
0x83: {  	_ =	swait.ge [sflag:s28], $0x1900  }
0x84: {  	[sflag:s28] =	ssyncset.done $0x0  }
0x85: {  	s11 =	sadd.s32 $0x13A78, s8;
	[sflag:s28] =	ssyncadd.s32 $0xFFFFE700  }
0x86: {  	[tilespmem:s22], [sflag:$0x2] =	stream.indirect.gather [hbm4b:s4+s19], $0x80, s11, s19, $0xb8;
	[tilespmem:$0x1F400] =	vst v63  }
0x87: {  	_ =	swait.ge [sflag:s0], $0x1900  }
0x88: {  	[sflag:s0] =	ssyncset.done $0x0  }
0x89: {  	s11 =	sadd.s32 $0x165C8, s8;
	[sflag:s0] =	ssyncadd.s32 $0xFFFFE700  }
0x8a: {  	[spmem:s2] =	stream.indirect.scatter.add.f32 [tilespmem:s29], [sflag:$0x8], $0x80, s11, s19, $0xb8;
	[tilespmem:$0x1F400] =	vst v63  }
.Ltmp3:
0x8b: {  	_ = 	snop;
	(pc) =	sbr.rel .LBB2_2-.Ltmp3, $4  }
0x8c: {  	_ =	swait.ge [sflag:s31], $0x1900  }
0x8d: {  	[sflag:s31] =	ssyncset.done $0x0  }
0x8e: {  	s9 =	sadd.s32 $0x380, s9;
	s11 =	sadd.s32 $0x13AB0, s8;
	[sflag:s31] =	ssyncadd.s32 $0xFFFFE700  }
0x8f: {  	[tilespmem:s24], [sflag:$0x3] =	stream.indirect.gather [hbm4b:s4+s19], $0x80, s11, s19, $0xb8;
	[tilespmem:$0x1F400] =	vst v63  }
.LBB2_5:
0x90: {  	_ =	sfence.sel $0x180000  }
0x91: {  	[bflag:$0x0] =	sbarrier.arrive $0xFFFF  }
0x92: {  	_ =	strace $0x90000053  }
0x93: {  	s0 =	stileid.u32;
	[bflag:$0x2] =	sbarrier.arrive $0xFFFF  }
0x94: {  	p0 =	sne.s32 s0, $0x0;
	s0 =	rddreg [dreg:$0x3]  }
0x95: {  	s0 =	sadd.s32 @!p0 $0x100000, s0  }
0x96: {  	[sflag:s0] =	ssyncadd.tile.s32 @!p0 $0x1;
	_ =	shalt  }
.Lfunc_end2:
_tile_overlayer_lowered:
.L_overlay_start_2:
0x97: {  	(tag) =	ssettag $0x2  }
0x98: {  	s0 =	rddreg [dreg:$0x0];
	s2 =	stileid.u32  }
0x99: {  	s1 =	rddreg [dreg:$0x1];
	p0 =	sne.s32 s2, $0x0  }
0x9a: {  	s3 =	rddreg [dreg:$0x2];
	[bflag:$0x3] =	sbarrier.arrive $0xFFFF;
	s2 =	simm.s32 @!p0 $0x1C0C  }
0x9b: {  	[timem:s3], [sflag:s2] =	dma.local @!p0 [hbm:s0], s1  }
0x9c: {  	s0 =	simm.s32 @!p0 $0xC  }
0x9d: {  	_ =	swait.ge @!p0 [sflag:s0], s1  }
0x9e: {  	s1 =	ssub.s32 @!p0 $0x0, s1;
	[sflag:s0] =	ssyncset.done @!p0 $0x0  }
0x9f: {  	[sflag:s0] =	ssyncadd.s32 @!p0 s1  }
0xa0: {  	[bflag:$0x3] =	sbarrier.arrive $0xFFFF  }
0xa1: {  	_ =	shalt  }

</sc_bundles>
